<compile_context>
chip_gen: v7x
topology: tpu7x:2x2x1
jax: 0.10.2.dev20260603
libtpu: 0.0.44.dev20260713+nightly
codegen_flags: <defaults>
</compile_context>

<pallas_src>
import functools

import jax
import jax.numpy as jnp
from jax import lax
from jax.experimental import pallas as pl
from jax.experimental.pallas import tpu as pltpu
from jax.experimental.pallas import tpu_sc as plsc

B, C, H, W = 32, 768, 32, 32
N = H * W
R = B * C
K = 205
ALPHA = 0.7

NC, NS, L = 2, 16, 16
NW = NC * NS
RPW = R // NW
GROUP = 16
NGRP = RPW // GROUP
CH32 = N // (2 * L)
NBITS = 12

_DNUMS = lax.GatherDimensionNumbers(
    offset_dims=(), collapsed_slice_dims=(0,), start_index_map=(0,))


def _permute(v, p):
    return lax.gather(v, p[:, None], dimension_numbers=_DNUMS,
                      slice_sizes=(1,),
                      mode=lax.GatherScatterMode.PROMISE_IN_BOUNDS)


def _kernel_body(x_hbm, out_hbm, xbuf, kbuf, outbuf, sem0, sem1):
    wid = lax.axis_index("s") * NC + lax.axis_index("c")
    zero = jnp.zeros((L,), jnp.int32)
    one = jnp.ones((L,), jnp.int32)
    fzero = jnp.zeros((L,), jnp.float32)
    bzero = jnp.zeros((2 * L,), jnp.bfloat16)
    bone = jnp.ones((2 * L,), jnp.bfloat16)
    lanes = lax.iota(jnp.int32, L)
    perms = [lanes ^ sh for sh in (8, 4, 2, 1)]

    def allsum(v):
        for p in perms:
            v = v + _permute(v, p)
        return v

    def u2bits(u):
        return jnp.where(u >= 32768, u - 32768, 65535 - u)

    def u2f32(u):
        return plsc.bitcast(u2bits(u) << 16, jnp.float32)

    def u2bf(u):
        b = u2bits(u)
        return plsc.bitcast(b | (b << 16), jnp.bfloat16)

    GN = GROUP * N

    def copy_in(g, buf_i, sem):
        row0 = wid * RPW + g * GROUP
        return pltpu.make_async_copy(
            x_hbm.at[pl.ds(row0 * N, GN)],
            xbuf.at[pl.ds(buf_i * GN, GN)], sem)

    copy_in(0, 0, sem0).start()

    def group_body(g, carry):
        parity = g & 1

        @pl.when(parity == 0)
        def _():
            copy_in(g, 0, sem0).wait()

        @pl.when(parity == 1)
        def _():
            copy_in(g, 1, sem1).wait()

        @pl.when((g + 1 < NGRP) & (parity == 0))
        def _():
            copy_in(g + 1, 1, sem1).start()

        @pl.when((g + 1 < NGRP) & (parity == 1))
        def _():
            copy_in(g + 1, 0, sem0).start()

        boff = parity * GN

        def key_body(j, c):
            p = j >> 2
            e0 = (j & 3) * 16
            for u in range(16):
                e = e0 + u
                a = xbuf[pl.ds(boff + (2 * p) * N + e * L, L)]
                b = xbuf[pl.ds(boff + (2 * p + 1) * N + e * L, L)]
                pk = plsc.pack(a, b, format=plsc.PackFormat.INTERLEAVED)
                kbuf[pl.ds(p * N + e * L, L)] = plsc.bitcast(pk, jnp.int32)
            return c

        lax.fori_loop(0, GROUP * N // (32 * L), key_body, 0)

        def pair_body(p, ovec):
            kbase = p * N

            def pk2bf(bitsA, bitsB):
                return plsc.bitcast(bitsA | (bitsB << 16), jnp.bfloat16)

            t1A = t1B = t2A = t2B = zero
            for i in range(NBITS):
                bitc = 32768 >> i
                c1A, c1B = t1A + bitc, t1B + bitc
                c2A, c2B = t2A + bitc, t2B + bitc
                cv1 = pk2bf(u2bits(c1A), u2bits(c1B))
                cv2 = pk2bf(u2bits(65535 - c2A), u2bits(65535 - c2B))

                def cbody(j, c, cv1=cv1, cv2=cv2):
                    c1a, c1b, c2a, c2b = c
                    for u in range(4):
                        v = plsc.bitcast(
                            kbuf[pl.ds(kbase + (j * 4 + u) * L, L)],
                            jnp.bfloat16)
                        i1 = jnp.where(v >= cv1, bone, bzero)
                        i2 = jnp.where(v <= cv2, bone, bzero)
                        if u % 2 == 0:
                            c1a = c1a + i1
                            c2a = c2a + i2
                        else:
                            c1b = c1b + i1
                            c2b = c2b + i2
                    return c1a, c1b, c2a, c2b

                c1a, c1b, c2a, c2b = lax.fori_loop(
                    0, N // (4 * L), cbody, (bzero, bzero, bzero, bzero))
                uA1, uB1 = plsc.unpack(c1a + c1b,
                                       format=plsc.PackFormat.INTERLEAVED)
                uA2, uB2 = plsc.unpack(c2a + c2b,
                                       format=plsc.PackFormat.INTERLEAVED)
                nA1, nB1 = allsum(uA1), allsum(uB1)
                nA2, nB2 = allsum(uA2), allsum(uB2)
                t1A = jnp.where(nA1 >= float(K), c1A, t1A)
                t1B = jnp.where(nB1 >= float(K), c1B, t1B)
                t2A = jnp.where(nA2 >= float(K), c2A, t2A)
                t2B = jnp.where(nB2 >= float(K), c2B, t2B)

            for rr, (t1, t2) in enumerate(((t1A, t2A), (t1B, t2B))):
                r = 2 * p + rr
                base = r * N
                bot = 65535 - t2

                val_top = 0.5 * (u2f32(t1) + u2f32(t1 + 15))
                val_bot = 0.5 * (u2f32(bot - 15) + u2f32(bot))
                ub = 0.5 * (u2f32(t1 + 15) + u2f32(t1 + 16))
                lb = 0.5 * (u2f32(bot - 16) + u2f32(bot - 15))

                def fbody(j, c, base=base, ub=ub, lb=lb):
                    cg, sg, cl, sl = c
                    for u in range(8):
                        xv = xbuf[pl.ds(boff + base + (j * 8 + u) * L, L)]
                        m1 = xv > ub
                        m2 = xv < lb
                        cg = cg + jnp.where(m1, one, zero)
                        sg = sg + jnp.where(m1, xv, fzero)
                        cl = cl + jnp.where(m2, one, zero)
                        sl = sl + jnp.where(m2, xv, fzero)
                    return cg, sg, cl, sl

                cg, sg, cl, sl = lax.fori_loop(
                    0, N // (8 * L), fbody, (zero, fzero, zero, fzero))

                ng = float(K) - allsum(cg.astype(jnp.float32))
                nl = float(K) - allsum(cl.astype(jnp.float32))
                sgv = allsum(sg)
                slv = allsum(sl)
                top_sum = sgv + ng * val_top
                bot_sum = slv + nl * val_bot
                outv = (top_sum * (1.0 / (2 * K))
                        + bot_sum * (ALPHA / (2 * K)))
                ovec = jnp.where(lanes == r, outv, ovec)
            return ovec

        ovec = lax.fori_loop(0, GROUP // 2, pair_body, fzero)
        outbuf[pl.ds(g * GROUP, GROUP)] = ovec
        return carry

    lax.fori_loop(0, NGRP, group_body, 0)
    pltpu.sync_copy(outbuf, out_hbm.at[pl.ds(wid * RPW, RPW)])


@jax.jit
def kernel(input):
    x = input.reshape(R * N)
    mesh = plsc.VectorSubcoreMesh(
        core_axis_name="c", subcore_axis_name="s",
        num_cores=NC, num_subcores=NS)
    out = pl.kernel(
        _kernel_body,
        out_type=jax.ShapeDtypeStruct((R,), jnp.float32),
        mesh=mesh,
        compiler_params=pltpu.CompilerParams(needs_layout_passes=False),
        scratch_types=[
            pltpu.VMEM((2 * GROUP * N,), jnp.float32),
            pltpu.VMEM((GROUP * N // 2,), jnp.int32),
            pltpu.VMEM((RPW,), jnp.float32),
            pltpu.SemaphoreType.DMA,
            pltpu.SemaphoreType.DMA,
        ],
    )(x)
    return out.reshape(B, C)

# --- scband reference (transcript-rebuilt; emitter-appended) ---
"""Pipeline reference for scband-wildcat-pool2d-10797547782186 (READ-ONLY COPY).

The authoritative reference and input builder live on the scoring server;
editing this copy changes nothing except your own understanding.
"""

import jax, jax.numpy as jnp
import numpy as np

KMAX = 0.2
KMIN = 0.2
ALPHA = 0.7


def get_positive_k(k, n):
    if k <= 0:
        return 0
    elif k < 1:
        return int(round(k * n))
    elif k > n:
        return int(n)
    else:
        return int(k)


def setup_inputs(seed: int = 0) -> dict:
    key = jax.random.key(seed)
    x = jax.random.normal(key, (32, 768, 32, 32), dtype=jnp.float32)
    return {"input": x}


def reference(input):
    B, C, H, W = input.shape
    n = H * W
    kmax = get_positive_k(KMAX, n)
    kmin = get_positive_k(KMIN, n)
    flat = input.reshape(B, C, n)
    # sort descending along spatial dim
    s = jnp.sort(flat, axis=2)[:, :, ::-1]
    out = jnp.sum(s[:, :, :kmax], axis=2) / kmax
    if kmin > 0 and ALPHA != 0:
        out = (out + jnp.sum(s[:, :, n - kmin:], axis=2) * (ALPHA / kmin)) / 2.0
    return out.reshape(B, C)

if __name__ == "__main__":
    import jax
    _d = setup_inputs()
    print(jax.jit(kernel)(*tuple(_d.values())))

</pallas_src>

<mosaic_0001>
#map = affine_map<(d0, d1) -> (0)>
module attributes {stable_mosaic.version = 14 : i64} {
  func.func @_kernel_body(%arg0: i32, %arg1: i32, %arg2: memref<25165824xf32, #tpu.memory_space<hbm>>, %arg3: memref<24576xf32, #tpu.memory_space<hbm>>, %arg4: memref<32768xf32, #tpu.memory_space<vmem>>, %arg5: memref<8192xi32, #tpu.memory_space<vmem>>, %arg6: memref<768xf32, #tpu.memory_space<vmem>>, %arg7: memref<!tpu.dma_semaphore, #tpu.memory_space<semaphore_mem>>, %arg8: memref<!tpu.dma_semaphore, #tpu.memory_space<semaphore_mem>>) attributes {dimension_semantics = [#tpu.dimension_semantics<core_parallel>, #tpu.dimension_semantics<subcore_parallel>], iteration_bounds = array<i64: 2, 16>, scalar_prefetch = 0 : i64, scratch_operands = 5 : i64, tpu.core_type = #tpu.core_type<sc_vector_subcore>, window_params = [{transform_indices = #map}, {transform_indices = #map}]} {
    %mul3A = arith.constant 2 : i32
    %mul3A_0 = arith.muli %arg1, %mul3A : i32
    %add3A = arith.addi %mul3A_0, %arg0 : i32
    %broadcast_in_dim3A = arith.constant 0 : i32
    %broadcast_in_dim3A_1 = vector.broadcast %broadcast_in_dim3A : i32 to vector<16xi32>
    %broadcast_in_dim3A_2 = arith.constant 1 : i32
    %broadcast_in_dim3A_3 = vector.broadcast %broadcast_in_dim3A_2 : i32 to vector<16xi32>
    %broadcast_in_dim3A_4 = arith.constant 0.000000e+00 : f32
    %broadcast_in_dim3A_5 = vector.broadcast %broadcast_in_dim3A_4 : f32 to vector<16xf32>
    %broadcast_in_dim3A_6 = arith.constant 0.000000e+00 : bf16
    %broadcast_in_dim3A_7 = vector.broadcast %broadcast_in_dim3A_6 : bf16 to vector<32xbf16>
    %broadcast_in_dim3A_8 = arith.constant 1.000000e+00 : bf16
    %broadcast_in_dim3A_9 = vector.broadcast %broadcast_in_dim3A_8 : bf16 to vector<32xbf16>
    %iota3A = tpu.iota {dimensions = array<i32: 0>} : vector<16xi32>
    %xor3A = arith.constant 8 : i32
    %xor3A_10 = vector.broadcast %xor3A : i32 to vector<16xi32>
    %xor3A_11 = arith.xori %iota3A, %xor3A_10 : vector<16xi32>
    %xor3A_12 = arith.constant 4 : i32
    %xor3A_13 = vector.broadcast %xor3A_12 : i32 to vector<16xi32>
    %xor3A_14 = arith.xori %iota3A, %xor3A_13 : vector<16xi32>
    %xor3A_15 = arith.constant 2 : i32
    %xor3A_16 = vector.broadcast %xor3A_15 : i32 to vector<16xi32>
    %xor3A_17 = arith.xori %iota3A, %xor3A_16 : vector<16xi32>
    %xor3A_18 = arith.constant 1 : i32
    %xor3A_19 = vector.broadcast %xor3A_18 : i32 to vector<16xi32>
    %xor3A_20 = arith.xori %iota3A, %xor3A_19 : vector<16xi32>
    %mul3A_21 = arith.constant 768 : i32
    %mul3A_22 = arith.muli %add3A, %mul3A_21 : i32
    %add3A_23 = arith.constant 0 : i32
    %add3A_24 = arith.addi %mul3A_22, %add3A_23 : i32
    %mul3A_25 = arith.constant 1024 : i32
    %mul3A_26 = arith.muli %add3A_24, %mul3A_25 : i32
    %dma_start3A = arith.constant 0 : i32
    %dma_start3A_27 = tpu.memref_slice %arg4[%dma_start3A] : memref<32768xf32, #tpu.memory_space<vmem>> -> memref<16384xf32, #tpu.memory_space<vmem>>
    %dma_start3A_28 = tpu.memref_slice %arg2[%mul3A_26] : memref<25165824xf32, #tpu.memory_space<hbm>> -> memref<16384xf32, #tpu.memory_space<hbm>>
    %dma_start3A_29 = arith.constant 0 : i32
    %dma_start3A_30 = tpu.memref_slice %arg4[%dma_start3A_29] : memref<32768xf32, #tpu.memory_space<vmem>> -> memref<16384xf32, #tpu.memory_space<vmem>>
    %dma_start3A_31 = tpu.memref_slice %arg2[%mul3A_26] : memref<25165824xf32, #tpu.memory_space<hbm>> -> memref<16384xf32, #tpu.memory_space<hbm>>
    tpu.enqueue_dma source(%dma_start3A_31 : memref<16384xf32, #tpu.memory_space<hbm>>) target(%dma_start3A_30 : memref<16384xf32, #tpu.memory_space<vmem>>) target_semaphore(%arg7 : memref<!tpu.dma_semaphore, #tpu.memory_space<semaphore_mem>>)
    %scan3A = arith.constant 0 : i32
    %scan3A_32 = arith.constant 0 : i32
    %scan3A_33 = arith.constant 48 : i32
    %scan3A_34 = arith.addi %scan3A_32, %scan3A_33 : i32
    %scan3A_35 = arith.constant 1 : i32
    scf.for %scan3A_39 = %scan3A_32 to %scan3A_34 step %scan3A_35  : i32 {
      %and3A = arith.constant 1 : i32
      %and3A_40 = arith.andi %scan3A_39, %and3A : i32
      %eq3A = arith.constant 0 : i32
      %eq3A_41 = arith.cmpi eq, %and3A_40, %eq3A : i32
      %convert_element_type3A = arith.extui %eq3A_41 : i1 to i32
      %cond3A = arith.constant 0 : i32
      %cond3A_42 = arith.cmpi ne, %convert_element_type3A, %cond3A : i32
      scf.if %cond3A_42 {
        %mul3A_84 = arith.constant 768 : i32
        %mul3A_85 = arith.muli %add3A, %mul3A_84 : i32
        %mul3A_86 = arith.constant 16 : i32
        %mul3A_87 = arith.muli %scan3A_39, %mul3A_86 : i32
        %add3A_88 = arith.addi %mul3A_85, %mul3A_87 : i32
        %mul3A_89 = arith.constant 1024 : i32
        %mul3A_90 = arith.muli %add3A_88, %mul3A_89 : i32
        %dma_wait3A = arith.constant 0 : i32
        %dma_wait3A_91 = tpu.memref_slice %arg4[%dma_wait3A] : memref<32768xf32, #tpu.memory_space<vmem>> -> memref<16384xf32, #tpu.memory_space<vmem>>
        %dma_wait3A_92 = tpu.memref_slice %arg2[%mul3A_90] : memref<25165824xf32, #tpu.memory_space<hbm>> -> memref<16384xf32, #tpu.memory_space<hbm>>
        %dma_wait3A_93 = arith.constant 0 : i32
        %dma_wait3A_94 = tpu.memref_slice %arg4[%dma_wait3A_93] : memref<32768xf32, #tpu.memory_space<vmem>> -> memref<16384xf32, #tpu.memory_space<vmem>>
        %dma_wait3A_95 = tpu.memref_slice %arg2[%mul3A_90] : memref<25165824xf32, #tpu.memory_space<hbm>> -> memref<16384xf32, #tpu.memory_space<hbm>>
        tpu.wait_dma2 semaphore(%arg7 : memref<!tpu.dma_semaphore, #tpu.memory_space<semaphore_mem>>) src(%dma_wait3A_95 : memref<16384xf32, #tpu.memory_space<hbm>>) dst(%dma_wait3A_94 : memref<16384xf32, #tpu.memory_space<vmem>>)
      } else {
      }
      %eq3A_43 = arith.constant 1 : i32
      %eq3A_44 = arith.cmpi eq, %and3A_40, %eq3A_43 : i32
      %convert_element_type3A_45 = arith.extui %eq3A_44 : i1 to i32
      %cond3A_46 = arith.constant 0 : i32
      %cond3A_47 = arith.cmpi ne, %convert_element_type3A_45, %cond3A_46 : i32
      scf.if %cond3A_47 {
        %mul3A_84 = arith.constant 768 : i32
        %mul3A_85 = arith.muli %add3A, %mul3A_84 : i32
        %mul3A_86 = arith.constant 16 : i32
        %mul3A_87 = arith.muli %scan3A_39, %mul3A_86 : i32
        %add3A_88 = arith.addi %mul3A_85, %mul3A_87 : i32
        %mul3A_89 = arith.constant 1024 : i32
        %mul3A_90 = arith.muli %add3A_88, %mul3A_89 : i32
        %dma_wait3A = arith.constant 16384 : i32
        %dma_wait3A_91 = tpu.memref_slice %arg4[%dma_wait3A] : memref<32768xf32, #tpu.memory_space<vmem>> -> memref<16384xf32, #tpu.memory_space<vmem>>
        %dma_wait3A_92 = tpu.memref_slice %arg2[%mul3A_90] : memref<25165824xf32, #tpu.memory_space<hbm>> -> memref<16384xf32, #tpu.memory_space<hbm>>
        %dma_wait3A_93 = arith.constant 16384 : i32
        %dma_wait3A_94 = tpu.memref_slice %arg4[%dma_wait3A_93] : memref<32768xf32, #tpu.memory_space<vmem>> -> memref<16384xf32, #tpu.memory_space<vmem>>
        %dma_wait3A_95 = tpu.memref_slice %arg2[%mul3A_90] : memref<25165824xf32, #tpu.memory_space<hbm>> -> memref<16384xf32, #tpu.memory_space<hbm>>
        tpu.wait_dma2 semaphore(%arg8 : memref<!tpu.dma_semaphore, #tpu.memory_space<semaphore_mem>>) src(%dma_wait3A_95 : memref<16384xf32, #tpu.memory_space<hbm>>) dst(%dma_wait3A_94 : memref<16384xf32, #tpu.memory_space<vmem>>)
      } else {
      }
      %add3A_48 = arith.constant 1 : i32
      %add3A_49 = arith.addi %scan3A_39, %add3A_48 : i32
      %lt3A = arith.constant 48 : i32
      %lt3A_50 = arith.cmpi slt, %add3A_49, %lt3A : i32
      %eq3A_51 = arith.constant 0 : i32
      %eq3A_52 = arith.cmpi eq, %and3A_40, %eq3A_51 : i32
      %and3A_53 = arith.andi %lt3A_50, %eq3A_52 : i1
      %convert_element_type3A_54 = arith.extui %and3A_53 : i1 to i32
      %cond3A_55 = arith.constant 0 : i32
      %cond3A_56 = arith.cmpi ne, %convert_element_type3A_54, %cond3A_55 : i32
      scf.if %cond3A_56 {
        %add3A_84 = arith.constant 1 : i32
        %add3A_85 = arith.addi %scan3A_39, %add3A_84 : i32
        %mul3A_86 = arith.constant 768 : i32
        %mul3A_87 = arith.muli %add3A, %mul3A_86 : i32
        %mul3A_88 = arith.constant 16 : i32
        %mul3A_89 = arith.muli %add3A_85, %mul3A_88 : i32
        %add3A_90 = arith.addi %mul3A_87, %mul3A_89 : i32
        %mul3A_91 = arith.constant 1024 : i32
        %mul3A_92 = arith.muli %add3A_90, %mul3A_91 : i32
        %dma_start3A_93 = arith.constant 16384 : i32
        %dma_start3A_94 = tpu.memref_slice %arg4[%dma_start3A_93] : memref<32768xf32, #tpu.memory_space<vmem>> -> memref<16384xf32, #tpu.memory_space<vmem>>
        %dma_start3A_95 = tpu.memref_slice %arg2[%mul3A_92] : memref<25165824xf32, #tpu.memory_space<hbm>> -> memref<16384xf32, #tpu.memory_space<hbm>>
        %dma_start3A_96 = arith.constant 16384 : i32
        %dma_start3A_97 = tpu.memref_slice %arg4[%dma_start3A_96] : memref<32768xf32, #tpu.memory_space<vmem>> -> memref<16384xf32, #tpu.memory_space<vmem>>
        %dma_start3A_98 = tpu.memref_slice %arg2[%mul3A_92] : memref<25165824xf32, #tpu.memory_space<hbm>> -> memref<16384xf32, #tpu.memory_space<hbm>>
        tpu.enqueue_dma source(%dma_start3A_98 : memref<16384xf32, #tpu.memory_space<hbm>>) target(%dma_start3A_97 : memref<16384xf32, #tpu.memory_space<vmem>>) target_semaphore(%arg8 : memref<!tpu.dma_semaphore, #tpu.memory_space<semaphore_mem>>)
      } else {
      }
      %add3A_57 = arith.constant 1 : i32
      %add3A_58 = arith.addi %scan3A_39, %add3A_57 : i32
      %lt3A_59 = arith.constant 48 : i32
      %lt3A_60 = arith.cmpi slt, %add3A_58, %lt3A_59 : i32
      %eq3A_61 = arith.constant 1 : i32
      %eq3A_62 = arith.cmpi eq, %and3A_40, %eq3A_61 : i32
      %and3A_63 = arith.andi %lt3A_60, %eq3A_62 : i1
      %convert_element_type3A_64 = arith.extui %and3A_63 : i1 to i32
      %cond3A_65 = arith.constant 0 : i32
      %cond3A_66 = arith.cmpi ne, %convert_element_type3A_64, %cond3A_65 : i32
      scf.if %cond3A_66 {
        %add3A_84 = arith.constant 1 : i32
        %add3A_85 = arith.addi %scan3A_39, %add3A_84 : i32
        %mul3A_86 = arith.constant 768 : i32
        %mul3A_87 = arith.muli %add3A, %mul3A_86 : i32
        %mul3A_88 = arith.constant 16 : i32
        %mul3A_89 = arith.muli %add3A_85, %mul3A_88 : i32
        %add3A_90 = arith.addi %mul3A_87, %mul3A_89 : i32
        %mul3A_91 = arith.constant 1024 : i32
        %mul3A_92 = arith.muli %add3A_90, %mul3A_91 : i32
        %dma_start3A_93 = arith.constant 0 : i32
        %dma_start3A_94 = tpu.memref_slice %arg4[%dma_start3A_93] : memref<32768xf32, #tpu.memory_space<vmem>> -> memref<16384xf32, #tpu.memory_space<vmem>>
        %dma_start3A_95 = tpu.memref_slice %arg2[%mul3A_92] : memref<25165824xf32, #tpu.memory_space<hbm>> -> memref<16384xf32, #tpu.memory_space<hbm>>
        %dma_start3A_96 = arith.constant 0 : i32
        %dma_start3A_97 = tpu.memref_slice %arg4[%dma_start3A_96] : memref<32768xf32, #tpu.memory_space<vmem>> -> memref<16384xf32, #tpu.memory_space<vmem>>
        %dma_start3A_98 = tpu.memref_slice %arg2[%mul3A_92] : memref<25165824xf32, #tpu.memory_space<hbm>> -> memref<16384xf32, #tpu.memory_space<hbm>>
        tpu.enqueue_dma source(%dma_start3A_98 : memref<16384xf32, #tpu.memory_space<hbm>>) target(%dma_start3A_97 : memref<16384xf32, #tpu.memory_space<vmem>>) target_semaphore(%arg7 : memref<!tpu.dma_semaphore, #tpu.memory_space<semaphore_mem>>)
      } else {
      }
      %mul3A_67 = arith.constant 16384 : i32
      %mul3A_68 = arith.muli %and3A_40, %mul3A_67 : i32
      %scan3A_69 = arith.constant 0 : i32
      %scan3A_70 = arith.constant 0 : i32
      %scan3A_71 = arith.constant 32 : i32
      %scan3A_72 = arith.addi %scan3A_70, %scan3A_71 : i32
      %scan3A_73 = arith.constant 1 : i32
      scf.for %scan3A_84 = %scan3A_70 to %scan3A_72 step %scan3A_73  : i32 {
        %shift_right_arithmetic3A = arith.constant 2 : i32
        %shift_right_arithmetic3A_85 = arith.shrsi %scan3A_84, %shift_right_arithmetic3A : i32
        %and3A_86 = arith.constant 3 : i32
        %and3A_87 = arith.andi %scan3A_84, %and3A_86 : i32
        %mul3A_88 = arith.constant 16 : i32
        %mul3A_89 = arith.muli %and3A_87, %mul3A_88 : i32
        %add3A_90 = arith.constant 0 : i32
        %add3A_91 = arith.addi %mul3A_89, %add3A_90 : i32
        %mul3A_92 = arith.constant 2 : i32
        %mul3A_93 = arith.muli %mul3A_92, %shift_right_arithmetic3A_85 : i32
        %mul3A_94 = arith.constant 1024 : i32
        %mul3A_95 = arith.muli %mul3A_93, %mul3A_94 : i32
        %add3A_96 = arith.addi %mul3A_68, %mul3A_95 : i32
        %mul3A_97 = arith.constant 16 : i32
        %mul3A_98 = arith.muli %add3A_91, %mul3A_97 : i32
        %add3A_99 = arith.addi %add3A_96, %mul3A_98 : i32
        %get3A = arith.index_cast %add3A_99 : i32 to index
        %get3A_100 = tpu.vector_load %arg4[%get3A] {strides = array<i32>} : memref<32768xf32, #tpu.memory_space<vmem>>, vector<16xf32>,
        %mul3A_101 = arith.constant 2 : i32
        %mul3A_102 = arith.muli %mul3A_101, %shift_right_arithmetic3A_85 : i32
        %add3A_103 = arith.constant 1 : i32
        %add3A_104 = arith.addi %mul3A_102, %add3A_103 : i32
        %mul3A_105 = arith.constant 1024 : i32
        %mul3A_106 = arith.muli %add3A_104, %mul3A_105 : i32
        %add3A_107 = arith.addi %mul3A_68, %mul3A_106 : i32
        %mul3A_108 = arith.constant 16 : i32
        %mul3A_109 = arith.muli %add3A_91, %mul3A_108 : i32
        %add3A_110 = arith.addi %add3A_107, %mul3A_109 : i32
        %get3A_111 = arith.index_cast %add3A_110 : i32 to index
        %get3A_112 = tpu.vector_load %arg4[%get3A_111] {strides = array<i32>} : memref<32768xf32, #tpu.memory_space<vmem>>, vector<16xf32>,
        %pack3A = tpu.pack_subelements %get3A_100, %get3A_112 {pack_format = #tpu.pack_format<interleaved>, positions = array<i32: 0, 1>} : vector<16xf32>, vector<16xf32> -> vector<32xbf16>
        %bitcast3A = vector.bitcast %pack3A : vector<32xbf16> to vector<16xi32>
        %mul3A_113 = arith.constant 1024 : i32
        %mul3A_114 = arith.muli %shift_right_arithmetic3A_85, %mul3A_113 : i32
        %mul3A_115 = arith.constant 16 : i32
        %mul3A_116 = arith.muli %add3A_91, %mul3A_115 : i32
        %add3A_117 = arith.addi %mul3A_114, %mul3A_116 : i32
        %swap3A_118 = arith.index_cast %add3A_117 : i32 to index
        %swap3A_119 = tpu.vector_load %arg5[%swap3A_118] {strides = array<i32>} : memref<8192xi32, #tpu.memory_space<vmem>>, vector<16xi32>,
        tpu.vector_store %arg5[%swap3A_118], %bitcast3A {strides = array<i32>} : memref<8192xi32, #tpu.memory_space<vmem>>, vector<16xi32>,
        %add3A_120 = arith.constant 1 : i32
        %add3A_121 = arith.addi %mul3A_89, %add3A_120 : i32
        %mul3A_122 = arith.constant 2 : i32
        %mul3A_123 = arith.muli %mul3A_122, %shift_right_arithmetic3A_85 : i32
        %mul3A_124 = arith.constant 1024 : i32
        %mul3A_125 = arith.muli %mul3A_123, %mul3A_124 : i32
        %add3A_126 = arith.addi %mul3A_68, %mul3A_125 : i32
        %mul3A_127 = arith.constant 16 : i32
        %mul3A_128 = arith.muli %add3A_121, %mul3A_127 : i32
        %add3A_129 = arith.addi %add3A_126, %mul3A_128 : i32
        %get3A_130 = arith.index_cast %add3A_129 : i32 to index
        %get3A_131 = tpu.vector_load %arg4[%get3A_130] {strides = array<i32>} : memref<32768xf32, #tpu.memory_space<vmem>>, vector<16xf32>,
        %mul3A_132 = arith.constant 2 : i32
        %mul3A_133 = arith.muli %mul3A_132, %shift_right_arithmetic3A_85 : i32
        %add3A_134 = arith.constant 1 : i32
        %add3A_135 = arith.addi %mul3A_133, %add3A_134 : i32
        %mul3A_136 = arith.constant 1024 : i32
        %mul3A_137 = arith.muli %add3A_135, %mul3A_136 : i32
        %add3A_138 = arith.addi %mul3A_68, %mul3A_137 : i32
        %mul3A_139 = arith.constant 16 : i32
        %mul3A_140 = arith.muli %add3A_121, %mul3A_139 : i32
        %add3A_141 = arith.addi %add3A_138, %mul3A_140 : i32
        %get3A_142 = arith.index_cast %add3A_141 : i32 to index
        %get3A_143 = tpu.vector_load %arg4[%get3A_142] {strides = array<i32>} : memref<32768xf32, #tpu.memory_space<vmem>>, vector<16xf32>,
        %pack3A_144 = tpu.pack_subelements %get3A_131, %get3A_143 {pack_format = #tpu.pack_format<interleaved>, positions = array<i32: 0, 1>} : vector<16xf32>, vector<16xf32> -> vector<32xbf16>
        %bitcast3A_145 = vector.bitcast %pack3A_144 : vector<32xbf16> to vector<16xi32>
        %mul3A_146 = arith.constant 1024 : i32
        %mul3A_147 = arith.muli %shift_right_arithmetic3A_85, %mul3A_146 : i32
        %mul3A_148 = arith.constant 16 : i32
        %mul3A_149 = arith.muli %add3A_121, %mul3A_148 : i32
        %add3A_150 = arith.addi %mul3A_147, %mul3A_149 : i32
        %swap3A_151 = arith.index_cast %add3A_150 : i32 to index
        %swap3A_152 = tpu.vector_load %arg5[%swap3A_151] {strides = array<i32>} : memref<8192xi32, #tpu.memory_space<vmem>>, vector<16xi32>,
        tpu.vector_store %arg5[%swap3A_151], %bitcast3A_145 {strides = array<i32>} : memref<8192xi32, #tpu.memory_space<vmem>>, vector<16xi32>,
        %add3A_153 = arith.constant 2 : i32
        %add3A_154 = arith.addi %mul3A_89, %add3A_153 : i32
        %mul3A_155 = arith.constant 2 : i32
        %mul3A_156 = arith.muli %mul3A_155, %shift_right_arithmetic3A_85 : i32
        %mul3A_157 = arith.constant 1024 : i32
        %mul3A_158 = arith.muli %mul3A_156, %mul3A_157 : i32
        %add3A_159 = arith.addi %mul3A_68, %mul3A_158 : i32
        %mul3A_160 = arith.constant 16 : i32
        %mul3A_161 = arith.muli %add3A_154, %mul3A_160 : i32
        %add3A_162 = arith.addi %add3A_159, %mul3A_161 : i32
        %get3A_163 = arith.index_cast %add3A_162 : i32 to index
        %get3A_164 = tpu.vector_load %arg4[%get3A_163] {strides = array<i32>} : memref<32768xf32, #tpu.memory_space<vmem>>, vector<16xf32>,
        %mul3A_165 = arith.constant 2 : i32
        %mul3A_166 = arith.muli %mul3A_165, %shift_right_arithmetic3A_85 : i32
        %add3A_167 = arith.constant 1 : i32
        %add3A_168 = arith.addi %mul3A_166, %add3A_167 : i32
        %mul3A_169 = arith.constant 1024 : i32
        %mul3A_170 = arith.muli %add3A_168, %mul3A_169 : i32
        %add3A_171 = arith.addi %mul3A_68, %mul3A_170 : i32
        %mul3A_172 = arith.constant 16 : i32
        %mul3A_173 = arith.muli %add3A_154, %mul3A_172 : i32
        %add3A_174 = arith.addi %add3A_171, %mul3A_173 : i32
        %get3A_175 = arith.index_cast %add3A_174 : i32 to index
        %get3A_176 = tpu.vector_load %arg4[%get3A_175] {strides = array<i32>} : memref<32768xf32, #tpu.memory_space<vmem>>, vector<16xf32>,
        %pack3A_177 = tpu.pack_subelements %get3A_164, %get3A_176 {pack_format = #tpu.pack_format<interleaved>, positions = array<i32: 0, 1>} : vector<16xf32>, vector<16xf32> -> vector<32xbf16>
        %bitcast3A_178 = vector.bitcast %pack3A_177 : vector<32xbf16> to vector<16xi32>
        %mul3A_179 = arith.constant 1024 : i32
        %mul3A_180 = arith.muli %shift_right_arithmetic3A_85, %mul3A_179 : i32
        %mul3A_181 = arith.constant 16 : i32
        %mul3A_182 = arith.muli %add3A_154, %mul3A_181 : i32
        %add3A_183 = arith.addi %mul3A_180, %mul3A_182 : i32
        %swap3A_184 = arith.index_cast %add3A_183 : i32 to index
        %swap3A_185 = tpu.vector_load %arg5[%swap3A_184] {strides = array<i32>} : memref<8192xi32, #tpu.memory_space<vmem>>, vector<16xi32>,
        tpu.vector_store %arg5[%swap3A_184], %bitcast3A_178 {strides = array<i32>} : memref<8192xi32, #tpu.memory_space<vmem>>, vector<16xi32>,
        %add3A_186 = arith.constant 3 : i32
        %add3A_187 = arith.addi %mul3A_89, %add3A_186 : i32
        %mul3A_188 = arith.constant 2 : i32
        %mul3A_189 = arith.muli %mul3A_188, %shift_right_arithmetic3A_85 : i32
        %mul3A_190 = arith.constant 1024 : i32
        %mul3A_191 = arith.muli %mul3A_189, %mul3A_190 : i32
        %add3A_192 = arith.addi %mul3A_68, %mul3A_191 : i32
        %mul3A_193 = arith.constant 16 : i32
        %mul3A_194 = arith.muli %add3A_187, %mul3A_193 : i32
        %add3A_195 = arith.addi %add3A_192, %mul3A_194 : i32
        %get3A_196 = arith.index_cast %add3A_195 : i32 to index
        %get3A_197 = tpu.vector_load %arg4[%get3A_196] {strides = array<i32>} : memref<32768xf32, #tpu.memory_space<vmem>>, vector<16xf32>,
        %mul3A_198 = arith.constant 2 : i32
        %mul3A_199 = arith.muli %mul3A_198, %shift_right_arithmetic3A_85 : i32
        %add3A_200 = arith.constant 1 : i32
        %add3A_201 = arith.addi %mul3A_199, %add3A_200 : i32
        %mul3A_202 = arith.constant 1024 : i32
        %mul3A_203 = arith.muli %add3A_201, %mul3A_202 : i32
        %add3A_204 = arith.addi %mul3A_68, %mul3A_203 : i32
        %mul3A_205 = arith.constant 16 : i32
        %mul3A_206 = arith.muli %add3A_187, %mul3A_205 : i32
        %add3A_207 = arith.addi %add3A_204, %mul3A_206 : i32
        %get3A_208 = arith.index_cast %add3A_207 : i32 to index
        %get3A_209 = tpu.vector_load %arg4[%get3A_208] {strides = array<i32>} : memref<32768xf32, #tpu.memory_space<vmem>>, vector<16xf32>,
        %pack3A_210 = tpu.pack_subelements %get3A_197, %get3A_209 {pack_format = #tpu.pack_format<interleaved>, positions = array<i32: 0, 1>} : vector<16xf32>, vector<16xf32> -> vector<32xbf16>
        %bitcast3A_211 = vector.bitcast %pack3A_210 : vector<32xbf16> to vector<16xi32>
        %mul3A_212 = arith.constant 1024 : i32
        %mul3A_213 = arith.muli %shift_right_arithmetic3A_85, %mul3A_212 : i32
        %mul3A_214 = arith.constant 16 : i32
        %mul3A_215 = arith.muli %add3A_187, %mul3A_214 : i32
        %add3A_216 = arith.addi %mul3A_213, %mul3A_215 : i32
        %swap3A_217 = arith.index_cast %add3A_216 : i32 to index
        %swap3A_218 = tpu.vector_load %arg5[%swap3A_217] {strides = array<i32>} : memref<8192xi32, #tpu.memory_space<vmem>>, vector<16xi32>,
        tpu.vector_store %arg5[%swap3A_217], %bitcast3A_211 {strides = array<i32>} : memref<8192xi32, #tpu.memory_space<vmem>>, vector<16xi32>,
        %add3A_219 = arith.constant 4 : i32
        %add3A_220 = arith.addi %mul3A_89, %add3A_219 : i32
        %mul3A_221 = arith.constant 2 : i32
        %mul3A_222 = arith.muli %mul3A_221, %shift_right_arithmetic3A_85 : i32
        %mul3A_223 = arith.constant 1024 : i32
        %mul3A_224 = arith.muli %mul3A_222, %mul3A_223 : i32
        %add3A_225 = arith.addi %mul3A_68, %mul3A_224 : i32
        %mul3A_226 = arith.constant 16 : i32
        %mul3A_227 = arith.muli %add3A_220, %mul3A_226 : i32
        %add3A_228 = arith.addi %add3A_225, %mul3A_227 : i32
        %get3A_229 = arith.index_cast %add3A_228 : i32 to index
        %get3A_230 = tpu.vector_load %arg4[%get3A_229] {strides = array<i32>} : memref<32768xf32, #tpu.memory_space<vmem>>, vector<16xf32>,
        %mul3A_231 = arith.constant 2 : i32
        %mul3A_232 = arith.muli %mul3A_231, %shift_right_arithmetic3A_85 : i32
        %add3A_233 = arith.constant 1 : i32
        %add3A_234 = arith.addi %mul3A_232, %add3A_233 : i32
        %mul3A_235 = arith.constant 1024 : i32
        %mul3A_236 = arith.muli %add3A_234, %mul3A_235 : i32
        %add3A_237 = arith.addi %mul3A_68, %mul3A_236 : i32
        %mul3A_238 = arith.constant 16 : i32
        %mul3A_239 = arith.muli %add3A_220, %mul3A_238 : i32
        %add3A_240 = arith.addi %add3A_237, %mul3A_239 : i32
        %get3A_241 = arith.index_cast %add3A_240 : i32 to index
        %get3A_242 = tpu.vector_load %arg4[%get3A_241] {strides = array<i32>} : memref<32768xf32, #tpu.memory_space<vmem>>, vector<16xf32>,
        %pack3A_243 = tpu.pack_subelements %get3A_230, %get3A_242 {pack_format = #tpu.pack_format<interleaved>, positions = array<i32: 0, 1>} : vector<16xf32>, vector<16xf32> -> vector<32xbf16>
        %bitcast3A_244 = vector.bitcast %pack3A_243 : vector<32xbf16> to vector<16xi32>
        %mul3A_245 = arith.constant 1024 : i32
        %mul3A_246 = arith.muli %shift_right_arithmetic3A_85, %mul3A_245 : i32
        %mul3A_247 = arith.constant 16 : i32
        %mul3A_248 = arith.muli %add3A_220, %mul3A_247 : i32
        %add3A_249 = arith.addi %mul3A_246, %mul3A_248 : i32
        %swap3A_250 = arith.index_cast %add3A_249 : i32 to index
        %swap3A_251 = tpu.vector_load %arg5[%swap3A_250] {strides = array<i32>} : memref<8192xi32, #tpu.memory_space<vmem>>, vector<16xi32>,
        tpu.vector_store %arg5[%swap3A_250], %bitcast3A_244 {strides = array<i32>} : memref<8192xi32, #tpu.memory_space<vmem>>, vector<16xi32>,
        %add3A_252 = arith.constant 5 : i32
        %add3A_253 = arith.addi %mul3A_89, %add3A_252 : i32
        %mul3A_254 = arith.constant 2 : i32
        %mul3A_255 = arith.muli %mul3A_254, %shift_right_arithmetic3A_85 : i32
        %mul3A_256 = arith.constant 1024 : i32
        %mul3A_257 = arith.muli %mul3A_255, %mul3A_256 : i32
        %add3A_258 = arith.addi %mul3A_68, %mul3A_257 : i32
        %mul3A_259 = arith.constant 16 : i32
        %mul3A_260 = arith.muli %add3A_253, %mul3A_259 : i32
        %add3A_261 = arith.addi %add3A_258, %mul3A_260 : i32
        %get3A_262 = arith.index_cast %add3A_261 : i32 to index
        %get3A_263 = tpu.vector_load %arg4[%get3A_262] {strides = array<i32>} : memref<32768xf32, #tpu.memory_space<vmem>>, vector<16xf32>,
        %mul3A_264 = arith.constant 2 : i32
        %mul3A_265 = arith.muli %mul3A_264, %shift_right_arithmetic3A_85 : i32
        %add3A_266 = arith.constant 1 : i32
        %add3A_267 = arith.addi %mul3A_265, %add3A_266 : i32
        %mul3A_268 = arith.constant 1024 : i32
        %mul3A_269 = arith.muli %add3A_267, %mul3A_268 : i32
        %add3A_270 = arith.addi %mul3A_68, %mul3A_269 : i32
        %mul3A_271 = arith.constant 16 : i32
        %mul3A_272 = arith.muli %add3A_253, %mul3A_271 : i32
        %add3A_273 = arith.addi %add3A_270, %mul3A_272 : i32
        %get3A_274 = arith.index_cast %add3A_273 : i32 to index
        %get3A_275 = tpu.vector_load %arg4[%get3A_274] {strides = array<i32>} : memref<32768xf32, #tpu.memory_space<vmem>>, vector<16xf32>,
        %pack3A_276 = tpu.pack_subelements %get3A_263, %get3A_275 {pack_format = #tpu.pack_format<interleaved>, positions = array<i32: 0, 1>} : vector<16xf32>, vector<16xf32> -> vector<32xbf16>
        %bitcast3A_277 = vector.bitcast %pack3A_276 : vector<32xbf16> to vector<16xi32>
        %mul3A_278 = arith.constant 1024 : i32
        %mul3A_279 = arith.muli %shift_right_arithmetic3A_85, %mul3A_278 : i32
        %mul3A_280 = arith.constant 16 : i32
        %mul3A_281 = arith.muli %add3A_253, %mul3A_280 : i32
        %add3A_282 = arith.addi %mul3A_279, %mul3A_281 : i32
        %swap3A_283 = arith.index_cast %add3A_282 : i32 to index
        %swap3A_284 = tpu.vector_load %arg5[%swap3A_283] {strides = array<i32>} : memref<8192xi32, #tpu.memory_space<vmem>>, vector<16xi32>,
        tpu.vector_store %arg5[%swap3A_283], %bitcast3A_277 {strides = array<i32>} : memref<8192xi32, #tpu.memory_space<vmem>>, vector<16xi32>,
        %add3A_285 = arith.constant 6 : i32
        %add3A_286 = arith.addi %mul3A_89, %add3A_285 : i32
        %mul3A_287 = arith.constant 2 : i32
        %mul3A_288 = arith.muli %mul3A_287, %shift_right_arithmetic3A_85 : i32
        %mul3A_289 = arith.constant 1024 : i32
        %mul3A_290 = arith.muli %mul3A_288, %mul3A_289 : i32
        %add3A_291 = arith.addi %mul3A_68, %mul3A_290 : i32
        %mul3A_292 = arith.constant 16 : i32
        %mul3A_293 = arith.muli %add3A_286, %mul3A_292 : i32
        %add3A_294 = arith.addi %add3A_291, %mul3A_293 : i32
        %get3A_295 = arith.index_cast %add3A_294 : i32 to index
        %get3A_296 = tpu.vector_load %arg4[%get3A_295] {strides = array<i32>} : memref<32768xf32, #tpu.memory_space<vmem>>, vector<16xf32>,
        %mul3A_297 = arith.constant 2 : i32
        %mul3A_298 = arith.muli %mul3A_297, %shift_right_arithmetic3A_85 : i32
        %add3A_299 = arith.constant 1 : i32
        %add3A_300 = arith.addi %mul3A_298, %add3A_299 : i32
        %mul3A_301 = arith.constant 1024 : i32
        %mul3A_302 = arith.muli %add3A_300, %mul3A_301 : i32
        %add3A_303 = arith.addi %mul3A_68, %mul3A_302 : i32
        %mul3A_304 = arith.constant 16 : i32
        %mul3A_305 = arith.muli %add3A_286, %mul3A_304 : i32
        %add3A_306 = arith.addi %add3A_303, %mul3A_305 : i32
        %get3A_307 = arith.index_cast %add3A_306 : i32 to index
        %get3A_308 = tpu.vector_load %arg4[%get3A_307] {strides = array<i32>} : memref<32768xf32, #tpu.memory_space<vmem>>, vector<16xf32>,
        %pack3A_309 = tpu.pack_subelements %get3A_296, %get3A_308 {pack_format = #tpu.pack_format<interleaved>, positions = array<i32: 0, 1>} : vector<16xf32>, vector<16xf32> -> vector<32xbf16>
        %bitcast3A_310 = vector.bitcast %pack3A_309 : vector<32xbf16> to vector<16xi32>
        %mul3A_311 = arith.constant 1024 : i32
        %mul3A_312 = arith.muli %shift_right_arithmetic3A_85, %mul3A_311 : i32
        %mul3A_313 = arith.constant 16 : i32
        %mul3A_314 = arith.muli %add3A_286, %mul3A_313 : i32
        %add3A_315 = arith.addi %mul3A_312, %mul3A_314 : i32
        %swap3A_316 = arith.index_cast %add3A_315 : i32 to index
        %swap3A_317 = tpu.vector_load %arg5[%swap3A_316] {strides = array<i32>} : memref<8192xi32, #tpu.memory_space<vmem>>, vector<16xi32>,
        tpu.vector_store %arg5[%swap3A_316], %bitcast3A_310 {strides = array<i32>} : memref<8192xi32, #tpu.memory_space<vmem>>, vector<16xi32>,
        %add3A_318 = arith.constant 7 : i32
        %add3A_319 = arith.addi %mul3A_89, %add3A_318 : i32
        %mul3A_320 = arith.constant 2 : i32
        %mul3A_321 = arith.muli %mul3A_320, %shift_right_arithmetic3A_85 : i32
        %mul3A_322 = arith.constant 1024 : i32
        %mul3A_323 = arith.muli %mul3A_321, %mul3A_322 : i32
        %add3A_324 = arith.addi %mul3A_68, %mul3A_323 : i32
        %mul3A_325 = arith.constant 16 : i32
        %mul3A_326 = arith.muli %add3A_319, %mul3A_325 : i32
        %add3A_327 = arith.addi %add3A_324, %mul3A_326 : i32
        %get3A_328 = arith.index_cast %add3A_327 : i32 to index
        %get3A_329 = tpu.vector_load %arg4[%get3A_328] {strides = array<i32>} : memref<32768xf32, #tpu.memory_space<vmem>>, vector<16xf32>,
        %mul3A_330 = arith.constant 2 : i32
        %mul3A_331 = arith.muli %mul3A_330, %shift_right_arithmetic3A_85 : i32
        %add3A_332 = arith.constant 1 : i32
        %add3A_333 = arith.addi %mul3A_331, %add3A_332 : i32
        %mul3A_334 = arith.constant 1024 : i32
        %mul3A_335 = arith.muli %add3A_333, %mul3A_334 : i32
        %add3A_336 = arith.addi %mul3A_68, %mul3A_335 : i32
        %mul3A_337 = arith.constant 16 : i32
        %mul3A_338 = arith.muli %add3A_319, %mul3A_337 : i32
        %add3A_339 = arith.addi %add3A_336, %mul3A_338 : i32
        %get3A_340 = arith.index_cast %add3A_339 : i32 to index
        %get3A_341 = tpu.vector_load %arg4[%get3A_340] {strides = array<i32>} : memref<32768xf32, #tpu.memory_space<vmem>>, vector<16xf32>,
        %pack3A_342 = tpu.pack_subelements %get3A_329, %get3A_341 {pack_format = #tpu.pack_format<interleaved>, positions = array<i32: 0, 1>} : vector<16xf32>, vector<16xf32> -> vector<32xbf16>
        %bitcast3A_343 = vector.bitcast %pack3A_342 : vector<32xbf16> to vector<16xi32>
        %mul3A_344 = arith.constant 1024 : i32
        %mul3A_345 = arith.muli %shift_right_arithmetic3A_85, %mul3A_344 : i32
        %mul3A_346 = arith.constant 16 : i32
        %mul3A_347 = arith.muli %add3A_319, %mul3A_346 : i32
        %add3A_348 = arith.addi %mul3A_345, %mul3A_347 : i32
        %swap3A_349 = arith.index_cast %add3A_348 : i32 to index
        %swap3A_350 = tpu.vector_load %arg5[%swap3A_349] {strides = array<i32>} : memref<8192xi32, #tpu.memory_space<vmem>>, vector<16xi32>,
        tpu.vector_store %arg5[%swap3A_349], %bitcast3A_343 {strides = array<i32>} : memref<8192xi32, #tpu.memory_space<vmem>>, vector<16xi32>,
        %add3A_351 = arith.constant 8 : i32
        %add3A_352 = arith.addi %mul3A_89, %add3A_351 : i32
        %mul3A_353 = arith.constant 2 : i32
        %mul3A_354 = arith.muli %mul3A_353, %shift_right_arithmetic3A_85 : i32
        %mul3A_355 = arith.constant 1024 : i32
        %mul3A_356 = arith.muli %mul3A_354, %mul3A_355 : i32
        %add3A_357 = arith.addi %mul3A_68, %mul3A_356 : i32
        %mul3A_358 = arith.constant 16 : i32
        %mul3A_359 = arith.muli %add3A_352, %mul3A_358 : i32
        %add3A_360 = arith.addi %add3A_357, %mul3A_359 : i32
        %get3A_361 = arith.index_cast %add3A_360 : i32 to index
        %get3A_362 = tpu.vector_load %arg4[%get3A_361] {strides = array<i32>} : memref<32768xf32, #tpu.memory_space<vmem>>, vector<16xf32>,
        %mul3A_363 = arith.constant 2 : i32
        %mul3A_364 = arith.muli %mul3A_363, %shift_right_arithmetic3A_85 : i32
        %add3A_365 = arith.constant 1 : i32
        %add3A_366 = arith.addi %mul3A_364, %add3A_365 : i32
        %mul3A_367 = arith.constant 1024 : i32
        %mul3A_368 = arith.muli %add3A_366, %mul3A_367 : i32
        %add3A_369 = arith.addi %mul3A_68, %mul3A_368 : i32
        %mul3A_370 = arith.constant 16 : i32
        %mul3A_371 = arith.muli %add3A_352, %mul3A_370 : i32
        %add3A_372 = arith.addi %add3A_369, %mul3A_371 : i32
        %get3A_373 = arith.index_cast %add3A_372 : i32 to index
        %get3A_374 = tpu.vector_load %arg4[%get3A_373] {strides = array<i32>} : memref<32768xf32, #tpu.memory_space<vmem>>, vector<16xf32>,
        %pack3A_375 = tpu.pack_subelements %get3A_362, %get3A_374 {pack_format = #tpu.pack_format<interleaved>, positions = array<i32: 0, 1>} : vector<16xf32>, vector<16xf32> -> vector<32xbf16>
        %bitcast3A_376 = vector.bitcast %pack3A_375 : vector<32xbf16> to vector<16xi32>
        %mul3A_377 = arith.constant 1024 : i32
        %mul3A_378 = arith.muli %shift_right_arithmetic3A_85, %mul3A_377 : i32
        %mul3A_379 = arith.constant 16 : i32
        %mul3A_380 = arith.muli %add3A_352, %mul3A_379 : i32
        %add3A_381 = arith.addi %mul3A_378, %mul3A_380 : i32
        %swap3A_382 = arith.index_cast %add3A_381 : i32 to index
        %swap3A_383 = tpu.vector_load %arg5[%swap3A_382] {strides = array<i32>} : memref<8192xi32, #tpu.memory_space<vmem>>, vector<16xi32>,
        tpu.vector_store %arg5[%swap3A_382], %bitcast3A_376 {strides = array<i32>} : memref<8192xi32, #tpu.memory_space<vmem>>, vector<16xi32>,
        %add3A_384 = arith.constant 9 : i32
        %add3A_385 = arith.addi %mul3A_89, %add3A_384 : i32
        %mul3A_386 = arith.constant 2 : i32
        %mul3A_387 = arith.muli %mul3A_386, %shift_right_arithmetic3A_85 : i32
        %mul3A_388 = arith.constant 1024 : i32
        %mul3A_389 = arith.muli %mul3A_387, %mul3A_388 : i32
        %add3A_390 = arith.addi %mul3A_68, %mul3A_389 : i32
        %mul3A_391 = arith.constant 16 : i32
        %mul3A_392 = arith.muli %add3A_385, %mul3A_391 : i32
        %add3A_393 = arith.addi %add3A_390, %mul3A_392 : i32
        %get3A_394 = arith.index_cast %add3A_393 : i32 to index
        %get3A_395 = tpu.vector_load %arg4[%get3A_394] {strides = array<i32>} : memref<32768xf32, #tpu.memory_space<vmem>>, vector<16xf32>,
        %mul3A_396 = arith.constant 2 : i32
        %mul3A_397 = arith.muli %mul3A_396, %shift_right_arithmetic3A_85 : i32
        %add3A_398 = arith.constant 1 : i32
        %add3A_399 = arith.addi %mul3A_397, %add3A_398 : i32
        %mul3A_400 = arith.constant 1024 : i32
        %mul3A_401 = arith.muli %add3A_399, %mul3A_400 : i32
        %add3A_402 = arith.addi %mul3A_68, %mul3A_401 : i32
        %mul3A_403 = arith.constant 16 : i32
        %mul3A_404 = arith.muli %add3A_385, %mul3A_403 : i32
        %add3A_405 = arith.addi %add3A_402, %mul3A_404 : i32
        %get3A_406 = arith.index_cast %add3A_405 : i32 to index
        %get3A_407 = tpu.vector_load %arg4[%get3A_406] {strides = array<i32>} : memref<32768xf32, #tpu.memory_space<vmem>>, vector<16xf32>,
        %pack3A_408 = tpu.pack_subelements %get3A_395, %get3A_407 {pack_format = #tpu.pack_format<interleaved>, positions = array<i32: 0, 1>} : vector<16xf32>, vector<16xf32> -> vector<32xbf16>
        %bitcast3A_409 = vector.bitcast %pack3A_408 : vector<32xbf16> to vector<16xi32>
        %mul3A_410 = arith.constant 1024 : i32
        %mul3A_411 = arith.muli %shift_right_arithmetic3A_85, %mul3A_410 : i32
        %mul3A_412 = arith.constant 16 : i32
        %mul3A_413 = arith.muli %add3A_385, %mul3A_412 : i32
        %add3A_414 = arith.addi %mul3A_411, %mul3A_413 : i32
        %swap3A_415 = arith.index_cast %add3A_414 : i32 to index
        %swap3A_416 = tpu.vector_load %arg5[%swap3A_415] {strides = array<i32>} : memref<8192xi32, #tpu.memory_space<vmem>>, vector<16xi32>,
        tpu.vector_store %arg5[%swap3A_415], %bitcast3A_409 {strides = array<i32>} : memref<8192xi32, #tpu.memory_space<vmem>>, vector<16xi32>,
        %add3A_417 = arith.constant 10 : i32
        %add3A_418 = arith.addi %mul3A_89, %add3A_417 : i32
        %mul3A_419 = arith.constant 2 : i32
        %mul3A_420 = arith.muli %mul3A_419, %shift_right_arithmetic3A_85 : i32
        %mul3A_421 = arith.constant 1024 : i32
        %mul3A_422 = arith.muli %mul3A_420, %mul3A_421 : i32
        %add3A_423 = arith.addi %mul3A_68, %mul3A_422 : i32
        %mul3A_424 = arith.constant 16 : i32
        %mul3A_425 = arith.muli %add3A_418, %mul3A_424 : i32
        %add3A_426 = arith.addi %add3A_423, %mul3A_425 : i32
        %get3A_427 = arith.index_cast %add3A_426 : i32 to index
        %get3A_428 = tpu.vector_load %arg4[%get3A_427] {strides = array<i32>} : memref<32768xf32, #tpu.memory_space<vmem>>, vector<16xf32>,
        %mul3A_429 = arith.constant 2 : i32
        %mul3A_430 = arith.muli %mul3A_429, %shift_right_arithmetic3A_85 : i32
        %add3A_431 = arith.constant 1 : i32
        %add3A_432 = arith.addi %mul3A_430, %add3A_431 : i32
        %mul3A_433 = arith.constant 1024 : i32
        %mul3A_434 = arith.muli %add3A_432, %mul3A_433 : i32
        %add3A_435 = arith.addi %mul3A_68, %mul3A_434 : i32
        %mul3A_436 = arith.constant 16 : i32
        %mul3A_437 = arith.muli %add3A_418, %mul3A_436 : i32
        %add3A_438 = arith.addi %add3A_435, %mul3A_437 : i32
        %get3A_439 = arith.index_cast %add3A_438 : i32 to index
        %get3A_440 = tpu.vector_load %arg4[%get3A_439] {strides = array<i32>} : memref<32768xf32, #tpu.memory_space<vmem>>, vector<16xf32>,
        %pack3A_441 = tpu.pack_subelements %get3A_428, %get3A_440 {pack_format = #tpu.pack_format<interleaved>, positions = array<i32: 0, 1>} : vector<16xf32>, vector<16xf32> -> vector<32xbf16>
        %bitcast3A_442 = vector.bitcast %pack3A_441 : vector<32xbf16> to vector<16xi32>
        %mul3A_443 = arith.constant 1024 : i32
        %mul3A_444 = arith.muli %shift_right_arithmetic3A_85, %mul3A_443 : i32
        %mul3A_445 = arith.constant 16 : i32
        %mul3A_446 = arith.muli %add3A_418, %mul3A_445 : i32
        %add3A_447 = arith.addi %mul3A_444, %mul3A_446 : i32
        %swap3A_448 = arith.index_cast %add3A_447 : i32 to index
        %swap3A_449 = tpu.vector_load %arg5[%swap3A_448] {strides = array<i32>} : memref<8192xi32, #tpu.memory_space<vmem>>, vector<16xi32>,
        tpu.vector_store %arg5[%swap3A_448], %bitcast3A_442 {strides = array<i32>} : memref<8192xi32, #tpu.memory_space<vmem>>, vector<16xi32>,
        %add3A_450 = arith.constant 11 : i32
        %add3A_451 = arith.addi %mul3A_89, %add3A_450 : i32
        %mul3A_452 = arith.constant 2 : i32
        %mul3A_453 = arith.muli %mul3A_452, %shift_right_arithmetic3A_85 : i32
        %mul3A_454 = arith.constant 1024 : i32
        %mul3A_455 = arith.muli %mul3A_453, %mul3A_454 : i32
        %add3A_456 = arith.addi %mul3A_68, %mul3A_455 : i32
        %mul3A_457 = arith.constant 16 : i32
        %mul3A_458 = arith.muli %add3A_451, %mul3A_457 : i32
        %add3A_459 = arith.addi %add3A_456, %mul3A_458 : i32
        %get3A_460 = arith.index_cast %add3A_459 : i32 to index
        %get3A_461 = tpu.vector_load %arg4[%get3A_460] {strides = array<i32>} : memref<32768xf32, #tpu.memory_space<vmem>>, vector<16xf32>,
        %mul3A_462 = arith.constant 2 : i32
        %mul3A_463 = arith.muli %mul3A_462, %shift_right_arithmetic3A_85 : i32
        %add3A_464 = arith.constant 1 : i32
        %add3A_465 = arith.addi %mul3A_463, %add3A_464 : i32
        %mul3A_466 = arith.constant 1024 : i32
        %mul3A_467 = arith.muli %add3A_465, %mul3A_466 : i32
        %add3A_468 = arith.addi %mul3A_68, %mul3A_467 : i32
        %mul3A_469 = arith.constant 16 : i32
        %mul3A_470 = arith.muli %add3A_451, %mul3A_469 : i32
        %add3A_471 = arith.addi %add3A_468, %mul3A_470 : i32
        %get3A_472 = arith.index_cast %add3A_471 : i32 to index
        %get3A_473 = tpu.vector_load %arg4[%get3A_472] {strides = array<i32>} : memref<32768xf32, #tpu.memory_space<vmem>>, vector<16xf32>,
        %pack3A_474 = tpu.pack_subelements %get3A_461, %get3A_473 {pack_format = #tpu.pack_format<interleaved>, positions = array<i32: 0, 1>} : vector<16xf32>, vector<16xf32> -> vector<32xbf16>
        %bitcast3A_475 = vector.bitcast %pack3A_474 : vector<32xbf16> to vector<16xi32>
        %mul3A_476 = arith.constant 1024 : i32
        %mul3A_477 = arith.muli %shift_right_arithmetic3A_85, %mul3A_476 : i32
        %mul3A_478 = arith.constant 16 : i32
        %mul3A_479 = arith.muli %add3A_451, %mul3A_478 : i32
        %add3A_480 = arith.addi %mul3A_477, %mul3A_479 : i32
        %swap3A_481 = arith.index_cast %add3A_480 : i32 to index
        %swap3A_482 = tpu.vector_load %arg5[%swap3A_481] {strides = array<i32>} : memref<8192xi32, #tpu.memory_space<vmem>>, vector<16xi32>,
        tpu.vector_store %arg5[%swap3A_481], %bitcast3A_475 {strides = array<i32>} : memref<8192xi32, #tpu.memory_space<vmem>>, vector<16xi32>,
        %add3A_483 = arith.constant 12 : i32
        %add3A_484 = arith.addi %mul3A_89, %add3A_483 : i32
        %mul3A_485 = arith.constant 2 : i32
        %mul3A_486 = arith.muli %mul3A_485, %shift_right_arithmetic3A_85 : i32
        %mul3A_487 = arith.constant 1024 : i32
        %mul3A_488 = arith.muli %mul3A_486, %mul3A_487 : i32
        %add3A_489 = arith.addi %mul3A_68, %mul3A_488 : i32
        %mul3A_490 = arith.constant 16 : i32
        %mul3A_491 = arith.muli %add3A_484, %mul3A_490 : i32
        %add3A_492 = arith.addi %add3A_489, %mul3A_491 : i32
        %get3A_493 = arith.index_cast %add3A_492 : i32 to index
        %get3A_494 = tpu.vector_load %arg4[%get3A_493] {strides = array<i32>} : memref<32768xf32, #tpu.memory_space<vmem>>, vector<16xf32>,
        %mul3A_495 = arith.constant 2 : i32
        %mul3A_496 = arith.muli %mul3A_495, %shift_right_arithmetic3A_85 : i32
        %add3A_497 = arith.constant 1 : i32
        %add3A_498 = arith.addi %mul3A_496, %add3A_497 : i32
        %mul3A_499 = arith.constant 1024 : i32
        %mul3A_500 = arith.muli %add3A_498, %mul3A_499 : i32
        %add3A_501 = arith.addi %mul3A_68, %mul3A_500 : i32
        %mul3A_502 = arith.constant 16 : i32
        %mul3A_503 = arith.muli %add3A_484, %mul3A_502 : i32
        %add3A_504 = arith.addi %add3A_501, %mul3A_503 : i32
        %get3A_505 = arith.index_cast %add3A_504 : i32 to index
        %get3A_506 = tpu.vector_load %arg4[%get3A_505] {strides = array<i32>} : memref<32768xf32, #tpu.memory_space<vmem>>, vector<16xf32>,
        %pack3A_507 = tpu.pack_subelements %get3A_494, %get3A_506 {pack_format = #tpu.pack_format<interleaved>, positions = array<i32: 0, 1>} : vector<16xf32>, vector<16xf32> -> vector<32xbf16>
        %bitcast3A_508 = vector.bitcast %pack3A_507 : vector<32xbf16> to vector<16xi32>
        %mul3A_509 = arith.constant 1024 : i32
        %mul3A_510 = arith.muli %shift_right_arithmetic3A_85, %mul3A_509 : i32
        %mul3A_511 = arith.constant 16 : i32
        %mul3A_512 = arith.muli %add3A_484, %mul3A_511 : i32
        %add3A_513 = arith.addi %mul3A_510, %mul3A_512 : i32
        %swap3A_514 = arith.index_cast %add3A_513 : i32 to index
        %swap3A_515 = tpu.vector_load %arg5[%swap3A_514] {strides = array<i32>} : memref<8192xi32, #tpu.memory_space<vmem>>, vector<16xi32>,
        tpu.vector_store %arg5[%swap3A_514], %bitcast3A_508 {strides = array<i32>} : memref<8192xi32, #tpu.memory_space<vmem>>, vector<16xi32>,
        %add3A_516 = arith.constant 13 : i32
        %add3A_517 = arith.addi %mul3A_89, %add3A_516 : i32
        %mul3A_518 = arith.constant 2 : i32
        %mul3A_519 = arith.muli %mul3A_518, %shift_right_arithmetic3A_85 : i32
        %mul3A_520 = arith.constant 1024 : i32
        %mul3A_521 = arith.muli %mul3A_519, %mul3A_520 : i32
        %add3A_522 = arith.addi %mul3A_68, %mul3A_521 : i32
        %mul3A_523 = arith.constant 16 : i32
        %mul3A_524 = arith.muli %add3A_517, %mul3A_523 : i32
        %add3A_525 = arith.addi %add3A_522, %mul3A_524 : i32
        %get3A_526 = arith.index_cast %add3A_525 : i32 to index
        %get3A_527 = tpu.vector_load %arg4[%get3A_526] {strides = array<i32>} : memref<32768xf32, #tpu.memory_space<vmem>>, vector<16xf32>,
        %mul3A_528 = arith.constant 2 : i32
        %mul3A_529 = arith.muli %mul3A_528, %shift_right_arithmetic3A_85 : i32
        %add3A_530 = arith.constant 1 : i32
        %add3A_531 = arith.addi %mul3A_529, %add3A_530 : i32
        %mul3A_532 = arith.constant 1024 : i32
        %mul3A_533 = arith.muli %add3A_531, %mul3A_532 : i32
        %add3A_534 = arith.addi %mul3A_68, %mul3A_533 : i32
        %mul3A_535 = arith.constant 16 : i32
        %mul3A_536 = arith.muli %add3A_517, %mul3A_535 : i32
        %add3A_537 = arith.addi %add3A_534, %mul3A_536 : i32
        %get3A_538 = arith.index_cast %add3A_537 : i32 to index
        %get3A_539 = tpu.vector_load %arg4[%get3A_538] {strides = array<i32>} : memref<32768xf32, #tpu.memory_space<vmem>>, vector<16xf32>,
        %pack3A_540 = tpu.pack_subelements %get3A_527, %get3A_539 {pack_format = #tpu.pack_format<interleaved>, positions = array<i32: 0, 1>} : vector<16xf32>, vector<16xf32> -> vector<32xbf16>
        %bitcast3A_541 = vector.bitcast %pack3A_540 : vector<32xbf16> to vector<16xi32>
        %mul3A_542 = arith.constant 1024 : i32
        %mul3A_543 = arith.muli %shift_right_arithmetic3A_85, %mul3A_542 : i32
        %mul3A_544 = arith.constant 16 : i32
        %mul3A_545 = arith.muli %add3A_517, %mul3A_544 : i32
        %add3A_546 = arith.addi %mul3A_543, %mul3A_545 : i32
        %swap3A_547 = arith.index_cast %add3A_546 : i32 to index
        %swap3A_548 = tpu.vector_load %arg5[%swap3A_547] {strides = array<i32>} : memref<8192xi32, #tpu.memory_space<vmem>>, vector<16xi32>,
        tpu.vector_store %arg5[%swap3A_547], %bitcast3A_541 {strides = array<i32>} : memref<8192xi32, #tpu.memory_space<vmem>>, vector<16xi32>,
        %add3A_549 = arith.constant 14 : i32
        %add3A_550 = arith.addi %mul3A_89, %add3A_549 : i32
        %mul3A_551 = arith.constant 2 : i32
        %mul3A_552 = arith.muli %mul3A_551, %shift_right_arithmetic3A_85 : i32
        %mul3A_553 = arith.constant 1024 : i32
        %mul3A_554 = arith.muli %mul3A_552, %mul3A_553 : i32
        %add3A_555 = arith.addi %mul3A_68, %mul3A_554 : i32
        %mul3A_556 = arith.constant 16 : i32
        %mul3A_557 = arith.muli %add3A_550, %mul3A_556 : i32
        %add3A_558 = arith.addi %add3A_555, %mul3A_557 : i32
        %get3A_559 = arith.index_cast %add3A_558 : i32 to index
        %get3A_560 = tpu.vector_load %arg4[%get3A_559] {strides = array<i32>} : memref<32768xf32, #tpu.memory_space<vmem>>, vector<16xf32>,
        %mul3A_561 = arith.constant 2 : i32
        %mul3A_562 = arith.muli %mul3A_561, %shift_right_arithmetic3A_85 : i32
        %add3A_563 = arith.constant 1 : i32
        %add3A_564 = arith.addi %mul3A_562, %add3A_563 : i32
        %mul3A_565 = arith.constant 1024 : i32
        %mul3A_566 = arith.muli %add3A_564, %mul3A_565 : i32
        %add3A_567 = arith.addi %mul3A_68, %mul3A_566 : i32
        %mul3A_568 = arith.constant 16 : i32
        %mul3A_569 = arith.muli %add3A_550, %mul3A_568 : i32
        %add3A_570 = arith.addi %add3A_567, %mul3A_569 : i32
        %get3A_571 = arith.index_cast %add3A_570 : i32 to index
        %get3A_572 = tpu.vector_load %arg4[%get3A_571] {strides = array<i32>} : memref<32768xf32, #tpu.memory_space<vmem>>, vector<16xf32>,
        %pack3A_573 = tpu.pack_subelements %get3A_560, %get3A_572 {pack_format = #tpu.pack_format<interleaved>, positions = array<i32: 0, 1>} : vector<16xf32>, vector<16xf32> -> vector<32xbf16>
        %bitcast3A_574 = vector.bitcast %pack3A_573 : vector<32xbf16> to vector<16xi32>
        %mul3A_575 = arith.constant 1024 : i32
        %mul3A_576 = arith.muli %shift_right_arithmetic3A_85, %mul3A_575 : i32
        %mul3A_577 = arith.constant 16 : i32
        %mul3A_578 = arith.muli %add3A_550, %mul3A_577 : i32
        %add3A_579 = arith.addi %mul3A_576, %mul3A_578 : i32
        %swap3A_580 = arith.index_cast %add3A_579 : i32 to index
        %swap3A_581 = tpu.vector_load %arg5[%swap3A_580] {strides = array<i32>} : memref<8192xi32, #tpu.memory_space<vmem>>, vector<16xi32>,
        tpu.vector_store %arg5[%swap3A_580], %bitcast3A_574 {strides = array<i32>} : memref<8192xi32, #tpu.memory_space<vmem>>, vector<16xi32>,
        %add3A_582 = arith.constant 15 : i32
        %add3A_583 = arith.addi %mul3A_89, %add3A_582 : i32
        %mul3A_584 = arith.constant 2 : i32
        %mul3A_585 = arith.muli %mul3A_584, %shift_right_arithmetic3A_85 : i32
        %mul3A_586 = arith.constant 1024 : i32
        %mul3A_587 = arith.muli %mul3A_585, %mul3A_586 : i32
        %add3A_588 = arith.addi %mul3A_68, %mul3A_587 : i32
        %mul3A_589 = arith.constant 16 : i32
        %mul3A_590 = arith.muli %add3A_583, %mul3A_589 : i32
        %add3A_591 = arith.addi %add3A_588, %mul3A_590 : i32
        %get3A_592 = arith.index_cast %add3A_591 : i32 to index
        %get3A_593 = tpu.vector_load %arg4[%get3A_592] {strides = array<i32>} : memref<32768xf32, #tpu.memory_space<vmem>>, vector<16xf32>,
        %mul3A_594 = arith.constant 2 : i32
        %mul3A_595 = arith.muli %mul3A_594, %shift_right_arithmetic3A_85 : i32
        %add3A_596 = arith.constant 1 : i32
        %add3A_597 = arith.addi %mul3A_595, %add3A_596 : i32
        %mul3A_598 = arith.constant 1024 : i32
        %mul3A_599 = arith.muli %add3A_597, %mul3A_598 : i32
        %add3A_600 = arith.addi %mul3A_68, %mul3A_599 : i32
        %mul3A_601 = arith.constant 16 : i32
        %mul3A_602 = arith.muli %add3A_583, %mul3A_601 : i32
        %add3A_603 = arith.addi %add3A_600, %mul3A_602 : i32
        %get3A_604 = arith.index_cast %add3A_603 : i32 to index
        %get3A_605 = tpu.vector_load %arg4[%get3A_604] {strides = array<i32>} : memref<32768xf32, #tpu.memory_space<vmem>>, vector<16xf32>,
        %pack3A_606 = tpu.pack_subelements %get3A_593, %get3A_605 {pack_format = #tpu.pack_format<interleaved>, positions = array<i32: 0, 1>} : vector<16xf32>, vector<16xf32> -> vector<32xbf16>
        %bitcast3A_607 = vector.bitcast %pack3A_606 : vector<32xbf16> to vector<16xi32>
        %mul3A_608 = arith.constant 1024 : i32
        %mul3A_609 = arith.muli %shift_right_arithmetic3A_85, %mul3A_608 : i32
        %mul3A_610 = arith.constant 16 : i32
        %mul3A_611 = arith.muli %add3A_583, %mul3A_610 : i32
        %add3A_612 = arith.addi %mul3A_609, %mul3A_611 : i32
        %swap3A_613 = arith.index_cast %add3A_612 : i32 to index
        %swap3A_614 = tpu.vector_load %arg5[%swap3A_613] {strides = array<i32>} : memref<8192xi32, #tpu.memory_space<vmem>>, vector<16xi32>,
        tpu.vector_store %arg5[%swap3A_613], %bitcast3A_607 {strides = array<i32>} : memref<8192xi32, #tpu.memory_space<vmem>>, vector<16xi32>,
      }
      %scan3A_74 = arith.constant 32 : i32
      %scan3A_75 = arith.constant 0 : i32
      %scan3A_76 = arith.constant 8 : i32
      %scan3A_77 = arith.addi %scan3A_75, %scan3A_76 : i32
      %scan3A_78 = arith.constant 1 : i32
      %scan3A_79 = scf.for %scan3A_84 = %scan3A_75 to %scan3A_77 step %scan3A_78 iter_args(%scan3A_85 = %broadcast_in_dim3A_5) -> (vector<16xf32>)  : i32 {
        %mul3A_86 = arith.constant 1024 : i32
        %mul3A_87 = arith.muli %scan3A_84, %mul3A_86 : i32
        %add3A_88 = arith.constant 32768 : i32
        %add3A_89 = vector.broadcast %add3A_88 : i32 to vector<16xi32>
        %add3A_90 = arith.addi %broadcast_in_dim3A_1, %add3A_89 : vector<16xi32>
        %add3A_91 = arith.constant 32768 : i32
        %add3A_92 = vector.broadcast %add3A_91 : i32 to vector<16xi32>
        %add3A_93 = arith.addi %broadcast_in_dim3A_1, %add3A_92 : vector<16xi32>
        %add3A_94 = arith.constant 32768 : i32
        %add3A_95 = vector.broadcast %add3A_94 : i32 to vector<16xi32>
        %add3A_96 = arith.addi %broadcast_in_dim3A_1, %add3A_95 : vector<16xi32>
        %add3A_97 = arith.constant 32768 : i32
        %add3A_98 = vector.broadcast %add3A_97 : i32 to vector<16xi32>
        %add3A_99 = arith.addi %broadcast_in_dim3A_1, %add3A_98 : vector<16xi32>
        %ge3A = arith.constant 32768 : i32
        %ge3A_100 = vector.broadcast %ge3A : i32 to vector<16xi32>
        %ge3A_101 = arith.cmpi sge, %add3A_90, %ge3A_100 : vector<16xi32>
        %sub3A = arith.constant 32768 : i32
        %sub3A_102 = vector.broadcast %sub3A : i32 to vector<16xi32>
        %sub3A_103 = arith.subi %add3A_90, %sub3A_102 : vector<16xi32>
        %sub3A_104 = arith.constant 65535 : i32
        %sub3A_105 = vector.broadcast %sub3A_104 : i32 to vector<16xi32>
        %sub3A_106 = arith.subi %sub3A_105, %add3A_90 : vector<16xi32>
        %select_n3A = arith.select %ge3A_101, %sub3A_103, %sub3A_106 : vector<16xi1>, vector<16xi32>
        %ge3A_107 = arith.constant 32768 : i32
        %ge3A_108 = vector.broadcast %ge3A_107 : i32 to vector<16xi32>
        %ge3A_109 = arith.cmpi sge, %add3A_93, %ge3A_108 : vector<16xi32>
        %sub3A_110 = arith.constant 32768 : i32
        %sub3A_111 = vector.broadcast %sub3A_110 : i32 to vector<16xi32>
        %sub3A_112 = arith.subi %add3A_93, %sub3A_111 : vector<16xi32>
        %sub3A_113 = arith.constant 65535 : i32
        %sub3A_114 = vector.broadcast %sub3A_113 : i32 to vector<16xi32>
        %sub3A_115 = arith.subi %sub3A_114, %add3A_93 : vector<16xi32>
        %select_n3A_116 = arith.select %ge3A_109, %sub3A_112, %sub3A_115 : vector<16xi1>, vector<16xi32>
        %shift_left3A = arith.constant 16 : i32
        %shift_left3A_117 = vector.broadcast %shift_left3A : i32 to vector<16xi32>
        %shift_left3A_118 = arith.shli %select_n3A_116, %shift_left3A_117 : vector<16xi32>
        %or3A = arith.ori %select_n3A, %shift_left3A_118 : vector<16xi32>
        %bitcast3A = vector.bitcast %or3A : vector<16xi32> to vector<32xbf16>
        %sub3A_119 = arith.constant 65535 : i32
        %sub3A_120 = vector.broadcast %sub3A_119 : i32 to vector<16xi32>
        %sub3A_121 = arith.subi %sub3A_120, %add3A_96 : vector<16xi32>
        %ge3A_122 = arith.constant 32768 : i32
        %ge3A_123 = vector.broadcast %ge3A_122 : i32 to vector<16xi32>
        %ge3A_124 = arith.cmpi sge, %sub3A_121, %ge3A_123 : vector<16xi32>
        %sub3A_125 = arith.constant 32768 : i32
        %sub3A_126 = vector.broadcast %sub3A_125 : i32 to vector<16xi32>
        %sub3A_127 = arith.subi %sub3A_121, %sub3A_126 : vector<16xi32>
        %sub3A_128 = arith.constant 65535 : i32
        %sub3A_129 = vector.broadcast %sub3A_128 : i32 to vector<16xi32>
        %sub3A_130 = arith.subi %sub3A_129, %sub3A_121 : vector<16xi32>
        %select_n3A_131 = arith.select %ge3A_124, %sub3A_127, %sub3A_130 : vector<16xi1>, vector<16xi32>
        %sub3A_132 = arith.constant 65535 : i32
        %sub3A_133 = vector.broadcast %sub3A_132 : i32 to vector<16xi32>
        %sub3A_134 = arith.subi %sub3A_133, %add3A_99 : vector<16xi32>
        %ge3A_135 = arith.constant 32768 : i32
        %ge3A_136 = vector.broadcast %ge3A_135 : i32 to vector<16xi32>
        %ge3A_137 = arith.cmpi sge, %sub3A_134, %ge3A_136 : vector<16xi32>
        %sub3A_138 = arith.constant 32768 : i32
        %sub3A_139 = vector.broadcast %sub3A_138 : i32 to vector<16xi32>
        %sub3A_140 = arith.subi %sub3A_134, %sub3A_139 : vector<16xi32>
        %sub3A_141 = arith.constant 65535 : i32
        %sub3A_142 = vector.broadcast %sub3A_141 : i32 to vector<16xi32>
        %sub3A_143 = arith.subi %sub3A_142, %sub3A_134 : vector<16xi32>
        %select_n3A_144 = arith.select %ge3A_137, %sub3A_140, %sub3A_143 : vector<16xi1>, vector<16xi32>
        %shift_left3A_145 = arith.constant 16 : i32
        %shift_left3A_146 = vector.broadcast %shift_left3A_145 : i32 to vector<16xi32>
        %shift_left3A_147 = arith.shli %select_n3A_144, %shift_left3A_146 : vector<16xi32>
        %or3A_148 = arith.ori %select_n3A_131, %shift_left3A_147 : vector<16xi32>
        %bitcast3A_149 = vector.bitcast %or3A_148 : vector<16xi32> to vector<32xbf16>
        %scan3A_150 = arith.constant 0 : i32
        %scan3A_151 = arith.constant 16 : i32
        %scan3A_152 = arith.addi %scan3A_150, %scan3A_151 : i32
        %scan3A_153 = arith.constant 1 : i32
        %scan3A_154:4 = scf.for %scan3A_2494 = %scan3A_150 to %scan3A_152 step %scan3A_153 iter_args(%scan3A_2495 = %broadcast_in_dim3A_7, %scan3A_2496 = %broadcast_in_dim3A_7, %scan3A_2497 = %broadcast_in_dim3A_7, %scan3A_2498 = %broadcast_in_dim3A_7) -> (vector<32xbf16>, vector<32xbf16>, vector<32xbf16>, vector<32xbf16>)  : i32 {
          %mul3A_2499 = arith.constant 4 : i32
          %mul3A_2500 = arith.muli %scan3A_2494, %mul3A_2499 : i32
          %add3A_2501 = arith.constant 0 : i32
          %add3A_2502 = arith.addi %mul3A_2500, %add3A_2501 : i32
          %mul3A_2503 = arith.constant 16 : i32
          %mul3A_2504 = arith.muli %add3A_2502, %mul3A_2503 : i32
          %add3A_2505 = arith.addi %mul3A_87, %mul3A_2504 : i32
          %get3A = arith.index_cast %add3A_2505 : i32 to index
          %get3A_2506 = tpu.vector_load %arg5[%get3A] {strides = array<i32>} : memref<8192xi32, #tpu.memory_space<vmem>>, vector<16xi32>,
          %bitcast3A_2507 = vector.bitcast %get3A_2506 : vector<16xi32> to vector<32xbf16>
          %ge3A_2508 = arith.cmpf oge, %bitcast3A_2507, %bitcast3A : vector<32xbf16>
          %select_n3A_2509 = arith.select %ge3A_2508, %broadcast_in_dim3A_9, %broadcast_in_dim3A_7 : vector<32xi1>, vector<32xbf16>
          %le3A = arith.cmpf ole, %bitcast3A_2507, %bitcast3A_149 : vector<32xbf16>
          %select_n3A_2510 = arith.select %le3A, %broadcast_in_dim3A_9, %broadcast_in_dim3A_7 : vector<32xi1>, vector<32xbf16>
          %add3A_2511 = arith.addf %scan3A_2495, %select_n3A_2509 : vector<32xbf16>
          %add3A_2512 = arith.addf %scan3A_2497, %select_n3A_2510 : vector<32xbf16>
          %mul3A_2513 = arith.constant 4 : i32
          %mul3A_2514 = arith.muli %scan3A_2494, %mul3A_2513 : i32
          %add3A_2515 = arith.constant 1 : i32
          %add3A_2516 = arith.addi %mul3A_2514, %add3A_2515 : i32
          %mul3A_2517 = arith.constant 16 : i32
          %mul3A_2518 = arith.muli %add3A_2516, %mul3A_2517 : i32
          %add3A_2519 = arith.addi %mul3A_87, %mul3A_2518 : i32
          %get3A_2520 = arith.index_cast %add3A_2519 : i32 to index
          %get3A_2521 = tpu.vector_load %arg5[%get3A_2520] {strides = array<i32>} : memref<8192xi32, #tpu.memory_space<vmem>>, vector<16xi32>,
          %bitcast3A_2522 = vector.bitcast %get3A_2521 : vector<16xi32> to vector<32xbf16>
          %ge3A_2523 = arith.cmpf oge, %bitcast3A_2522, %bitcast3A : vector<32xbf16>
          %select_n3A_2524 = arith.select %ge3A_2523, %broadcast_in_dim3A_9, %broadcast_in_dim3A_7 : vector<32xi1>, vector<32xbf16>
          %le3A_2525 = arith.cmpf ole, %bitcast3A_2522, %bitcast3A_149 : vector<32xbf16>
          %select_n3A_2526 = arith.select %le3A_2525, %broadcast_in_dim3A_9, %broadcast_in_dim3A_7 : vector<32xi1>, vector<32xbf16>
          %add3A_2527 = arith.addf %scan3A_2496, %select_n3A_2524 : vector<32xbf16>
          %add3A_2528 = arith.addf %scan3A_2498, %select_n3A_2526 : vector<32xbf16>
          %mul3A_2529 = arith.constant 4 : i32
          %mul3A_2530 = arith.muli %scan3A_2494, %mul3A_2529 : i32
          %add3A_2531 = arith.constant 2 : i32
          %add3A_2532 = arith.addi %mul3A_2530, %add3A_2531 : i32
          %mul3A_2533 = arith.constant 16 : i32
          %mul3A_2534 = arith.muli %add3A_2532, %mul3A_2533 : i32
          %add3A_2535 = arith.addi %mul3A_87, %mul3A_2534 : i32
          %get3A_2536 = arith.index_cast %add3A_2535 : i32 to index
          %get3A_2537 = tpu.vector_load %arg5[%get3A_2536] {strides = array<i32>} : memref<8192xi32, #tpu.memory_space<vmem>>, vector<16xi32>,
          %bitcast3A_2538 = vector.bitcast %get3A_2537 : vector<16xi32> to vector<32xbf16>
          %ge3A_2539 = arith.cmpf oge, %bitcast3A_2538, %bitcast3A : vector<32xbf16>
          %select_n3A_2540 = arith.select %ge3A_2539, %broadcast_in_dim3A_9, %broadcast_in_dim3A_7 : vector<32xi1>, vector<32xbf16>
          %le3A_2541 = arith.cmpf ole, %bitcast3A_2538, %bitcast3A_149 : vector<32xbf16>
          %select_n3A_2542 = arith.select %le3A_2541, %broadcast_in_dim3A_9, %broadcast_in_dim3A_7 : vector<32xi1>, vector<32xbf16>
          %add3A_2543 = arith.addf %add3A_2511, %select_n3A_2540 : vector<32xbf16>
          %add3A_2544 = arith.addf %add3A_2512, %select_n3A_2542 : vector<32xbf16>
          %mul3A_2545 = arith.constant 4 : i32
          %mul3A_2546 = arith.muli %scan3A_2494, %mul3A_2545 : i32
          %add3A_2547 = arith.constant 3 : i32
          %add3A_2548 = arith.addi %mul3A_2546, %add3A_2547 : i32
          %mul3A_2549 = arith.constant 16 : i32
          %mul3A_2550 = arith.muli %add3A_2548, %mul3A_2549 : i32
          %add3A_2551 = arith.addi %mul3A_87, %mul3A_2550 : i32
          %get3A_2552 = arith.index_cast %add3A_2551 : i32 to index
          %get3A_2553 = tpu.vector_load %arg5[%get3A_2552] {strides = array<i32>} : memref<8192xi32, #tpu.memory_space<vmem>>, vector<16xi32>,
          %bitcast3A_2554 = vector.bitcast %get3A_2553 : vector<16xi32> to vector<32xbf16>
          %ge3A_2555 = arith.cmpf oge, %bitcast3A_2554, %bitcast3A : vector<32xbf16>
          %select_n3A_2556 = arith.select %ge3A_2555, %broadcast_in_dim3A_9, %broadcast_in_dim3A_7 : vector<32xi1>, vector<32xbf16>
          %le3A_2557 = arith.cmpf ole, %bitcast3A_2554, %bitcast3A_149 : vector<32xbf16>
          %select_n3A_2558 = arith.select %le3A_2557, %broadcast_in_dim3A_9, %broadcast_in_dim3A_7 : vector<32xi1>, vector<32xbf16>
          %add3A_2559 = arith.addf %add3A_2527, %select_n3A_2556 : vector<32xbf16>
          %add3A_2560 = arith.addf %add3A_2528, %select_n3A_2558 : vector<32xbf16>
          scf.yield %add3A_2543, %add3A_2559, %add3A_2544, %add3A_2560 : vector<32xbf16>, vector<32xbf16>, vector<32xbf16>, vector<32xbf16>
        }
        %scan3A_155 = arith.constant 16 : i32
        %add3A_156 = arith.addf %scan3A_154#0, %scan3A_154#1 : vector<32xbf16>
        %unpack3A = tpu.unpack_subelements %add3A_156, 0 {pack_format = #tpu.pack_format<interleaved>} : vector<32xbf16> -> vector<16xf32>
        %unpack3A_157 = tpu.unpack_subelements %add3A_156, 1 {pack_format = #tpu.pack_format<interleaved>} : vector<32xbf16> -> vector<16xf32>
        %add3A_158 = arith.addf %scan3A_154#2, %scan3A_154#3 : vector<32xbf16>
        %unpack3A_159 = tpu.unpack_subelements %add3A_158, 0 {pack_format = #tpu.pack_format<interleaved>} : vector<32xbf16> -> vector<16xf32>
        %unpack3A_160 = tpu.unpack_subelements %add3A_158, 1 {pack_format = #tpu.pack_format<interleaved>} : vector<32xbf16> -> vector<16xf32>
        %broadcast_in_dim3A_161 = vector.shape_cast %xor3A_11 : vector<16xi32> to vector<16x1xi32>
        %gather3A = vector.shape_cast %broadcast_in_dim3A_161 : vector<16x1xi32> to vector<16xi32>
        %gather3A_162 = tpu.dynamic_gather %unpack3A[%gather3A] in [0] : vector<16xf32>, vector<16xi32> -> vector<16xf32>
        %add3A_163 = arith.addf %unpack3A, %gather3A_162 : vector<16xf32>
        %broadcast_in_dim3A_164 = vector.shape_cast %xor3A_14 : vector<16xi32> to vector<16x1xi32>
        %gather3A_165 = vector.shape_cast %broadcast_in_dim3A_164 : vector<16x1xi32> to vector<16xi32>
        %gather3A_166 = tpu.dynamic_gather %add3A_163[%gather3A_165] in [0] : vector<16xf32>, vector<16xi32> -> vector<16xf32>
        %add3A_167 = arith.addf %add3A_163, %gather3A_166 : vector<16xf32>
        %broadcast_in_dim3A_168 = vector.shape_cast %xor3A_17 : vector<16xi32> to vector<16x1xi32>
        %gather3A_169 = vector.shape_cast %broadcast_in_dim3A_168 : vector<16x1xi32> to vector<16xi32>
        %gather3A_170 = tpu.dynamic_gather %add3A_167[%gather3A_169] in [0] : vector<16xf32>, vector<16xi32> -> vector<16xf32>
        %add3A_171 = arith.addf %add3A_167, %gather3A_170 : vector<16xf32>
        %broadcast_in_dim3A_172 = vector.shape_cast %xor3A_20 : vector<16xi32> to vector<16x1xi32>
        %gather3A_173 = vector.shape_cast %broadcast_in_dim3A_172 : vector<16x1xi32> to vector<16xi32>
        %gather3A_174 = tpu.dynamic_gather %add3A_171[%gather3A_173] in [0] : vector<16xf32>, vector<16xi32> -> vector<16xf32>
        %add3A_175 = arith.addf %add3A_171, %gather3A_174 : vector<16xf32>
        %broadcast_in_dim3A_176 = vector.shape_cast %xor3A_11 : vector<16xi32> to vector<16x1xi32>
        %gather3A_177 = vector.shape_cast %broadcast_in_dim3A_176 : vector<16x1xi32> to vector<16xi32>
        %gather3A_178 = tpu.dynamic_gather %unpack3A_157[%gather3A_177] in [0] : vector<16xf32>, vector<16xi32> -> vector<16xf32>
        %add3A_179 = arith.addf %unpack3A_157, %gather3A_178 : vector<16xf32>
        %broadcast_in_dim3A_180 = vector.shape_cast %xor3A_14 : vector<16xi32> to vector<16x1xi32>
        %gather3A_181 = vector.shape_cast %broadcast_in_dim3A_180 : vector<16x1xi32> to vector<16xi32>
        %gather3A_182 = tpu.dynamic_gather %add3A_179[%gather3A_181] in [0] : vector<16xf32>, vector<16xi32> -> vector<16xf32>
        %add3A_183 = arith.addf %add3A_179, %gather3A_182 : vector<16xf32>
        %broadcast_in_dim3A_184 = vector.shape_cast %xor3A_17 : vector<16xi32> to vector<16x1xi32>
        %gather3A_185 = vector.shape_cast %broadcast_in_dim3A_184 : vector<16x1xi32> to vector<16xi32>
        %gather3A_186 = tpu.dynamic_gather %add3A_183[%gather3A_185] in [0] : vector<16xf32>, vector<16xi32> -> vector<16xf32>
        %add3A_187 = arith.addf %add3A_183, %gather3A_186 : vector<16xf32>
        %broadcast_in_dim3A_188 = vector.shape_cast %xor3A_20 : vector<16xi32> to vector<16x1xi32>
        %gather3A_189 = vector.shape_cast %broadcast_in_dim3A_188 : vector<16x1xi32> to vector<16xi32>
        %gather3A_190 = tpu.dynamic_gather %add3A_187[%gather3A_189] in [0] : vector<16xf32>, vector<16xi32> -> vector<16xf32>
        %add3A_191 = arith.addf %add3A_187, %gather3A_190 : vector<16xf32>
        %broadcast_in_dim3A_192 = vector.shape_cast %xor3A_11 : vector<16xi32> to vector<16x1xi32>
        %gather3A_193 = vector.shape_cast %broadcast_in_dim3A_192 : vector<16x1xi32> to vector<16xi32>
        %gather3A_194 = tpu.dynamic_gather %unpack3A_159[%gather3A_193] in [0] : vector<16xf32>, vector<16xi32> -> vector<16xf32>
        %add3A_195 = arith.addf %unpack3A_159, %gather3A_194 : vector<16xf32>
        %broadcast_in_dim3A_196 = vector.shape_cast %xor3A_14 : vector<16xi32> to vector<16x1xi32>
        %gather3A_197 = vector.shape_cast %broadcast_in_dim3A_196 : vector<16x1xi32> to vector<16xi32>
        %gather3A_198 = tpu.dynamic_gather %add3A_195[%gather3A_197] in [0] : vector<16xf32>, vector<16xi32> -> vector<16xf32>
        %add3A_199 = arith.addf %add3A_195, %gather3A_198 : vector<16xf32>
        %broadcast_in_dim3A_200 = vector.shape_cast %xor3A_17 : vector<16xi32> to vector<16x1xi32>
        %gather3A_201 = vector.shape_cast %broadcast_in_dim3A_200 : vector<16x1xi32> to vector<16xi32>
        %gather3A_202 = tpu.dynamic_gather %add3A_199[%gather3A_201] in [0] : vector<16xf32>, vector<16xi32> -> vector<16xf32>
        %add3A_203 = arith.addf %add3A_199, %gather3A_202 : vector<16xf32>
        %broadcast_in_dim3A_204 = vector.shape_cast %xor3A_20 : vector<16xi32> to vector<16x1xi32>
        %gather3A_205 = vector.shape_cast %broadcast_in_dim3A_204 : vector<16x1xi32> to vector<16xi32>
        %gather3A_206 = tpu.dynamic_gather %add3A_203[%gather3A_205] in [0] : vector<16xf32>, vector<16xi32> -> vector<16xf32>
        %add3A_207 = arith.addf %add3A_203, %gather3A_206 : vector<16xf32>
        %broadcast_in_dim3A_208 = vector.shape_cast %xor3A_11 : vector<16xi32> to vector<16x1xi32>
        %gather3A_209 = vector.shape_cast %broadcast_in_dim3A_208 : vector<16x1xi32> to vector<16xi32>
        %gather3A_210 = tpu.dynamic_gather %unpack3A_160[%gather3A_209] in [0] : vector<16xf32>, vector<16xi32> -> vector<16xf32>
        %add3A_211 = arith.addf %unpack3A_160, %gather3A_210 : vector<16xf32>
        %broadcast_in_dim3A_212 = vector.shape_cast %xor3A_14 : vector<16xi32> to vector<16x1xi32>
        %gather3A_213 = vector.shape_cast %broadcast_in_dim3A_212 : vector<16x1xi32> to vector<16xi32>
        %gather3A_214 = tpu.dynamic_gather %add3A_211[%gather3A_213] in [0] : vector<16xf32>, vector<16xi32> -> vector<16xf32>
        %add3A_215 = arith.addf %add3A_211, %gather3A_214 : vector<16xf32>
        %broadcast_in_dim3A_216 = vector.shape_cast %xor3A_17 : vector<16xi32> to vector<16x1xi32>
        %gather3A_217 = vector.shape_cast %broadcast_in_dim3A_216 : vector<16x1xi32> to vector<16xi32>
        %gather3A_218 = tpu.dynamic_gather %add3A_215[%gather3A_217] in [0] : vector<16xf32>, vector<16xi32> -> vector<16xf32>
        %add3A_219 = arith.addf %add3A_215, %gather3A_218 : vector<16xf32>
        %broadcast_in_dim3A_220 = vector.shape_cast %xor3A_20 : vector<16xi32> to vector<16x1xi32>
        %gather3A_221 = vector.shape_cast %broadcast_in_dim3A_220 : vector<16x1xi32> to vector<16xi32>
        %gather3A_222 = tpu.dynamic_gather %add3A_219[%gather3A_221] in [0] : vector<16xf32>, vector<16xi32> -> vector<16xf32>
        %add3A_223 = arith.addf %add3A_219, %gather3A_222 : vector<16xf32>
        %ge3A_224 = arith.constant 2.050000e+02 : f32
        %ge3A_225 = vector.broadcast %ge3A_224 : f32 to vector<16xf32>
        %ge3A_226 = arith.cmpf oge, %add3A_175, %ge3A_225 : vector<16xf32>
        %select_n3A_227 = arith.select %ge3A_226, %add3A_90, %broadcast_in_dim3A_1 : vector<16xi1>, vector<16xi32>
        %ge3A_228 = arith.constant 2.050000e+02 : f32
        %ge3A_229 = vector.broadcast %ge3A_228 : f32 to vector<16xf32>
        %ge3A_230 = arith.cmpf oge, %add3A_191, %ge3A_229 : vector<16xf32>
        %select_n3A_231 = arith.select %ge3A_230, %add3A_93, %broadcast_in_dim3A_1 : vector<16xi1>, vector<16xi32>
        %ge3A_232 = arith.constant 2.050000e+02 : f32
        %ge3A_233 = vector.broadcast %ge3A_232 : f32 to vector<16xf32>
        %ge3A_234 = arith.cmpf oge, %add3A_207, %ge3A_233 : vector<16xf32>
        %select_n3A_235 = arith.select %ge3A_234, %add3A_96, %broadcast_in_dim3A_1 : vector<16xi1>, vector<16xi32>
        %ge3A_236 = arith.constant 2.050000e+02 : f32
        %ge3A_237 = vector.broadcast %ge3A_236 : f32 to vector<16xf32>
        %ge3A_238 = arith.cmpf oge, %add3A_223, %ge3A_237 : vector<16xf32>
        %select_n3A_239 = arith.select %ge3A_238, %add3A_99, %broadcast_in_dim3A_1 : vector<16xi1>, vector<16xi32>
        %add3A_240 = arith.constant 16384 : i32
        %add3A_241 = vector.broadcast %add3A_240 : i32 to vector<16xi32>
        %add3A_242 = arith.addi %select_n3A_227, %add3A_241 : vector<16xi32>
        %add3A_243 = arith.constant 16384 : i32
        %add3A_244 = vector.broadcast %add3A_243 : i32 to vector<16xi32>
        %add3A_245 = arith.addi %select_n3A_231, %add3A_244 : vector<16xi32>
        %add3A_246 = arith.constant 16384 : i32
        %add3A_247 = vector.broadcast %add3A_246 : i32 to vector<16xi32>
        %add3A_248 = arith.addi %select_n3A_235, %add3A_247 : vector<16xi32>
        %add3A_249 = arith.constant 16384 : i32
        %add3A_250 = vector.broadcast %add3A_249 : i32 to vector<16xi32>
        %add3A_251 = arith.addi %select_n3A_239, %add3A_250 : vector<16xi32>
        %ge3A_252 = arith.constant 32768 : i32
        %ge3A_253 = vector.broadcast %ge3A_252 : i32 to vector<16xi32>
        %ge3A_254 = arith.cmpi sge, %add3A_242, %ge3A_253 : vector<16xi32>
        %sub3A_255 = arith.constant 32768 : i32
        %sub3A_256 = vector.broadcast %sub3A_255 : i32 to vector<16xi32>
        %sub3A_257 = arith.subi %add3A_242, %sub3A_256 : vector<16xi32>
        %sub3A_258 = arith.constant 65535 : i32
        %sub3A_259 = vector.broadcast %sub3A_258 : i32 to vector<16xi32>
        %sub3A_260 = arith.subi %sub3A_259, %add3A_242 : vector<16xi32>
        %select_n3A_261 = arith.select %ge3A_254, %sub3A_257, %sub3A_260 : vector<16xi1>, vector<16xi32>
        %ge3A_262 = arith.constant 32768 : i32
        %ge3A_263 = vector.broadcast %ge3A_262 : i32 to vector<16xi32>
        %ge3A_264 = arith.cmpi sge, %add3A_245, %ge3A_263 : vector<16xi32>
        %sub3A_265 = arith.constant 32768 : i32
        %sub3A_266 = vector.broadcast %sub3A_265 : i32 to vector<16xi32>
        %sub3A_267 = arith.subi %add3A_245, %sub3A_266 : vector<16xi32>
        %sub3A_268 = arith.constant 65535 : i32
        %sub3A_269 = vector.broadcast %sub3A_268 : i32 to vector<16xi32>
        %sub3A_270 = arith.subi %sub3A_269, %add3A_245 : vector<16xi32>
        %select_n3A_271 = arith.select %ge3A_264, %sub3A_267, %sub3A_270 : vector<16xi1>, vector<16xi32>
        %shift_left3A_272 = arith.constant 16 : i32
        %shift_left3A_273 = vector.broadcast %shift_left3A_272 : i32 to vector<16xi32>
        %shift_left3A_274 = arith.shli %select_n3A_271, %shift_left3A_273 : vector<16xi32>
        %or3A_275 = arith.ori %select_n3A_261, %shift_left3A_274 : vector<16xi32>
        %bitcast3A_276 = vector.bitcast %or3A_275 : vector<16xi32> to vector<32xbf16>
        %sub3A_277 = arith.constant 65535 : i32
        %sub3A_278 = vector.broadcast %sub3A_277 : i32 to vector<16xi32>
        %sub3A_279 = arith.subi %sub3A_278, %add3A_248 : vector<16xi32>
        %ge3A_280 = arith.constant 32768 : i32
        %ge3A_281 = vector.broadcast %ge3A_280 : i32 to vector<16xi32>
        %ge3A_282 = arith.cmpi sge, %sub3A_279, %ge3A_281 : vector<16xi32>
        %sub3A_283 = arith.constant 32768 : i32
        %sub3A_284 = vector.broadcast %sub3A_283 : i32 to vector<16xi32>
        %sub3A_285 = arith.subi %sub3A_279, %sub3A_284 : vector<16xi32>
        %sub3A_286 = arith.constant 65535 : i32
        %sub3A_287 = vector.broadcast %sub3A_286 : i32 to vector<16xi32>
        %sub3A_288 = arith.subi %sub3A_287, %sub3A_279 : vector<16xi32>
        %select_n3A_289 = arith.select %ge3A_282, %sub3A_285, %sub3A_288 : vector<16xi1>, vector<16xi32>
        %sub3A_290 = arith.constant 65535 : i32
        %sub3A_291 = vector.broadcast %sub3A_290 : i32 to vector<16xi32>
        %sub3A_292 = arith.subi %sub3A_291, %add3A_251 : vector<16xi32>
        %ge3A_293 = arith.constant 32768 : i32
        %ge3A_294 = vector.broadcast %ge3A_293 : i32 to vector<16xi32>
        %ge3A_295 = arith.cmpi sge, %sub3A_292, %ge3A_294 : vector<16xi32>
        %sub3A_296 = arith.constant 32768 : i32
        %sub3A_297 = vector.broadcast %sub3A_296 : i32 to vector<16xi32>
        %sub3A_298 = arith.subi %sub3A_292, %sub3A_297 : vector<16xi32>
        %sub3A_299 = arith.constant 65535 : i32
        %sub3A_300 = vector.broadcast %sub3A_299 : i32 to vector<16xi32>
        %sub3A_301 = arith.subi %sub3A_300, %sub3A_292 : vector<16xi32>
        %select_n3A_302 = arith.select %ge3A_295, %sub3A_298, %sub3A_301 : vector<16xi1>, vector<16xi32>
        %shift_left3A_303 = arith.constant 16 : i32
        %shift_left3A_304 = vector.broadcast %shift_left3A_303 : i32 to vector<16xi32>
        %shift_left3A_305 = arith.shli %select_n3A_302, %shift_left3A_304 : vector<16xi32>
        %or3A_306 = arith.ori %select_n3A_289, %shift_left3A_305 : vector<16xi32>
        %bitcast3A_307 = vector.bitcast %or3A_306 : vector<16xi32> to vector<32xbf16>
        %scan3A_308 = arith.constant 0 : i32
        %scan3A_309 = arith.constant 16 : i32
        %scan3A_310 = arith.addi %scan3A_308, %scan3A_309 : i32
        %scan3A_311 = arith.constant 1 : i32
        %scan3A_312:4 = scf.for %scan3A_2494 = %scan3A_308 to %scan3A_310 step %scan3A_311 iter_args(%scan3A_2495 = %broadcast_in_dim3A_7, %scan3A_2496 = %broadcast_in_dim3A_7, %scan3A_2497 = %broadcast_in_dim3A_7, %scan3A_2498 = %broadcast_in_dim3A_7) -> (vector<32xbf16>, vector<32xbf16>, vector<32xbf16>, vector<32xbf16>)  : i32 {
          %mul3A_2499 = arith.constant 4 : i32
          %mul3A_2500 = arith.muli %scan3A_2494, %mul3A_2499 : i32
          %add3A_2501 = arith.constant 0 : i32
          %add3A_2502 = arith.addi %mul3A_2500, %add3A_2501 : i32
          %mul3A_2503 = arith.constant 16 : i32
          %mul3A_2504 = arith.muli %add3A_2502, %mul3A_2503 : i32
          %add3A_2505 = arith.addi %mul3A_87, %mul3A_2504 : i32
          %get3A = arith.index_cast %add3A_2505 : i32 to index
          %get3A_2506 = tpu.vector_load %arg5[%get3A] {strides = array<i32>} : memref<8192xi32, #tpu.memory_space<vmem>>, vector<16xi32>,
          %bitcast3A_2507 = vector.bitcast %get3A_2506 : vector<16xi32> to vector<32xbf16>
          %ge3A_2508 = arith.cmpf oge, %bitcast3A_2507, %bitcast3A_276 : vector<32xbf16>
          %select_n3A_2509 = arith.select %ge3A_2508, %broadcast_in_dim3A_9, %broadcast_in_dim3A_7 : vector<32xi1>, vector<32xbf16>
          %le3A = arith.cmpf ole, %bitcast3A_2507, %bitcast3A_307 : vector<32xbf16>
          %select_n3A_2510 = arith.select %le3A, %broadcast_in_dim3A_9, %broadcast_in_dim3A_7 : vector<32xi1>, vector<32xbf16>
          %add3A_2511 = arith.addf %scan3A_2495, %select_n3A_2509 : vector<32xbf16>
          %add3A_2512 = arith.addf %scan3A_2497, %select_n3A_2510 : vector<32xbf16>
          %mul3A_2513 = arith.constant 4 : i32
          %mul3A_2514 = arith.muli %scan3A_2494, %mul3A_2513 : i32
          %add3A_2515 = arith.constant 1 : i32
          %add3A_2516 = arith.addi %mul3A_2514, %add3A_2515 : i32
          %mul3A_2517 = arith.constant 16 : i32
          %mul3A_2518 = arith.muli %add3A_2516, %mul3A_2517 : i32
          %add3A_2519 = arith.addi %mul3A_87, %mul3A_2518 : i32
          %get3A_2520 = arith.index_cast %add3A_2519 : i32 to index
          %get3A_2521 = tpu.vector_load %arg5[%get3A_2520] {strides = array<i32>} : memref<8192xi32, #tpu.memory_space<vmem>>, vector<16xi32>,
          %bitcast3A_2522 = vector.bitcast %get3A_2521 : vector<16xi32> to vector<32xbf16>
          %ge3A_2523 = arith.cmpf oge, %bitcast3A_2522, %bitcast3A_276 : vector<32xbf16>
          %select_n3A_2524 = arith.select %ge3A_2523, %broadcast_in_dim3A_9, %broadcast_in_dim3A_7 : vector<32xi1>, vector<32xbf16>
          %le3A_2525 = arith.cmpf ole, %bitcast3A_2522, %bitcast3A_307 : vector<32xbf16>
          %select_n3A_2526 = arith.select %le3A_2525, %broadcast_in_dim3A_9, %broadcast_in_dim3A_7 : vector<32xi1>, vector<32xbf16>
          %add3A_2527 = arith.addf %scan3A_2496, %select_n3A_2524 : vector<32xbf16>
          %add3A_2528 = arith.addf %scan3A_2498, %select_n3A_2526 : vector<32xbf16>
          %mul3A_2529 = arith.constant 4 : i32
          %mul3A_2530 = arith.muli %scan3A_2494, %mul3A_2529 : i32
          %add3A_2531 = arith.constant 2 : i32
          %add3A_2532 = arith.addi %mul3A_2530, %add3A_2531 : i32
          %mul3A_2533 = arith.constant 16 : i32
          %mul3A_2534 = arith.muli %add3A_2532, %mul3A_2533 : i32
          %add3A_2535 = arith.addi %mul3A_87, %mul3A_2534 : i32
          %get3A_2536 = arith.index_cast %add3A_2535 : i32 to index
          %get3A_2537 = tpu.vector_load %arg5[%get3A_2536] {strides = array<i32>} : memref<8192xi32, #tpu.memory_space<vmem>>, vector<16xi32>,
          %bitcast3A_2538 = vector.bitcast %get3A_2537 : vector<16xi32> to vector<32xbf16>
          %ge3A_2539 = arith.cmpf oge, %bitcast3A_2538, %bitcast3A_276 : vector<32xbf16>
          %select_n3A_2540 = arith.select %ge3A_2539, %broadcast_in_dim3A_9, %broadcast_in_dim3A_7 : vector<32xi1>, vector<32xbf16>
          %le3A_2541 = arith.cmpf ole, %bitcast3A_2538, %bitcast3A_307 : vector<32xbf16>
          %select_n3A_2542 = arith.select %le3A_2541, %broadcast_in_dim3A_9, %broadcast_in_dim3A_7 : vector<32xi1>, vector<32xbf16>
          %add3A_2543 = arith.addf %add3A_2511, %select_n3A_2540 : vector<32xbf16>
          %add3A_2544 = arith.addf %add3A_2512, %select_n3A_2542 : vector<32xbf16>
          %mul3A_2545 = arith.constant 4 : i32
          %mul3A_2546 = arith.muli %scan3A_2494, %mul3A_2545 : i32
          %add3A_2547 = arith.constant 3 : i32
          %add3A_2548 = arith.addi %mul3A_2546, %add3A_2547 : i32
          %mul3A_2549 = arith.constant 16 : i32
          %mul3A_2550 = arith.muli %add3A_2548, %mul3A_2549 : i32
          %add3A_2551 = arith.addi %mul3A_87, %mul3A_2550 : i32
          %get3A_2552 = arith.index_cast %add3A_2551 : i32 to index
          %get3A_2553 = tpu.vector_load %arg5[%get3A_2552] {strides = array<i32>} : memref<8192xi32, #tpu.memory_space<vmem>>, vector<16xi32>,
          %bitcast3A_2554 = vector.bitcast %get3A_2553 : vector<16xi32> to vector<32xbf16>
          %ge3A_2555 = arith.cmpf oge, %bitcast3A_2554, %bitcast3A_276 : vector<32xbf16>
          %select_n3A_2556 = arith.select %ge3A_2555, %broadcast_in_dim3A_9, %broadcast_in_dim3A_7 : vector<32xi1>, vector<32xbf16>
          %le3A_2557 = arith.cmpf ole, %bitcast3A_2554, %bitcast3A_307 : vector<32xbf16>
          %select_n3A_2558 = arith.select %le3A_2557, %broadcast_in_dim3A_9, %broadcast_in_dim3A_7 : vector<32xi1>, vector<32xbf16>
          %add3A_2559 = arith.addf %add3A_2527, %select_n3A_2556 : vector<32xbf16>
          %add3A_2560 = arith.addf %add3A_2528, %select_n3A_2558 : vector<32xbf16>
          scf.yield %add3A_2543, %add3A_2559, %add3A_2544, %add3A_2560 : vector<32xbf16>, vector<32xbf16>, vector<32xbf16>, vector<32xbf16>
        }
        %scan3A_313 = arith.constant 16 : i32
        %add3A_314 = arith.addf %scan3A_312#0, %scan3A_312#1 : vector<32xbf16>
        %unpack3A_315 = tpu.unpack_subelements %add3A_314, 0 {pack_format = #tpu.pack_format<interleaved>} : vector<32xbf16> -> vector<16xf32>
        %unpack3A_316 = tpu.unpack_subelements %add3A_314, 1 {pack_format = #tpu.pack_format<interleaved>} : vector<32xbf16> -> vector<16xf32>
        %add3A_317 = arith.addf %scan3A_312#2, %scan3A_312#3 : vector<32xbf16>
        %unpack3A_318 = tpu.unpack_subelements %add3A_317, 0 {pack_format = #tpu.pack_format<interleaved>} : vector<32xbf16> -> vector<16xf32>
        %unpack3A_319 = tpu.unpack_subelements %add3A_317, 1 {pack_format = #tpu.pack_format<interleaved>} : vector<32xbf16> -> vector<16xf32>
        %broadcast_in_dim3A_320 = vector.shape_cast %xor3A_11 : vector<16xi32> to vector<16x1xi32>
        %gather3A_321 = vector.shape_cast %broadcast_in_dim3A_320 : vector<16x1xi32> to vector<16xi32>
        %gather3A_322 = tpu.dynamic_gather %unpack3A_315[%gather3A_321] in [0] : vector<16xf32>, vector<16xi32> -> vector<16xf32>
        %add3A_323 = arith.addf %unpack3A_315, %gather3A_322 : vector<16xf32>
        %broadcast_in_dim3A_324 = vector.shape_cast %xor3A_14 : vector<16xi32> to vector<16x1xi32>
        %gather3A_325 = vector.shape_cast %broadcast_in_dim3A_324 : vector<16x1xi32> to vector<16xi32>
        %gather3A_326 = tpu.dynamic_gather %add3A_323[%gather3A_325] in [0] : vector<16xf32>, vector<16xi32> -> vector<16xf32>
        %add3A_327 = arith.addf %add3A_323, %gather3A_326 : vector<16xf32>
        %broadcast_in_dim3A_328 = vector.shape_cast %xor3A_17 : vector<16xi32> to vector<16x1xi32>
        %gather3A_329 = vector.shape_cast %broadcast_in_dim3A_328 : vector<16x1xi32> to vector<16xi32>
        %gather3A_330 = tpu.dynamic_gather %add3A_327[%gather3A_329] in [0] : vector<16xf32>, vector<16xi32> -> vector<16xf32>
        %add3A_331 = arith.addf %add3A_327, %gather3A_330 : vector<16xf32>
        %broadcast_in_dim3A_332 = vector.shape_cast %xor3A_20 : vector<16xi32> to vector<16x1xi32>
        %gather3A_333 = vector.shape_cast %broadcast_in_dim3A_332 : vector<16x1xi32> to vector<16xi32>
        %gather3A_334 = tpu.dynamic_gather %add3A_331[%gather3A_333] in [0] : vector<16xf32>, vector<16xi32> -> vector<16xf32>
        %add3A_335 = arith.addf %add3A_331, %gather3A_334 : vector<16xf32>
        %broadcast_in_dim3A_336 = vector.shape_cast %xor3A_11 : vector<16xi32> to vector<16x1xi32>
        %gather3A_337 = vector.shape_cast %broadcast_in_dim3A_336 : vector<16x1xi32> to vector<16xi32>
        %gather3A_338 = tpu.dynamic_gather %unpack3A_316[%gather3A_337] in [0] : vector<16xf32>, vector<16xi32> -> vector<16xf32>
        %add3A_339 = arith.addf %unpack3A_316, %gather3A_338 : vector<16xf32>
        %broadcast_in_dim3A_340 = vector.shape_cast %xor3A_14 : vector<16xi32> to vector<16x1xi32>
        %gather3A_341 = vector.shape_cast %broadcast_in_dim3A_340 : vector<16x1xi32> to vector<16xi32>
        %gather3A_342 = tpu.dynamic_gather %add3A_339[%gather3A_341] in [0] : vector<16xf32>, vector<16xi32> -> vector<16xf32>
        %add3A_343 = arith.addf %add3A_339, %gather3A_342 : vector<16xf32>
        %broadcast_in_dim3A_344 = vector.shape_cast %xor3A_17 : vector<16xi32> to vector<16x1xi32>
        %gather3A_345 = vector.shape_cast %broadcast_in_dim3A_344 : vector<16x1xi32> to vector<16xi32>
        %gather3A_346 = tpu.dynamic_gather %add3A_343[%gather3A_345] in [0] : vector<16xf32>, vector<16xi32> -> vector<16xf32>
        %add3A_347 = arith.addf %add3A_343, %gather3A_346 : vector<16xf32>
        %broadcast_in_dim3A_348 = vector.shape_cast %xor3A_20 : vector<16xi32> to vector<16x1xi32>
        %gather3A_349 = vector.shape_cast %broadcast_in_dim3A_348 : vector<16x1xi32> to vector<16xi32>
        %gather3A_350 = tpu.dynamic_gather %add3A_347[%gather3A_349] in [0] : vector<16xf32>, vector<16xi32> -> vector<16xf32>
        %add3A_351 = arith.addf %add3A_347, %gather3A_350 : vector<16xf32>
        %broadcast_in_dim3A_352 = vector.shape_cast %xor3A_11 : vector<16xi32> to vector<16x1xi32>
        %gather3A_353 = vector.shape_cast %broadcast_in_dim3A_352 : vector<16x1xi32> to vector<16xi32>
        %gather3A_354 = tpu.dynamic_gather %unpack3A_318[%gather3A_353] in [0] : vector<16xf32>, vector<16xi32> -> vector<16xf32>
        %add3A_355 = arith.addf %unpack3A_318, %gather3A_354 : vector<16xf32>
        %broadcast_in_dim3A_356 = vector.shape_cast %xor3A_14 : vector<16xi32> to vector<16x1xi32>
        %gather3A_357 = vector.shape_cast %broadcast_in_dim3A_356 : vector<16x1xi32> to vector<16xi32>
        %gather3A_358 = tpu.dynamic_gather %add3A_355[%gather3A_357] in [0] : vector<16xf32>, vector<16xi32> -> vector<16xf32>
        %add3A_359 = arith.addf %add3A_355, %gather3A_358 : vector<16xf32>
        %broadcast_in_dim3A_360 = vector.shape_cast %xor3A_17 : vector<16xi32> to vector<16x1xi32>
        %gather3A_361 = vector.shape_cast %broadcast_in_dim3A_360 : vector<16x1xi32> to vector<16xi32>
        %gather3A_362 = tpu.dynamic_gather %add3A_359[%gather3A_361] in [0] : vector<16xf32>, vector<16xi32> -> vector<16xf32>
        %add3A_363 = arith.addf %add3A_359, %gather3A_362 : vector<16xf32>
        %broadcast_in_dim3A_364 = vector.shape_cast %xor3A_20 : vector<16xi32> to vector<16x1xi32>
        %gather3A_365 = vector.shape_cast %broadcast_in_dim3A_364 : vector<16x1xi32> to vector<16xi32>
        %gather3A_366 = tpu.dynamic_gather %add3A_363[%gather3A_365] in [0] : vector<16xf32>, vector<16xi32> -> vector<16xf32>
        %add3A_367 = arith.addf %add3A_363, %gather3A_366 : vector<16xf32>
        %broadcast_in_dim3A_368 = vector.shape_cast %xor3A_11 : vector<16xi32> to vector<16x1xi32>
        %gather3A_369 = vector.shape_cast %broadcast_in_dim3A_368 : vector<16x1xi32> to vector<16xi32>
        %gather3A_370 = tpu.dynamic_gather %unpack3A_319[%gather3A_369] in [0] : vector<16xf32>, vector<16xi32> -> vector<16xf32>
        %add3A_371 = arith.addf %unpack3A_319, %gather3A_370 : vector<16xf32>
        %broadcast_in_dim3A_372 = vector.shape_cast %xor3A_14 : vector<16xi32> to vector<16x1xi32>
        %gather3A_373 = vector.shape_cast %broadcast_in_dim3A_372 : vector<16x1xi32> to vector<16xi32>
        %gather3A_374 = tpu.dynamic_gather %add3A_371[%gather3A_373] in [0] : vector<16xf32>, vector<16xi32> -> vector<16xf32>
        %add3A_375 = arith.addf %add3A_371, %gather3A_374 : vector<16xf32>
        %broadcast_in_dim3A_376 = vector.shape_cast %xor3A_17 : vector<16xi32> to vector<16x1xi32>
        %gather3A_377 = vector.shape_cast %broadcast_in_dim3A_376 : vector<16x1xi32> to vector<16xi32>
        %gather3A_378 = tpu.dynamic_gather %add3A_375[%gather3A_377] in [0] : vector<16xf32>, vector<16xi32> -> vector<16xf32>
        %add3A_379 = arith.addf %add3A_375, %gather3A_378 : vector<16xf32>
        %broadcast_in_dim3A_380 = vector.shape_cast %xor3A_20 : vector<16xi32> to vector<16x1xi32>
        %gather3A_381 = vector.shape_cast %broadcast_in_dim3A_380 : vector<16x1xi32> to vector<16xi32>
        %gather3A_382 = tpu.dynamic_gather %add3A_379[%gather3A_381] in [0] : vector<16xf32>, vector<16xi32> -> vector<16xf32>
        %add3A_383 = arith.addf %add3A_379, %gather3A_382 : vector<16xf32>
        %ge3A_384 = arith.constant 2.050000e+02 : f32
        %ge3A_385 = vector.broadcast %ge3A_384 : f32 to vector<16xf32>
        %ge3A_386 = arith.cmpf oge, %add3A_335, %ge3A_385 : vector<16xf32>
        %select_n3A_387 = arith.select %ge3A_386, %add3A_242, %select_n3A_227 : vector<16xi1>, vector<16xi32>
        %ge3A_388 = arith.constant 2.050000e+02 : f32
        %ge3A_389 = vector.broadcast %ge3A_388 : f32 to vector<16xf32>
        %ge3A_390 = arith.cmpf oge, %add3A_351, %ge3A_389 : vector<16xf32>
        %select_n3A_391 = arith.select %ge3A_390, %add3A_245, %select_n3A_231 : vector<16xi1>, vector<16xi32>
        %ge3A_392 = arith.constant 2.050000e+02 : f32
        %ge3A_393 = vector.broadcast %ge3A_392 : f32 to vector<16xf32>
        %ge3A_394 = arith.cmpf oge, %add3A_367, %ge3A_393 : vector<16xf32>
        %select_n3A_395 = arith.select %ge3A_394, %add3A_248, %select_n3A_235 : vector<16xi1>, vector<16xi32>
        %ge3A_396 = arith.constant 2.050000e+02 : f32
        %ge3A_397 = vector.broadcast %ge3A_396 : f32 to vector<16xf32>
        %ge3A_398 = arith.cmpf oge, %add3A_383, %ge3A_397 : vector<16xf32>
        %select_n3A_399 = arith.select %ge3A_398, %add3A_251, %select_n3A_239 : vector<16xi1>, vector<16xi32>
        %add3A_400 = arith.constant 8192 : i32
        %add3A_401 = vector.broadcast %add3A_400 : i32 to vector<16xi32>
        %add3A_402 = arith.addi %select_n3A_387, %add3A_401 : vector<16xi32>
        %add3A_403 = arith.constant 8192 : i32
        %add3A_404 = vector.broadcast %add3A_403 : i32 to vector<16xi32>
        %add3A_405 = arith.addi %select_n3A_391, %add3A_404 : vector<16xi32>
        %add3A_406 = arith.constant 8192 : i32
        %add3A_407 = vector.broadcast %add3A_406 : i32 to vector<16xi32>
        %add3A_408 = arith.addi %select_n3A_395, %add3A_407 : vector<16xi32>
        %add3A_409 = arith.constant 8192 : i32
        %add3A_410 = vector.broadcast %add3A_409 : i32 to vector<16xi32>
        %add3A_411 = arith.addi %select_n3A_399, %add3A_410 : vector<16xi32>
        %ge3A_412 = arith.constant 32768 : i32
        %ge3A_413 = vector.broadcast %ge3A_412 : i32 to vector<16xi32>
        %ge3A_414 = arith.cmpi sge, %add3A_402, %ge3A_413 : vector<16xi32>
        %sub3A_415 = arith.constant 32768 : i32
        %sub3A_416 = vector.broadcast %sub3A_415 : i32 to vector<16xi32>
        %sub3A_417 = arith.subi %add3A_402, %sub3A_416 : vector<16xi32>
        %sub3A_418 = arith.constant 65535 : i32
        %sub3A_419 = vector.broadcast %sub3A_418 : i32 to vector<16xi32>
        %sub3A_420 = arith.subi %sub3A_419, %add3A_402 : vector<16xi32>
        %select_n3A_421 = arith.select %ge3A_414, %sub3A_417, %sub3A_420 : vector<16xi1>, vector<16xi32>
        %ge3A_422 = arith.constant 32768 : i32
        %ge3A_423 = vector.broadcast %ge3A_422 : i32 to vector<16xi32>
        %ge3A_424 = arith.cmpi sge, %add3A_405, %ge3A_423 : vector<16xi32>
        %sub3A_425 = arith.constant 32768 : i32
        %sub3A_426 = vector.broadcast %sub3A_425 : i32 to vector<16xi32>
        %sub3A_427 = arith.subi %add3A_405, %sub3A_426 : vector<16xi32>
        %sub3A_428 = arith.constant 65535 : i32
        %sub3A_429 = vector.broadcast %sub3A_428 : i32 to vector<16xi32>
        %sub3A_430 = arith.subi %sub3A_429, %add3A_405 : vector<16xi32>
        %select_n3A_431 = arith.select %ge3A_424, %sub3A_427, %sub3A_430 : vector<16xi1>, vector<16xi32>
        %shift_left3A_432 = arith.constant 16 : i32
        %shift_left3A_433 = vector.broadcast %shift_left3A_432 : i32 to vector<16xi32>
        %shift_left3A_434 = arith.shli %select_n3A_431, %shift_left3A_433 : vector<16xi32>
        %or3A_435 = arith.ori %select_n3A_421, %shift_left3A_434 : vector<16xi32>
        %bitcast3A_436 = vector.bitcast %or3A_435 : vector<16xi32> to vector<32xbf16>
        %sub3A_437 = arith.constant 65535 : i32
        %sub3A_438 = vector.broadcast %sub3A_437 : i32 to vector<16xi32>
        %sub3A_439 = arith.subi %sub3A_438, %add3A_408 : vector<16xi32>
        %ge3A_440 = arith.constant 32768 : i32
        %ge3A_441 = vector.broadcast %ge3A_440 : i32 to vector<16xi32>
        %ge3A_442 = arith.cmpi sge, %sub3A_439, %ge3A_441 : vector<16xi32>
        %sub3A_443 = arith.constant 32768 : i32
        %sub3A_444 = vector.broadcast %sub3A_443 : i32 to vector<16xi32>
        %sub3A_445 = arith.subi %sub3A_439, %sub3A_444 : vector<16xi32>
        %sub3A_446 = arith.constant 65535 : i32
        %sub3A_447 = vector.broadcast %sub3A_446 : i32 to vector<16xi32>
        %sub3A_448 = arith.subi %sub3A_447, %sub3A_439 : vector<16xi32>
        %select_n3A_449 = arith.select %ge3A_442, %sub3A_445, %sub3A_448 : vector<16xi1>, vector<16xi32>
        %sub3A_450 = arith.constant 65535 : i32
        %sub3A_451 = vector.broadcast %sub3A_450 : i32 to vector<16xi32>
        %sub3A_452 = arith.subi %sub3A_451, %add3A_411 : vector<16xi32>
        %ge3A_453 = arith.constant 32768 : i32
        %ge3A_454 = vector.broadcast %ge3A_453 : i32 to vector<16xi32>
        %ge3A_455 = arith.cmpi sge, %sub3A_452, %ge3A_454 : vector<16xi32>
        %sub3A_456 = arith.constant 32768 : i32
        %sub3A_457 = vector.broadcast %sub3A_456 : i32 to vector<16xi32>
        %sub3A_458 = arith.subi %sub3A_452, %sub3A_457 : vector<16xi32>
        %sub3A_459 = arith.constant 65535 : i32
        %sub3A_460 = vector.broadcast %sub3A_459 : i32 to vector<16xi32>
        %sub3A_461 = arith.subi %sub3A_460, %sub3A_452 : vector<16xi32>
        %select_n3A_462 = arith.select %ge3A_455, %sub3A_458, %sub3A_461 : vector<16xi1>, vector<16xi32>
        %shift_left3A_463 = arith.constant 16 : i32
        %shift_left3A_464 = vector.broadcast %shift_left3A_463 : i32 to vector<16xi32>
        %shift_left3A_465 = arith.shli %select_n3A_462, %shift_left3A_464 : vector<16xi32>
        %or3A_466 = arith.ori %select_n3A_449, %shift_left3A_465 : vector<16xi32>
        %bitcast3A_467 = vector.bitcast %or3A_466 : vector<16xi32> to vector<32xbf16>
        %scan3A_468 = arith.constant 0 : i32
        %scan3A_469 = arith.constant 16 : i32
        %scan3A_470 = arith.addi %scan3A_468, %scan3A_469 : i32
        %scan3A_471 = arith.constant 1 : i32
        %scan3A_472:4 = scf.for %scan3A_2494 = %scan3A_468 to %scan3A_470 step %scan3A_471 iter_args(%scan3A_2495 = %broadcast_in_dim3A_7, %scan3A_2496 = %broadcast_in_dim3A_7, %scan3A_2497 = %broadcast_in_dim3A_7, %scan3A_2498 = %broadcast_in_dim3A_7) -> (vector<32xbf16>, vector<32xbf16>, vector<32xbf16>, vector<32xbf16>)  : i32 {
          %mul3A_2499 = arith.constant 4 : i32
          %mul3A_2500 = arith.muli %scan3A_2494, %mul3A_2499 : i32
          %add3A_2501 = arith.constant 0 : i32
          %add3A_2502 = arith.addi %mul3A_2500, %add3A_2501 : i32
          %mul3A_2503 = arith.constant 16 : i32
          %mul3A_2504 = arith.muli %add3A_2502, %mul3A_2503 : i32
          %add3A_2505 = arith.addi %mul3A_87, %mul3A_2504 : i32
          %get3A = arith.index_cast %add3A_2505 : i32 to index
          %get3A_2506 = tpu.vector_load %arg5[%get3A] {strides = array<i32>} : memref<8192xi32, #tpu.memory_space<vmem>>, vector<16xi32>,
          %bitcast3A_2507 = vector.bitcast %get3A_2506 : vector<16xi32> to vector<32xbf16>
          %ge3A_2508 = arith.cmpf oge, %bitcast3A_2507, %bitcast3A_436 : vector<32xbf16>
          %select_n3A_2509 = arith.select %ge3A_2508, %broadcast_in_dim3A_9, %broadcast_in_dim3A_7 : vector<32xi1>, vector<32xbf16>
          %le3A = arith.cmpf ole, %bitcast3A_2507, %bitcast3A_467 : vector<32xbf16>
          %select_n3A_2510 = arith.select %le3A, %broadcast_in_dim3A_9, %broadcast_in_dim3A_7 : vector<32xi1>, vector<32xbf16>
          %add3A_2511 = arith.addf %scan3A_2495, %select_n3A_2509 : vector<32xbf16>
          %add3A_2512 = arith.addf %scan3A_2497, %select_n3A_2510 : vector<32xbf16>
          %mul3A_2513 = arith.constant 4 : i32
          %mul3A_2514 = arith.muli %scan3A_2494, %mul3A_2513 : i32
          %add3A_2515 = arith.constant 1 : i32
          %add3A_2516 = arith.addi %mul3A_2514, %add3A_2515 : i32
          %mul3A_2517 = arith.constant 16 : i32
          %mul3A_2518 = arith.muli %add3A_2516, %mul3A_2517 : i32
          %add3A_2519 = arith.addi %mul3A_87, %mul3A_2518 : i32
          %get3A_2520 = arith.index_cast %add3A_2519 : i32 to index
          %get3A_2521 = tpu.vector_load %arg5[%get3A_2520] {strides = array<i32>} : memref<8192xi32, #tpu.memory_space<vmem>>, vector<16xi32>,
          %bitcast3A_2522 = vector.bitcast %get3A_2521 : vector<16xi32> to vector<32xbf16>
          %ge3A_2523 = arith.cmpf oge, %bitcast3A_2522, %bitcast3A_436 : vector<32xbf16>
          %select_n3A_2524 = arith.select %ge3A_2523, %broadcast_in_dim3A_9, %broadcast_in_dim3A_7 : vector<32xi1>, vector<32xbf16>
          %le3A_2525 = arith.cmpf ole, %bitcast3A_2522, %bitcast3A_467 : vector<32xbf16>
          %select_n3A_2526 = arith.select %le3A_2525, %broadcast_in_dim3A_9, %broadcast_in_dim3A_7 : vector<32xi1>, vector<32xbf16>
          %add3A_2527 = arith.addf %scan3A_2496, %select_n3A_2524 : vector<32xbf16>
          %add3A_2528 = arith.addf %scan3A_2498, %select_n3A_2526 : vector<32xbf16>
          %mul3A_2529 = arith.constant 4 : i32
          %mul3A_2530 = arith.muli %scan3A_2494, %mul3A_2529 : i32
          %add3A_2531 = arith.constant 2 : i32
          %add3A_2532 = arith.addi %mul3A_2530, %add3A_2531 : i32
          %mul3A_2533 = arith.constant 16 : i32
          %mul3A_2534 = arith.muli %add3A_2532, %mul3A_2533 : i32
          %add3A_2535 = arith.addi %mul3A_87, %mul3A_2534 : i32
          %get3A_2536 = arith.index_cast %add3A_2535 : i32 to index
          %get3A_2537 = tpu.vector_load %arg5[%get3A_2536] {strides = array<i32>} : memref<8192xi32, #tpu.memory_space<vmem>>, vector<16xi32>,
          %bitcast3A_2538 = vector.bitcast %get3A_2537 : vector<16xi32> to vector<32xbf16>
          %ge3A_2539 = arith.cmpf oge, %bitcast3A_2538, %bitcast3A_436 : vector<32xbf16>
          %select_n3A_2540 = arith.select %ge3A_2539, %broadcast_in_dim3A_9, %broadcast_in_dim3A_7 : vector<32xi1>, vector<32xbf16>
          %le3A_2541 = arith.cmpf ole, %bitcast3A_2538, %bitcast3A_467 : vector<32xbf16>
          %select_n3A_2542 = arith.select %le3A_2541, %broadcast_in_dim3A_9, %broadcast_in_dim3A_7 : vector<32xi1>, vector<32xbf16>
          %add3A_2543 = arith.addf %add3A_2511, %select_n3A_2540 : vector<32xbf16>
          %add3A_2544 = arith.addf %add3A_2512, %select_n3A_2542 : vector<32xbf16>
          %mul3A_2545 = arith.constant 4 : i32
          %mul3A_2546 = arith.muli %scan3A_2494, %mul3A_2545 : i32
          %add3A_2547 = arith.constant 3 : i32
          %add3A_2548 = arith.addi %mul3A_2546, %add3A_2547 : i32
          %mul3A_2549 = arith.constant 16 : i32
          %mul3A_2550 = arith.muli %add3A_2548, %mul3A_2549 : i32
          %add3A_2551 = arith.addi %mul3A_87, %mul3A_2550 : i32
          %get3A_2552 = arith.index_cast %add3A_2551 : i32 to index
          %get3A_2553 = tpu.vector_load %arg5[%get3A_2552] {strides = array<i32>} : memref<8192xi32, #tpu.memory_space<vmem>>, vector<16xi32>,
          %bitcast3A_2554 = vector.bitcast %get3A_2553 : vector<16xi32> to vector<32xbf16>
          %ge3A_2555 = arith.cmpf oge, %bitcast3A_2554, %bitcast3A_436 : vector<32xbf16>
          %select_n3A_2556 = arith.select %ge3A_2555, %broadcast_in_dim3A_9, %broadcast_in_dim3A_7 : vector<32xi1>, vector<32xbf16>
          %le3A_2557 = arith.cmpf ole, %bitcast3A_2554, %bitcast3A_467 : vector<32xbf16>
          %select_n3A_2558 = arith.select %le3A_2557, %broadcast_in_dim3A_9, %broadcast_in_dim3A_7 : vector<32xi1>, vector<32xbf16>
          %add3A_2559 = arith.addf %add3A_2527, %select_n3A_2556 : vector<32xbf16>
          %add3A_2560 = arith.addf %add3A_2528, %select_n3A_2558 : vector<32xbf16>
          scf.yield %add3A_2543, %add3A_2559, %add3A_2544, %add3A_2560 : vector<32xbf16>, vector<32xbf16>, vector<32xbf16>, vector<32xbf16>
        }
        %scan3A_473 = arith.constant 16 : i32
        %add3A_474 = arith.addf %scan3A_472#0, %scan3A_472#1 : vector<32xbf16>
        %unpack3A_475 = tpu.unpack_subelements %add3A_474, 0 {pack_format = #tpu.pack_format<interleaved>} : vector<32xbf16> -> vector<16xf32>
        %unpack3A_476 = tpu.unpack_subelements %add3A_474, 1 {pack_format = #tpu.pack_format<interleaved>} : vector<32xbf16> -> vector<16xf32>
        %add3A_477 = arith.addf %scan3A_472#2, %scan3A_472#3 : vector<32xbf16>
        %unpack3A_478 = tpu.unpack_subelements %add3A_477, 0 {pack_format = #tpu.pack_format<interleaved>} : vector<32xbf16> -> vector<16xf32>
        %unpack3A_479 = tpu.unpack_subelements %add3A_477, 1 {pack_format = #tpu.pack_format<interleaved>} : vector<32xbf16> -> vector<16xf32>
        %broadcast_in_dim3A_480 = vector.shape_cast %xor3A_11 : vector<16xi32> to vector<16x1xi32>
        %gather3A_481 = vector.shape_cast %broadcast_in_dim3A_480 : vector<16x1xi32> to vector<16xi32>
        %gather3A_482 = tpu.dynamic_gather %unpack3A_475[%gather3A_481] in [0] : vector<16xf32>, vector<16xi32> -> vector<16xf32>
        %add3A_483 = arith.addf %unpack3A_475, %gather3A_482 : vector<16xf32>
        %broadcast_in_dim3A_484 = vector.shape_cast %xor3A_14 : vector<16xi32> to vector<16x1xi32>
        %gather3A_485 = vector.shape_cast %broadcast_in_dim3A_484 : vector<16x1xi32> to vector<16xi32>
        %gather3A_486 = tpu.dynamic_gather %add3A_483[%gather3A_485] in [0] : vector<16xf32>, vector<16xi32> -> vector<16xf32>
        %add3A_487 = arith.addf %add3A_483, %gather3A_486 : vector<16xf32>
        %broadcast_in_dim3A_488 = vector.shape_cast %xor3A_17 : vector<16xi32> to vector<16x1xi32>
        %gather3A_489 = vector.shape_cast %broadcast_in_dim3A_488 : vector<16x1xi32> to vector<16xi32>
        %gather3A_490 = tpu.dynamic_gather %add3A_487[%gather3A_489] in [0] : vector<16xf32>, vector<16xi32> -> vector<16xf32>
        %add3A_491 = arith.addf %add3A_487, %gather3A_490 : vector<16xf32>
        %broadcast_in_dim3A_492 = vector.shape_cast %xor3A_20 : vector<16xi32> to vector<16x1xi32>
        %gather3A_493 = vector.shape_cast %broadcast_in_dim3A_492 : vector<16x1xi32> to vector<16xi32>
        %gather3A_494 = tpu.dynamic_gather %add3A_491[%gather3A_493] in [0] : vector<16xf32>, vector<16xi32> -> vector<16xf32>
        %add3A_495 = arith.addf %add3A_491, %gather3A_494 : vector<16xf32>
        %broadcast_in_dim3A_496 = vector.shape_cast %xor3A_11 : vector<16xi32> to vector<16x1xi32>
        %gather3A_497 = vector.shape_cast %broadcast_in_dim3A_496 : vector<16x1xi32> to vector<16xi32>
        %gather3A_498 = tpu.dynamic_gather %unpack3A_476[%gather3A_497] in [0] : vector<16xf32>, vector<16xi32> -> vector<16xf32>
        %add3A_499 = arith.addf %unpack3A_476, %gather3A_498 : vector<16xf32>
        %broadcast_in_dim3A_500 = vector.shape_cast %xor3A_14 : vector<16xi32> to vector<16x1xi32>
        %gather3A_501 = vector.shape_cast %broadcast_in_dim3A_500 : vector<16x1xi32> to vector<16xi32>
        %gather3A_502 = tpu.dynamic_gather %add3A_499[%gather3A_501] in [0] : vector<16xf32>, vector<16xi32> -> vector<16xf32>
        %add3A_503 = arith.addf %add3A_499, %gather3A_502 : vector<16xf32>
        %broadcast_in_dim3A_504 = vector.shape_cast %xor3A_17 : vector<16xi32> to vector<16x1xi32>
        %gather3A_505 = vector.shape_cast %broadcast_in_dim3A_504 : vector<16x1xi32> to vector<16xi32>
        %gather3A_506 = tpu.dynamic_gather %add3A_503[%gather3A_505] in [0] : vector<16xf32>, vector<16xi32> -> vector<16xf32>
        %add3A_507 = arith.addf %add3A_503, %gather3A_506 : vector<16xf32>
        %broadcast_in_dim3A_508 = vector.shape_cast %xor3A_20 : vector<16xi32> to vector<16x1xi32>
        %gather3A_509 = vector.shape_cast %broadcast_in_dim3A_508 : vector<16x1xi32> to vector<16xi32>
        %gather3A_510 = tpu.dynamic_gather %add3A_507[%gather3A_509] in [0] : vector<16xf32>, vector<16xi32> -> vector<16xf32>
        %add3A_511 = arith.addf %add3A_507, %gather3A_510 : vector<16xf32>
        %broadcast_in_dim3A_512 = vector.shape_cast %xor3A_11 : vector<16xi32> to vector<16x1xi32>
        %gather3A_513 = vector.shape_cast %broadcast_in_dim3A_512 : vector<16x1xi32> to vector<16xi32>
        %gather3A_514 = tpu.dynamic_gather %unpack3A_478[%gather3A_513] in [0] : vector<16xf32>, vector<16xi32> -> vector<16xf32>
        %add3A_515 = arith.addf %unpack3A_478, %gather3A_514 : vector<16xf32>
        %broadcast_in_dim3A_516 = vector.shape_cast %xor3A_14 : vector<16xi32> to vector<16x1xi32>
        %gather3A_517 = vector.shape_cast %broadcast_in_dim3A_516 : vector<16x1xi32> to vector<16xi32>
        %gather3A_518 = tpu.dynamic_gather %add3A_515[%gather3A_517] in [0] : vector<16xf32>, vector<16xi32> -> vector<16xf32>
        %add3A_519 = arith.addf %add3A_515, %gather3A_518 : vector<16xf32>
        %broadcast_in_dim3A_520 = vector.shape_cast %xor3A_17 : vector<16xi32> to vector<16x1xi32>
        %gather3A_521 = vector.shape_cast %broadcast_in_dim3A_520 : vector<16x1xi32> to vector<16xi32>
        %gather3A_522 = tpu.dynamic_gather %add3A_519[%gather3A_521] in [0] : vector<16xf32>, vector<16xi32> -> vector<16xf32>
        %add3A_523 = arith.addf %add3A_519, %gather3A_522 : vector<16xf32>
        %broadcast_in_dim3A_524 = vector.shape_cast %xor3A_20 : vector<16xi32> to vector<16x1xi32>
        %gather3A_525 = vector.shape_cast %broadcast_in_dim3A_524 : vector<16x1xi32> to vector<16xi32>
        %gather3A_526 = tpu.dynamic_gather %add3A_523[%gather3A_525] in [0] : vector<16xf32>, vector<16xi32> -> vector<16xf32>
        %add3A_527 = arith.addf %add3A_523, %gather3A_526 : vector<16xf32>
        %broadcast_in_dim3A_528 = vector.shape_cast %xor3A_11 : vector<16xi32> to vector<16x1xi32>
        %gather3A_529 = vector.shape_cast %broadcast_in_dim3A_528 : vector<16x1xi32> to vector<16xi32>
        %gather3A_530 = tpu.dynamic_gather %unpack3A_479[%gather3A_529] in [0] : vector<16xf32>, vector<16xi32> -> vector<16xf32>
        %add3A_531 = arith.addf %unpack3A_479, %gather3A_530 : vector<16xf32>
        %broadcast_in_dim3A_532 = vector.shape_cast %xor3A_14 : vector<16xi32> to vector<16x1xi32>
        %gather3A_533 = vector.shape_cast %broadcast_in_dim3A_532 : vector<16x1xi32> to vector<16xi32>
        %gather3A_534 = tpu.dynamic_gather %add3A_531[%gather3A_533] in [0] : vector<16xf32>, vector<16xi32> -> vector<16xf32>
        %add3A_535 = arith.addf %add3A_531, %gather3A_534 : vector<16xf32>
        %broadcast_in_dim3A_536 = vector.shape_cast %xor3A_17 : vector<16xi32> to vector<16x1xi32>
        %gather3A_537 = vector.shape_cast %broadcast_in_dim3A_536 : vector<16x1xi32> to vector<16xi32>
        %gather3A_538 = tpu.dynamic_gather %add3A_535[%gather3A_537] in [0] : vector<16xf32>, vector<16xi32> -> vector<16xf32>
        %add3A_539 = arith.addf %add3A_535, %gather3A_538 : vector<16xf32>
        %broadcast_in_dim3A_540 = vector.shape_cast %xor3A_20 : vector<16xi32> to vector<16x1xi32>
        %gather3A_541 = vector.shape_cast %broadcast_in_dim3A_540 : vector<16x1xi32> to vector<16xi32>
        %gather3A_542 = tpu.dynamic_gather %add3A_539[%gather3A_541] in [0] : vector<16xf32>, vector<16xi32> -> vector<16xf32>
        %add3A_543 = arith.addf %add3A_539, %gather3A_542 : vector<16xf32>
        %ge3A_544 = arith.constant 2.050000e+02 : f32
        %ge3A_545 = vector.broadcast %ge3A_544 : f32 to vector<16xf32>
        %ge3A_546 = arith.cmpf oge, %add3A_495, %ge3A_545 : vector<16xf32>
        %select_n3A_547 = arith.select %ge3A_546, %add3A_402, %select_n3A_387 : vector<16xi1>, vector<16xi32>
        %ge3A_548 = arith.constant 2.050000e+02 : f32
        %ge3A_549 = vector.broadcast %ge3A_548 : f32 to vector<16xf32>
        %ge3A_550 = arith.cmpf oge, %add3A_511, %ge3A_549 : vector<16xf32>
        %select_n3A_551 = arith.select %ge3A_550, %add3A_405, %select_n3A_391 : vector<16xi1>, vector<16xi32>
        %ge3A_552 = arith.constant 2.050000e+02 : f32
        %ge3A_553 = vector.broadcast %ge3A_552 : f32 to vector<16xf32>
        %ge3A_554 = arith.cmpf oge, %add3A_527, %ge3A_553 : vector<16xf32>
        %select_n3A_555 = arith.select %ge3A_554, %add3A_408, %select_n3A_395 : vector<16xi1>, vector<16xi32>
        %ge3A_556 = arith.constant 2.050000e+02 : f32
        %ge3A_557 = vector.broadcast %ge3A_556 : f32 to vector<16xf32>
        %ge3A_558 = arith.cmpf oge, %add3A_543, %ge3A_557 : vector<16xf32>
        %select_n3A_559 = arith.select %ge3A_558, %add3A_411, %select_n3A_399 : vector<16xi1>, vector<16xi32>
        %add3A_560 = arith.constant 4096 : i32
        %add3A_561 = vector.broadcast %add3A_560 : i32 to vector<16xi32>
        %add3A_562 = arith.addi %select_n3A_547, %add3A_561 : vector<16xi32>
        %add3A_563 = arith.constant 4096 : i32
        %add3A_564 = vector.broadcast %add3A_563 : i32 to vector<16xi32>
        %add3A_565 = arith.addi %select_n3A_551, %add3A_564 : vector<16xi32>
        %add3A_566 = arith.constant 4096 : i32
        %add3A_567 = vector.broadcast %add3A_566 : i32 to vector<16xi32>
        %add3A_568 = arith.addi %select_n3A_555, %add3A_567 : vector<16xi32>
        %add3A_569 = arith.constant 4096 : i32
        %add3A_570 = vector.broadcast %add3A_569 : i32 to vector<16xi32>
        %add3A_571 = arith.addi %select_n3A_559, %add3A_570 : vector<16xi32>
        %ge3A_572 = arith.constant 32768 : i32
        %ge3A_573 = vector.broadcast %ge3A_572 : i32 to vector<16xi32>
        %ge3A_574 = arith.cmpi sge, %add3A_562, %ge3A_573 : vector<16xi32>
        %sub3A_575 = arith.constant 32768 : i32
        %sub3A_576 = vector.broadcast %sub3A_575 : i32 to vector<16xi32>
        %sub3A_577 = arith.subi %add3A_562, %sub3A_576 : vector<16xi32>
        %sub3A_578 = arith.constant 65535 : i32
        %sub3A_579 = vector.broadcast %sub3A_578 : i32 to vector<16xi32>
        %sub3A_580 = arith.subi %sub3A_579, %add3A_562 : vector<16xi32>
        %select_n3A_581 = arith.select %ge3A_574, %sub3A_577, %sub3A_580 : vector<16xi1>, vector<16xi32>
        %ge3A_582 = arith.constant 32768 : i32
        %ge3A_583 = vector.broadcast %ge3A_582 : i32 to vector<16xi32>
        %ge3A_584 = arith.cmpi sge, %add3A_565, %ge3A_583 : vector<16xi32>
        %sub3A_585 = arith.constant 32768 : i32
        %sub3A_586 = vector.broadcast %sub3A_585 : i32 to vector<16xi32>
        %sub3A_587 = arith.subi %add3A_565, %sub3A_586 : vector<16xi32>
        %sub3A_588 = arith.constant 65535 : i32
        %sub3A_589 = vector.broadcast %sub3A_588 : i32 to vector<16xi32>
        %sub3A_590 = arith.subi %sub3A_589, %add3A_565 : vector<16xi32>
        %select_n3A_591 = arith.select %ge3A_584, %sub3A_587, %sub3A_590 : vector<16xi1>, vector<16xi32>
        %shift_left3A_592 = arith.constant 16 : i32
        %shift_left3A_593 = vector.broadcast %shift_left3A_592 : i32 to vector<16xi32>
        %shift_left3A_594 = arith.shli %select_n3A_591, %shift_left3A_593 : vector<16xi32>
        %or3A_595 = arith.ori %select_n3A_581, %shift_left3A_594 : vector<16xi32>
        %bitcast3A_596 = vector.bitcast %or3A_595 : vector<16xi32> to vector<32xbf16>
        %sub3A_597 = arith.constant 65535 : i32
        %sub3A_598 = vector.broadcast %sub3A_597 : i32 to vector<16xi32>
        %sub3A_599 = arith.subi %sub3A_598, %add3A_568 : vector<16xi32>
        %ge3A_600 = arith.constant 32768 : i32
        %ge3A_601 = vector.broadcast %ge3A_600 : i32 to vector<16xi32>
        %ge3A_602 = arith.cmpi sge, %sub3A_599, %ge3A_601 : vector<16xi32>
        %sub3A_603 = arith.constant 32768 : i32
        %sub3A_604 = vector.broadcast %sub3A_603 : i32 to vector<16xi32>
        %sub3A_605 = arith.subi %sub3A_599, %sub3A_604 : vector<16xi32>
        %sub3A_606 = arith.constant 65535 : i32
        %sub3A_607 = vector.broadcast %sub3A_606 : i32 to vector<16xi32>
        %sub3A_608 = arith.subi %sub3A_607, %sub3A_599 : vector<16xi32>
        %select_n3A_609 = arith.select %ge3A_602, %sub3A_605, %sub3A_608 : vector<16xi1>, vector<16xi32>
        %sub3A_610 = arith.constant 65535 : i32
        %sub3A_611 = vector.broadcast %sub3A_610 : i32 to vector<16xi32>
        %sub3A_612 = arith.subi %sub3A_611, %add3A_571 : vector<16xi32>
        %ge3A_613 = arith.constant 32768 : i32
        %ge3A_614 = vector.broadcast %ge3A_613 : i32 to vector<16xi32>
        %ge3A_615 = arith.cmpi sge, %sub3A_612, %ge3A_614 : vector<16xi32>
        %sub3A_616 = arith.constant 32768 : i32
        %sub3A_617 = vector.broadcast %sub3A_616 : i32 to vector<16xi32>
        %sub3A_618 = arith.subi %sub3A_612, %sub3A_617 : vector<16xi32>
        %sub3A_619 = arith.constant 65535 : i32
        %sub3A_620 = vector.broadcast %sub3A_619 : i32 to vector<16xi32>
        %sub3A_621 = arith.subi %sub3A_620, %sub3A_612 : vector<16xi32>
        %select_n3A_622 = arith.select %ge3A_615, %sub3A_618, %sub3A_621 : vector<16xi1>, vector<16xi32>
        %shift_left3A_623 = arith.constant 16 : i32
        %shift_left3A_624 = vector.broadcast %shift_left3A_623 : i32 to vector<16xi32>
        %shift_left3A_625 = arith.shli %select_n3A_622, %shift_left3A_624 : vector<16xi32>
        %or3A_626 = arith.ori %select_n3A_609, %shift_left3A_625 : vector<16xi32>
        %bitcast3A_627 = vector.bitcast %or3A_626 : vector<16xi32> to vector<32xbf16>
        %scan3A_628 = arith.constant 0 : i32
        %scan3A_629 = arith.constant 16 : i32
        %scan3A_630 = arith.addi %scan3A_628, %scan3A_629 : i32
        %scan3A_631 = arith.constant 1 : i32
        %scan3A_632:4 = scf.for %scan3A_2494 = %scan3A_628 to %scan3A_630 step %scan3A_631 iter_args(%scan3A_2495 = %broadcast_in_dim3A_7, %scan3A_2496 = %broadcast_in_dim3A_7, %scan3A_2497 = %broadcast_in_dim3A_7, %scan3A_2498 = %broadcast_in_dim3A_7) -> (vector<32xbf16>, vector<32xbf16>, vector<32xbf16>, vector<32xbf16>)  : i32 {
          %mul3A_2499 = arith.constant 4 : i32
          %mul3A_2500 = arith.muli %scan3A_2494, %mul3A_2499 : i32
          %add3A_2501 = arith.constant 0 : i32
          %add3A_2502 = arith.addi %mul3A_2500, %add3A_2501 : i32
          %mul3A_2503 = arith.constant 16 : i32
          %mul3A_2504 = arith.muli %add3A_2502, %mul3A_2503 : i32
          %add3A_2505 = arith.addi %mul3A_87, %mul3A_2504 : i32
          %get3A = arith.index_cast %add3A_2505 : i32 to index
          %get3A_2506 = tpu.vector_load %arg5[%get3A] {strides = array<i32>} : memref<8192xi32, #tpu.memory_space<vmem>>, vector<16xi32>,
          %bitcast3A_2507 = vector.bitcast %get3A_2506 : vector<16xi32> to vector<32xbf16>
          %ge3A_2508 = arith.cmpf oge, %bitcast3A_2507, %bitcast3A_596 : vector<32xbf16>
          %select_n3A_2509 = arith.select %ge3A_2508, %broadcast_in_dim3A_9, %broadcast_in_dim3A_7 : vector<32xi1>, vector<32xbf16>
          %le3A = arith.cmpf ole, %bitcast3A_2507, %bitcast3A_627 : vector<32xbf16>
          %select_n3A_2510 = arith.select %le3A, %broadcast_in_dim3A_9, %broadcast_in_dim3A_7 : vector<32xi1>, vector<32xbf16>
          %add3A_2511 = arith.addf %scan3A_2495, %select_n3A_2509 : vector<32xbf16>
          %add3A_2512 = arith.addf %scan3A_2497, %select_n3A_2510 : vector<32xbf16>
          %mul3A_2513 = arith.constant 4 : i32
          %mul3A_2514 = arith.muli %scan3A_2494, %mul3A_2513 : i32
          %add3A_2515 = arith.constant 1 : i32
          %add3A_2516 = arith.addi %mul3A_2514, %add3A_2515 : i32
          %mul3A_2517 = arith.constant 16 : i32
          %mul3A_2518 = arith.muli %add3A_2516, %mul3A_2517 : i32
          %add3A_2519 = arith.addi %mul3A_87, %mul3A_2518 : i32
          %get3A_2520 = arith.index_cast %add3A_2519 : i32 to index
          %get3A_2521 = tpu.vector_load %arg5[%get3A_2520] {strides = array<i32>} : memref<8192xi32, #tpu.memory_space<vmem>>, vector<16xi32>,
          %bitcast3A_2522 = vector.bitcast %get3A_2521 : vector<16xi32> to vector<32xbf16>
          %ge3A_2523 = arith.cmpf oge, %bitcast3A_2522, %bitcast3A_596 : vector<32xbf16>
          %select_n3A_2524 = arith.select %ge3A_2523, %broadcast_in_dim3A_9, %broadcast_in_dim3A_7 : vector<32xi1>, vector<32xbf16>
          %le3A_2525 = arith.cmpf ole, %bitcast3A_2522, %bitcast3A_627 : vector<32xbf16>
          %select_n3A_2526 = arith.select %le3A_2525, %broadcast_in_dim3A_9, %broadcast_in_dim3A_7 : vector<32xi1>, vector<32xbf16>
          %add3A_2527 = arith.addf %scan3A_2496, %select_n3A_2524 : vector<32xbf16>
          %add3A_2528 = arith.addf %scan3A_2498, %select_n3A_2526 : vector<32xbf16>
          %mul3A_2529 = arith.constant 4 : i32
          %mul3A_2530 = arith.muli %scan3A_2494, %mul3A_2529 : i32
          %add3A_2531 = arith.constant 2 : i32
          %add3A_2532 = arith.addi %mul3A_2530, %add3A_2531 : i32
          %mul3A_2533 = arith.constant 16 : i32
          %mul3A_2534 = arith.muli %add3A_2532, %mul3A_2533 : i32
          %add3A_2535 = arith.addi %mul3A_87, %mul3A_2534 : i32
          %get3A_2536 = arith.index_cast %add3A_2535 : i32 to index
          %get3A_2537 = tpu.vector_load %arg5[%get3A_2536] {strides = array<i32>} : memref<8192xi32, #tpu.memory_space<vmem>>, vector<16xi32>,
          %bitcast3A_2538 = vector.bitcast %get3A_2537 : vector<16xi32> to vector<32xbf16>
          %ge3A_2539 = arith.cmpf oge, %bitcast3A_2538, %bitcast3A_596 : vector<32xbf16>
          %select_n3A_2540 = arith.select %ge3A_2539, %broadcast_in_dim3A_9, %broadcast_in_dim3A_7 : vector<32xi1>, vector<32xbf16>
          %le3A_2541 = arith.cmpf ole, %bitcast3A_2538, %bitcast3A_627 : vector<32xbf16>
          %select_n3A_2542 = arith.select %le3A_2541, %broadcast_in_dim3A_9, %broadcast_in_dim3A_7 : vector<32xi1>, vector<32xbf16>
          %add3A_2543 = arith.addf %add3A_2511, %select_n3A_2540 : vector<32xbf16>
          %add3A_2544 = arith.addf %add3A_2512, %select_n3A_2542 : vector<32xbf16>
          %mul3A_2545 = arith.constant 4 : i32
          %mul3A_2546 = arith.muli %scan3A_2494, %mul3A_2545 : i32
          %add3A_2547 = arith.constant 3 : i32
          %add3A_2548 = arith.addi %mul3A_2546, %add3A_2547 : i32
          %mul3A_2549 = arith.constant 16 : i32
          %mul3A_2550 = arith.muli %add3A_2548, %mul3A_2549 : i32
          %add3A_2551 = arith.addi %mul3A_87, %mul3A_2550 : i32
          %get3A_2552 = arith.index_cast %add3A_2551 : i32 to index
          %get3A_2553 = tpu.vector_load %arg5[%get3A_2552] {strides = array<i32>} : memref<8192xi32, #tpu.memory_space<vmem>>, vector<16xi32>,
          %bitcast3A_2554 = vector.bitcast %get3A_2553 : vector<16xi32> to vector<32xbf16>
          %ge3A_2555 = arith.cmpf oge, %bitcast3A_2554, %bitcast3A_596 : vector<32xbf16>
          %select_n3A_2556 = arith.select %ge3A_2555, %broadcast_in_dim3A_9, %broadcast_in_dim3A_7 : vector<32xi1>, vector<32xbf16>
          %le3A_2557 = arith.cmpf ole, %bitcast3A_2554, %bitcast3A_627 : vector<32xbf16>
          %select_n3A_2558 = arith.select %le3A_2557, %broadcast_in_dim3A_9, %broadcast_in_dim3A_7 : vector<32xi1>, vector<32xbf16>
          %add3A_2559 = arith.addf %add3A_2527, %select_n3A_2556 : vector<32xbf16>
          %add3A_2560 = arith.addf %add3A_2528, %select_n3A_2558 : vector<32xbf16>
          scf.yield %add3A_2543, %add3A_2559, %add3A_2544, %add3A_2560 : vector<32xbf16>, vector<32xbf16>, vector<32xbf16>, vector<32xbf16>
        }
        %scan3A_633 = arith.constant 16 : i32
        %add3A_634 = arith.addf %scan3A_632#0, %scan3A_632#1 : vector<32xbf16>
        %unpack3A_635 = tpu.unpack_subelements %add3A_634, 0 {pack_format = #tpu.pack_format<interleaved>} : vector<32xbf16> -> vector<16xf32>
        %unpack3A_636 = tpu.unpack_subelements %add3A_634, 1 {pack_format = #tpu.pack_format<interleaved>} : vector<32xbf16> -> vector<16xf32>
        %add3A_637 = arith.addf %scan3A_632#2, %scan3A_632#3 : vector<32xbf16>
        %unpack3A_638 = tpu.unpack_subelements %add3A_637, 0 {pack_format = #tpu.pack_format<interleaved>} : vector<32xbf16> -> vector<16xf32>
        %unpack3A_639 = tpu.unpack_subelements %add3A_637, 1 {pack_format = #tpu.pack_format<interleaved>} : vector<32xbf16> -> vector<16xf32>
        %broadcast_in_dim3A_640 = vector.shape_cast %xor3A_11 : vector<16xi32> to vector<16x1xi32>
        %gather3A_641 = vector.shape_cast %broadcast_in_dim3A_640 : vector<16x1xi32> to vector<16xi32>
        %gather3A_642 = tpu.dynamic_gather %unpack3A_635[%gather3A_641] in [0] : vector<16xf32>, vector<16xi32> -> vector<16xf32>
        %add3A_643 = arith.addf %unpack3A_635, %gather3A_642 : vector<16xf32>
        %broadcast_in_dim3A_644 = vector.shape_cast %xor3A_14 : vector<16xi32> to vector<16x1xi32>
        %gather3A_645 = vector.shape_cast %broadcast_in_dim3A_644 : vector<16x1xi32> to vector<16xi32>
        %gather3A_646 = tpu.dynamic_gather %add3A_643[%gather3A_645] in [0] : vector<16xf32>, vector<16xi32> -> vector<16xf32>
        %add3A_647 = arith.addf %add3A_643, %gather3A_646 : vector<16xf32>
        %broadcast_in_dim3A_648 = vector.shape_cast %xor3A_17 : vector<16xi32> to vector<16x1xi32>
        %gather3A_649 = vector.shape_cast %broadcast_in_dim3A_648 : vector<16x1xi32> to vector<16xi32>
        %gather3A_650 = tpu.dynamic_gather %add3A_647[%gather3A_649] in [0] : vector<16xf32>, vector<16xi32> -> vector<16xf32>
        %add3A_651 = arith.addf %add3A_647, %gather3A_650 : vector<16xf32>
        %broadcast_in_dim3A_652 = vector.shape_cast %xor3A_20 : vector<16xi32> to vector<16x1xi32>
        %gather3A_653 = vector.shape_cast %broadcast_in_dim3A_652 : vector<16x1xi32> to vector<16xi32>
        %gather3A_654 = tpu.dynamic_gather %add3A_651[%gather3A_653] in [0] : vector<16xf32>, vector<16xi32> -> vector<16xf32>
        %add3A_655 = arith.addf %add3A_651, %gather3A_654 : vector<16xf32>
        %broadcast_in_dim3A_656 = vector.shape_cast %xor3A_11 : vector<16xi32> to vector<16x1xi32>
        %gather3A_657 = vector.shape_cast %broadcast_in_dim3A_656 : vector<16x1xi32> to vector<16xi32>
        %gather3A_658 = tpu.dynamic_gather %unpack3A_636[%gather3A_657] in [0] : vector<16xf32>, vector<16xi32> -> vector<16xf32>
        %add3A_659 = arith.addf %unpack3A_636, %gather3A_658 : vector<16xf32>
        %broadcast_in_dim3A_660 = vector.shape_cast %xor3A_14 : vector<16xi32> to vector<16x1xi32>
        %gather3A_661 = vector.shape_cast %broadcast_in_dim3A_660 : vector<16x1xi32> to vector<16xi32>
        %gather3A_662 = tpu.dynamic_gather %add3A_659[%gather3A_661] in [0] : vector<16xf32>, vector<16xi32> -> vector<16xf32>
        %add3A_663 = arith.addf %add3A_659, %gather3A_662 : vector<16xf32>
        %broadcast_in_dim3A_664 = vector.shape_cast %xor3A_17 : vector<16xi32> to vector<16x1xi32>
        %gather3A_665 = vector.shape_cast %broadcast_in_dim3A_664 : vector<16x1xi32> to vector<16xi32>
        %gather3A_666 = tpu.dynamic_gather %add3A_663[%gather3A_665] in [0] : vector<16xf32>, vector<16xi32> -> vector<16xf32>
        %add3A_667 = arith.addf %add3A_663, %gather3A_666 : vector<16xf32>
        %broadcast_in_dim3A_668 = vector.shape_cast %xor3A_20 : vector<16xi32> to vector<16x1xi32>
        %gather3A_669 = vector.shape_cast %broadcast_in_dim3A_668 : vector<16x1xi32> to vector<16xi32>
        %gather3A_670 = tpu.dynamic_gather %add3A_667[%gather3A_669] in [0] : vector<16xf32>, vector<16xi32> -> vector<16xf32>
        %add3A_671 = arith.addf %add3A_667, %gather3A_670 : vector<16xf32>
        %broadcast_in_dim3A_672 = vector.shape_cast %xor3A_11 : vector<16xi32> to vector<16x1xi32>
        %gather3A_673 = vector.shape_cast %broadcast_in_dim3A_672 : vector<16x1xi32> to vector<16xi32>
        %gather3A_674 = tpu.dynamic_gather %unpack3A_638[%gather3A_673] in [0] : vector<16xf32>, vector<16xi32> -> vector<16xf32>
        %add3A_675 = arith.addf %unpack3A_638, %gather3A_674 : vector<16xf32>
        %broadcast_in_dim3A_676 = vector.shape_cast %xor3A_14 : vector<16xi32> to vector<16x1xi32>
        %gather3A_677 = vector.shape_cast %broadcast_in_dim3A_676 : vector<16x1xi32> to vector<16xi32>
        %gather3A_678 = tpu.dynamic_gather %add3A_675[%gather3A_677] in [0] : vector<16xf32>, vector<16xi32> -> vector<16xf32>
        %add3A_679 = arith.addf %add3A_675, %gather3A_678 : vector<16xf32>
        %broadcast_in_dim3A_680 = vector.shape_cast %xor3A_17 : vector<16xi32> to vector<16x1xi32>
        %gather3A_681 = vector.shape_cast %broadcast_in_dim3A_680 : vector<16x1xi32> to vector<16xi32>
        %gather3A_682 = tpu.dynamic_gather %add3A_679[%gather3A_681] in [0] : vector<16xf32>, vector<16xi32> -> vector<16xf32>
        %add3A_683 = arith.addf %add3A_679, %gather3A_682 : vector<16xf32>
        %broadcast_in_dim3A_684 = vector.shape_cast %xor3A_20 : vector<16xi32> to vector<16x1xi32>
        %gather3A_685 = vector.shape_cast %broadcast_in_dim3A_684 : vector<16x1xi32> to vector<16xi32>
        %gather3A_686 = tpu.dynamic_gather %add3A_683[%gather3A_685] in [0] : vector<16xf32>, vector<16xi32> -> vector<16xf32>
        %add3A_687 = arith.addf %add3A_683, %gather3A_686 : vector<16xf32>
        %broadcast_in_dim3A_688 = vector.shape_cast %xor3A_11 : vector<16xi32> to vector<16x1xi32>
        %gather3A_689 = vector.shape_cast %broadcast_in_dim3A_688 : vector<16x1xi32> to vector<16xi32>
        %gather3A_690 = tpu.dynamic_gather %unpack3A_639[%gather3A_689] in [0] : vector<16xf32>, vector<16xi32> -> vector<16xf32>
        %add3A_691 = arith.addf %unpack3A_639, %gather3A_690 : vector<16xf32>
        %broadcast_in_dim3A_692 = vector.shape_cast %xor3A_14 : vector<16xi32> to vector<16x1xi32>
        %gather3A_693 = vector.shape_cast %broadcast_in_dim3A_692 : vector<16x1xi32> to vector<16xi32>
        %gather3A_694 = tpu.dynamic_gather %add3A_691[%gather3A_693] in [0] : vector<16xf32>, vector<16xi32> -> vector<16xf32>
        %add3A_695 = arith.addf %add3A_691, %gather3A_694 : vector<16xf32>
        %broadcast_in_dim3A_696 = vector.shape_cast %xor3A_17 : vector<16xi32> to vector<16x1xi32>
        %gather3A_697 = vector.shape_cast %broadcast_in_dim3A_696 : vector<16x1xi32> to vector<16xi32>
        %gather3A_698 = tpu.dynamic_gather %add3A_695[%gather3A_697] in [0] : vector<16xf32>, vector<16xi32> -> vector<16xf32>
        %add3A_699 = arith.addf %add3A_695, %gather3A_698 : vector<16xf32>
        %broadcast_in_dim3A_700 = vector.shape_cast %xor3A_20 : vector<16xi32> to vector<16x1xi32>
        %gather3A_701 = vector.shape_cast %broadcast_in_dim3A_700 : vector<16x1xi32> to vector<16xi32>
        %gather3A_702 = tpu.dynamic_gather %add3A_699[%gather3A_701] in [0] : vector<16xf32>, vector<16xi32> -> vector<16xf32>
        %add3A_703 = arith.addf %add3A_699, %gather3A_702 : vector<16xf32>
        %ge3A_704 = arith.constant 2.050000e+02 : f32
        %ge3A_705 = vector.broadcast %ge3A_704 : f32 to vector<16xf32>
        %ge3A_706 = arith.cmpf oge, %add3A_655, %ge3A_705 : vector<16xf32>
        %select_n3A_707 = arith.select %ge3A_706, %add3A_562, %select_n3A_547 : vector<16xi1>, vector<16xi32>
        %ge3A_708 = arith.constant 2.050000e+02 : f32
        %ge3A_709 = vector.broadcast %ge3A_708 : f32 to vector<16xf32>
        %ge3A_710 = arith.cmpf oge, %add3A_671, %ge3A_709 : vector<16xf32>
        %select_n3A_711 = arith.select %ge3A_710, %add3A_565, %select_n3A_551 : vector<16xi1>, vector<16xi32>
        %ge3A_712 = arith.constant 2.050000e+02 : f32
        %ge3A_713 = vector.broadcast %ge3A_712 : f32 to vector<16xf32>
        %ge3A_714 = arith.cmpf oge, %add3A_687, %ge3A_713 : vector<16xf32>
        %select_n3A_715 = arith.select %ge3A_714, %add3A_568, %select_n3A_555 : vector<16xi1>, vector<16xi32>
        %ge3A_716 = arith.constant 2.050000e+02 : f32
        %ge3A_717 = vector.broadcast %ge3A_716 : f32 to vector<16xf32>
        %ge3A_718 = arith.cmpf oge, %add3A_703, %ge3A_717 : vector<16xf32>
        %select_n3A_719 = arith.select %ge3A_718, %add3A_571, %select_n3A_559 : vector<16xi1>, vector<16xi32>
        %add3A_720 = arith.constant 2048 : i32
        %add3A_721 = vector.broadcast %add3A_720 : i32 to vector<16xi32>
        %add3A_722 = arith.addi %select_n3A_707, %add3A_721 : vector<16xi32>
        %add3A_723 = arith.constant 2048 : i32
        %add3A_724 = vector.broadcast %add3A_723 : i32 to vector<16xi32>
        %add3A_725 = arith.addi %select_n3A_711, %add3A_724 : vector<16xi32>
        %add3A_726 = arith.constant 2048 : i32
        %add3A_727 = vector.broadcast %add3A_726 : i32 to vector<16xi32>
        %add3A_728 = arith.addi %select_n3A_715, %add3A_727 : vector<16xi32>
        %add3A_729 = arith.constant 2048 : i32
        %add3A_730 = vector.broadcast %add3A_729 : i32 to vector<16xi32>
        %add3A_731 = arith.addi %select_n3A_719, %add3A_730 : vector<16xi32>
        %ge3A_732 = arith.constant 32768 : i32
        %ge3A_733 = vector.broadcast %ge3A_732 : i32 to vector<16xi32>
        %ge3A_734 = arith.cmpi sge, %add3A_722, %ge3A_733 : vector<16xi32>
        %sub3A_735 = arith.constant 32768 : i32
        %sub3A_736 = vector.broadcast %sub3A_735 : i32 to vector<16xi32>
        %sub3A_737 = arith.subi %add3A_722, %sub3A_736 : vector<16xi32>
        %sub3A_738 = arith.constant 65535 : i32
        %sub3A_739 = vector.broadcast %sub3A_738 : i32 to vector<16xi32>
        %sub3A_740 = arith.subi %sub3A_739, %add3A_722 : vector<16xi32>
        %select_n3A_741 = arith.select %ge3A_734, %sub3A_737, %sub3A_740 : vector<16xi1>, vector<16xi32>
        %ge3A_742 = arith.constant 32768 : i32
        %ge3A_743 = vector.broadcast %ge3A_742 : i32 to vector<16xi32>
        %ge3A_744 = arith.cmpi sge, %add3A_725, %ge3A_743 : vector<16xi32>
        %sub3A_745 = arith.constant 32768 : i32
        %sub3A_746 = vector.broadcast %sub3A_745 : i32 to vector<16xi32>
        %sub3A_747 = arith.subi %add3A_725, %sub3A_746 : vector<16xi32>
        %sub3A_748 = arith.constant 65535 : i32
        %sub3A_749 = vector.broadcast %sub3A_748 : i32 to vector<16xi32>
        %sub3A_750 = arith.subi %sub3A_749, %add3A_725 : vector<16xi32>
        %select_n3A_751 = arith.select %ge3A_744, %sub3A_747, %sub3A_750 : vector<16xi1>, vector<16xi32>
        %shift_left3A_752 = arith.constant 16 : i32
        %shift_left3A_753 = vector.broadcast %shift_left3A_752 : i32 to vector<16xi32>
        %shift_left3A_754 = arith.shli %select_n3A_751, %shift_left3A_753 : vector<16xi32>
        %or3A_755 = arith.ori %select_n3A_741, %shift_left3A_754 : vector<16xi32>
        %bitcast3A_756 = vector.bitcast %or3A_755 : vector<16xi32> to vector<32xbf16>
        %sub3A_757 = arith.constant 65535 : i32
        %sub3A_758 = vector.broadcast %sub3A_757 : i32 to vector<16xi32>
        %sub3A_759 = arith.subi %sub3A_758, %add3A_728 : vector<16xi32>
        %ge3A_760 = arith.constant 32768 : i32
        %ge3A_761 = vector.broadcast %ge3A_760 : i32 to vector<16xi32>
        %ge3A_762 = arith.cmpi sge, %sub3A_759, %ge3A_761 : vector<16xi32>
        %sub3A_763 = arith.constant 32768 : i32
        %sub3A_764 = vector.broadcast %sub3A_763 : i32 to vector<16xi32>
        %sub3A_765 = arith.subi %sub3A_759, %sub3A_764 : vector<16xi32>
        %sub3A_766 = arith.constant 65535 : i32
        %sub3A_767 = vector.broadcast %sub3A_766 : i32 to vector<16xi32>
        %sub3A_768 = arith.subi %sub3A_767, %sub3A_759 : vector<16xi32>
        %select_n3A_769 = arith.select %ge3A_762, %sub3A_765, %sub3A_768 : vector<16xi1>, vector<16xi32>
        %sub3A_770 = arith.constant 65535 : i32
        %sub3A_771 = vector.broadcast %sub3A_770 : i32 to vector<16xi32>
        %sub3A_772 = arith.subi %sub3A_771, %add3A_731 : vector<16xi32>
        %ge3A_773 = arith.constant 32768 : i32
        %ge3A_774 = vector.broadcast %ge3A_773 : i32 to vector<16xi32>
        %ge3A_775 = arith.cmpi sge, %sub3A_772, %ge3A_774 : vector<16xi32>
        %sub3A_776 = arith.constant 32768 : i32
        %sub3A_777 = vector.broadcast %sub3A_776 : i32 to vector<16xi32>
        %sub3A_778 = arith.subi %sub3A_772, %sub3A_777 : vector<16xi32>
        %sub3A_779 = arith.constant 65535 : i32
        %sub3A_780 = vector.broadcast %sub3A_779 : i32 to vector<16xi32>
        %sub3A_781 = arith.subi %sub3A_780, %sub3A_772 : vector<16xi32>
        %select_n3A_782 = arith.select %ge3A_775, %sub3A_778, %sub3A_781 : vector<16xi1>, vector<16xi32>
        %shift_left3A_783 = arith.constant 16 : i32
        %shift_left3A_784 = vector.broadcast %shift_left3A_783 : i32 to vector<16xi32>
        %shift_left3A_785 = arith.shli %select_n3A_782, %shift_left3A_784 : vector<16xi32>
        %or3A_786 = arith.ori %select_n3A_769, %shift_left3A_785 : vector<16xi32>
        %bitcast3A_787 = vector.bitcast %or3A_786 : vector<16xi32> to vector<32xbf16>
        %scan3A_788 = arith.constant 0 : i32
        %scan3A_789 = arith.constant 16 : i32
        %scan3A_790 = arith.addi %scan3A_788, %scan3A_789 : i32
        %scan3A_791 = arith.constant 1 : i32
        %scan3A_792:4 = scf.for %scan3A_2494 = %scan3A_788 to %scan3A_790 step %scan3A_791 iter_args(%scan3A_2495 = %broadcast_in_dim3A_7, %scan3A_2496 = %broadcast_in_dim3A_7, %scan3A_2497 = %broadcast_in_dim3A_7, %scan3A_2498 = %broadcast_in_dim3A_7) -> (vector<32xbf16>, vector<32xbf16>, vector<32xbf16>, vector<32xbf16>)  : i32 {
          %mul3A_2499 = arith.constant 4 : i32
          %mul3A_2500 = arith.muli %scan3A_2494, %mul3A_2499 : i32
          %add3A_2501 = arith.constant 0 : i32
          %add3A_2502 = arith.addi %mul3A_2500, %add3A_2501 : i32
          %mul3A_2503 = arith.constant 16 : i32
          %mul3A_2504 = arith.muli %add3A_2502, %mul3A_2503 : i32
          %add3A_2505 = arith.addi %mul3A_87, %mul3A_2504 : i32
          %get3A = arith.index_cast %add3A_2505 : i32 to index
          %get3A_2506 = tpu.vector_load %arg5[%get3A] {strides = array<i32>} : memref<8192xi32, #tpu.memory_space<vmem>>, vector<16xi32>,
          %bitcast3A_2507 = vector.bitcast %get3A_2506 : vector<16xi32> to vector<32xbf16>
          %ge3A_2508 = arith.cmpf oge, %bitcast3A_2507, %bitcast3A_756 : vector<32xbf16>
          %select_n3A_2509 = arith.select %ge3A_2508, %broadcast_in_dim3A_9, %broadcast_in_dim3A_7 : vector<32xi1>, vector<32xbf16>
          %le3A = arith.cmpf ole, %bitcast3A_2507, %bitcast3A_787 : vector<32xbf16>
          %select_n3A_2510 = arith.select %le3A, %broadcast_in_dim3A_9, %broadcast_in_dim3A_7 : vector<32xi1>, vector<32xbf16>
          %add3A_2511 = arith.addf %scan3A_2495, %select_n3A_2509 : vector<32xbf16>
          %add3A_2512 = arith.addf %scan3A_2497, %select_n3A_2510 : vector<32xbf16>
          %mul3A_2513 = arith.constant 4 : i32
          %mul3A_2514 = arith.muli %scan3A_2494, %mul3A_2513 : i32
          %add3A_2515 = arith.constant 1 : i32
          %add3A_2516 = arith.addi %mul3A_2514, %add3A_2515 : i32
          %mul3A_2517 = arith.constant 16 : i32
          %mul3A_2518 = arith.muli %add3A_2516, %mul3A_2517 : i32
          %add3A_2519 = arith.addi %mul3A_87, %mul3A_2518 : i32
          %get3A_2520 = arith.index_cast %add3A_2519 : i32 to index
          %get3A_2521 = tpu.vector_load %arg5[%get3A_2520] {strides = array<i32>} : memref<8192xi32, #tpu.memory_space<vmem>>, vector<16xi32>,
          %bitcast3A_2522 = vector.bitcast %get3A_2521 : vector<16xi32> to vector<32xbf16>
          %ge3A_2523 = arith.cmpf oge, %bitcast3A_2522, %bitcast3A_756 : vector<32xbf16>
          %select_n3A_2524 = arith.select %ge3A_2523, %broadcast_in_dim3A_9, %broadcast_in_dim3A_7 : vector<32xi1>, vector<32xbf16>
          %le3A_2525 = arith.cmpf ole, %bitcast3A_2522, %bitcast3A_787 : vector<32xbf16>
          %select_n3A_2526 = arith.select %le3A_2525, %broadcast_in_dim3A_9, %broadcast_in_dim3A_7 : vector<32xi1>, vector<32xbf16>
          %add3A_2527 = arith.addf %scan3A_2496, %select_n3A_2524 : vector<32xbf16>
          %add3A_2528 = arith.addf %scan3A_2498, %select_n3A_2526 : vector<32xbf16>
          %mul3A_2529 = arith.constant 4 : i32
          %mul3A_2530 = arith.muli %scan3A_2494, %mul3A_2529 : i32
          %add3A_2531 = arith.constant 2 : i32
          %add3A_2532 = arith.addi %mul3A_2530, %add3A_2531 : i32
          %mul3A_2533 = arith.constant 16 : i32
          %mul3A_2534 = arith.muli %add3A_2532, %mul3A_2533 : i32
          %add3A_2535 = arith.addi %mul3A_87, %mul3A_2534 : i32
          %get3A_2536 = arith.index_cast %add3A_2535 : i32 to index
          %get3A_2537 = tpu.vector_load %arg5[%get3A_2536] {strides = array<i32>} : memref<8192xi32, #tpu.memory_space<vmem>>, vector<16xi32>,
          %bitcast3A_2538 = vector.bitcast %get3A_2537 : vector<16xi32> to vector<32xbf16>
          %ge3A_2539 = arith.cmpf oge, %bitcast3A_2538, %bitcast3A_756 : vector<32xbf16>
          %select_n3A_2540 = arith.select %ge3A_2539, %broadcast_in_dim3A_9, %broadcast_in_dim3A_7 : vector<32xi1>, vector<32xbf16>
          %le3A_2541 = arith.cmpf ole, %bitcast3A_2538, %bitcast3A_787 : vector<32xbf16>
          %select_n3A_2542 = arith.select %le3A_2541, %broadcast_in_dim3A_9, %broadcast_in_dim3A_7 : vector<32xi1>, vector<32xbf16>
          %add3A_2543 = arith.addf %add3A_2511, %select_n3A_2540 : vector<32xbf16>
          %add3A_2544 = arith.addf %add3A_2512, %select_n3A_2542 : vector<32xbf16>
          %mul3A_2545 = arith.constant 4 : i32
          %mul3A_2546 = arith.muli %scan3A_2494, %mul3A_2545 : i32
          %add3A_2547 = arith.constant 3 : i32
          %add3A_2548 = arith.addi %mul3A_2546, %add3A_2547 : i32
          %mul3A_2549 = arith.constant 16 : i32
          %mul3A_2550 = arith.muli %add3A_2548, %mul3A_2549 : i32
          %add3A_2551 = arith.addi %mul3A_87, %mul3A_2550 : i32
          %get3A_2552 = arith.index_cast %add3A_2551 : i32 to index
          %get3A_2553 = tpu.vector_load %arg5[%get3A_2552] {strides = array<i32>} : memref<8192xi32, #tpu.memory_space<vmem>>, vector<16xi32>,
          %bitcast3A_2554 = vector.bitcast %get3A_2553 : vector<16xi32> to vector<32xbf16>
          %ge3A_2555 = arith.cmpf oge, %bitcast3A_2554, %bitcast3A_756 : vector<32xbf16>
          %select_n3A_2556 = arith.select %ge3A_2555, %broadcast_in_dim3A_9, %broadcast_in_dim3A_7 : vector<32xi1>, vector<32xbf16>
          %le3A_2557 = arith.cmpf ole, %bitcast3A_2554, %bitcast3A_787 : vector<32xbf16>
          %select_n3A_2558 = arith.select %le3A_2557, %broadcast_in_dim3A_9, %broadcast_in_dim3A_7 : vector<32xi1>, vector<32xbf16>
          %add3A_2559 = arith.addf %add3A_2527, %select_n3A_2556 : vector<32xbf16>
          %add3A_2560 = arith.addf %add3A_2528, %select_n3A_2558 : vector<32xbf16>
          scf.yield %add3A_2543, %add3A_2559, %add3A_2544, %add3A_2560 : vector<32xbf16>, vector<32xbf16>, vector<32xbf16>, vector<32xbf16>
        }
        %scan3A_793 = arith.constant 16 : i32
        %add3A_794 = arith.addf %scan3A_792#0, %scan3A_792#1 : vector<32xbf16>
        %unpack3A_795 = tpu.unpack_subelements %add3A_794, 0 {pack_format = #tpu.pack_format<interleaved>} : vector<32xbf16> -> vector<16xf32>
        %unpack3A_796 = tpu.unpack_subelements %add3A_794, 1 {pack_format = #tpu.pack_format<interleaved>} : vector<32xbf16> -> vector<16xf32>
        %add3A_797 = arith.addf %scan3A_792#2, %scan3A_792#3 : vector<32xbf16>
        %unpack3A_798 = tpu.unpack_subelements %add3A_797, 0 {pack_format = #tpu.pack_format<interleaved>} : vector<32xbf16> -> vector<16xf32>
        %unpack3A_799 = tpu.unpack_subelements %add3A_797, 1 {pack_format = #tpu.pack_format<interleaved>} : vector<32xbf16> -> vector<16xf32>
        %broadcast_in_dim3A_800 = vector.shape_cast %xor3A_11 : vector<16xi32> to vector<16x1xi32>
        %gather3A_801 = vector.shape_cast %broadcast_in_dim3A_800 : vector<16x1xi32> to vector<16xi32>
        %gather3A_802 = tpu.dynamic_gather %unpack3A_795[%gather3A_801] in [0] : vector<16xf32>, vector<16xi32> -> vector<16xf32>
        %add3A_803 = arith.addf %unpack3A_795, %gather3A_802 : vector<16xf32>
        %broadcast_in_dim3A_804 = vector.shape_cast %xor3A_14 : vector<16xi32> to vector<16x1xi32>
        %gather3A_805 = vector.shape_cast %broadcast_in_dim3A_804 : vector<16x1xi32> to vector<16xi32>
        %gather3A_806 = tpu.dynamic_gather %add3A_803[%gather3A_805] in [0] : vector<16xf32>, vector<16xi32> -> vector<16xf32>
        %add3A_807 = arith.addf %add3A_803, %gather3A_806 : vector<16xf32>
        %broadcast_in_dim3A_808 = vector.shape_cast %xor3A_17 : vector<16xi32> to vector<16x1xi32>
        %gather3A_809 = vector.shape_cast %broadcast_in_dim3A_808 : vector<16x1xi32> to vector<16xi32>
        %gather3A_810 = tpu.dynamic_gather %add3A_807[%gather3A_809] in [0] : vector<16xf32>, vector<16xi32> -> vector<16xf32>
        %add3A_811 = arith.addf %add3A_807, %gather3A_810 : vector<16xf32>
        %broadcast_in_dim3A_812 = vector.shape_cast %xor3A_20 : vector<16xi32> to vector<16x1xi32>
        %gather3A_813 = vector.shape_cast %broadcast_in_dim3A_812 : vector<16x1xi32> to vector<16xi32>
        %gather3A_814 = tpu.dynamic_gather %add3A_811[%gather3A_813] in [0] : vector<16xf32>, vector<16xi32> -> vector<16xf32>
        %add3A_815 = arith.addf %add3A_811, %gather3A_814 : vector<16xf32>
        %broadcast_in_dim3A_816 = vector.shape_cast %xor3A_11 : vector<16xi32> to vector<16x1xi32>
        %gather3A_817 = vector.shape_cast %broadcast_in_dim3A_816 : vector<16x1xi32> to vector<16xi32>
        %gather3A_818 = tpu.dynamic_gather %unpack3A_796[%gather3A_817] in [0] : vector<16xf32>, vector<16xi32> -> vector<16xf32>
        %add3A_819 = arith.addf %unpack3A_796, %gather3A_818 : vector<16xf32>
        %broadcast_in_dim3A_820 = vector.shape_cast %xor3A_14 : vector<16xi32> to vector<16x1xi32>
        %gather3A_821 = vector.shape_cast %broadcast_in_dim3A_820 : vector<16x1xi32> to vector<16xi32>
        %gather3A_822 = tpu.dynamic_gather %add3A_819[%gather3A_821] in [0] : vector<16xf32>, vector<16xi32> -> vector<16xf32>
        %add3A_823 = arith.addf %add3A_819, %gather3A_822 : vector<16xf32>
        %broadcast_in_dim3A_824 = vector.shape_cast %xor3A_17 : vector<16xi32> to vector<16x1xi32>
        %gather3A_825 = vector.shape_cast %broadcast_in_dim3A_824 : vector<16x1xi32> to vector<16xi32>
        %gather3A_826 = tpu.dynamic_gather %add3A_823[%gather3A_825] in [0] : vector<16xf32>, vector<16xi32> -> vector<16xf32>
        %add3A_827 = arith.addf %add3A_823, %gather3A_826 : vector<16xf32>
        %broadcast_in_dim3A_828 = vector.shape_cast %xor3A_20 : vector<16xi32> to vector<16x1xi32>
        %gather3A_829 = vector.shape_cast %broadcast_in_dim3A_828 : vector<16x1xi32> to vector<16xi32>
        %gather3A_830 = tpu.dynamic_gather %add3A_827[%gather3A_829] in [0] : vector<16xf32>, vector<16xi32> -> vector<16xf32>
        %add3A_831 = arith.addf %add3A_827, %gather3A_830 : vector<16xf32>
        %broadcast_in_dim3A_832 = vector.shape_cast %xor3A_11 : vector<16xi32> to vector<16x1xi32>
        %gather3A_833 = vector.shape_cast %broadcast_in_dim3A_832 : vector<16x1xi32> to vector<16xi32>
        %gather3A_834 = tpu.dynamic_gather %unpack3A_798[%gather3A_833] in [0] : vector<16xf32>, vector<16xi32> -> vector<16xf32>
        %add3A_835 = arith.addf %unpack3A_798, %gather3A_834 : vector<16xf32>
        %broadcast_in_dim3A_836 = vector.shape_cast %xor3A_14 : vector<16xi32> to vector<16x1xi32>
        %gather3A_837 = vector.shape_cast %broadcast_in_dim3A_836 : vector<16x1xi32> to vector<16xi32>
        %gather3A_838 = tpu.dynamic_gather %add3A_835[%gather3A_837] in [0] : vector<16xf32>, vector<16xi32> -> vector<16xf32>
        %add3A_839 = arith.addf %add3A_835, %gather3A_838 : vector<16xf32>
        %broadcast_in_dim3A_840 = vector.shape_cast %xor3A_17 : vector<16xi32> to vector<16x1xi32>
        %gather3A_841 = vector.shape_cast %broadcast_in_dim3A_840 : vector<16x1xi32> to vector<16xi32>
        %gather3A_842 = tpu.dynamic_gather %add3A_839[%gather3A_841] in [0] : vector<16xf32>, vector<16xi32> -> vector<16xf32>
        %add3A_843 = arith.addf %add3A_839, %gather3A_842 : vector<16xf32>
        %broadcast_in_dim3A_844 = vector.shape_cast %xor3A_20 : vector<16xi32> to vector<16x1xi32>
        %gather3A_845 = vector.shape_cast %broadcast_in_dim3A_844 : vector<16x1xi32> to vector<16xi32>
        %gather3A_846 = tpu.dynamic_gather %add3A_843[%gather3A_845] in [0] : vector<16xf32>, vector<16xi32> -> vector<16xf32>
        %add3A_847 = arith.addf %add3A_843, %gather3A_846 : vector<16xf32>
        %broadcast_in_dim3A_848 = vector.shape_cast %xor3A_11 : vector<16xi32> to vector<16x1xi32>
        %gather3A_849 = vector.shape_cast %broadcast_in_dim3A_848 : vector<16x1xi32> to vector<16xi32>
        %gather3A_850 = tpu.dynamic_gather %unpack3A_799[%gather3A_849] in [0] : vector<16xf32>, vector<16xi32> -> vector<16xf32>
        %add3A_851 = arith.addf %unpack3A_799, %gather3A_850 : vector<16xf32>
        %broadcast_in_dim3A_852 = vector.shape_cast %xor3A_14 : vector<16xi32> to vector<16x1xi32>
        %gather3A_853 = vector.shape_cast %broadcast_in_dim3A_852 : vector<16x1xi32> to vector<16xi32>
        %gather3A_854 = tpu.dynamic_gather %add3A_851[%gather3A_853] in [0] : vector<16xf32>, vector<16xi32> -> vector<16xf32>
        %add3A_855 = arith.addf %add3A_851, %gather3A_854 : vector<16xf32>
        %broadcast_in_dim3A_856 = vector.shape_cast %xor3A_17 : vector<16xi32> to vector<16x1xi32>
        %gather3A_857 = vector.shape_cast %broadcast_in_dim3A_856 : vector<16x1xi32> to vector<16xi32>
        %gather3A_858 = tpu.dynamic_gather %add3A_855[%gather3A_857] in [0] : vector<16xf32>, vector<16xi32> -> vector<16xf32>
        %add3A_859 = arith.addf %add3A_855, %gather3A_858 : vector<16xf32>
        %broadcast_in_dim3A_860 = vector.shape_cast %xor3A_20 : vector<16xi32> to vector<16x1xi32>
        %gather3A_861 = vector.shape_cast %broadcast_in_dim3A_860 : vector<16x1xi32> to vector<16xi32>
        %gather3A_862 = tpu.dynamic_gather %add3A_859[%gather3A_861] in [0] : vector<16xf32>, vector<16xi32> -> vector<16xf32>
        %add3A_863 = arith.addf %add3A_859, %gather3A_862 : vector<16xf32>
        %ge3A_864 = arith.constant 2.050000e+02 : f32
        %ge3A_865 = vector.broadcast %ge3A_864 : f32 to vector<16xf32>
        %ge3A_866 = arith.cmpf oge, %add3A_815, %ge3A_865 : vector<16xf32>
        %select_n3A_867 = arith.select %ge3A_866, %add3A_722, %select_n3A_707 : vector<16xi1>, vector<16xi32>
        %ge3A_868 = arith.constant 2.050000e+02 : f32
        %ge3A_869 = vector.broadcast %ge3A_868 : f32 to vector<16xf32>
        %ge3A_870 = arith.cmpf oge, %add3A_831, %ge3A_869 : vector<16xf32>
        %select_n3A_871 = arith.select %ge3A_870, %add3A_725, %select_n3A_711 : vector<16xi1>, vector<16xi32>
        %ge3A_872 = arith.constant 2.050000e+02 : f32
        %ge3A_873 = vector.broadcast %ge3A_872 : f32 to vector<16xf32>
        %ge3A_874 = arith.cmpf oge, %add3A_847, %ge3A_873 : vector<16xf32>
        %select_n3A_875 = arith.select %ge3A_874, %add3A_728, %select_n3A_715 : vector<16xi1>, vector<16xi32>
        %ge3A_876 = arith.constant 2.050000e+02 : f32
        %ge3A_877 = vector.broadcast %ge3A_876 : f32 to vector<16xf32>
        %ge3A_878 = arith.cmpf oge, %add3A_863, %ge3A_877 : vector<16xf32>
        %select_n3A_879 = arith.select %ge3A_878, %add3A_731, %select_n3A_719 : vector<16xi1>, vector<16xi32>
        %add3A_880 = arith.constant 1024 : i32
        %add3A_881 = vector.broadcast %add3A_880 : i32 to vector<16xi32>
        %add3A_882 = arith.addi %select_n3A_867, %add3A_881 : vector<16xi32>
        %add3A_883 = arith.constant 1024 : i32
        %add3A_884 = vector.broadcast %add3A_883 : i32 to vector<16xi32>
        %add3A_885 = arith.addi %select_n3A_871, %add3A_884 : vector<16xi32>
        %add3A_886 = arith.constant 1024 : i32
        %add3A_887 = vector.broadcast %add3A_886 : i32 to vector<16xi32>
        %add3A_888 = arith.addi %select_n3A_875, %add3A_887 : vector<16xi32>
        %add3A_889 = arith.constant 1024 : i32
        %add3A_890 = vector.broadcast %add3A_889 : i32 to vector<16xi32>
        %add3A_891 = arith.addi %select_n3A_879, %add3A_890 : vector<16xi32>
        %ge3A_892 = arith.constant 32768 : i32
        %ge3A_893 = vector.broadcast %ge3A_892 : i32 to vector<16xi32>
        %ge3A_894 = arith.cmpi sge, %add3A_882, %ge3A_893 : vector<16xi32>
        %sub3A_895 = arith.constant 32768 : i32
        %sub3A_896 = vector.broadcast %sub3A_895 : i32 to vector<16xi32>
        %sub3A_897 = arith.subi %add3A_882, %sub3A_896 : vector<16xi32>
        %sub3A_898 = arith.constant 65535 : i32
        %sub3A_899 = vector.broadcast %sub3A_898 : i32 to vector<16xi32>
        %sub3A_900 = arith.subi %sub3A_899, %add3A_882 : vector<16xi32>
        %select_n3A_901 = arith.select %ge3A_894, %sub3A_897, %sub3A_900 : vector<16xi1>, vector<16xi32>
        %ge3A_902 = arith.constant 32768 : i32
        %ge3A_903 = vector.broadcast %ge3A_902 : i32 to vector<16xi32>
        %ge3A_904 = arith.cmpi sge, %add3A_885, %ge3A_903 : vector<16xi32>
        %sub3A_905 = arith.constant 32768 : i32
        %sub3A_906 = vector.broadcast %sub3A_905 : i32 to vector<16xi32>
        %sub3A_907 = arith.subi %add3A_885, %sub3A_906 : vector<16xi32>
        %sub3A_908 = arith.constant 65535 : i32
        %sub3A_909 = vector.broadcast %sub3A_908 : i32 to vector<16xi32>
        %sub3A_910 = arith.subi %sub3A_909, %add3A_885 : vector<16xi32>
        %select_n3A_911 = arith.select %ge3A_904, %sub3A_907, %sub3A_910 : vector<16xi1>, vector<16xi32>
        %shift_left3A_912 = arith.constant 16 : i32
        %shift_left3A_913 = vector.broadcast %shift_left3A_912 : i32 to vector<16xi32>
        %shift_left3A_914 = arith.shli %select_n3A_911, %shift_left3A_913 : vector<16xi32>
        %or3A_915 = arith.ori %select_n3A_901, %shift_left3A_914 : vector<16xi32>
        %bitcast3A_916 = vector.bitcast %or3A_915 : vector<16xi32> to vector<32xbf16>
        %sub3A_917 = arith.constant 65535 : i32
        %sub3A_918 = vector.broadcast %sub3A_917 : i32 to vector<16xi32>
        %sub3A_919 = arith.subi %sub3A_918, %add3A_888 : vector<16xi32>
        %ge3A_920 = arith.constant 32768 : i32
        %ge3A_921 = vector.broadcast %ge3A_920 : i32 to vector<16xi32>
        %ge3A_922 = arith.cmpi sge, %sub3A_919, %ge3A_921 : vector<16xi32>
        %sub3A_923 = arith.constant 32768 : i32
        %sub3A_924 = vector.broadcast %sub3A_923 : i32 to vector<16xi32>
        %sub3A_925 = arith.subi %sub3A_919, %sub3A_924 : vector<16xi32>
        %sub3A_926 = arith.constant 65535 : i32
        %sub3A_927 = vector.broadcast %sub3A_926 : i32 to vector<16xi32>
        %sub3A_928 = arith.subi %sub3A_927, %sub3A_919 : vector<16xi32>
        %select_n3A_929 = arith.select %ge3A_922, %sub3A_925, %sub3A_928 : vector<16xi1>, vector<16xi32>
        %sub3A_930 = arith.constant 65535 : i32
        %sub3A_931 = vector.broadcast %sub3A_930 : i32 to vector<16xi32>
        %sub3A_932 = arith.subi %sub3A_931, %add3A_891 : vector<16xi32>
        %ge3A_933 = arith.constant 32768 : i32
        %ge3A_934 = vector.broadcast %ge3A_933 : i32 to vector<16xi32>
        %ge3A_935 = arith.cmpi sge, %sub3A_932, %ge3A_934 : vector<16xi32>
        %sub3A_936 = arith.constant 32768 : i32
        %sub3A_937 = vector.broadcast %sub3A_936 : i32 to vector<16xi32>
        %sub3A_938 = arith.subi %sub3A_932, %sub3A_937 : vector<16xi32>
        %sub3A_939 = arith.constant 65535 : i32
        %sub3A_940 = vector.broadcast %sub3A_939 : i32 to vector<16xi32>
        %sub3A_941 = arith.subi %sub3A_940, %sub3A_932 : vector<16xi32>
        %select_n3A_942 = arith.select %ge3A_935, %sub3A_938, %sub3A_941 : vector<16xi1>, vector<16xi32>
        %shift_left3A_943 = arith.constant 16 : i32
        %shift_left3A_944 = vector.broadcast %shift_left3A_943 : i32 to vector<16xi32>
        %shift_left3A_945 = arith.shli %select_n3A_942, %shift_left3A_944 : vector<16xi32>
        %or3A_946 = arith.ori %select_n3A_929, %shift_left3A_945 : vector<16xi32>
        %bitcast3A_947 = vector.bitcast %or3A_946 : vector<16xi32> to vector<32xbf16>
        %scan3A_948 = arith.constant 0 : i32
        %scan3A_949 = arith.constant 16 : i32
        %scan3A_950 = arith.addi %scan3A_948, %scan3A_949 : i32
        %scan3A_951 = arith.constant 1 : i32
        %scan3A_952:4 = scf.for %scan3A_2494 = %scan3A_948 to %scan3A_950 step %scan3A_951 iter_args(%scan3A_2495 = %broadcast_in_dim3A_7, %scan3A_2496 = %broadcast_in_dim3A_7, %scan3A_2497 = %broadcast_in_dim3A_7, %scan3A_2498 = %broadcast_in_dim3A_7) -> (vector<32xbf16>, vector<32xbf16>, vector<32xbf16>, vector<32xbf16>)  : i32 {
          %mul3A_2499 = arith.constant 4 : i32
          %mul3A_2500 = arith.muli %scan3A_2494, %mul3A_2499 : i32
          %add3A_2501 = arith.constant 0 : i32
          %add3A_2502 = arith.addi %mul3A_2500, %add3A_2501 : i32
          %mul3A_2503 = arith.constant 16 : i32
          %mul3A_2504 = arith.muli %add3A_2502, %mul3A_2503 : i32
          %add3A_2505 = arith.addi %mul3A_87, %mul3A_2504 : i32
          %get3A = arith.index_cast %add3A_2505 : i32 to index
          %get3A_2506 = tpu.vector_load %arg5[%get3A] {strides = array<i32>} : memref<8192xi32, #tpu.memory_space<vmem>>, vector<16xi32>,
          %bitcast3A_2507 = vector.bitcast %get3A_2506 : vector<16xi32> to vector<32xbf16>
          %ge3A_2508 = arith.cmpf oge, %bitcast3A_2507, %bitcast3A_916 : vector<32xbf16>
          %select_n3A_2509 = arith.select %ge3A_2508, %broadcast_in_dim3A_9, %broadcast_in_dim3A_7 : vector<32xi1>, vector<32xbf16>
          %le3A = arith.cmpf ole, %bitcast3A_2507, %bitcast3A_947 : vector<32xbf16>
          %select_n3A_2510 = arith.select %le3A, %broadcast_in_dim3A_9, %broadcast_in_dim3A_7 : vector<32xi1>, vector<32xbf16>
          %add3A_2511 = arith.addf %scan3A_2495, %select_n3A_2509 : vector<32xbf16>
          %add3A_2512 = arith.addf %scan3A_2497, %select_n3A_2510 : vector<32xbf16>
          %mul3A_2513 = arith.constant 4 : i32
          %mul3A_2514 = arith.muli %scan3A_2494, %mul3A_2513 : i32
          %add3A_2515 = arith.constant 1 : i32
          %add3A_2516 = arith.addi %mul3A_2514, %add3A_2515 : i32
          %mul3A_2517 = arith.constant 16 : i32
          %mul3A_2518 = arith.muli %add3A_2516, %mul3A_2517 : i32
          %add3A_2519 = arith.addi %mul3A_87, %mul3A_2518 : i32
          %get3A_2520 = arith.index_cast %add3A_2519 : i32 to index
          %get3A_2521 = tpu.vector_load %arg5[%get3A_2520] {strides = array<i32>} : memref<8192xi32, #tpu.memory_space<vmem>>, vector<16xi32>,
          %bitcast3A_2522 = vector.bitcast %get3A_2521 : vector<16xi32> to vector<32xbf16>
          %ge3A_2523 = arith.cmpf oge, %bitcast3A_2522, %bitcast3A_916 : vector<32xbf16>
          %select_n3A_2524 = arith.select %ge3A_2523, %broadcast_in_dim3A_9, %broadcast_in_dim3A_7 : vector<32xi1>, vector<32xbf16>
          %le3A_2525 = arith.cmpf ole, %bitcast3A_2522, %bitcast3A_947 : vector<32xbf16>
          %select_n3A_2526 = arith.select %le3A_2525, %broadcast_in_dim3A_9, %broadcast_in_dim3A_7 : vector<32xi1>, vector<32xbf16>
          %add3A_2527 = arith.addf %scan3A_2496, %select_n3A_2524 : vector<32xbf16>
          %add3A_2528 = arith.addf %scan3A_2498, %select_n3A_2526 : vector<32xbf16>
          %mul3A_2529 = arith.constant 4 : i32
          %mul3A_2530 = arith.muli %scan3A_2494, %mul3A_2529 : i32
          %add3A_2531 = arith.constant 2 : i32
          %add3A_2532 = arith.addi %mul3A_2530, %add3A_2531 : i32
          %mul3A_2533 = arith.constant 16 : i32
          %mul3A_2534 = arith.muli %add3A_2532, %mul3A_2533 : i32
          %add3A_2535 = arith.addi %mul3A_87, %mul3A_2534 : i32
          %get3A_2536 = arith.index_cast %add3A_2535 : i32 to index
          %get3A_2537 = tpu.vector_load %arg5[%get3A_2536] {strides = array<i32>} : memref<8192xi32, #tpu.memory_space<vmem>>, vector<16xi32>,
          %bitcast3A_2538 = vector.bitcast %get3A_2537 : vector<16xi32> to vector<32xbf16>
          %ge3A_2539 = arith.cmpf oge, %bitcast3A_2538, %bitcast3A_916 : vector<32xbf16>
          %select_n3A_2540 = arith.select %ge3A_2539, %broadcast_in_dim3A_9, %broadcast_in_dim3A_7 : vector<32xi1>, vector<32xbf16>
          %le3A_2541 = arith.cmpf ole, %bitcast3A_2538, %bitcast3A_947 : vector<32xbf16>
          %select_n3A_2542 = arith.select %le3A_2541, %broadcast_in_dim3A_9, %broadcast_in_dim3A_7 : vector<32xi1>, vector<32xbf16>
          %add3A_2543 = arith.addf %add3A_2511, %select_n3A_2540 : vector<32xbf16>
          %add3A_2544 = arith.addf %add3A_2512, %select_n3A_2542 : vector<32xbf16>
          %mul3A_2545 = arith.constant 4 : i32
          %mul3A_2546 = arith.muli %scan3A_2494, %mul3A_2545 : i32
          %add3A_2547 = arith.constant 3 : i32
          %add3A_2548 = arith.addi %mul3A_2546, %add3A_2547 : i32
          %mul3A_2549 = arith.constant 16 : i32
          %mul3A_2550 = arith.muli %add3A_2548, %mul3A_2549 : i32
          %add3A_2551 = arith.addi %mul3A_87, %mul3A_2550 : i32
          %get3A_2552 = arith.index_cast %add3A_2551 : i32 to index
          %get3A_2553 = tpu.vector_load %arg5[%get3A_2552] {strides = array<i32>} : memref<8192xi32, #tpu.memory_space<vmem>>, vector<16xi32>,
          %bitcast3A_2554 = vector.bitcast %get3A_2553 : vector<16xi32> to vector<32xbf16>
          %ge3A_2555 = arith.cmpf oge, %bitcast3A_2554, %bitcast3A_916 : vector<32xbf16>
          %select_n3A_2556 = arith.select %ge3A_2555, %broadcast_in_dim3A_9, %broadcast_in_dim3A_7 : vector<32xi1>, vector<32xbf16>
          %le3A_2557 = arith.cmpf ole, %bitcast3A_2554, %bitcast3A_947 : vector<32xbf16>
          %select_n3A_2558 = arith.select %le3A_2557, %broadcast_in_dim3A_9, %broadcast_in_dim3A_7 : vector<32xi1>, vector<32xbf16>
          %add3A_2559 = arith.addf %add3A_2527, %select_n3A_2556 : vector<32xbf16>
          %add3A_2560 = arith.addf %add3A_2528, %select_n3A_2558 : vector<32xbf16>
          scf.yield %add3A_2543, %add3A_2559, %add3A_2544, %add3A_2560 : vector<32xbf16>, vector<32xbf16>, vector<32xbf16>, vector<32xbf16>
        }
        %scan3A_953 = arith.constant 16 : i32
        %add3A_954 = arith.addf %scan3A_952#0, %scan3A_952#1 : vector<32xbf16>
        %unpack3A_955 = tpu.unpack_subelements %add3A_954, 0 {pack_format = #tpu.pack_format<interleaved>} : vector<32xbf16> -> vector<16xf32>
        %unpack3A_956 = tpu.unpack_subelements %add3A_954, 1 {pack_format = #tpu.pack_format<interleaved>} : vector<32xbf16> -> vector<16xf32>
        %add3A_957 = arith.addf %scan3A_952#2, %scan3A_952#3 : vector<32xbf16>
        %unpack3A_958 = tpu.unpack_subelements %add3A_957, 0 {pack_format = #tpu.pack_format<interleaved>} : vector<32xbf16> -> vector<16xf32>
        %unpack3A_959 = tpu.unpack_subelements %add3A_957, 1 {pack_format = #tpu.pack_format<interleaved>} : vector<32xbf16> -> vector<16xf32>
        %broadcast_in_dim3A_960 = vector.shape_cast %xor3A_11 : vector<16xi32> to vector<16x1xi32>
        %gather3A_961 = vector.shape_cast %broadcast_in_dim3A_960 : vector<16x1xi32> to vector<16xi32>
        %gather3A_962 = tpu.dynamic_gather %unpack3A_955[%gather3A_961] in [0] : vector<16xf32>, vector<16xi32> -> vector<16xf32>
        %add3A_963 = arith.addf %unpack3A_955, %gather3A_962 : vector<16xf32>
        %broadcast_in_dim3A_964 = vector.shape_cast %xor3A_14 : vector<16xi32> to vector<16x1xi32>
        %gather3A_965 = vector.shape_cast %broadcast_in_dim3A_964 : vector<16x1xi32> to vector<16xi32>
        %gather3A_966 = tpu.dynamic_gather %add3A_963[%gather3A_965] in [0] : vector<16xf32>, vector<16xi32> -> vector<16xf32>
        %add3A_967 = arith.addf %add3A_963, %gather3A_966 : vector<16xf32>
        %broadcast_in_dim3A_968 = vector.shape_cast %xor3A_17 : vector<16xi32> to vector<16x1xi32>
        %gather3A_969 = vector.shape_cast %broadcast_in_dim3A_968 : vector<16x1xi32> to vector<16xi32>
        %gather3A_970 = tpu.dynamic_gather %add3A_967[%gather3A_969] in [0] : vector<16xf32>, vector<16xi32> -> vector<16xf32>
        %add3A_971 = arith.addf %add3A_967, %gather3A_970 : vector<16xf32>
        %broadcast_in_dim3A_972 = vector.shape_cast %xor3A_20 : vector<16xi32> to vector<16x1xi32>
        %gather3A_973 = vector.shape_cast %broadcast_in_dim3A_972 : vector<16x1xi32> to vector<16xi32>
        %gather3A_974 = tpu.dynamic_gather %add3A_971[%gather3A_973] in [0] : vector<16xf32>, vector<16xi32> -> vector<16xf32>
        %add3A_975 = arith.addf %add3A_971, %gather3A_974 : vector<16xf32>
        %broadcast_in_dim3A_976 = vector.shape_cast %xor3A_11 : vector<16xi32> to vector<16x1xi32>
        %gather3A_977 = vector.shape_cast %broadcast_in_dim3A_976 : vector<16x1xi32> to vector<16xi32>
        %gather3A_978 = tpu.dynamic_gather %unpack3A_956[%gather3A_977] in [0] : vector<16xf32>, vector<16xi32> -> vector<16xf32>
        %add3A_979 = arith.addf %unpack3A_956, %gather3A_978 : vector<16xf32>
        %broadcast_in_dim3A_980 = vector.shape_cast %xor3A_14 : vector<16xi32> to vector<16x1xi32>
        %gather3A_981 = vector.shape_cast %broadcast_in_dim3A_980 : vector<16x1xi32> to vector<16xi32>
        %gather3A_982 = tpu.dynamic_gather %add3A_979[%gather3A_981] in [0] : vector<16xf32>, vector<16xi32> -> vector<16xf32>
        %add3A_983 = arith.addf %add3A_979, %gather3A_982 : vector<16xf32>
        %broadcast_in_dim3A_984 = vector.shape_cast %xor3A_17 : vector<16xi32> to vector<16x1xi32>
        %gather3A_985 = vector.shape_cast %broadcast_in_dim3A_984 : vector<16x1xi32> to vector<16xi32>
        %gather3A_986 = tpu.dynamic_gather %add3A_983[%gather3A_985] in [0] : vector<16xf32>, vector<16xi32> -> vector<16xf32>
        %add3A_987 = arith.addf %add3A_983, %gather3A_986 : vector<16xf32>
        %broadcast_in_dim3A_988 = vector.shape_cast %xor3A_20 : vector<16xi32> to vector<16x1xi32>
        %gather3A_989 = vector.shape_cast %broadcast_in_dim3A_988 : vector<16x1xi32> to vector<16xi32>
        %gather3A_990 = tpu.dynamic_gather %add3A_987[%gather3A_989] in [0] : vector<16xf32>, vector<16xi32> -> vector<16xf32>
        %add3A_991 = arith.addf %add3A_987, %gather3A_990 : vector<16xf32>
        %broadcast_in_dim3A_992 = vector.shape_cast %xor3A_11 : vector<16xi32> to vector<16x1xi32>
        %gather3A_993 = vector.shape_cast %broadcast_in_dim3A_992 : vector<16x1xi32> to vector<16xi32>
        %gather3A_994 = tpu.dynamic_gather %unpack3A_958[%gather3A_993] in [0] : vector<16xf32>, vector<16xi32> -> vector<16xf32>
        %add3A_995 = arith.addf %unpack3A_958, %gather3A_994 : vector<16xf32>
        %broadcast_in_dim3A_996 = vector.shape_cast %xor3A_14 : vector<16xi32> to vector<16x1xi32>
        %gather3A_997 = vector.shape_cast %broadcast_in_dim3A_996 : vector<16x1xi32> to vector<16xi32>
        %gather3A_998 = tpu.dynamic_gather %add3A_995[%gather3A_997] in [0] : vector<16xf32>, vector<16xi32> -> vector<16xf32>
        %add3A_999 = arith.addf %add3A_995, %gather3A_998 : vector<16xf32>
        %broadcast_in_dim3A_1000 = vector.shape_cast %xor3A_17 : vector<16xi32> to vector<16x1xi32>
        %gather3A_1001 = vector.shape_cast %broadcast_in_dim3A_1000 : vector<16x1xi32> to vector<16xi32>
        %gather3A_1002 = tpu.dynamic_gather %add3A_999[%gather3A_1001] in [0] : vector<16xf32>, vector<16xi32> -> vector<16xf32>
        %add3A_1003 = arith.addf %add3A_999, %gather3A_1002 : vector<16xf32>
        %broadcast_in_dim3A_1004 = vector.shape_cast %xor3A_20 : vector<16xi32> to vector<16x1xi32>
        %gather3A_1005 = vector.shape_cast %broadcast_in_dim3A_1004 : vector<16x1xi32> to vector<16xi32>
        %gather3A_1006 = tpu.dynamic_gather %add3A_1003[%gather3A_1005] in [0] : vector<16xf32>, vector<16xi32> -> vector<16xf32>
        %add3A_1007 = arith.addf %add3A_1003, %gather3A_1006 : vector<16xf32>
        %broadcast_in_dim3A_1008 = vector.shape_cast %xor3A_11 : vector<16xi32> to vector<16x1xi32>
        %gather3A_1009 = vector.shape_cast %broadcast_in_dim3A_1008 : vector<16x1xi32> to vector<16xi32>
        %gather3A_1010 = tpu.dynamic_gather %unpack3A_959[%gather3A_1009] in [0] : vector<16xf32>, vector<16xi32> -> vector<16xf32>
        %add3A_1011 = arith.addf %unpack3A_959, %gather3A_1010 : vector<16xf32>
        %broadcast_in_dim3A_1012 = vector.shape_cast %xor3A_14 : vector<16xi32> to vector<16x1xi32>
        %gather3A_1013 = vector.shape_cast %broadcast_in_dim3A_1012 : vector<16x1xi32> to vector<16xi32>
        %gather3A_1014 = tpu.dynamic_gather %add3A_1011[%gather3A_1013] in [0] : vector<16xf32>, vector<16xi32> -> vector<16xf32>
        %add3A_1015 = arith.addf %add3A_1011, %gather3A_1014 : vector<16xf32>
        %broadcast_in_dim3A_1016 = vector.shape_cast %xor3A_17 : vector<16xi32> to vector<16x1xi32>
        %gather3A_1017 = vector.shape_cast %broadcast_in_dim3A_1016 : vector<16x1xi32> to vector<16xi32>
        %gather3A_1018 = tpu.dynamic_gather %add3A_1015[%gather3A_1017] in [0] : vector<16xf32>, vector<16xi32> -> vector<16xf32>
        %add3A_1019 = arith.addf %add3A_1015, %gather3A_1018 : vector<16xf32>
        %broadcast_in_dim3A_1020 = vector.shape_cast %xor3A_20 : vector<16xi32> to vector<16x1xi32>
        %gather3A_1021 = vector.shape_cast %broadcast_in_dim3A_1020 : vector<16x1xi32> to vector<16xi32>
        %gather3A_1022 = tpu.dynamic_gather %add3A_1019[%gather3A_1021] in [0] : vector<16xf32>, vector<16xi32> -> vector<16xf32>
        %add3A_1023 = arith.addf %add3A_1019, %gather3A_1022 : vector<16xf32>
        %ge3A_1024 = arith.constant 2.050000e+02 : f32
        %ge3A_1025 = vector.broadcast %ge3A_1024 : f32 to vector<16xf32>
        %ge3A_1026 = arith.cmpf oge, %add3A_975, %ge3A_1025 : vector<16xf32>
        %select_n3A_1027 = arith.select %ge3A_1026, %add3A_882, %select_n3A_867 : vector<16xi1>, vector<16xi32>
        %ge3A_1028 = arith.constant 2.050000e+02 : f32
        %ge3A_1029 = vector.broadcast %ge3A_1028 : f32 to vector<16xf32>
        %ge3A_1030 = arith.cmpf oge, %add3A_991, %ge3A_1029 : vector<16xf32>
        %select_n3A_1031 = arith.select %ge3A_1030, %add3A_885, %select_n3A_871 : vector<16xi1>, vector<16xi32>
        %ge3A_1032 = arith.constant 2.050000e+02 : f32
        %ge3A_1033 = vector.broadcast %ge3A_1032 : f32 to vector<16xf32>
        %ge3A_1034 = arith.cmpf oge, %add3A_1007, %ge3A_1033 : vector<16xf32>
        %select_n3A_1035 = arith.select %ge3A_1034, %add3A_888, %select_n3A_875 : vector<16xi1>, vector<16xi32>
        %ge3A_1036 = arith.constant 2.050000e+02 : f32
        %ge3A_1037 = vector.broadcast %ge3A_1036 : f32 to vector<16xf32>
        %ge3A_1038 = arith.cmpf oge, %add3A_1023, %ge3A_1037 : vector<16xf32>
        %select_n3A_1039 = arith.select %ge3A_1038, %add3A_891, %select_n3A_879 : vector<16xi1>, vector<16xi32>
        %add3A_1040 = arith.constant 512 : i32
        %add3A_1041 = vector.broadcast %add3A_1040 : i32 to vector<16xi32>
        %add3A_1042 = arith.addi %select_n3A_1027, %add3A_1041 : vector<16xi32>
        %add3A_1043 = arith.constant 512 : i32
        %add3A_1044 = vector.broadcast %add3A_1043 : i32 to vector<16xi32>
        %add3A_1045 = arith.addi %select_n3A_1031, %add3A_1044 : vector<16xi32>
        %add3A_1046 = arith.constant 512 : i32
        %add3A_1047 = vector.broadcast %add3A_1046 : i32 to vector<16xi32>
        %add3A_1048 = arith.addi %select_n3A_1035, %add3A_1047 : vector<16xi32>
        %add3A_1049 = arith.constant 512 : i32
        %add3A_1050 = vector.broadcast %add3A_1049 : i32 to vector<16xi32>
        %add3A_1051 = arith.addi %select_n3A_1039, %add3A_1050 : vector<16xi32>
        %ge3A_1052 = arith.constant 32768 : i32
        %ge3A_1053 = vector.broadcast %ge3A_1052 : i32 to vector<16xi32>
        %ge3A_1054 = arith.cmpi sge, %add3A_1042, %ge3A_1053 : vector<16xi32>
        %sub3A_1055 = arith.constant 32768 : i32
        %sub3A_1056 = vector.broadcast %sub3A_1055 : i32 to vector<16xi32>
        %sub3A_1057 = arith.subi %add3A_1042, %sub3A_1056 : vector<16xi32>
        %sub3A_1058 = arith.constant 65535 : i32
        %sub3A_1059 = vector.broadcast %sub3A_1058 : i32 to vector<16xi32>
        %sub3A_1060 = arith.subi %sub3A_1059, %add3A_1042 : vector<16xi32>
        %select_n3A_1061 = arith.select %ge3A_1054, %sub3A_1057, %sub3A_1060 : vector<16xi1>, vector<16xi32>
        %ge3A_1062 = arith.constant 32768 : i32
        %ge3A_1063 = vector.broadcast %ge3A_1062 : i32 to vector<16xi32>
        %ge3A_1064 = arith.cmpi sge, %add3A_1045, %ge3A_1063 : vector<16xi32>
        %sub3A_1065 = arith.constant 32768 : i32
        %sub3A_1066 = vector.broadcast %sub3A_1065 : i32 to vector<16xi32>
        %sub3A_1067 = arith.subi %add3A_1045, %sub3A_1066 : vector<16xi32>
        %sub3A_1068 = arith.constant 65535 : i32
        %sub3A_1069 = vector.broadcast %sub3A_1068 : i32 to vector<16xi32>
        %sub3A_1070 = arith.subi %sub3A_1069, %add3A_1045 : vector<16xi32>
        %select_n3A_1071 = arith.select %ge3A_1064, %sub3A_1067, %sub3A_1070 : vector<16xi1>, vector<16xi32>
        %shift_left3A_1072 = arith.constant 16 : i32
        %shift_left3A_1073 = vector.broadcast %shift_left3A_1072 : i32 to vector<16xi32>
        %shift_left3A_1074 = arith.shli %select_n3A_1071, %shift_left3A_1073 : vector<16xi32>
        %or3A_1075 = arith.ori %select_n3A_1061, %shift_left3A_1074 : vector<16xi32>
        %bitcast3A_1076 = vector.bitcast %or3A_1075 : vector<16xi32> to vector<32xbf16>
        %sub3A_1077 = arith.constant 65535 : i32
        %sub3A_1078 = vector.broadcast %sub3A_1077 : i32 to vector<16xi32>
        %sub3A_1079 = arith.subi %sub3A_1078, %add3A_1048 : vector<16xi32>
        %ge3A_1080 = arith.constant 32768 : i32
        %ge3A_1081 = vector.broadcast %ge3A_1080 : i32 to vector<16xi32>
        %ge3A_1082 = arith.cmpi sge, %sub3A_1079, %ge3A_1081 : vector<16xi32>
        %sub3A_1083 = arith.constant 32768 : i32
        %sub3A_1084 = vector.broadcast %sub3A_1083 : i32 to vector<16xi32>
        %sub3A_1085 = arith.subi %sub3A_1079, %sub3A_1084 : vector<16xi32>
        %sub3A_1086 = arith.constant 65535 : i32
        %sub3A_1087 = vector.broadcast %sub3A_1086 : i32 to vector<16xi32>
        %sub3A_1088 = arith.subi %sub3A_1087, %sub3A_1079 : vector<16xi32>
        %select_n3A_1089 = arith.select %ge3A_1082, %sub3A_1085, %sub3A_1088 : vector<16xi1>, vector<16xi32>
        %sub3A_1090 = arith.constant 65535 : i32
        %sub3A_1091 = vector.broadcast %sub3A_1090 : i32 to vector<16xi32>
        %sub3A_1092 = arith.subi %sub3A_1091, %add3A_1051 : vector<16xi32>
        %ge3A_1093 = arith.constant 32768 : i32
        %ge3A_1094 = vector.broadcast %ge3A_1093 : i32 to vector<16xi32>
        %ge3A_1095 = arith.cmpi sge, %sub3A_1092, %ge3A_1094 : vector<16xi32>
        %sub3A_1096 = arith.constant 32768 : i32
        %sub3A_1097 = vector.broadcast %sub3A_1096 : i32 to vector<16xi32>
        %sub3A_1098 = arith.subi %sub3A_1092, %sub3A_1097 : vector<16xi32>
        %sub3A_1099 = arith.constant 65535 : i32
        %sub3A_1100 = vector.broadcast %sub3A_1099 : i32 to vector<16xi32>
        %sub3A_1101 = arith.subi %sub3A_1100, %sub3A_1092 : vector<16xi32>
        %select_n3A_1102 = arith.select %ge3A_1095, %sub3A_1098, %sub3A_1101 : vector<16xi1>, vector<16xi32>
        %shift_left3A_1103 = arith.constant 16 : i32
        %shift_left3A_1104 = vector.broadcast %shift_left3A_1103 : i32 to vector<16xi32>
        %shift_left3A_1105 = arith.shli %select_n3A_1102, %shift_left3A_1104 : vector<16xi32>
        %or3A_1106 = arith.ori %select_n3A_1089, %shift_left3A_1105 : vector<16xi32>
        %bitcast3A_1107 = vector.bitcast %or3A_1106 : vector<16xi32> to vector<32xbf16>
        %scan3A_1108 = arith.constant 0 : i32
        %scan3A_1109 = arith.constant 16 : i32
        %scan3A_1110 = arith.addi %scan3A_1108, %scan3A_1109 : i32
        %scan3A_1111 = arith.constant 1 : i32
        %scan3A_1112:4 = scf.for %scan3A_2494 = %scan3A_1108 to %scan3A_1110 step %scan3A_1111 iter_args(%scan3A_2495 = %broadcast_in_dim3A_7, %scan3A_2496 = %broadcast_in_dim3A_7, %scan3A_2497 = %broadcast_in_dim3A_7, %scan3A_2498 = %broadcast_in_dim3A_7) -> (vector<32xbf16>, vector<32xbf16>, vector<32xbf16>, vector<32xbf16>)  : i32 {
          %mul3A_2499 = arith.constant 4 : i32
          %mul3A_2500 = arith.muli %scan3A_2494, %mul3A_2499 : i32
          %add3A_2501 = arith.constant 0 : i32
          %add3A_2502 = arith.addi %mul3A_2500, %add3A_2501 : i32
          %mul3A_2503 = arith.constant 16 : i32
          %mul3A_2504 = arith.muli %add3A_2502, %mul3A_2503 : i32
          %add3A_2505 = arith.addi %mul3A_87, %mul3A_2504 : i32
          %get3A = arith.index_cast %add3A_2505 : i32 to index
          %get3A_2506 = tpu.vector_load %arg5[%get3A] {strides = array<i32>} : memref<8192xi32, #tpu.memory_space<vmem>>, vector<16xi32>,
          %bitcast3A_2507 = vector.bitcast %get3A_2506 : vector<16xi32> to vector<32xbf16>
          %ge3A_2508 = arith.cmpf oge, %bitcast3A_2507, %bitcast3A_1076 : vector<32xbf16>
          %select_n3A_2509 = arith.select %ge3A_2508, %broadcast_in_dim3A_9, %broadcast_in_dim3A_7 : vector<32xi1>, vector<32xbf16>
          %le3A = arith.cmpf ole, %bitcast3A_2507, %bitcast3A_1107 : vector<32xbf16>
          %select_n3A_2510 = arith.select %le3A, %broadcast_in_dim3A_9, %broadcast_in_dim3A_7 : vector<32xi1>, vector<32xbf16>
          %add3A_2511 = arith.addf %scan3A_2495, %select_n3A_2509 : vector<32xbf16>
          %add3A_2512 = arith.addf %scan3A_2497, %select_n3A_2510 : vector<32xbf16>
          %mul3A_2513 = arith.constant 4 : i32
          %mul3A_2514 = arith.muli %scan3A_2494, %mul3A_2513 : i32
          %add3A_2515 = arith.constant 1 : i32
          %add3A_2516 = arith.addi %mul3A_2514, %add3A_2515 : i32
          %mul3A_2517 = arith.constant 16 : i32
          %mul3A_2518 = arith.muli %add3A_2516, %mul3A_2517 : i32
          %add3A_2519 = arith.addi %mul3A_87, %mul3A_2518 : i32
          %get3A_2520 = arith.index_cast %add3A_2519 : i32 to index
          %get3A_2521 = tpu.vector_load %arg5[%get3A_2520] {strides = array<i32>} : memref<8192xi32, #tpu.memory_space<vmem>>, vector<16xi32>,
          %bitcast3A_2522 = vector.bitcast %get3A_2521 : vector<16xi32> to vector<32xbf16>
          %ge3A_2523 = arith.cmpf oge, %bitcast3A_2522, %bitcast3A_1076 : vector<32xbf16>
          %select_n3A_2524 = arith.select %ge3A_2523, %broadcast_in_dim3A_9, %broadcast_in_dim3A_7 : vector<32xi1>, vector<32xbf16>
          %le3A_2525 = arith.cmpf ole, %bitcast3A_2522, %bitcast3A_1107 : vector<32xbf16>
          %select_n3A_2526 = arith.select %le3A_2525, %broadcast_in_dim3A_9, %broadcast_in_dim3A_7 : vector<32xi1>, vector<32xbf16>
          %add3A_2527 = arith.addf %scan3A_2496, %select_n3A_2524 : vector<32xbf16>
          %add3A_2528 = arith.addf %scan3A_2498, %select_n3A_2526 : vector<32xbf16>
          %mul3A_2529 = arith.constant 4 : i32
          %mul3A_2530 = arith.muli %scan3A_2494, %mul3A_2529 : i32
          %add3A_2531 = arith.constant 2 : i32
          %add3A_2532 = arith.addi %mul3A_2530, %add3A_2531 : i32
          %mul3A_2533 = arith.constant 16 : i32
          %mul3A_2534 = arith.muli %add3A_2532, %mul3A_2533 : i32
          %add3A_2535 = arith.addi %mul3A_87, %mul3A_2534 : i32
          %get3A_2536 = arith.index_cast %add3A_2535 : i32 to index
          %get3A_2537 = tpu.vector_load %arg5[%get3A_2536] {strides = array<i32>} : memref<8192xi32, #tpu.memory_space<vmem>>, vector<16xi32>,
          %bitcast3A_2538 = vector.bitcast %get3A_2537 : vector<16xi32> to vector<32xbf16>
          %ge3A_2539 = arith.cmpf oge, %bitcast3A_2538, %bitcast3A_1076 : vector<32xbf16>
          %select_n3A_2540 = arith.select %ge3A_2539, %broadcast_in_dim3A_9, %broadcast_in_dim3A_7 : vector<32xi1>, vector<32xbf16>
          %le3A_2541 = arith.cmpf ole, %bitcast3A_2538, %bitcast3A_1107 : vector<32xbf16>
          %select_n3A_2542 = arith.select %le3A_2541, %broadcast_in_dim3A_9, %broadcast_in_dim3A_7 : vector<32xi1>, vector<32xbf16>
          %add3A_2543 = arith.addf %add3A_2511, %select_n3A_2540 : vector<32xbf16>
          %add3A_2544 = arith.addf %add3A_2512, %select_n3A_2542 : vector<32xbf16>
          %mul3A_2545 = arith.constant 4 : i32
          %mul3A_2546 = arith.muli %scan3A_2494, %mul3A_2545 : i32
          %add3A_2547 = arith.constant 3 : i32
          %add3A_2548 = arith.addi %mul3A_2546, %add3A_2547 : i32
          %mul3A_2549 = arith.constant 16 : i32
          %mul3A_2550 = arith.muli %add3A_2548, %mul3A_2549 : i32
          %add3A_2551 = arith.addi %mul3A_87, %mul3A_2550 : i32
          %get3A_2552 = arith.index_cast %add3A_2551 : i32 to index
          %get3A_2553 = tpu.vector_load %arg5[%get3A_2552] {strides = array<i32>} : memref<8192xi32, #tpu.memory_space<vmem>>, vector<16xi32>,
          %bitcast3A_2554 = vector.bitcast %get3A_2553 : vector<16xi32> to vector<32xbf16>
          %ge3A_2555 = arith.cmpf oge, %bitcast3A_2554, %bitcast3A_1076 : vector<32xbf16>
          %select_n3A_2556 = arith.select %ge3A_2555, %broadcast_in_dim3A_9, %broadcast_in_dim3A_7 : vector<32xi1>, vector<32xbf16>
          %le3A_2557 = arith.cmpf ole, %bitcast3A_2554, %bitcast3A_1107 : vector<32xbf16>
          %select_n3A_2558 = arith.select %le3A_2557, %broadcast_in_dim3A_9, %broadcast_in_dim3A_7 : vector<32xi1>, vector<32xbf16>
          %add3A_2559 = arith.addf %add3A_2527, %select_n3A_2556 : vector<32xbf16>
          %add3A_2560 = arith.addf %add3A_2528, %select_n3A_2558 : vector<32xbf16>
          scf.yield %add3A_2543, %add3A_2559, %add3A_2544, %add3A_2560 : vector<32xbf16>, vector<32xbf16>, vector<32xbf16>, vector<32xbf16>
        }
        %scan3A_1113 = arith.constant 16 : i32
        %add3A_1114 = arith.addf %scan3A_1112#0, %scan3A_1112#1 : vector<32xbf16>
        %unpack3A_1115 = tpu.unpack_subelements %add3A_1114, 0 {pack_format = #tpu.pack_format<interleaved>} : vector<32xbf16> -> vector<16xf32>
        %unpack3A_1116 = tpu.unpack_subelements %add3A_1114, 1 {pack_format = #tpu.pack_format<interleaved>} : vector<32xbf16> -> vector<16xf32>
        %add3A_1117 = arith.addf %scan3A_1112#2, %scan3A_1112#3 : vector<32xbf16>
        %unpack3A_1118 = tpu.unpack_subelements %add3A_1117, 0 {pack_format = #tpu.pack_format<interleaved>} : vector<32xbf16> -> vector<16xf32>
        %unpack3A_1119 = tpu.unpack_subelements %add3A_1117, 1 {pack_format = #tpu.pack_format<interleaved>} : vector<32xbf16> -> vector<16xf32>
        %broadcast_in_dim3A_1120 = vector.shape_cast %xor3A_11 : vector<16xi32> to vector<16x1xi32>
        %gather3A_1121 = vector.shape_cast %broadcast_in_dim3A_1120 : vector<16x1xi32> to vector<16xi32>
        %gather3A_1122 = tpu.dynamic_gather %unpack3A_1115[%gather3A_1121] in [0] : vector<16xf32>, vector<16xi32> -> vector<16xf32>
        %add3A_1123 = arith.addf %unpack3A_1115, %gather3A_1122 : vector<16xf32>
        %broadcast_in_dim3A_1124 = vector.shape_cast %xor3A_14 : vector<16xi32> to vector<16x1xi32>
        %gather3A_1125 = vector.shape_cast %broadcast_in_dim3A_1124 : vector<16x1xi32> to vector<16xi32>
        %gather3A_1126 = tpu.dynamic_gather %add3A_1123[%gather3A_1125] in [0] : vector<16xf32>, vector<16xi32> -> vector<16xf32>
        %add3A_1127 = arith.addf %add3A_1123, %gather3A_1126 : vector<16xf32>
        %broadcast_in_dim3A_1128 = vector.shape_cast %xor3A_17 : vector<16xi32> to vector<16x1xi32>
        %gather3A_1129 = vector.shape_cast %broadcast_in_dim3A_1128 : vector<16x1xi32> to vector<16xi32>
        %gather3A_1130 = tpu.dynamic_gather %add3A_1127[%gather3A_1129] in [0] : vector<16xf32>, vector<16xi32> -> vector<16xf32>
        %add3A_1131 = arith.addf %add3A_1127, %gather3A_1130 : vector<16xf32>
        %broadcast_in_dim3A_1132 = vector.shape_cast %xor3A_20 : vector<16xi32> to vector<16x1xi32>
        %gather3A_1133 = vector.shape_cast %broadcast_in_dim3A_1132 : vector<16x1xi32> to vector<16xi32>
        %gather3A_1134 = tpu.dynamic_gather %add3A_1131[%gather3A_1133] in [0] : vector<16xf32>, vector<16xi32> -> vector<16xf32>
        %add3A_1135 = arith.addf %add3A_1131, %gather3A_1134 : vector<16xf32>
        %broadcast_in_dim3A_1136 = vector.shape_cast %xor3A_11 : vector<16xi32> to vector<16x1xi32>
        %gather3A_1137 = vector.shape_cast %broadcast_in_dim3A_1136 : vector<16x1xi32> to vector<16xi32>
        %gather3A_1138 = tpu.dynamic_gather %unpack3A_1116[%gather3A_1137] in [0] : vector<16xf32>, vector<16xi32> -> vector<16xf32>
        %add3A_1139 = arith.addf %unpack3A_1116, %gather3A_1138 : vector<16xf32>
        %broadcast_in_dim3A_1140 = vector.shape_cast %xor3A_14 : vector<16xi32> to vector<16x1xi32>
        %gather3A_1141 = vector.shape_cast %broadcast_in_dim3A_1140 : vector<16x1xi32> to vector<16xi32>
        %gather3A_1142 = tpu.dynamic_gather %add3A_1139[%gather3A_1141] in [0] : vector<16xf32>, vector<16xi32> -> vector<16xf32>
        %add3A_1143 = arith.addf %add3A_1139, %gather3A_1142 : vector<16xf32>
        %broadcast_in_dim3A_1144 = vector.shape_cast %xor3A_17 : vector<16xi32> to vector<16x1xi32>
        %gather3A_1145 = vector.shape_cast %broadcast_in_dim3A_1144 : vector<16x1xi32> to vector<16xi32>
        %gather3A_1146 = tpu.dynamic_gather %add3A_1143[%gather3A_1145] in [0] : vector<16xf32>, vector<16xi32> -> vector<16xf32>
        %add3A_1147 = arith.addf %add3A_1143, %gather3A_1146 : vector<16xf32>
        %broadcast_in_dim3A_1148 = vector.shape_cast %xor3A_20 : vector<16xi32> to vector<16x1xi32>
        %gather3A_1149 = vector.shape_cast %broadcast_in_dim3A_1148 : vector<16x1xi32> to vector<16xi32>
        %gather3A_1150 = tpu.dynamic_gather %add3A_1147[%gather3A_1149] in [0] : vector<16xf32>, vector<16xi32> -> vector<16xf32>
        %add3A_1151 = arith.addf %add3A_1147, %gather3A_1150 : vector<16xf32>
        %broadcast_in_dim3A_1152 = vector.shape_cast %xor3A_11 : vector<16xi32> to vector<16x1xi32>
        %gather3A_1153 = vector.shape_cast %broadcast_in_dim3A_1152 : vector<16x1xi32> to vector<16xi32>
        %gather3A_1154 = tpu.dynamic_gather %unpack3A_1118[%gather3A_1153] in [0] : vector<16xf32>, vector<16xi32> -> vector<16xf32>
        %add3A_1155 = arith.addf %unpack3A_1118, %gather3A_1154 : vector<16xf32>
        %broadcast_in_dim3A_1156 = vector.shape_cast %xor3A_14 : vector<16xi32> to vector<16x1xi32>
        %gather3A_1157 = vector.shape_cast %broadcast_in_dim3A_1156 : vector<16x1xi32> to vector<16xi32>
        %gather3A_1158 = tpu.dynamic_gather %add3A_1155[%gather3A_1157] in [0] : vector<16xf32>, vector<16xi32> -> vector<16xf32>
        %add3A_1159 = arith.addf %add3A_1155, %gather3A_1158 : vector<16xf32>
        %broadcast_in_dim3A_1160 = vector.shape_cast %xor3A_17 : vector<16xi32> to vector<16x1xi32>
        %gather3A_1161 = vector.shape_cast %broadcast_in_dim3A_1160 : vector<16x1xi32> to vector<16xi32>
        %gather3A_1162 = tpu.dynamic_gather %add3A_1159[%gather3A_1161] in [0] : vector<16xf32>, vector<16xi32> -> vector<16xf32>
        %add3A_1163 = arith.addf %add3A_1159, %gather3A_1162 : vector<16xf32>
        %broadcast_in_dim3A_1164 = vector.shape_cast %xor3A_20 : vector<16xi32> to vector<16x1xi32>
        %gather3A_1165 = vector.shape_cast %broadcast_in_dim3A_1164 : vector<16x1xi32> to vector<16xi32>
        %gather3A_1166 = tpu.dynamic_gather %add3A_1163[%gather3A_1165] in [0] : vector<16xf32>, vector<16xi32> -> vector<16xf32>
        %add3A_1167 = arith.addf %add3A_1163, %gather3A_1166 : vector<16xf32>
        %broadcast_in_dim3A_1168 = vector.shape_cast %xor3A_11 : vector<16xi32> to vector<16x1xi32>
        %gather3A_1169 = vector.shape_cast %broadcast_in_dim3A_1168 : vector<16x1xi32> to vector<16xi32>
        %gather3A_1170 = tpu.dynamic_gather %unpack3A_1119[%gather3A_1169] in [0] : vector<16xf32>, vector<16xi32> -> vector<16xf32>
        %add3A_1171 = arith.addf %unpack3A_1119, %gather3A_1170 : vector<16xf32>
        %broadcast_in_dim3A_1172 = vector.shape_cast %xor3A_14 : vector<16xi32> to vector<16x1xi32>
        %gather3A_1173 = vector.shape_cast %broadcast_in_dim3A_1172 : vector<16x1xi32> to vector<16xi32>
        %gather3A_1174 = tpu.dynamic_gather %add3A_1171[%gather3A_1173] in [0] : vector<16xf32>, vector<16xi32> -> vector<16xf32>
        %add3A_1175 = arith.addf %add3A_1171, %gather3A_1174 : vector<16xf32>
        %broadcast_in_dim3A_1176 = vector.shape_cast %xor3A_17 : vector<16xi32> to vector<16x1xi32>
        %gather3A_1177 = vector.shape_cast %broadcast_in_dim3A_1176 : vector<16x1xi32> to vector<16xi32>
        %gather3A_1178 = tpu.dynamic_gather %add3A_1175[%gather3A_1177] in [0] : vector<16xf32>, vector<16xi32> -> vector<16xf32>
        %add3A_1179 = arith.addf %add3A_1175, %gather3A_1178 : vector<16xf32>
        %broadcast_in_dim3A_1180 = vector.shape_cast %xor3A_20 : vector<16xi32> to vector<16x1xi32>
        %gather3A_1181 = vector.shape_cast %broadcast_in_dim3A_1180 : vector<16x1xi32> to vector<16xi32>
        %gather3A_1182 = tpu.dynamic_gather %add3A_1179[%gather3A_1181] in [0] : vector<16xf32>, vector<16xi32> -> vector<16xf32>
        %add3A_1183 = arith.addf %add3A_1179, %gather3A_1182 : vector<16xf32>
        %ge3A_1184 = arith.constant 2.050000e+02 : f32
        %ge3A_1185 = vector.broadcast %ge3A_1184 : f32 to vector<16xf32>
        %ge3A_1186 = arith.cmpf oge, %add3A_1135, %ge3A_1185 : vector<16xf32>
        %select_n3A_1187 = arith.select %ge3A_1186, %add3A_1042, %select_n3A_1027 : vector<16xi1>, vector<16xi32>
        %ge3A_1188 = arith.constant 2.050000e+02 : f32
        %ge3A_1189 = vector.broadcast %ge3A_1188 : f32 to vector<16xf32>
        %ge3A_1190 = arith.cmpf oge, %add3A_1151, %ge3A_1189 : vector<16xf32>
        %select_n3A_1191 = arith.select %ge3A_1190, %add3A_1045, %select_n3A_1031 : vector<16xi1>, vector<16xi32>
        %ge3A_1192 = arith.constant 2.050000e+02 : f32
        %ge3A_1193 = vector.broadcast %ge3A_1192 : f32 to vector<16xf32>
        %ge3A_1194 = arith.cmpf oge, %add3A_1167, %ge3A_1193 : vector<16xf32>
        %select_n3A_1195 = arith.select %ge3A_1194, %add3A_1048, %select_n3A_1035 : vector<16xi1>, vector<16xi32>
        %ge3A_1196 = arith.constant 2.050000e+02 : f32
        %ge3A_1197 = vector.broadcast %ge3A_1196 : f32 to vector<16xf32>
        %ge3A_1198 = arith.cmpf oge, %add3A_1183, %ge3A_1197 : vector<16xf32>
        %select_n3A_1199 = arith.select %ge3A_1198, %add3A_1051, %select_n3A_1039 : vector<16xi1>, vector<16xi32>
        %add3A_1200 = arith.constant 256 : i32
        %add3A_1201 = vector.broadcast %add3A_1200 : i32 to vector<16xi32>
        %add3A_1202 = arith.addi %select_n3A_1187, %add3A_1201 : vector<16xi32>
        %add3A_1203 = arith.constant 256 : i32
        %add3A_1204 = vector.broadcast %add3A_1203 : i32 to vector<16xi32>
        %add3A_1205 = arith.addi %select_n3A_1191, %add3A_1204 : vector<16xi32>
        %add3A_1206 = arith.constant 256 : i32
        %add3A_1207 = vector.broadcast %add3A_1206 : i32 to vector<16xi32>
        %add3A_1208 = arith.addi %select_n3A_1195, %add3A_1207 : vector<16xi32>
        %add3A_1209 = arith.constant 256 : i32
        %add3A_1210 = vector.broadcast %add3A_1209 : i32 to vector<16xi32>
        %add3A_1211 = arith.addi %select_n3A_1199, %add3A_1210 : vector<16xi32>
        %ge3A_1212 = arith.constant 32768 : i32
        %ge3A_1213 = vector.broadcast %ge3A_1212 : i32 to vector<16xi32>
        %ge3A_1214 = arith.cmpi sge, %add3A_1202, %ge3A_1213 : vector<16xi32>
        %sub3A_1215 = arith.constant 32768 : i32
        %sub3A_1216 = vector.broadcast %sub3A_1215 : i32 to vector<16xi32>
        %sub3A_1217 = arith.subi %add3A_1202, %sub3A_1216 : vector<16xi32>
        %sub3A_1218 = arith.constant 65535 : i32
        %sub3A_1219 = vector.broadcast %sub3A_1218 : i32 to vector<16xi32>
        %sub3A_1220 = arith.subi %sub3A_1219, %add3A_1202 : vector<16xi32>
        %select_n3A_1221 = arith.select %ge3A_1214, %sub3A_1217, %sub3A_1220 : vector<16xi1>, vector<16xi32>
        %ge3A_1222 = arith.constant 32768 : i32
        %ge3A_1223 = vector.broadcast %ge3A_1222 : i32 to vector<16xi32>
        %ge3A_1224 = arith.cmpi sge, %add3A_1205, %ge3A_1223 : vector<16xi32>
        %sub3A_1225 = arith.constant 32768 : i32
        %sub3A_1226 = vector.broadcast %sub3A_1225 : i32 to vector<16xi32>
        %sub3A_1227 = arith.subi %add3A_1205, %sub3A_1226 : vector<16xi32>
        %sub3A_1228 = arith.constant 65535 : i32
        %sub3A_1229 = vector.broadcast %sub3A_1228 : i32 to vector<16xi32>
        %sub3A_1230 = arith.subi %sub3A_1229, %add3A_1205 : vector<16xi32>
        %select_n3A_1231 = arith.select %ge3A_1224, %sub3A_1227, %sub3A_1230 : vector<16xi1>, vector<16xi32>
        %shift_left3A_1232 = arith.constant 16 : i32
        %shift_left3A_1233 = vector.broadcast %shift_left3A_1232 : i32 to vector<16xi32>
        %shift_left3A_1234 = arith.shli %select_n3A_1231, %shift_left3A_1233 : vector<16xi32>
        %or3A_1235 = arith.ori %select_n3A_1221, %shift_left3A_1234 : vector<16xi32>
        %bitcast3A_1236 = vector.bitcast %or3A_1235 : vector<16xi32> to vector<32xbf16>
        %sub3A_1237 = arith.constant 65535 : i32
        %sub3A_1238 = vector.broadcast %sub3A_1237 : i32 to vector<16xi32>
        %sub3A_1239 = arith.subi %sub3A_1238, %add3A_1208 : vector<16xi32>
        %ge3A_1240 = arith.constant 32768 : i32
        %ge3A_1241 = vector.broadcast %ge3A_1240 : i32 to vector<16xi32>
        %ge3A_1242 = arith.cmpi sge, %sub3A_1239, %ge3A_1241 : vector<16xi32>
        %sub3A_1243 = arith.constant 32768 : i32
        %sub3A_1244 = vector.broadcast %sub3A_1243 : i32 to vector<16xi32>
        %sub3A_1245 = arith.subi %sub3A_1239, %sub3A_1244 : vector<16xi32>
        %sub3A_1246 = arith.constant 65535 : i32
        %sub3A_1247 = vector.broadcast %sub3A_1246 : i32 to vector<16xi32>
        %sub3A_1248 = arith.subi %sub3A_1247, %sub3A_1239 : vector<16xi32>
        %select_n3A_1249 = arith.select %ge3A_1242, %sub3A_1245, %sub3A_1248 : vector<16xi1>, vector<16xi32>
        %sub3A_1250 = arith.constant 65535 : i32
        %sub3A_1251 = vector.broadcast %sub3A_1250 : i32 to vector<16xi32>
        %sub3A_1252 = arith.subi %sub3A_1251, %add3A_1211 : vector<16xi32>
        %ge3A_1253 = arith.constant 32768 : i32
        %ge3A_1254 = vector.broadcast %ge3A_1253 : i32 to vector<16xi32>
        %ge3A_1255 = arith.cmpi sge, %sub3A_1252, %ge3A_1254 : vector<16xi32>
        %sub3A_1256 = arith.constant 32768 : i32
        %sub3A_1257 = vector.broadcast %sub3A_1256 : i32 to vector<16xi32>
        %sub3A_1258 = arith.subi %sub3A_1252, %sub3A_1257 : vector<16xi32>
        %sub3A_1259 = arith.constant 65535 : i32
        %sub3A_1260 = vector.broadcast %sub3A_1259 : i32 to vector<16xi32>
        %sub3A_1261 = arith.subi %sub3A_1260, %sub3A_1252 : vector<16xi32>
        %select_n3A_1262 = arith.select %ge3A_1255, %sub3A_1258, %sub3A_1261 : vector<16xi1>, vector<16xi32>
        %shift_left3A_1263 = arith.constant 16 : i32
        %shift_left3A_1264 = vector.broadcast %shift_left3A_1263 : i32 to vector<16xi32>
        %shift_left3A_1265 = arith.shli %select_n3A_1262, %shift_left3A_1264 : vector<16xi32>
        %or3A_1266 = arith.ori %select_n3A_1249, %shift_left3A_1265 : vector<16xi32>
        %bitcast3A_1267 = vector.bitcast %or3A_1266 : vector<16xi32> to vector<32xbf16>
        %scan3A_1268 = arith.constant 0 : i32
        %scan3A_1269 = arith.constant 16 : i32
        %scan3A_1270 = arith.addi %scan3A_1268, %scan3A_1269 : i32
        %scan3A_1271 = arith.constant 1 : i32
        %scan3A_1272:4 = scf.for %scan3A_2494 = %scan3A_1268 to %scan3A_1270 step %scan3A_1271 iter_args(%scan3A_2495 = %broadcast_in_dim3A_7, %scan3A_2496 = %broadcast_in_dim3A_7, %scan3A_2497 = %broadcast_in_dim3A_7, %scan3A_2498 = %broadcast_in_dim3A_7) -> (vector<32xbf16>, vector<32xbf16>, vector<32xbf16>, vector<32xbf16>)  : i32 {
          %mul3A_2499 = arith.constant 4 : i32
          %mul3A_2500 = arith.muli %scan3A_2494, %mul3A_2499 : i32
          %add3A_2501 = arith.constant 0 : i32
          %add3A_2502 = arith.addi %mul3A_2500, %add3A_2501 : i32
          %mul3A_2503 = arith.constant 16 : i32
          %mul3A_2504 = arith.muli %add3A_2502, %mul3A_2503 : i32
          %add3A_2505 = arith.addi %mul3A_87, %mul3A_2504 : i32
          %get3A = arith.index_cast %add3A_2505 : i32 to index
          %get3A_2506 = tpu.vector_load %arg5[%get3A] {strides = array<i32>} : memref<8192xi32, #tpu.memory_space<vmem>>, vector<16xi32>,
          %bitcast3A_2507 = vector.bitcast %get3A_2506 : vector<16xi32> to vector<32xbf16>
          %ge3A_2508 = arith.cmpf oge, %bitcast3A_2507, %bitcast3A_1236 : vector<32xbf16>
          %select_n3A_2509 = arith.select %ge3A_2508, %broadcast_in_dim3A_9, %broadcast_in_dim3A_7 : vector<32xi1>, vector<32xbf16>
          %le3A = arith.cmpf ole, %bitcast3A_2507, %bitcast3A_1267 : vector<32xbf16>
          %select_n3A_2510 = arith.select %le3A, %broadcast_in_dim3A_9, %broadcast_in_dim3A_7 : vector<32xi1>, vector<32xbf16>
          %add3A_2511 = arith.addf %scan3A_2495, %select_n3A_2509 : vector<32xbf16>
          %add3A_2512 = arith.addf %scan3A_2497, %select_n3A_2510 : vector<32xbf16>
          %mul3A_2513 = arith.constant 4 : i32
          %mul3A_2514 = arith.muli %scan3A_2494, %mul3A_2513 : i32
          %add3A_2515 = arith.constant 1 : i32
          %add3A_2516 = arith.addi %mul3A_2514, %add3A_2515 : i32
          %mul3A_2517 = arith.constant 16 : i32
          %mul3A_2518 = arith.muli %add3A_2516, %mul3A_2517 : i32
          %add3A_2519 = arith.addi %mul3A_87, %mul3A_2518 : i32
          %get3A_2520 = arith.index_cast %add3A_2519 : i32 to index
          %get3A_2521 = tpu.vector_load %arg5[%get3A_2520] {strides = array<i32>} : memref<8192xi32, #tpu.memory_space<vmem>>, vector<16xi32>,
          %bitcast3A_2522 = vector.bitcast %get3A_2521 : vector<16xi32> to vector<32xbf16>
          %ge3A_2523 = arith.cmpf oge, %bitcast3A_2522, %bitcast3A_1236 : vector<32xbf16>
          %select_n3A_2524 = arith.select %ge3A_2523, %broadcast_in_dim3A_9, %broadcast_in_dim3A_7 : vector<32xi1>, vector<32xbf16>
          %le3A_2525 = arith.cmpf ole, %bitcast3A_2522, %bitcast3A_1267 : vector<32xbf16>
          %select_n3A_2526 = arith.select %le3A_2525, %broadcast_in_dim3A_9, %broadcast_in_dim3A_7 : vector<32xi1>, vector<32xbf16>
          %add3A_2527 = arith.addf %scan3A_2496, %select_n3A_2524 : vector<32xbf16>
          %add3A_2528 = arith.addf %scan3A_2498, %select_n3A_2526 : vector<32xbf16>
          %mul3A_2529 = arith.constant 4 : i32
          %mul3A_2530 = arith.muli %scan3A_2494, %mul3A_2529 : i32
          %add3A_2531 = arith.constant 2 : i32
          %add3A_2532 = arith.addi %mul3A_2530, %add3A_2531 : i32
          %mul3A_2533 = arith.constant 16 : i32
          %mul3A_2534 = arith.muli %add3A_2532, %mul3A_2533 : i32
          %add3A_2535 = arith.addi %mul3A_87, %mul3A_2534 : i32
          %get3A_2536 = arith.index_cast %add3A_2535 : i32 to index
          %get3A_2537 = tpu.vector_load %arg5[%get3A_2536] {strides = array<i32>} : memref<8192xi32, #tpu.memory_space<vmem>>, vector<16xi32>,
          %bitcast3A_2538 = vector.bitcast %get3A_2537 : vector<16xi32> to vector<32xbf16>
          %ge3A_2539 = arith.cmpf oge, %bitcast3A_2538, %bitcast3A_1236 : vector<32xbf16>
          %select_n3A_2540 = arith.select %ge3A_2539, %broadcast_in_dim3A_9, %broadcast_in_dim3A_7 : vector<32xi1>, vector<32xbf16>
          %le3A_2541 = arith.cmpf ole, %bitcast3A_2538, %bitcast3A_1267 : vector<32xbf16>
          %select_n3A_2542 = arith.select %le3A_2541, %broadcast_in_dim3A_9, %broadcast_in_dim3A_7 : vector<32xi1>, vector<32xbf16>
          %add3A_2543 = arith.addf %add3A_2511, %select_n3A_2540 : vector<32xbf16>
          %add3A_2544 = arith.addf %add3A_2512, %select_n3A_2542 : vector<32xbf16>
          %mul3A_2545 = arith.constant 4 : i32
          %mul3A_2546 = arith.muli %scan3A_2494, %mul3A_2545 : i32
          %add3A_2547 = arith.constant 3 : i32
          %add3A_2548 = arith.addi %mul3A_2546, %add3A_2547 : i32
          %mul3A_2549 = arith.constant 16 : i32
          %mul3A_2550 = arith.muli %add3A_2548, %mul3A_2549 : i32
          %add3A_2551 = arith.addi %mul3A_87, %mul3A_2550 : i32
          %get3A_2552 = arith.index_cast %add3A_2551 : i32 to index
          %get3A_2553 = tpu.vector_load %arg5[%get3A_2552] {strides = array<i32>} : memref<8192xi32, #tpu.memory_space<vmem>>, vector<16xi32>,
          %bitcast3A_2554 = vector.bitcast %get3A_2553 : vector<16xi32> to vector<32xbf16>
          %ge3A_2555 = arith.cmpf oge, %bitcast3A_2554, %bitcast3A_1236 : vector<32xbf16>
          %select_n3A_2556 = arith.select %ge3A_2555, %broadcast_in_dim3A_9, %broadcast_in_dim3A_7 : vector<32xi1>, vector<32xbf16>
          %le3A_2557 = arith.cmpf ole, %bitcast3A_2554, %bitcast3A_1267 : vector<32xbf16>
          %select_n3A_2558 = arith.select %le3A_2557, %broadcast_in_dim3A_9, %broadcast_in_dim3A_7 : vector<32xi1>, vector<32xbf16>
          %add3A_2559 = arith.addf %add3A_2527, %select_n3A_2556 : vector<32xbf16>
          %add3A_2560 = arith.addf %add3A_2528, %select_n3A_2558 : vector<32xbf16>
          scf.yield %add3A_2543, %add3A_2559, %add3A_2544, %add3A_2560 : vector<32xbf16>, vector<32xbf16>, vector<32xbf16>, vector<32xbf16>
        }
        %scan3A_1273 = arith.constant 16 : i32
        %add3A_1274 = arith.addf %scan3A_1272#0, %scan3A_1272#1 : vector<32xbf16>
        %unpack3A_1275 = tpu.unpack_subelements %add3A_1274, 0 {pack_format = #tpu.pack_format<interleaved>} : vector<32xbf16> -> vector<16xf32>
        %unpack3A_1276 = tpu.unpack_subelements %add3A_1274, 1 {pack_format = #tpu.pack_format<interleaved>} : vector<32xbf16> -> vector<16xf32>
        %add3A_1277 = arith.addf %scan3A_1272#2, %scan3A_1272#3 : vector<32xbf16>
        %unpack3A_1278 = tpu.unpack_subelements %add3A_1277, 0 {pack_format = #tpu.pack_format<interleaved>} : vector<32xbf16> -> vector<16xf32>
        %unpack3A_1279 = tpu.unpack_subelements %add3A_1277, 1 {pack_format = #tpu.pack_format<interleaved>} : vector<32xbf16> -> vector<16xf32>
        %broadcast_in_dim3A_1280 = vector.shape_cast %xor3A_11 : vector<16xi32> to vector<16x1xi32>
        %gather3A_1281 = vector.shape_cast %broadcast_in_dim3A_1280 : vector<16x1xi32> to vector<16xi32>
        %gather3A_1282 = tpu.dynamic_gather %unpack3A_1275[%gather3A_1281] in [0] : vector<16xf32>, vector<16xi32> -> vector<16xf32>
        %add3A_1283 = arith.addf %unpack3A_1275, %gather3A_1282 : vector<16xf32>
        %broadcast_in_dim3A_1284 = vector.shape_cast %xor3A_14 : vector<16xi32> to vector<16x1xi32>
        %gather3A_1285 = vector.shape_cast %broadcast_in_dim3A_1284 : vector<16x1xi32> to vector<16xi32>
        %gather3A_1286 = tpu.dynamic_gather %add3A_1283[%gather3A_1285] in [0] : vector<16xf32>, vector<16xi32> -> vector<16xf32>
        %add3A_1287 = arith.addf %add3A_1283, %gather3A_1286 : vector<16xf32>
        %broadcast_in_dim3A_1288 = vector.shape_cast %xor3A_17 : vector<16xi32> to vector<16x1xi32>
        %gather3A_1289 = vector.shape_cast %broadcast_in_dim3A_1288 : vector<16x1xi32> to vector<16xi32>
        %gather3A_1290 = tpu.dynamic_gather %add3A_1287[%gather3A_1289] in [0] : vector<16xf32>, vector<16xi32> -> vector<16xf32>
        %add3A_1291 = arith.addf %add3A_1287, %gather3A_1290 : vector<16xf32>
        %broadcast_in_dim3A_1292 = vector.shape_cast %xor3A_20 : vector<16xi32> to vector<16x1xi32>
        %gather3A_1293 = vector.shape_cast %broadcast_in_dim3A_1292 : vector<16x1xi32> to vector<16xi32>
        %gather3A_1294 = tpu.dynamic_gather %add3A_1291[%gather3A_1293] in [0] : vector<16xf32>, vector<16xi32> -> vector<16xf32>
        %add3A_1295 = arith.addf %add3A_1291, %gather3A_1294 : vector<16xf32>
        %broadcast_in_dim3A_1296 = vector.shape_cast %xor3A_11 : vector<16xi32> to vector<16x1xi32>
        %gather3A_1297 = vector.shape_cast %broadcast_in_dim3A_1296 : vector<16x1xi32> to vector<16xi32>
        %gather3A_1298 = tpu.dynamic_gather %unpack3A_1276[%gather3A_1297] in [0] : vector<16xf32>, vector<16xi32> -> vector<16xf32>
        %add3A_1299 = arith.addf %unpack3A_1276, %gather3A_1298 : vector<16xf32>
        %broadcast_in_dim3A_1300 = vector.shape_cast %xor3A_14 : vector<16xi32> to vector<16x1xi32>
        %gather3A_1301 = vector.shape_cast %broadcast_in_dim3A_1300 : vector<16x1xi32> to vector<16xi32>
        %gather3A_1302 = tpu.dynamic_gather %add3A_1299[%gather3A_1301] in [0] : vector<16xf32>, vector<16xi32> -> vector<16xf32>
        %add3A_1303 = arith.addf %add3A_1299, %gather3A_1302 : vector<16xf32>
        %broadcast_in_dim3A_1304 = vector.shape_cast %xor3A_17 : vector<16xi32> to vector<16x1xi32>
        %gather3A_1305 = vector.shape_cast %broadcast_in_dim3A_1304 : vector<16x1xi32> to vector<16xi32>
        %gather3A_1306 = tpu.dynamic_gather %add3A_1303[%gather3A_1305] in [0] : vector<16xf32>, vector<16xi32> -> vector<16xf32>
        %add3A_1307 = arith.addf %add3A_1303, %gather3A_1306 : vector<16xf32>
        %broadcast_in_dim3A_1308 = vector.shape_cast %xor3A_20 : vector<16xi32> to vector<16x1xi32>
        %gather3A_1309 = vector.shape_cast %broadcast_in_dim3A_1308 : vector<16x1xi32> to vector<16xi32>
        %gather3A_1310 = tpu.dynamic_gather %add3A_1307[%gather3A_1309] in [0] : vector<16xf32>, vector<16xi32> -> vector<16xf32>
        %add3A_1311 = arith.addf %add3A_1307, %gather3A_1310 : vector<16xf32>
        %broadcast_in_dim3A_1312 = vector.shape_cast %xor3A_11 : vector<16xi32> to vector<16x1xi32>
        %gather3A_1313 = vector.shape_cast %broadcast_in_dim3A_1312 : vector<16x1xi32> to vector<16xi32>
        %gather3A_1314 = tpu.dynamic_gather %unpack3A_1278[%gather3A_1313] in [0] : vector<16xf32>, vector<16xi32> -> vector<16xf32>
        %add3A_1315 = arith.addf %unpack3A_1278, %gather3A_1314 : vector<16xf32>
        %broadcast_in_dim3A_1316 = vector.shape_cast %xor3A_14 : vector<16xi32> to vector<16x1xi32>
        %gather3A_1317 = vector.shape_cast %broadcast_in_dim3A_1316 : vector<16x1xi32> to vector<16xi32>
        %gather3A_1318 = tpu.dynamic_gather %add3A_1315[%gather3A_1317] in [0] : vector<16xf32>, vector<16xi32> -> vector<16xf32>
        %add3A_1319 = arith.addf %add3A_1315, %gather3A_1318 : vector<16xf32>
        %broadcast_in_dim3A_1320 = vector.shape_cast %xor3A_17 : vector<16xi32> to vector<16x1xi32>
        %gather3A_1321 = vector.shape_cast %broadcast_in_dim3A_1320 : vector<16x1xi32> to vector<16xi32>
        %gather3A_1322 = tpu.dynamic_gather %add3A_1319[%gather3A_1321] in [0] : vector<16xf32>, vector<16xi32> -> vector<16xf32>
        %add3A_1323 = arith.addf %add3A_1319, %gather3A_1322 : vector<16xf32>
        %broadcast_in_dim3A_1324 = vector.shape_cast %xor3A_20 : vector<16xi32> to vector<16x1xi32>
        %gather3A_1325 = vector.shape_cast %broadcast_in_dim3A_1324 : vector<16x1xi32> to vector<16xi32>
        %gather3A_1326 = tpu.dynamic_gather %add3A_1323[%gather3A_1325] in [0] : vector<16xf32>, vector<16xi32> -> vector<16xf32>
        %add3A_1327 = arith.addf %add3A_1323, %gather3A_1326 : vector<16xf32>
        %broadcast_in_dim3A_1328 = vector.shape_cast %xor3A_11 : vector<16xi32> to vector<16x1xi32>
        %gather3A_1329 = vector.shape_cast %broadcast_in_dim3A_1328 : vector<16x1xi32> to vector<16xi32>
        %gather3A_1330 = tpu.dynamic_gather %unpack3A_1279[%gather3A_1329] in [0] : vector<16xf32>, vector<16xi32> -> vector<16xf32>
        %add3A_1331 = arith.addf %unpack3A_1279, %gather3A_1330 : vector<16xf32>
        %broadcast_in_dim3A_1332 = vector.shape_cast %xor3A_14 : vector<16xi32> to vector<16x1xi32>
        %gather3A_1333 = vector.shape_cast %broadcast_in_dim3A_1332 : vector<16x1xi32> to vector<16xi32>
        %gather3A_1334 = tpu.dynamic_gather %add3A_1331[%gather3A_1333] in [0] : vector<16xf32>, vector<16xi32> -> vector<16xf32>
        %add3A_1335 = arith.addf %add3A_1331, %gather3A_1334 : vector<16xf32>
        %broadcast_in_dim3A_1336 = vector.shape_cast %xor3A_17 : vector<16xi32> to vector<16x1xi32>
        %gather3A_1337 = vector.shape_cast %broadcast_in_dim3A_1336 : vector<16x1xi32> to vector<16xi32>
        %gather3A_1338 = tpu.dynamic_gather %add3A_1335[%gather3A_1337] in [0] : vector<16xf32>, vector<16xi32> -> vector<16xf32>
        %add3A_1339 = arith.addf %add3A_1335, %gather3A_1338 : vector<16xf32>
        %broadcast_in_dim3A_1340 = vector.shape_cast %xor3A_20 : vector<16xi32> to vector<16x1xi32>
        %gather3A_1341 = vector.shape_cast %broadcast_in_dim3A_1340 : vector<16x1xi32> to vector<16xi32>
        %gather3A_1342 = tpu.dynamic_gather %add3A_1339[%gather3A_1341] in [0] : vector<16xf32>, vector<16xi32> -> vector<16xf32>
        %add3A_1343 = arith.addf %add3A_1339, %gather3A_1342 : vector<16xf32>
        %ge3A_1344 = arith.constant 2.050000e+02 : f32
        %ge3A_1345 = vector.broadcast %ge3A_1344 : f32 to vector<16xf32>
        %ge3A_1346 = arith.cmpf oge, %add3A_1295, %ge3A_1345 : vector<16xf32>
        %select_n3A_1347 = arith.select %ge3A_1346, %add3A_1202, %select_n3A_1187 : vector<16xi1>, vector<16xi32>
        %ge3A_1348 = arith.constant 2.050000e+02 : f32
        %ge3A_1349 = vector.broadcast %ge3A_1348 : f32 to vector<16xf32>
        %ge3A_1350 = arith.cmpf oge, %add3A_1311, %ge3A_1349 : vector<16xf32>
        %select_n3A_1351 = arith.select %ge3A_1350, %add3A_1205, %select_n3A_1191 : vector<16xi1>, vector<16xi32>
        %ge3A_1352 = arith.constant 2.050000e+02 : f32
        %ge3A_1353 = vector.broadcast %ge3A_1352 : f32 to vector<16xf32>
        %ge3A_1354 = arith.cmpf oge, %add3A_1327, %ge3A_1353 : vector<16xf32>
        %select_n3A_1355 = arith.select %ge3A_1354, %add3A_1208, %select_n3A_1195 : vector<16xi1>, vector<16xi32>
        %ge3A_1356 = arith.constant 2.050000e+02 : f32
        %ge3A_1357 = vector.broadcast %ge3A_1356 : f32 to vector<16xf32>
        %ge3A_1358 = arith.cmpf oge, %add3A_1343, %ge3A_1357 : vector<16xf32>
        %select_n3A_1359 = arith.select %ge3A_1358, %add3A_1211, %select_n3A_1199 : vector<16xi1>, vector<16xi32>
        %add3A_1360 = arith.constant 128 : i32
        %add3A_1361 = vector.broadcast %add3A_1360 : i32 to vector<16xi32>
        %add3A_1362 = arith.addi %select_n3A_1347, %add3A_1361 : vector<16xi32>
        %add3A_1363 = arith.constant 128 : i32
        %add3A_1364 = vector.broadcast %add3A_1363 : i32 to vector<16xi32>
        %add3A_1365 = arith.addi %select_n3A_1351, %add3A_1364 : vector<16xi32>
        %add3A_1366 = arith.constant 128 : i32
        %add3A_1367 = vector.broadcast %add3A_1366 : i32 to vector<16xi32>
        %add3A_1368 = arith.addi %select_n3A_1355, %add3A_1367 : vector<16xi32>
        %add3A_1369 = arith.constant 128 : i32
        %add3A_1370 = vector.broadcast %add3A_1369 : i32 to vector<16xi32>
        %add3A_1371 = arith.addi %select_n3A_1359, %add3A_1370 : vector<16xi32>
        %ge3A_1372 = arith.constant 32768 : i32
        %ge3A_1373 = vector.broadcast %ge3A_1372 : i32 to vector<16xi32>
        %ge3A_1374 = arith.cmpi sge, %add3A_1362, %ge3A_1373 : vector<16xi32>
        %sub3A_1375 = arith.constant 32768 : i32
        %sub3A_1376 = vector.broadcast %sub3A_1375 : i32 to vector<16xi32>
        %sub3A_1377 = arith.subi %add3A_1362, %sub3A_1376 : vector<16xi32>
        %sub3A_1378 = arith.constant 65535 : i32
        %sub3A_1379 = vector.broadcast %sub3A_1378 : i32 to vector<16xi32>
        %sub3A_1380 = arith.subi %sub3A_1379, %add3A_1362 : vector<16xi32>
        %select_n3A_1381 = arith.select %ge3A_1374, %sub3A_1377, %sub3A_1380 : vector<16xi1>, vector<16xi32>
        %ge3A_1382 = arith.constant 32768 : i32
        %ge3A_1383 = vector.broadcast %ge3A_1382 : i32 to vector<16xi32>
        %ge3A_1384 = arith.cmpi sge, %add3A_1365, %ge3A_1383 : vector<16xi32>
        %sub3A_1385 = arith.constant 32768 : i32
        %sub3A_1386 = vector.broadcast %sub3A_1385 : i32 to vector<16xi32>
        %sub3A_1387 = arith.subi %add3A_1365, %sub3A_1386 : vector<16xi32>
        %sub3A_1388 = arith.constant 65535 : i32
        %sub3A_1389 = vector.broadcast %sub3A_1388 : i32 to vector<16xi32>
        %sub3A_1390 = arith.subi %sub3A_1389, %add3A_1365 : vector<16xi32>
        %select_n3A_1391 = arith.select %ge3A_1384, %sub3A_1387, %sub3A_1390 : vector<16xi1>, vector<16xi32>
        %shift_left3A_1392 = arith.constant 16 : i32
        %shift_left3A_1393 = vector.broadcast %shift_left3A_1392 : i32 to vector<16xi32>
        %shift_left3A_1394 = arith.shli %select_n3A_1391, %shift_left3A_1393 : vector<16xi32>
        %or3A_1395 = arith.ori %select_n3A_1381, %shift_left3A_1394 : vector<16xi32>
        %bitcast3A_1396 = vector.bitcast %or3A_1395 : vector<16xi32> to vector<32xbf16>
        %sub3A_1397 = arith.constant 65535 : i32
        %sub3A_1398 = vector.broadcast %sub3A_1397 : i32 to vector<16xi32>
        %sub3A_1399 = arith.subi %sub3A_1398, %add3A_1368 : vector<16xi32>
        %ge3A_1400 = arith.constant 32768 : i32
        %ge3A_1401 = vector.broadcast %ge3A_1400 : i32 to vector<16xi32>
        %ge3A_1402 = arith.cmpi sge, %sub3A_1399, %ge3A_1401 : vector<16xi32>
        %sub3A_1403 = arith.constant 32768 : i32
        %sub3A_1404 = vector.broadcast %sub3A_1403 : i32 to vector<16xi32>
        %sub3A_1405 = arith.subi %sub3A_1399, %sub3A_1404 : vector<16xi32>
        %sub3A_1406 = arith.constant 65535 : i32
        %sub3A_1407 = vector.broadcast %sub3A_1406 : i32 to vector<16xi32>
        %sub3A_1408 = arith.subi %sub3A_1407, %sub3A_1399 : vector<16xi32>
        %select_n3A_1409 = arith.select %ge3A_1402, %sub3A_1405, %sub3A_1408 : vector<16xi1>, vector<16xi32>
        %sub3A_1410 = arith.constant 65535 : i32
        %sub3A_1411 = vector.broadcast %sub3A_1410 : i32 to vector<16xi32>
        %sub3A_1412 = arith.subi %sub3A_1411, %add3A_1371 : vector<16xi32>
        %ge3A_1413 = arith.constant 32768 : i32
        %ge3A_1414 = vector.broadcast %ge3A_1413 : i32 to vector<16xi32>
        %ge3A_1415 = arith.cmpi sge, %sub3A_1412, %ge3A_1414 : vector<16xi32>
        %sub3A_1416 = arith.constant 32768 : i32
        %sub3A_1417 = vector.broadcast %sub3A_1416 : i32 to vector<16xi32>
        %sub3A_1418 = arith.subi %sub3A_1412, %sub3A_1417 : vector<16xi32>
        %sub3A_1419 = arith.constant 65535 : i32
        %sub3A_1420 = vector.broadcast %sub3A_1419 : i32 to vector<16xi32>
        %sub3A_1421 = arith.subi %sub3A_1420, %sub3A_1412 : vector<16xi32>
        %select_n3A_1422 = arith.select %ge3A_1415, %sub3A_1418, %sub3A_1421 : vector<16xi1>, vector<16xi32>
        %shift_left3A_1423 = arith.constant 16 : i32
        %shift_left3A_1424 = vector.broadcast %shift_left3A_1423 : i32 to vector<16xi32>
        %shift_left3A_1425 = arith.shli %select_n3A_1422, %shift_left3A_1424 : vector<16xi32>
        %or3A_1426 = arith.ori %select_n3A_1409, %shift_left3A_1425 : vector<16xi32>
        %bitcast3A_1427 = vector.bitcast %or3A_1426 : vector<16xi32> to vector<32xbf16>
        %scan3A_1428 = arith.constant 0 : i32
        %scan3A_1429 = arith.constant 16 : i32
        %scan3A_1430 = arith.addi %scan3A_1428, %scan3A_1429 : i32
        %scan3A_1431 = arith.constant 1 : i32
        %scan3A_1432:4 = scf.for %scan3A_2494 = %scan3A_1428 to %scan3A_1430 step %scan3A_1431 iter_args(%scan3A_2495 = %broadcast_in_dim3A_7, %scan3A_2496 = %broadcast_in_dim3A_7, %scan3A_2497 = %broadcast_in_dim3A_7, %scan3A_2498 = %broadcast_in_dim3A_7) -> (vector<32xbf16>, vector<32xbf16>, vector<32xbf16>, vector<32xbf16>)  : i32 {
          %mul3A_2499 = arith.constant 4 : i32
          %mul3A_2500 = arith.muli %scan3A_2494, %mul3A_2499 : i32
          %add3A_2501 = arith.constant 0 : i32
          %add3A_2502 = arith.addi %mul3A_2500, %add3A_2501 : i32
          %mul3A_2503 = arith.constant 16 : i32
          %mul3A_2504 = arith.muli %add3A_2502, %mul3A_2503 : i32
          %add3A_2505 = arith.addi %mul3A_87, %mul3A_2504 : i32
          %get3A = arith.index_cast %add3A_2505 : i32 to index
          %get3A_2506 = tpu.vector_load %arg5[%get3A] {strides = array<i32>} : memref<8192xi32, #tpu.memory_space<vmem>>, vector<16xi32>,
          %bitcast3A_2507 = vector.bitcast %get3A_2506 : vector<16xi32> to vector<32xbf16>
          %ge3A_2508 = arith.cmpf oge, %bitcast3A_2507, %bitcast3A_1396 : vector<32xbf16>
          %select_n3A_2509 = arith.select %ge3A_2508, %broadcast_in_dim3A_9, %broadcast_in_dim3A_7 : vector<32xi1>, vector<32xbf16>
          %le3A = arith.cmpf ole, %bitcast3A_2507, %bitcast3A_1427 : vector<32xbf16>
          %select_n3A_2510 = arith.select %le3A, %broadcast_in_dim3A_9, %broadcast_in_dim3A_7 : vector<32xi1>, vector<32xbf16>
          %add3A_2511 = arith.addf %scan3A_2495, %select_n3A_2509 : vector<32xbf16>
          %add3A_2512 = arith.addf %scan3A_2497, %select_n3A_2510 : vector<32xbf16>
          %mul3A_2513 = arith.constant 4 : i32
          %mul3A_2514 = arith.muli %scan3A_2494, %mul3A_2513 : i32
          %add3A_2515 = arith.constant 1 : i32
          %add3A_2516 = arith.addi %mul3A_2514, %add3A_2515 : i32
          %mul3A_2517 = arith.constant 16 : i32
          %mul3A_2518 = arith.muli %add3A_2516, %mul3A_2517 : i32
          %add3A_2519 = arith.addi %mul3A_87, %mul3A_2518 : i32
          %get3A_2520 = arith.index_cast %add3A_2519 : i32 to index
          %get3A_2521 = tpu.vector_load %arg5[%get3A_2520] {strides = array<i32>} : memref<8192xi32, #tpu.memory_space<vmem>>, vector<16xi32>,
          %bitcast3A_2522 = vector.bitcast %get3A_2521 : vector<16xi32> to vector<32xbf16>
          %ge3A_2523 = arith.cmpf oge, %bitcast3A_2522, %bitcast3A_1396 : vector<32xbf16>
          %select_n3A_2524 = arith.select %ge3A_2523, %broadcast_in_dim3A_9, %broadcast_in_dim3A_7 : vector<32xi1>, vector<32xbf16>
          %le3A_2525 = arith.cmpf ole, %bitcast3A_2522, %bitcast3A_1427 : vector<32xbf16>
          %select_n3A_2526 = arith.select %le3A_2525, %broadcast_in_dim3A_9, %broadcast_in_dim3A_7 : vector<32xi1>, vector<32xbf16>
          %add3A_2527 = arith.addf %scan3A_2496, %select_n3A_2524 : vector<32xbf16>
          %add3A_2528 = arith.addf %scan3A_2498, %select_n3A_2526 : vector<32xbf16>
          %mul3A_2529 = arith.constant 4 : i32
          %mul3A_2530 = arith.muli %scan3A_2494, %mul3A_2529 : i32
          %add3A_2531 = arith.constant 2 : i32
          %add3A_2532 = arith.addi %mul3A_2530, %add3A_2531 : i32
          %mul3A_2533 = arith.constant 16 : i32
          %mul3A_2534 = arith.muli %add3A_2532, %mul3A_2533 : i32
          %add3A_2535 = arith.addi %mul3A_87, %mul3A_2534 : i32
          %get3A_2536 = arith.index_cast %add3A_2535 : i32 to index
          %get3A_2537 = tpu.vector_load %arg5[%get3A_2536] {strides = array<i32>} : memref<8192xi32, #tpu.memory_space<vmem>>, vector<16xi32>,
          %bitcast3A_2538 = vector.bitcast %get3A_2537 : vector<16xi32> to vector<32xbf16>
          %ge3A_2539 = arith.cmpf oge, %bitcast3A_2538, %bitcast3A_1396 : vector<32xbf16>
          %select_n3A_2540 = arith.select %ge3A_2539, %broadcast_in_dim3A_9, %broadcast_in_dim3A_7 : vector<32xi1>, vector<32xbf16>
          %le3A_2541 = arith.cmpf ole, %bitcast3A_2538, %bitcast3A_1427 : vector<32xbf16>
          %select_n3A_2542 = arith.select %le3A_2541, %broadcast_in_dim3A_9, %broadcast_in_dim3A_7 : vector<32xi1>, vector<32xbf16>
          %add3A_2543 = arith.addf %add3A_2511, %select_n3A_2540 : vector<32xbf16>
          %add3A_2544 = arith.addf %add3A_2512, %select_n3A_2542 : vector<32xbf16>
          %mul3A_2545 = arith.constant 4 : i32
          %mul3A_2546 = arith.muli %scan3A_2494, %mul3A_2545 : i32
          %add3A_2547 = arith.constant 3 : i32
          %add3A_2548 = arith.addi %mul3A_2546, %add3A_2547 : i32
          %mul3A_2549 = arith.constant 16 : i32
          %mul3A_2550 = arith.muli %add3A_2548, %mul3A_2549 : i32
          %add3A_2551 = arith.addi %mul3A_87, %mul3A_2550 : i32
          %get3A_2552 = arith.index_cast %add3A_2551 : i32 to index
          %get3A_2553 = tpu.vector_load %arg5[%get3A_2552] {strides = array<i32>} : memref<8192xi32, #tpu.memory_space<vmem>>, vector<16xi32>,
          %bitcast3A_2554 = vector.bitcast %get3A_2553 : vector<16xi32> to vector<32xbf16>
          %ge3A_2555 = arith.cmpf oge, %bitcast3A_2554, %bitcast3A_1396 : vector<32xbf16>
          %select_n3A_2556 = arith.select %ge3A_2555, %broadcast_in_dim3A_9, %broadcast_in_dim3A_7 : vector<32xi1>, vector<32xbf16>
          %le3A_2557 = arith.cmpf ole, %bitcast3A_2554, %bitcast3A_1427 : vector<32xbf16>
          %select_n3A_2558 = arith.select %le3A_2557, %broadcast_in_dim3A_9, %broadcast_in_dim3A_7 : vector<32xi1>, vector<32xbf16>
          %add3A_2559 = arith.addf %add3A_2527, %select_n3A_2556 : vector<32xbf16>
          %add3A_2560 = arith.addf %add3A_2528, %select_n3A_2558 : vector<32xbf16>
          scf.yield %add3A_2543, %add3A_2559, %add3A_2544, %add3A_2560 : vector<32xbf16>, vector<32xbf16>, vector<32xbf16>, vector<32xbf16>
        }
        %scan3A_1433 = arith.constant 16 : i32
        %add3A_1434 = arith.addf %scan3A_1432#0, %scan3A_1432#1 : vector<32xbf16>
        %unpack3A_1435 = tpu.unpack_subelements %add3A_1434, 0 {pack_format = #tpu.pack_format<interleaved>} : vector<32xbf16> -> vector<16xf32>
        %unpack3A_1436 = tpu.unpack_subelements %add3A_1434, 1 {pack_format = #tpu.pack_format<interleaved>} : vector<32xbf16> -> vector<16xf32>
        %add3A_1437 = arith.addf %scan3A_1432#2, %scan3A_1432#3 : vector<32xbf16>
        %unpack3A_1438 = tpu.unpack_subelements %add3A_1437, 0 {pack_format = #tpu.pack_format<interleaved>} : vector<32xbf16> -> vector<16xf32>
        %unpack3A_1439 = tpu.unpack_subelements %add3A_1437, 1 {pack_format = #tpu.pack_format<interleaved>} : vector<32xbf16> -> vector<16xf32>
        %broadcast_in_dim3A_1440 = vector.shape_cast %xor3A_11 : vector<16xi32> to vector<16x1xi32>
        %gather3A_1441 = vector.shape_cast %broadcast_in_dim3A_1440 : vector<16x1xi32> to vector<16xi32>
        %gather3A_1442 = tpu.dynamic_gather %unpack3A_1435[%gather3A_1441] in [0] : vector<16xf32>, vector<16xi32> -> vector<16xf32>
        %add3A_1443 = arith.addf %unpack3A_1435, %gather3A_1442 : vector<16xf32>
        %broadcast_in_dim3A_1444 = vector.shape_cast %xor3A_14 : vector<16xi32> to vector<16x1xi32>
        %gather3A_1445 = vector.shape_cast %broadcast_in_dim3A_1444 : vector<16x1xi32> to vector<16xi32>
        %gather3A_1446 = tpu.dynamic_gather %add3A_1443[%gather3A_1445] in [0] : vector<16xf32>, vector<16xi32> -> vector<16xf32>
        %add3A_1447 = arith.addf %add3A_1443, %gather3A_1446 : vector<16xf32>
        %broadcast_in_dim3A_1448 = vector.shape_cast %xor3A_17 : vector<16xi32> to vector<16x1xi32>
        %gather3A_1449 = vector.shape_cast %broadcast_in_dim3A_1448 : vector<16x1xi32> to vector<16xi32>
        %gather3A_1450 = tpu.dynamic_gather %add3A_1447[%gather3A_1449] in [0] : vector<16xf32>, vector<16xi32> -> vector<16xf32>
        %add3A_1451 = arith.addf %add3A_1447, %gather3A_1450 : vector<16xf32>
        %broadcast_in_dim3A_1452 = vector.shape_cast %xor3A_20 : vector<16xi32> to vector<16x1xi32>
        %gather3A_1453 = vector.shape_cast %broadcast_in_dim3A_1452 : vector<16x1xi32> to vector<16xi32>
        %gather3A_1454 = tpu.dynamic_gather %add3A_1451[%gather3A_1453] in [0] : vector<16xf32>, vector<16xi32> -> vector<16xf32>
        %add3A_1455 = arith.addf %add3A_1451, %gather3A_1454 : vector<16xf32>
        %broadcast_in_dim3A_1456 = vector.shape_cast %xor3A_11 : vector<16xi32> to vector<16x1xi32>
        %gather3A_1457 = vector.shape_cast %broadcast_in_dim3A_1456 : vector<16x1xi32> to vector<16xi32>
        %gather3A_1458 = tpu.dynamic_gather %unpack3A_1436[%gather3A_1457] in [0] : vector<16xf32>, vector<16xi32> -> vector<16xf32>
        %add3A_1459 = arith.addf %unpack3A_1436, %gather3A_1458 : vector<16xf32>
        %broadcast_in_dim3A_1460 = vector.shape_cast %xor3A_14 : vector<16xi32> to vector<16x1xi32>
        %gather3A_1461 = vector.shape_cast %broadcast_in_dim3A_1460 : vector<16x1xi32> to vector<16xi32>
        %gather3A_1462 = tpu.dynamic_gather %add3A_1459[%gather3A_1461] in [0] : vector<16xf32>, vector<16xi32> -> vector<16xf32>
        %add3A_1463 = arith.addf %add3A_1459, %gather3A_1462 : vector<16xf32>
        %broadcast_in_dim3A_1464 = vector.shape_cast %xor3A_17 : vector<16xi32> to vector<16x1xi32>
        %gather3A_1465 = vector.shape_cast %broadcast_in_dim3A_1464 : vector<16x1xi32> to vector<16xi32>
        %gather3A_1466 = tpu.dynamic_gather %add3A_1463[%gather3A_1465] in [0] : vector<16xf32>, vector<16xi32> -> vector<16xf32>
        %add3A_1467 = arith.addf %add3A_1463, %gather3A_1466 : vector<16xf32>
        %broadcast_in_dim3A_1468 = vector.shape_cast %xor3A_20 : vector<16xi32> to vector<16x1xi32>
        %gather3A_1469 = vector.shape_cast %broadcast_in_dim3A_1468 : vector<16x1xi32> to vector<16xi32>
        %gather3A_1470 = tpu.dynamic_gather %add3A_1467[%gather3A_1469] in [0] : vector<16xf32>, vector<16xi32> -> vector<16xf32>
        %add3A_1471 = arith.addf %add3A_1467, %gather3A_1470 : vector<16xf32>
        %broadcast_in_dim3A_1472 = vector.shape_cast %xor3A_11 : vector<16xi32> to vector<16x1xi32>
        %gather3A_1473 = vector.shape_cast %broadcast_in_dim3A_1472 : vector<16x1xi32> to vector<16xi32>
        %gather3A_1474 = tpu.dynamic_gather %unpack3A_1438[%gather3A_1473] in [0] : vector<16xf32>, vector<16xi32> -> vector<16xf32>
        %add3A_1475 = arith.addf %unpack3A_1438, %gather3A_1474 : vector<16xf32>
        %broadcast_in_dim3A_1476 = vector.shape_cast %xor3A_14 : vector<16xi32> to vector<16x1xi32>
        %gather3A_1477 = vector.shape_cast %broadcast_in_dim3A_1476 : vector<16x1xi32> to vector<16xi32>
        %gather3A_1478 = tpu.dynamic_gather %add3A_1475[%gather3A_1477] in [0] : vector<16xf32>, vector<16xi32> -> vector<16xf32>
        %add3A_1479 = arith.addf %add3A_1475, %gather3A_1478 : vector<16xf32>
        %broadcast_in_dim3A_1480 = vector.shape_cast %xor3A_17 : vector<16xi32> to vector<16x1xi32>
        %gather3A_1481 = vector.shape_cast %broadcast_in_dim3A_1480 : vector<16x1xi32> to vector<16xi32>
        %gather3A_1482 = tpu.dynamic_gather %add3A_1479[%gather3A_1481] in [0] : vector<16xf32>, vector<16xi32> -> vector<16xf32>
        %add3A_1483 = arith.addf %add3A_1479, %gather3A_1482 : vector<16xf32>
        %broadcast_in_dim3A_1484 = vector.shape_cast %xor3A_20 : vector<16xi32> to vector<16x1xi32>
        %gather3A_1485 = vector.shape_cast %broadcast_in_dim3A_1484 : vector<16x1xi32> to vector<16xi32>
        %gather3A_1486 = tpu.dynamic_gather %add3A_1483[%gather3A_1485] in [0] : vector<16xf32>, vector<16xi32> -> vector<16xf32>
        %add3A_1487 = arith.addf %add3A_1483, %gather3A_1486 : vector<16xf32>
        %broadcast_in_dim3A_1488 = vector.shape_cast %xor3A_11 : vector<16xi32> to vector<16x1xi32>
        %gather3A_1489 = vector.shape_cast %broadcast_in_dim3A_1488 : vector<16x1xi32> to vector<16xi32>
        %gather3A_1490 = tpu.dynamic_gather %unpack3A_1439[%gather3A_1489] in [0] : vector<16xf32>, vector<16xi32> -> vector<16xf32>
        %add3A_1491 = arith.addf %unpack3A_1439, %gather3A_1490 : vector<16xf32>
        %broadcast_in_dim3A_1492 = vector.shape_cast %xor3A_14 : vector<16xi32> to vector<16x1xi32>
        %gather3A_1493 = vector.shape_cast %broadcast_in_dim3A_1492 : vector<16x1xi32> to vector<16xi32>
        %gather3A_1494 = tpu.dynamic_gather %add3A_1491[%gather3A_1493] in [0] : vector<16xf32>, vector<16xi32> -> vector<16xf32>
        %add3A_1495 = arith.addf %add3A_1491, %gather3A_1494 : vector<16xf32>
        %broadcast_in_dim3A_1496 = vector.shape_cast %xor3A_17 : vector<16xi32> to vector<16x1xi32>
        %gather3A_1497 = vector.shape_cast %broadcast_in_dim3A_1496 : vector<16x1xi32> to vector<16xi32>
        %gather3A_1498 = tpu.dynamic_gather %add3A_1495[%gather3A_1497] in [0] : vector<16xf32>, vector<16xi32> -> vector<16xf32>
        %add3A_1499 = arith.addf %add3A_1495, %gather3A_1498 : vector<16xf32>
        %broadcast_in_dim3A_1500 = vector.shape_cast %xor3A_20 : vector<16xi32> to vector<16x1xi32>
        %gather3A_1501 = vector.shape_cast %broadcast_in_dim3A_1500 : vector<16x1xi32> to vector<16xi32>
        %gather3A_1502 = tpu.dynamic_gather %add3A_1499[%gather3A_1501] in [0] : vector<16xf32>, vector<16xi32> -> vector<16xf32>
        %add3A_1503 = arith.addf %add3A_1499, %gather3A_1502 : vector<16xf32>
        %ge3A_1504 = arith.constant 2.050000e+02 : f32
        %ge3A_1505 = vector.broadcast %ge3A_1504 : f32 to vector<16xf32>
        %ge3A_1506 = arith.cmpf oge, %add3A_1455, %ge3A_1505 : vector<16xf32>
        %select_n3A_1507 = arith.select %ge3A_1506, %add3A_1362, %select_n3A_1347 : vector<16xi1>, vector<16xi32>
        %ge3A_1508 = arith.constant 2.050000e+02 : f32
        %ge3A_1509 = vector.broadcast %ge3A_1508 : f32 to vector<16xf32>
        %ge3A_1510 = arith.cmpf oge, %add3A_1471, %ge3A_1509 : vector<16xf32>
        %select_n3A_1511 = arith.select %ge3A_1510, %add3A_1365, %select_n3A_1351 : vector<16xi1>, vector<16xi32>
        %ge3A_1512 = arith.constant 2.050000e+02 : f32
        %ge3A_1513 = vector.broadcast %ge3A_1512 : f32 to vector<16xf32>
        %ge3A_1514 = arith.cmpf oge, %add3A_1487, %ge3A_1513 : vector<16xf32>
        %select_n3A_1515 = arith.select %ge3A_1514, %add3A_1368, %select_n3A_1355 : vector<16xi1>, vector<16xi32>
        %ge3A_1516 = arith.constant 2.050000e+02 : f32
        %ge3A_1517 = vector.broadcast %ge3A_1516 : f32 to vector<16xf32>
        %ge3A_1518 = arith.cmpf oge, %add3A_1503, %ge3A_1517 : vector<16xf32>
        %select_n3A_1519 = arith.select %ge3A_1518, %add3A_1371, %select_n3A_1359 : vector<16xi1>, vector<16xi32>
        %add3A_1520 = arith.constant 64 : i32
        %add3A_1521 = vector.broadcast %add3A_1520 : i32 to vector<16xi32>
        %add3A_1522 = arith.addi %select_n3A_1507, %add3A_1521 : vector<16xi32>
        %add3A_1523 = arith.constant 64 : i32
        %add3A_1524 = vector.broadcast %add3A_1523 : i32 to vector<16xi32>
        %add3A_1525 = arith.addi %select_n3A_1511, %add3A_1524 : vector<16xi32>
        %add3A_1526 = arith.constant 64 : i32
        %add3A_1527 = vector.broadcast %add3A_1526 : i32 to vector<16xi32>
        %add3A_1528 = arith.addi %select_n3A_1515, %add3A_1527 : vector<16xi32>
        %add3A_1529 = arith.constant 64 : i32
        %add3A_1530 = vector.broadcast %add3A_1529 : i32 to vector<16xi32>
        %add3A_1531 = arith.addi %select_n3A_1519, %add3A_1530 : vector<16xi32>
        %ge3A_1532 = arith.constant 32768 : i32
        %ge3A_1533 = vector.broadcast %ge3A_1532 : i32 to vector<16xi32>
        %ge3A_1534 = arith.cmpi sge, %add3A_1522, %ge3A_1533 : vector<16xi32>
        %sub3A_1535 = arith.constant 32768 : i32
        %sub3A_1536 = vector.broadcast %sub3A_1535 : i32 to vector<16xi32>
        %sub3A_1537 = arith.subi %add3A_1522, %sub3A_1536 : vector<16xi32>
        %sub3A_1538 = arith.constant 65535 : i32
        %sub3A_1539 = vector.broadcast %sub3A_1538 : i32 to vector<16xi32>
        %sub3A_1540 = arith.subi %sub3A_1539, %add3A_1522 : vector<16xi32>
        %select_n3A_1541 = arith.select %ge3A_1534, %sub3A_1537, %sub3A_1540 : vector<16xi1>, vector<16xi32>
        %ge3A_1542 = arith.constant 32768 : i32
        %ge3A_1543 = vector.broadcast %ge3A_1542 : i32 to vector<16xi32>
        %ge3A_1544 = arith.cmpi sge, %add3A_1525, %ge3A_1543 : vector<16xi32>
        %sub3A_1545 = arith.constant 32768 : i32
        %sub3A_1546 = vector.broadcast %sub3A_1545 : i32 to vector<16xi32>
        %sub3A_1547 = arith.subi %add3A_1525, %sub3A_1546 : vector<16xi32>
        %sub3A_1548 = arith.constant 65535 : i32
        %sub3A_1549 = vector.broadcast %sub3A_1548 : i32 to vector<16xi32>
        %sub3A_1550 = arith.subi %sub3A_1549, %add3A_1525 : vector<16xi32>
        %select_n3A_1551 = arith.select %ge3A_1544, %sub3A_1547, %sub3A_1550 : vector<16xi1>, vector<16xi32>
        %shift_left3A_1552 = arith.constant 16 : i32
        %shift_left3A_1553 = vector.broadcast %shift_left3A_1552 : i32 to vector<16xi32>
        %shift_left3A_1554 = arith.shli %select_n3A_1551, %shift_left3A_1553 : vector<16xi32>
        %or3A_1555 = arith.ori %select_n3A_1541, %shift_left3A_1554 : vector<16xi32>
        %bitcast3A_1556 = vector.bitcast %or3A_1555 : vector<16xi32> to vector<32xbf16>
        %sub3A_1557 = arith.constant 65535 : i32
        %sub3A_1558 = vector.broadcast %sub3A_1557 : i32 to vector<16xi32>
        %sub3A_1559 = arith.subi %sub3A_1558, %add3A_1528 : vector<16xi32>
        %ge3A_1560 = arith.constant 32768 : i32
        %ge3A_1561 = vector.broadcast %ge3A_1560 : i32 to vector<16xi32>
        %ge3A_1562 = arith.cmpi sge, %sub3A_1559, %ge3A_1561 : vector<16xi32>
        %sub3A_1563 = arith.constant 32768 : i32
        %sub3A_1564 = vector.broadcast %sub3A_1563 : i32 to vector<16xi32>
        %sub3A_1565 = arith.subi %sub3A_1559, %sub3A_1564 : vector<16xi32>
        %sub3A_1566 = arith.constant 65535 : i32
        %sub3A_1567 = vector.broadcast %sub3A_1566 : i32 to vector<16xi32>
        %sub3A_1568 = arith.subi %sub3A_1567, %sub3A_1559 : vector<16xi32>
        %select_n3A_1569 = arith.select %ge3A_1562, %sub3A_1565, %sub3A_1568 : vector<16xi1>, vector<16xi32>
        %sub3A_1570 = arith.constant 65535 : i32
        %sub3A_1571 = vector.broadcast %sub3A_1570 : i32 to vector<16xi32>
        %sub3A_1572 = arith.subi %sub3A_1571, %add3A_1531 : vector<16xi32>
        %ge3A_1573 = arith.constant 32768 : i32
        %ge3A_1574 = vector.broadcast %ge3A_1573 : i32 to vector<16xi32>
        %ge3A_1575 = arith.cmpi sge, %sub3A_1572, %ge3A_1574 : vector<16xi32>
        %sub3A_1576 = arith.constant 32768 : i32
        %sub3A_1577 = vector.broadcast %sub3A_1576 : i32 to vector<16xi32>
        %sub3A_1578 = arith.subi %sub3A_1572, %sub3A_1577 : vector<16xi32>
        %sub3A_1579 = arith.constant 65535 : i32
        %sub3A_1580 = vector.broadcast %sub3A_1579 : i32 to vector<16xi32>
        %sub3A_1581 = arith.subi %sub3A_1580, %sub3A_1572 : vector<16xi32>
        %select_n3A_1582 = arith.select %ge3A_1575, %sub3A_1578, %sub3A_1581 : vector<16xi1>, vector<16xi32>
        %shift_left3A_1583 = arith.constant 16 : i32
        %shift_left3A_1584 = vector.broadcast %shift_left3A_1583 : i32 to vector<16xi32>
        %shift_left3A_1585 = arith.shli %select_n3A_1582, %shift_left3A_1584 : vector<16xi32>
        %or3A_1586 = arith.ori %select_n3A_1569, %shift_left3A_1585 : vector<16xi32>
        %bitcast3A_1587 = vector.bitcast %or3A_1586 : vector<16xi32> to vector<32xbf16>
        %scan3A_1588 = arith.constant 0 : i32
        %scan3A_1589 = arith.constant 16 : i32
        %scan3A_1590 = arith.addi %scan3A_1588, %scan3A_1589 : i32
        %scan3A_1591 = arith.constant 1 : i32
        %scan3A_1592:4 = scf.for %scan3A_2494 = %scan3A_1588 to %scan3A_1590 step %scan3A_1591 iter_args(%scan3A_2495 = %broadcast_in_dim3A_7, %scan3A_2496 = %broadcast_in_dim3A_7, %scan3A_2497 = %broadcast_in_dim3A_7, %scan3A_2498 = %broadcast_in_dim3A_7) -> (vector<32xbf16>, vector<32xbf16>, vector<32xbf16>, vector<32xbf16>)  : i32 {
          %mul3A_2499 = arith.constant 4 : i32
          %mul3A_2500 = arith.muli %scan3A_2494, %mul3A_2499 : i32
          %add3A_2501 = arith.constant 0 : i32
          %add3A_2502 = arith.addi %mul3A_2500, %add3A_2501 : i32
          %mul3A_2503 = arith.constant 16 : i32
          %mul3A_2504 = arith.muli %add3A_2502, %mul3A_2503 : i32
          %add3A_2505 = arith.addi %mul3A_87, %mul3A_2504 : i32
          %get3A = arith.index_cast %add3A_2505 : i32 to index
          %get3A_2506 = tpu.vector_load %arg5[%get3A] {strides = array<i32>} : memref<8192xi32, #tpu.memory_space<vmem>>, vector<16xi32>,
          %bitcast3A_2507 = vector.bitcast %get3A_2506 : vector<16xi32> to vector<32xbf16>
          %ge3A_2508 = arith.cmpf oge, %bitcast3A_2507, %bitcast3A_1556 : vector<32xbf16>
          %select_n3A_2509 = arith.select %ge3A_2508, %broadcast_in_dim3A_9, %broadcast_in_dim3A_7 : vector<32xi1>, vector<32xbf16>
          %le3A = arith.cmpf ole, %bitcast3A_2507, %bitcast3A_1587 : vector<32xbf16>
          %select_n3A_2510 = arith.select %le3A, %broadcast_in_dim3A_9, %broadcast_in_dim3A_7 : vector<32xi1>, vector<32xbf16>
          %add3A_2511 = arith.addf %scan3A_2495, %select_n3A_2509 : vector<32xbf16>
          %add3A_2512 = arith.addf %scan3A_2497, %select_n3A_2510 : vector<32xbf16>
          %mul3A_2513 = arith.constant 4 : i32
          %mul3A_2514 = arith.muli %scan3A_2494, %mul3A_2513 : i32
          %add3A_2515 = arith.constant 1 : i32
          %add3A_2516 = arith.addi %mul3A_2514, %add3A_2515 : i32
          %mul3A_2517 = arith.constant 16 : i32
          %mul3A_2518 = arith.muli %add3A_2516, %mul3A_2517 : i32
          %add3A_2519 = arith.addi %mul3A_87, %mul3A_2518 : i32
          %get3A_2520 = arith.index_cast %add3A_2519 : i32 to index
          %get3A_2521 = tpu.vector_load %arg5[%get3A_2520] {strides = array<i32>} : memref<8192xi32, #tpu.memory_space<vmem>>, vector<16xi32>,
          %bitcast3A_2522 = vector.bitcast %get3A_2521 : vector<16xi32> to vector<32xbf16>
          %ge3A_2523 = arith.cmpf oge, %bitcast3A_2522, %bitcast3A_1556 : vector<32xbf16>
          %select_n3A_2524 = arith.select %ge3A_2523, %broadcast_in_dim3A_9, %broadcast_in_dim3A_7 : vector<32xi1>, vector<32xbf16>
          %le3A_2525 = arith.cmpf ole, %bitcast3A_2522, %bitcast3A_1587 : vector<32xbf16>
          %select_n3A_2526 = arith.select %le3A_2525, %broadcast_in_dim3A_9, %broadcast_in_dim3A_7 : vector<32xi1>, vector<32xbf16>
          %add3A_2527 = arith.addf %scan3A_2496, %select_n3A_2524 : vector<32xbf16>
          %add3A_2528 = arith.addf %scan3A_2498, %select_n3A_2526 : vector<32xbf16>
          %mul3A_2529 = arith.constant 4 : i32
          %mul3A_2530 = arith.muli %scan3A_2494, %mul3A_2529 : i32
          %add3A_2531 = arith.constant 2 : i32
          %add3A_2532 = arith.addi %mul3A_2530, %add3A_2531 : i32
          %mul3A_2533 = arith.constant 16 : i32
          %mul3A_2534 = arith.muli %add3A_2532, %mul3A_2533 : i32
          %add3A_2535 = arith.addi %mul3A_87, %mul3A_2534 : i32
          %get3A_2536 = arith.index_cast %add3A_2535 : i32 to index
          %get3A_2537 = tpu.vector_load %arg5[%get3A_2536] {strides = array<i32>} : memref<8192xi32, #tpu.memory_space<vmem>>, vector<16xi32>,
          %bitcast3A_2538 = vector.bitcast %get3A_2537 : vector<16xi32> to vector<32xbf16>
          %ge3A_2539 = arith.cmpf oge, %bitcast3A_2538, %bitcast3A_1556 : vector<32xbf16>
          %select_n3A_2540 = arith.select %ge3A_2539, %broadcast_in_dim3A_9, %broadcast_in_dim3A_7 : vector<32xi1>, vector<32xbf16>
          %le3A_2541 = arith.cmpf ole, %bitcast3A_2538, %bitcast3A_1587 : vector<32xbf16>
          %select_n3A_2542 = arith.select %le3A_2541, %broadcast_in_dim3A_9, %broadcast_in_dim3A_7 : vector<32xi1>, vector<32xbf16>
          %add3A_2543 = arith.addf %add3A_2511, %select_n3A_2540 : vector<32xbf16>
          %add3A_2544 = arith.addf %add3A_2512, %select_n3A_2542 : vector<32xbf16>
          %mul3A_2545 = arith.constant 4 : i32
          %mul3A_2546 = arith.muli %scan3A_2494, %mul3A_2545 : i32
          %add3A_2547 = arith.constant 3 : i32
          %add3A_2548 = arith.addi %mul3A_2546, %add3A_2547 : i32
          %mul3A_2549 = arith.constant 16 : i32
          %mul3A_2550 = arith.muli %add3A_2548, %mul3A_2549 : i32
          %add3A_2551 = arith.addi %mul3A_87, %mul3A_2550 : i32
          %get3A_2552 = arith.index_cast %add3A_2551 : i32 to index
          %get3A_2553 = tpu.vector_load %arg5[%get3A_2552] {strides = array<i32>} : memref<8192xi32, #tpu.memory_space<vmem>>, vector<16xi32>,
          %bitcast3A_2554 = vector.bitcast %get3A_2553 : vector<16xi32> to vector<32xbf16>
          %ge3A_2555 = arith.cmpf oge, %bitcast3A_2554, %bitcast3A_1556 : vector<32xbf16>
          %select_n3A_2556 = arith.select %ge3A_2555, %broadcast_in_dim3A_9, %broadcast_in_dim3A_7 : vector<32xi1>, vector<32xbf16>
          %le3A_2557 = arith.cmpf ole, %bitcast3A_2554, %bitcast3A_1587 : vector<32xbf16>
          %select_n3A_2558 = arith.select %le3A_2557, %broadcast_in_dim3A_9, %broadcast_in_dim3A_7 : vector<32xi1>, vector<32xbf16>
          %add3A_2559 = arith.addf %add3A_2527, %select_n3A_2556 : vector<32xbf16>
          %add3A_2560 = arith.addf %add3A_2528, %select_n3A_2558 : vector<32xbf16>
          scf.yield %add3A_2543, %add3A_2559, %add3A_2544, %add3A_2560 : vector<32xbf16>, vector<32xbf16>, vector<32xbf16>, vector<32xbf16>
        }
        %scan3A_1593 = arith.constant 16 : i32
        %add3A_1594 = arith.addf %scan3A_1592#0, %scan3A_1592#1 : vector<32xbf16>
        %unpack3A_1595 = tpu.unpack_subelements %add3A_1594, 0 {pack_format = #tpu.pack_format<interleaved>} : vector<32xbf16> -> vector<16xf32>
        %unpack3A_1596 = tpu.unpack_subelements %add3A_1594, 1 {pack_format = #tpu.pack_format<interleaved>} : vector<32xbf16> -> vector<16xf32>
        %add3A_1597 = arith.addf %scan3A_1592#2, %scan3A_1592#3 : vector<32xbf16>
        %unpack3A_1598 = tpu.unpack_subelements %add3A_1597, 0 {pack_format = #tpu.pack_format<interleaved>} : vector<32xbf16> -> vector<16xf32>
        %unpack3A_1599 = tpu.unpack_subelements %add3A_1597, 1 {pack_format = #tpu.pack_format<interleaved>} : vector<32xbf16> -> vector<16xf32>
        %broadcast_in_dim3A_1600 = vector.shape_cast %xor3A_11 : vector<16xi32> to vector<16x1xi32>
        %gather3A_1601 = vector.shape_cast %broadcast_in_dim3A_1600 : vector<16x1xi32> to vector<16xi32>
        %gather3A_1602 = tpu.dynamic_gather %unpack3A_1595[%gather3A_1601] in [0] : vector<16xf32>, vector<16xi32> -> vector<16xf32>
        %add3A_1603 = arith.addf %unpack3A_1595, %gather3A_1602 : vector<16xf32>
        %broadcast_in_dim3A_1604 = vector.shape_cast %xor3A_14 : vector<16xi32> to vector<16x1xi32>
        %gather3A_1605 = vector.shape_cast %broadcast_in_dim3A_1604 : vector<16x1xi32> to vector<16xi32>
        %gather3A_1606 = tpu.dynamic_gather %add3A_1603[%gather3A_1605] in [0] : vector<16xf32>, vector<16xi32> -> vector<16xf32>
        %add3A_1607 = arith.addf %add3A_1603, %gather3A_1606 : vector<16xf32>
        %broadcast_in_dim3A_1608 = vector.shape_cast %xor3A_17 : vector<16xi32> to vector<16x1xi32>
        %gather3A_1609 = vector.shape_cast %broadcast_in_dim3A_1608 : vector<16x1xi32> to vector<16xi32>
        %gather3A_1610 = tpu.dynamic_gather %add3A_1607[%gather3A_1609] in [0] : vector<16xf32>, vector<16xi32> -> vector<16xf32>
        %add3A_1611 = arith.addf %add3A_1607, %gather3A_1610 : vector<16xf32>
        %broadcast_in_dim3A_1612 = vector.shape_cast %xor3A_20 : vector<16xi32> to vector<16x1xi32>
        %gather3A_1613 = vector.shape_cast %broadcast_in_dim3A_1612 : vector<16x1xi32> to vector<16xi32>
        %gather3A_1614 = tpu.dynamic_gather %add3A_1611[%gather3A_1613] in [0] : vector<16xf32>, vector<16xi32> -> vector<16xf32>
        %add3A_1615 = arith.addf %add3A_1611, %gather3A_1614 : vector<16xf32>
        %broadcast_in_dim3A_1616 = vector.shape_cast %xor3A_11 : vector<16xi32> to vector<16x1xi32>
        %gather3A_1617 = vector.shape_cast %broadcast_in_dim3A_1616 : vector<16x1xi32> to vector<16xi32>
        %gather3A_1618 = tpu.dynamic_gather %unpack3A_1596[%gather3A_1617] in [0] : vector<16xf32>, vector<16xi32> -> vector<16xf32>
        %add3A_1619 = arith.addf %unpack3A_1596, %gather3A_1618 : vector<16xf32>
        %broadcast_in_dim3A_1620 = vector.shape_cast %xor3A_14 : vector<16xi32> to vector<16x1xi32>
        %gather3A_1621 = vector.shape_cast %broadcast_in_dim3A_1620 : vector<16x1xi32> to vector<16xi32>
        %gather3A_1622 = tpu.dynamic_gather %add3A_1619[%gather3A_1621] in [0] : vector<16xf32>, vector<16xi32> -> vector<16xf32>
        %add3A_1623 = arith.addf %add3A_1619, %gather3A_1622 : vector<16xf32>
        %broadcast_in_dim3A_1624 = vector.shape_cast %xor3A_17 : vector<16xi32> to vector<16x1xi32>
        %gather3A_1625 = vector.shape_cast %broadcast_in_dim3A_1624 : vector<16x1xi32> to vector<16xi32>
        %gather3A_1626 = tpu.dynamic_gather %add3A_1623[%gather3A_1625] in [0] : vector<16xf32>, vector<16xi32> -> vector<16xf32>
        %add3A_1627 = arith.addf %add3A_1623, %gather3A_1626 : vector<16xf32>
        %broadcast_in_dim3A_1628 = vector.shape_cast %xor3A_20 : vector<16xi32> to vector<16x1xi32>
        %gather3A_1629 = vector.shape_cast %broadcast_in_dim3A_1628 : vector<16x1xi32> to vector<16xi32>
        %gather3A_1630 = tpu.dynamic_gather %add3A_1627[%gather3A_1629] in [0] : vector<16xf32>, vector<16xi32> -> vector<16xf32>
        %add3A_1631 = arith.addf %add3A_1627, %gather3A_1630 : vector<16xf32>
        %broadcast_in_dim3A_1632 = vector.shape_cast %xor3A_11 : vector<16xi32> to vector<16x1xi32>
        %gather3A_1633 = vector.shape_cast %broadcast_in_dim3A_1632 : vector<16x1xi32> to vector<16xi32>
        %gather3A_1634 = tpu.dynamic_gather %unpack3A_1598[%gather3A_1633] in [0] : vector<16xf32>, vector<16xi32> -> vector<16xf32>
        %add3A_1635 = arith.addf %unpack3A_1598, %gather3A_1634 : vector<16xf32>
        %broadcast_in_dim3A_1636 = vector.shape_cast %xor3A_14 : vector<16xi32> to vector<16x1xi32>
        %gather3A_1637 = vector.shape_cast %broadcast_in_dim3A_1636 : vector<16x1xi32> to vector<16xi32>
        %gather3A_1638 = tpu.dynamic_gather %add3A_1635[%gather3A_1637] in [0] : vector<16xf32>, vector<16xi32> -> vector<16xf32>
        %add3A_1639 = arith.addf %add3A_1635, %gather3A_1638 : vector<16xf32>
        %broadcast_in_dim3A_1640 = vector.shape_cast %xor3A_17 : vector<16xi32> to vector<16x1xi32>
        %gather3A_1641 = vector.shape_cast %broadcast_in_dim3A_1640 : vector<16x1xi32> to vector<16xi32>
        %gather3A_1642 = tpu.dynamic_gather %add3A_1639[%gather3A_1641] in [0] : vector<16xf32>, vector<16xi32> -> vector<16xf32>
        %add3A_1643 = arith.addf %add3A_1639, %gather3A_1642 : vector<16xf32>
        %broadcast_in_dim3A_1644 = vector.shape_cast %xor3A_20 : vector<16xi32> to vector<16x1xi32>
        %gather3A_1645 = vector.shape_cast %broadcast_in_dim3A_1644 : vector<16x1xi32> to vector<16xi32>
        %gather3A_1646 = tpu.dynamic_gather %add3A_1643[%gather3A_1645] in [0] : vector<16xf32>, vector<16xi32> -> vector<16xf32>
        %add3A_1647 = arith.addf %add3A_1643, %gather3A_1646 : vector<16xf32>
        %broadcast_in_dim3A_1648 = vector.shape_cast %xor3A_11 : vector<16xi32> to vector<16x1xi32>
        %gather3A_1649 = vector.shape_cast %broadcast_in_dim3A_1648 : vector<16x1xi32> to vector<16xi32>
        %gather3A_1650 = tpu.dynamic_gather %unpack3A_1599[%gather3A_1649] in [0] : vector<16xf32>, vector<16xi32> -> vector<16xf32>
        %add3A_1651 = arith.addf %unpack3A_1599, %gather3A_1650 : vector<16xf32>
        %broadcast_in_dim3A_1652 = vector.shape_cast %xor3A_14 : vector<16xi32> to vector<16x1xi32>
        %gather3A_1653 = vector.shape_cast %broadcast_in_dim3A_1652 : vector<16x1xi32> to vector<16xi32>
        %gather3A_1654 = tpu.dynamic_gather %add3A_1651[%gather3A_1653] in [0] : vector<16xf32>, vector<16xi32> -> vector<16xf32>
        %add3A_1655 = arith.addf %add3A_1651, %gather3A_1654 : vector<16xf32>
        %broadcast_in_dim3A_1656 = vector.shape_cast %xor3A_17 : vector<16xi32> to vector<16x1xi32>
        %gather3A_1657 = vector.shape_cast %broadcast_in_dim3A_1656 : vector<16x1xi32> to vector<16xi32>
        %gather3A_1658 = tpu.dynamic_gather %add3A_1655[%gather3A_1657] in [0] : vector<16xf32>, vector<16xi32> -> vector<16xf32>
        %add3A_1659 = arith.addf %add3A_1655, %gather3A_1658 : vector<16xf32>
        %broadcast_in_dim3A_1660 = vector.shape_cast %xor3A_20 : vector<16xi32> to vector<16x1xi32>
        %gather3A_1661 = vector.shape_cast %broadcast_in_dim3A_1660 : vector<16x1xi32> to vector<16xi32>
        %gather3A_1662 = tpu.dynamic_gather %add3A_1659[%gather3A_1661] in [0] : vector<16xf32>, vector<16xi32> -> vector<16xf32>
        %add3A_1663 = arith.addf %add3A_1659, %gather3A_1662 : vector<16xf32>
        %ge3A_1664 = arith.constant 2.050000e+02 : f32
        %ge3A_1665 = vector.broadcast %ge3A_1664 : f32 to vector<16xf32>
        %ge3A_1666 = arith.cmpf oge, %add3A_1615, %ge3A_1665 : vector<16xf32>
        %select_n3A_1667 = arith.select %ge3A_1666, %add3A_1522, %select_n3A_1507 : vector<16xi1>, vector<16xi32>
        %ge3A_1668 = arith.constant 2.050000e+02 : f32
        %ge3A_1669 = vector.broadcast %ge3A_1668 : f32 to vector<16xf32>
        %ge3A_1670 = arith.cmpf oge, %add3A_1631, %ge3A_1669 : vector<16xf32>
        %select_n3A_1671 = arith.select %ge3A_1670, %add3A_1525, %select_n3A_1511 : vector<16xi1>, vector<16xi32>
        %ge3A_1672 = arith.constant 2.050000e+02 : f32
        %ge3A_1673 = vector.broadcast %ge3A_1672 : f32 to vector<16xf32>
        %ge3A_1674 = arith.cmpf oge, %add3A_1647, %ge3A_1673 : vector<16xf32>
        %select_n3A_1675 = arith.select %ge3A_1674, %add3A_1528, %select_n3A_1515 : vector<16xi1>, vector<16xi32>
        %ge3A_1676 = arith.constant 2.050000e+02 : f32
        %ge3A_1677 = vector.broadcast %ge3A_1676 : f32 to vector<16xf32>
        %ge3A_1678 = arith.cmpf oge, %add3A_1663, %ge3A_1677 : vector<16xf32>
        %select_n3A_1679 = arith.select %ge3A_1678, %add3A_1531, %select_n3A_1519 : vector<16xi1>, vector<16xi32>
        %add3A_1680 = arith.constant 32 : i32
        %add3A_1681 = vector.broadcast %add3A_1680 : i32 to vector<16xi32>
        %add3A_1682 = arith.addi %select_n3A_1667, %add3A_1681 : vector<16xi32>
        %add3A_1683 = arith.constant 32 : i32
        %add3A_1684 = vector.broadcast %add3A_1683 : i32 to vector<16xi32>
        %add3A_1685 = arith.addi %select_n3A_1671, %add3A_1684 : vector<16xi32>
        %add3A_1686 = arith.constant 32 : i32
        %add3A_1687 = vector.broadcast %add3A_1686 : i32 to vector<16xi32>
        %add3A_1688 = arith.addi %select_n3A_1675, %add3A_1687 : vector<16xi32>
        %add3A_1689 = arith.constant 32 : i32
        %add3A_1690 = vector.broadcast %add3A_1689 : i32 to vector<16xi32>
        %add3A_1691 = arith.addi %select_n3A_1679, %add3A_1690 : vector<16xi32>
        %ge3A_1692 = arith.constant 32768 : i32
        %ge3A_1693 = vector.broadcast %ge3A_1692 : i32 to vector<16xi32>
        %ge3A_1694 = arith.cmpi sge, %add3A_1682, %ge3A_1693 : vector<16xi32>
        %sub3A_1695 = arith.constant 32768 : i32
        %sub3A_1696 = vector.broadcast %sub3A_1695 : i32 to vector<16xi32>
        %sub3A_1697 = arith.subi %add3A_1682, %sub3A_1696 : vector<16xi32>
        %sub3A_1698 = arith.constant 65535 : i32
        %sub3A_1699 = vector.broadcast %sub3A_1698 : i32 to vector<16xi32>
        %sub3A_1700 = arith.subi %sub3A_1699, %add3A_1682 : vector<16xi32>
        %select_n3A_1701 = arith.select %ge3A_1694, %sub3A_1697, %sub3A_1700 : vector<16xi1>, vector<16xi32>
        %ge3A_1702 = arith.constant 32768 : i32
        %ge3A_1703 = vector.broadcast %ge3A_1702 : i32 to vector<16xi32>
        %ge3A_1704 = arith.cmpi sge, %add3A_1685, %ge3A_1703 : vector<16xi32>
        %sub3A_1705 = arith.constant 32768 : i32
        %sub3A_1706 = vector.broadcast %sub3A_1705 : i32 to vector<16xi32>
        %sub3A_1707 = arith.subi %add3A_1685, %sub3A_1706 : vector<16xi32>
        %sub3A_1708 = arith.constant 65535 : i32
        %sub3A_1709 = vector.broadcast %sub3A_1708 : i32 to vector<16xi32>
        %sub3A_1710 = arith.subi %sub3A_1709, %add3A_1685 : vector<16xi32>
        %select_n3A_1711 = arith.select %ge3A_1704, %sub3A_1707, %sub3A_1710 : vector<16xi1>, vector<16xi32>
        %shift_left3A_1712 = arith.constant 16 : i32
        %shift_left3A_1713 = vector.broadcast %shift_left3A_1712 : i32 to vector<16xi32>
        %shift_left3A_1714 = arith.shli %select_n3A_1711, %shift_left3A_1713 : vector<16xi32>
        %or3A_1715 = arith.ori %select_n3A_1701, %shift_left3A_1714 : vector<16xi32>
        %bitcast3A_1716 = vector.bitcast %or3A_1715 : vector<16xi32> to vector<32xbf16>
        %sub3A_1717 = arith.constant 65535 : i32
        %sub3A_1718 = vector.broadcast %sub3A_1717 : i32 to vector<16xi32>
        %sub3A_1719 = arith.subi %sub3A_1718, %add3A_1688 : vector<16xi32>
        %ge3A_1720 = arith.constant 32768 : i32
        %ge3A_1721 = vector.broadcast %ge3A_1720 : i32 to vector<16xi32>
        %ge3A_1722 = arith.cmpi sge, %sub3A_1719, %ge3A_1721 : vector<16xi32>
        %sub3A_1723 = arith.constant 32768 : i32
        %sub3A_1724 = vector.broadcast %sub3A_1723 : i32 to vector<16xi32>
        %sub3A_1725 = arith.subi %sub3A_1719, %sub3A_1724 : vector<16xi32>
        %sub3A_1726 = arith.constant 65535 : i32
        %sub3A_1727 = vector.broadcast %sub3A_1726 : i32 to vector<16xi32>
        %sub3A_1728 = arith.subi %sub3A_1727, %sub3A_1719 : vector<16xi32>
        %select_n3A_1729 = arith.select %ge3A_1722, %sub3A_1725, %sub3A_1728 : vector<16xi1>, vector<16xi32>
        %sub3A_1730 = arith.constant 65535 : i32
        %sub3A_1731 = vector.broadcast %sub3A_1730 : i32 to vector<16xi32>
        %sub3A_1732 = arith.subi %sub3A_1731, %add3A_1691 : vector<16xi32>
        %ge3A_1733 = arith.constant 32768 : i32
        %ge3A_1734 = vector.broadcast %ge3A_1733 : i32 to vector<16xi32>
        %ge3A_1735 = arith.cmpi sge, %sub3A_1732, %ge3A_1734 : vector<16xi32>
        %sub3A_1736 = arith.constant 32768 : i32
        %sub3A_1737 = vector.broadcast %sub3A_1736 : i32 to vector<16xi32>
        %sub3A_1738 = arith.subi %sub3A_1732, %sub3A_1737 : vector<16xi32>
        %sub3A_1739 = arith.constant 65535 : i32
        %sub3A_1740 = vector.broadcast %sub3A_1739 : i32 to vector<16xi32>
        %sub3A_1741 = arith.subi %sub3A_1740, %sub3A_1732 : vector<16xi32>
        %select_n3A_1742 = arith.select %ge3A_1735, %sub3A_1738, %sub3A_1741 : vector<16xi1>, vector<16xi32>
        %shift_left3A_1743 = arith.constant 16 : i32
        %shift_left3A_1744 = vector.broadcast %shift_left3A_1743 : i32 to vector<16xi32>
        %shift_left3A_1745 = arith.shli %select_n3A_1742, %shift_left3A_1744 : vector<16xi32>
        %or3A_1746 = arith.ori %select_n3A_1729, %shift_left3A_1745 : vector<16xi32>
        %bitcast3A_1747 = vector.bitcast %or3A_1746 : vector<16xi32> to vector<32xbf16>
        %scan3A_1748 = arith.constant 0 : i32
        %scan3A_1749 = arith.constant 16 : i32
        %scan3A_1750 = arith.addi %scan3A_1748, %scan3A_1749 : i32
        %scan3A_1751 = arith.constant 1 : i32
        %scan3A_1752:4 = scf.for %scan3A_2494 = %scan3A_1748 to %scan3A_1750 step %scan3A_1751 iter_args(%scan3A_2495 = %broadcast_in_dim3A_7, %scan3A_2496 = %broadcast_in_dim3A_7, %scan3A_2497 = %broadcast_in_dim3A_7, %scan3A_2498 = %broadcast_in_dim3A_7) -> (vector<32xbf16>, vector<32xbf16>, vector<32xbf16>, vector<32xbf16>)  : i32 {
          %mul3A_2499 = arith.constant 4 : i32
          %mul3A_2500 = arith.muli %scan3A_2494, %mul3A_2499 : i32
          %add3A_2501 = arith.constant 0 : i32
          %add3A_2502 = arith.addi %mul3A_2500, %add3A_2501 : i32
          %mul3A_2503 = arith.constant 16 : i32
          %mul3A_2504 = arith.muli %add3A_2502, %mul3A_2503 : i32
          %add3A_2505 = arith.addi %mul3A_87, %mul3A_2504 : i32
          %get3A = arith.index_cast %add3A_2505 : i32 to index
          %get3A_2506 = tpu.vector_load %arg5[%get3A] {strides = array<i32>} : memref<8192xi32, #tpu.memory_space<vmem>>, vector<16xi32>,
          %bitcast3A_2507 = vector.bitcast %get3A_2506 : vector<16xi32> to vector<32xbf16>
          %ge3A_2508 = arith.cmpf oge, %bitcast3A_2507, %bitcast3A_1716 : vector<32xbf16>
          %select_n3A_2509 = arith.select %ge3A_2508, %broadcast_in_dim3A_9, %broadcast_in_dim3A_7 : vector<32xi1>, vector<32xbf16>
          %le3A = arith.cmpf ole, %bitcast3A_2507, %bitcast3A_1747 : vector<32xbf16>
          %select_n3A_2510 = arith.select %le3A, %broadcast_in_dim3A_9, %broadcast_in_dim3A_7 : vector<32xi1>, vector<32xbf16>
          %add3A_2511 = arith.addf %scan3A_2495, %select_n3A_2509 : vector<32xbf16>
          %add3A_2512 = arith.addf %scan3A_2497, %select_n3A_2510 : vector<32xbf16>
          %mul3A_2513 = arith.constant 4 : i32
          %mul3A_2514 = arith.muli %scan3A_2494, %mul3A_2513 : i32
          %add3A_2515 = arith.constant 1 : i32
          %add3A_2516 = arith.addi %mul3A_2514, %add3A_2515 : i32
          %mul3A_2517 = arith.constant 16 : i32
          %mul3A_2518 = arith.muli %add3A_2516, %mul3A_2517 : i32
          %add3A_2519 = arith.addi %mul3A_87, %mul3A_2518 : i32
          %get3A_2520 = arith.index_cast %add3A_2519 : i32 to index
          %get3A_2521 = tpu.vector_load %arg5[%get3A_2520] {strides = array<i32>} : memref<8192xi32, #tpu.memory_space<vmem>>, vector<16xi32>,
          %bitcast3A_2522 = vector.bitcast %get3A_2521 : vector<16xi32> to vector<32xbf16>
          %ge3A_2523 = arith.cmpf oge, %bitcast3A_2522, %bitcast3A_1716 : vector<32xbf16>
          %select_n3A_2524 = arith.select %ge3A_2523, %broadcast_in_dim3A_9, %broadcast_in_dim3A_7 : vector<32xi1>, vector<32xbf16>
          %le3A_2525 = arith.cmpf ole, %bitcast3A_2522, %bitcast3A_1747 : vector<32xbf16>
          %select_n3A_2526 = arith.select %le3A_2525, %broadcast_in_dim3A_9, %broadcast_in_dim3A_7 : vector<32xi1>, vector<32xbf16>
          %add3A_2527 = arith.addf %scan3A_2496, %select_n3A_2524 : vector<32xbf16>
          %add3A_2528 = arith.addf %scan3A_2498, %select_n3A_2526 : vector<32xbf16>
          %mul3A_2529 = arith.constant 4 : i32
          %mul3A_2530 = arith.muli %scan3A_2494, %mul3A_2529 : i32
          %add3A_2531 = arith.constant 2 : i32
          %add3A_2532 = arith.addi %mul3A_2530, %add3A_2531 : i32
          %mul3A_2533 = arith.constant 16 : i32
          %mul3A_2534 = arith.muli %add3A_2532, %mul3A_2533 : i32
          %add3A_2535 = arith.addi %mul3A_87, %mul3A_2534 : i32
          %get3A_2536 = arith.index_cast %add3A_2535 : i32 to index
          %get3A_2537 = tpu.vector_load %arg5[%get3A_2536] {strides = array<i32>} : memref<8192xi32, #tpu.memory_space<vmem>>, vector<16xi32>,
          %bitcast3A_2538 = vector.bitcast %get3A_2537 : vector<16xi32> to vector<32xbf16>
          %ge3A_2539 = arith.cmpf oge, %bitcast3A_2538, %bitcast3A_1716 : vector<32xbf16>
          %select_n3A_2540 = arith.select %ge3A_2539, %broadcast_in_dim3A_9, %broadcast_in_dim3A_7 : vector<32xi1>, vector<32xbf16>
          %le3A_2541 = arith.cmpf ole, %bitcast3A_2538, %bitcast3A_1747 : vector<32xbf16>
          %select_n3A_2542 = arith.select %le3A_2541, %broadcast_in_dim3A_9, %broadcast_in_dim3A_7 : vector<32xi1>, vector<32xbf16>
          %add3A_2543 = arith.addf %add3A_2511, %select_n3A_2540 : vector<32xbf16>
          %add3A_2544 = arith.addf %add3A_2512, %select_n3A_2542 : vector<32xbf16>
          %mul3A_2545 = arith.constant 4 : i32
          %mul3A_2546 = arith.muli %scan3A_2494, %mul3A_2545 : i32
          %add3A_2547 = arith.constant 3 : i32
          %add3A_2548 = arith.addi %mul3A_2546, %add3A_2547 : i32
          %mul3A_2549 = arith.constant 16 : i32
          %mul3A_2550 = arith.muli %add3A_2548, %mul3A_2549 : i32
          %add3A_2551 = arith.addi %mul3A_87, %mul3A_2550 : i32
          %get3A_2552 = arith.index_cast %add3A_2551 : i32 to index
          %get3A_2553 = tpu.vector_load %arg5[%get3A_2552] {strides = array<i32>} : memref<8192xi32, #tpu.memory_space<vmem>>, vector<16xi32>,
          %bitcast3A_2554 = vector.bitcast %get3A_2553 : vector<16xi32> to vector<32xbf16>
          %ge3A_2555 = arith.cmpf oge, %bitcast3A_2554, %bitcast3A_1716 : vector<32xbf16>
          %select_n3A_2556 = arith.select %ge3A_2555, %broadcast_in_dim3A_9, %broadcast_in_dim3A_7 : vector<32xi1>, vector<32xbf16>
          %le3A_2557 = arith.cmpf ole, %bitcast3A_2554, %bitcast3A_1747 : vector<32xbf16>
          %select_n3A_2558 = arith.select %le3A_2557, %broadcast_in_dim3A_9, %broadcast_in_dim3A_7 : vector<32xi1>, vector<32xbf16>
          %add3A_2559 = arith.addf %add3A_2527, %select_n3A_2556 : vector<32xbf16>
          %add3A_2560 = arith.addf %add3A_2528, %select_n3A_2558 : vector<32xbf16>
          scf.yield %add3A_2543, %add3A_2559, %add3A_2544, %add3A_2560 : vector<32xbf16>, vector<32xbf16>, vector<32xbf16>, vector<32xbf16>
        }
        %scan3A_1753 = arith.constant 16 : i32
        %add3A_1754 = arith.addf %scan3A_1752#0, %scan3A_1752#1 : vector<32xbf16>
        %unpack3A_1755 = tpu.unpack_subelements %add3A_1754, 0 {pack_format = #tpu.pack_format<interleaved>} : vector<32xbf16> -> vector<16xf32>
        %unpack3A_1756 = tpu.unpack_subelements %add3A_1754, 1 {pack_format = #tpu.pack_format<interleaved>} : vector<32xbf16> -> vector<16xf32>
        %add3A_1757 = arith.addf %scan3A_1752#2, %scan3A_1752#3 : vector<32xbf16>
        %unpack3A_1758 = tpu.unpack_subelements %add3A_1757, 0 {pack_format = #tpu.pack_format<interleaved>} : vector<32xbf16> -> vector<16xf32>
        %unpack3A_1759 = tpu.unpack_subelements %add3A_1757, 1 {pack_format = #tpu.pack_format<interleaved>} : vector<32xbf16> -> vector<16xf32>
        %broadcast_in_dim3A_1760 = vector.shape_cast %xor3A_11 : vector<16xi32> to vector<16x1xi32>
        %gather3A_1761 = vector.shape_cast %broadcast_in_dim3A_1760 : vector<16x1xi32> to vector<16xi32>
        %gather3A_1762 = tpu.dynamic_gather %unpack3A_1755[%gather3A_1761] in [0] : vector<16xf32>, vector<16xi32> -> vector<16xf32>
        %add3A_1763 = arith.addf %unpack3A_1755, %gather3A_1762 : vector<16xf32>
        %broadcast_in_dim3A_1764 = vector.shape_cast %xor3A_14 : vector<16xi32> to vector<16x1xi32>
        %gather3A_1765 = vector.shape_cast %broadcast_in_dim3A_1764 : vector<16x1xi32> to vector<16xi32>
        %gather3A_1766 = tpu.dynamic_gather %add3A_1763[%gather3A_1765] in [0] : vector<16xf32>, vector<16xi32> -> vector<16xf32>
        %add3A_1767 = arith.addf %add3A_1763, %gather3A_1766 : vector<16xf32>
        %broadcast_in_dim3A_1768 = vector.shape_cast %xor3A_17 : vector<16xi32> to vector<16x1xi32>
        %gather3A_1769 = vector.shape_cast %broadcast_in_dim3A_1768 : vector<16x1xi32> to vector<16xi32>
        %gather3A_1770 = tpu.dynamic_gather %add3A_1767[%gather3A_1769] in [0] : vector<16xf32>, vector<16xi32> -> vector<16xf32>
        %add3A_1771 = arith.addf %add3A_1767, %gather3A_1770 : vector<16xf32>
        %broadcast_in_dim3A_1772 = vector.shape_cast %xor3A_20 : vector<16xi32> to vector<16x1xi32>
        %gather3A_1773 = vector.shape_cast %broadcast_in_dim3A_1772 : vector<16x1xi32> to vector<16xi32>
        %gather3A_1774 = tpu.dynamic_gather %add3A_1771[%gather3A_1773] in [0] : vector<16xf32>, vector<16xi32> -> vector<16xf32>
        %add3A_1775 = arith.addf %add3A_1771, %gather3A_1774 : vector<16xf32>
        %broadcast_in_dim3A_1776 = vector.shape_cast %xor3A_11 : vector<16xi32> to vector<16x1xi32>
        %gather3A_1777 = vector.shape_cast %broadcast_in_dim3A_1776 : vector<16x1xi32> to vector<16xi32>
        %gather3A_1778 = tpu.dynamic_gather %unpack3A_1756[%gather3A_1777] in [0] : vector<16xf32>, vector<16xi32> -> vector<16xf32>
        %add3A_1779 = arith.addf %unpack3A_1756, %gather3A_1778 : vector<16xf32>
        %broadcast_in_dim3A_1780 = vector.shape_cast %xor3A_14 : vector<16xi32> to vector<16x1xi32>
        %gather3A_1781 = vector.shape_cast %broadcast_in_dim3A_1780 : vector<16x1xi32> to vector<16xi32>
        %gather3A_1782 = tpu.dynamic_gather %add3A_1779[%gather3A_1781] in [0] : vector<16xf32>, vector<16xi32> -> vector<16xf32>
        %add3A_1783 = arith.addf %add3A_1779, %gather3A_1782 : vector<16xf32>
        %broadcast_in_dim3A_1784 = vector.shape_cast %xor3A_17 : vector<16xi32> to vector<16x1xi32>
        %gather3A_1785 = vector.shape_cast %broadcast_in_dim3A_1784 : vector<16x1xi32> to vector<16xi32>
        %gather3A_1786 = tpu.dynamic_gather %add3A_1783[%gather3A_1785] in [0] : vector<16xf32>, vector<16xi32> -> vector<16xf32>
        %add3A_1787 = arith.addf %add3A_1783, %gather3A_1786 : vector<16xf32>
        %broadcast_in_dim3A_1788 = vector.shape_cast %xor3A_20 : vector<16xi32> to vector<16x1xi32>
        %gather3A_1789 = vector.shape_cast %broadcast_in_dim3A_1788 : vector<16x1xi32> to vector<16xi32>
        %gather3A_1790 = tpu.dynamic_gather %add3A_1787[%gather3A_1789] in [0] : vector<16xf32>, vector<16xi32> -> vector<16xf32>
        %add3A_1791 = arith.addf %add3A_1787, %gather3A_1790 : vector<16xf32>
        %broadcast_in_dim3A_1792 = vector.shape_cast %xor3A_11 : vector<16xi32> to vector<16x1xi32>
        %gather3A_1793 = vector.shape_cast %broadcast_in_dim3A_1792 : vector<16x1xi32> to vector<16xi32>
        %gather3A_1794 = tpu.dynamic_gather %unpack3A_1758[%gather3A_1793] in [0] : vector<16xf32>, vector<16xi32> -> vector<16xf32>
        %add3A_1795 = arith.addf %unpack3A_1758, %gather3A_1794 : vector<16xf32>
        %broadcast_in_dim3A_1796 = vector.shape_cast %xor3A_14 : vector<16xi32> to vector<16x1xi32>
        %gather3A_1797 = vector.shape_cast %broadcast_in_dim3A_1796 : vector<16x1xi32> to vector<16xi32>
        %gather3A_1798 = tpu.dynamic_gather %add3A_1795[%gather3A_1797] in [0] : vector<16xf32>, vector<16xi32> -> vector<16xf32>
        %add3A_1799 = arith.addf %add3A_1795, %gather3A_1798 : vector<16xf32>
        %broadcast_in_dim3A_1800 = vector.shape_cast %xor3A_17 : vector<16xi32> to vector<16x1xi32>
        %gather3A_1801 = vector.shape_cast %broadcast_in_dim3A_1800 : vector<16x1xi32> to vector<16xi32>
        %gather3A_1802 = tpu.dynamic_gather %add3A_1799[%gather3A_1801] in [0] : vector<16xf32>, vector<16xi32> -> vector<16xf32>
        %add3A_1803 = arith.addf %add3A_1799, %gather3A_1802 : vector<16xf32>
        %broadcast_in_dim3A_1804 = vector.shape_cast %xor3A_20 : vector<16xi32> to vector<16x1xi32>
        %gather3A_1805 = vector.shape_cast %broadcast_in_dim3A_1804 : vector<16x1xi32> to vector<16xi32>
        %gather3A_1806 = tpu.dynamic_gather %add3A_1803[%gather3A_1805] in [0] : vector<16xf32>, vector<16xi32> -> vector<16xf32>
        %add3A_1807 = arith.addf %add3A_1803, %gather3A_1806 : vector<16xf32>
        %broadcast_in_dim3A_1808 = vector.shape_cast %xor3A_11 : vector<16xi32> to vector<16x1xi32>
        %gather3A_1809 = vector.shape_cast %broadcast_in_dim3A_1808 : vector<16x1xi32> to vector<16xi32>
        %gather3A_1810 = tpu.dynamic_gather %unpack3A_1759[%gather3A_1809] in [0] : vector<16xf32>, vector<16xi32> -> vector<16xf32>
        %add3A_1811 = arith.addf %unpack3A_1759, %gather3A_1810 : vector<16xf32>
        %broadcast_in_dim3A_1812 = vector.shape_cast %xor3A_14 : vector<16xi32> to vector<16x1xi32>
        %gather3A_1813 = vector.shape_cast %broadcast_in_dim3A_1812 : vector<16x1xi32> to vector<16xi32>
        %gather3A_1814 = tpu.dynamic_gather %add3A_1811[%gather3A_1813] in [0] : vector<16xf32>, vector<16xi32> -> vector<16xf32>
        %add3A_1815 = arith.addf %add3A_1811, %gather3A_1814 : vector<16xf32>
        %broadcast_in_dim3A_1816 = vector.shape_cast %xor3A_17 : vector<16xi32> to vector<16x1xi32>
        %gather3A_1817 = vector.shape_cast %broadcast_in_dim3A_1816 : vector<16x1xi32> to vector<16xi32>
        %gather3A_1818 = tpu.dynamic_gather %add3A_1815[%gather3A_1817] in [0] : vector<16xf32>, vector<16xi32> -> vector<16xf32>
        %add3A_1819 = arith.addf %add3A_1815, %gather3A_1818 : vector<16xf32>
        %broadcast_in_dim3A_1820 = vector.shape_cast %xor3A_20 : vector<16xi32> to vector<16x1xi32>
        %gather3A_1821 = vector.shape_cast %broadcast_in_dim3A_1820 : vector<16x1xi32> to vector<16xi32>
        %gather3A_1822 = tpu.dynamic_gather %add3A_1819[%gather3A_1821] in [0] : vector<16xf32>, vector<16xi32> -> vector<16xf32>
        %add3A_1823 = arith.addf %add3A_1819, %gather3A_1822 : vector<16xf32>
        %ge3A_1824 = arith.constant 2.050000e+02 : f32
        %ge3A_1825 = vector.broadcast %ge3A_1824 : f32 to vector<16xf32>
        %ge3A_1826 = arith.cmpf oge, %add3A_1775, %ge3A_1825 : vector<16xf32>
        %select_n3A_1827 = arith.select %ge3A_1826, %add3A_1682, %select_n3A_1667 : vector<16xi1>, vector<16xi32>
        %ge3A_1828 = arith.constant 2.050000e+02 : f32
        %ge3A_1829 = vector.broadcast %ge3A_1828 : f32 to vector<16xf32>
        %ge3A_1830 = arith.cmpf oge, %add3A_1791, %ge3A_1829 : vector<16xf32>
        %select_n3A_1831 = arith.select %ge3A_1830, %add3A_1685, %select_n3A_1671 : vector<16xi1>, vector<16xi32>
        %ge3A_1832 = arith.constant 2.050000e+02 : f32
        %ge3A_1833 = vector.broadcast %ge3A_1832 : f32 to vector<16xf32>
        %ge3A_1834 = arith.cmpf oge, %add3A_1807, %ge3A_1833 : vector<16xf32>
        %select_n3A_1835 = arith.select %ge3A_1834, %add3A_1688, %select_n3A_1675 : vector<16xi1>, vector<16xi32>
        %ge3A_1836 = arith.constant 2.050000e+02 : f32
        %ge3A_1837 = vector.broadcast %ge3A_1836 : f32 to vector<16xf32>
        %ge3A_1838 = arith.cmpf oge, %add3A_1823, %ge3A_1837 : vector<16xf32>
        %select_n3A_1839 = arith.select %ge3A_1838, %add3A_1691, %select_n3A_1679 : vector<16xi1>, vector<16xi32>
        %add3A_1840 = arith.constant 16 : i32
        %add3A_1841 = vector.broadcast %add3A_1840 : i32 to vector<16xi32>
        %add3A_1842 = arith.addi %select_n3A_1827, %add3A_1841 : vector<16xi32>
        %add3A_1843 = arith.constant 16 : i32
        %add3A_1844 = vector.broadcast %add3A_1843 : i32 to vector<16xi32>
        %add3A_1845 = arith.addi %select_n3A_1831, %add3A_1844 : vector<16xi32>
        %add3A_1846 = arith.constant 16 : i32
        %add3A_1847 = vector.broadcast %add3A_1846 : i32 to vector<16xi32>
        %add3A_1848 = arith.addi %select_n3A_1835, %add3A_1847 : vector<16xi32>
        %add3A_1849 = arith.constant 16 : i32
        %add3A_1850 = vector.broadcast %add3A_1849 : i32 to vector<16xi32>
        %add3A_1851 = arith.addi %select_n3A_1839, %add3A_1850 : vector<16xi32>
        %ge3A_1852 = arith.constant 32768 : i32
        %ge3A_1853 = vector.broadcast %ge3A_1852 : i32 to vector<16xi32>
        %ge3A_1854 = arith.cmpi sge, %add3A_1842, %ge3A_1853 : vector<16xi32>
        %sub3A_1855 = arith.constant 32768 : i32
        %sub3A_1856 = vector.broadcast %sub3A_1855 : i32 to vector<16xi32>
        %sub3A_1857 = arith.subi %add3A_1842, %sub3A_1856 : vector<16xi32>
        %sub3A_1858 = arith.constant 65535 : i32
        %sub3A_1859 = vector.broadcast %sub3A_1858 : i32 to vector<16xi32>
        %sub3A_1860 = arith.subi %sub3A_1859, %add3A_1842 : vector<16xi32>
        %select_n3A_1861 = arith.select %ge3A_1854, %sub3A_1857, %sub3A_1860 : vector<16xi1>, vector<16xi32>
        %ge3A_1862 = arith.constant 32768 : i32
        %ge3A_1863 = vector.broadcast %ge3A_1862 : i32 to vector<16xi32>
        %ge3A_1864 = arith.cmpi sge, %add3A_1845, %ge3A_1863 : vector<16xi32>
        %sub3A_1865 = arith.constant 32768 : i32
        %sub3A_1866 = vector.broadcast %sub3A_1865 : i32 to vector<16xi32>
        %sub3A_1867 = arith.subi %add3A_1845, %sub3A_1866 : vector<16xi32>
        %sub3A_1868 = arith.constant 65535 : i32
        %sub3A_1869 = vector.broadcast %sub3A_1868 : i32 to vector<16xi32>
        %sub3A_1870 = arith.subi %sub3A_1869, %add3A_1845 : vector<16xi32>
        %select_n3A_1871 = arith.select %ge3A_1864, %sub3A_1867, %sub3A_1870 : vector<16xi1>, vector<16xi32>
        %shift_left3A_1872 = arith.constant 16 : i32
        %shift_left3A_1873 = vector.broadcast %shift_left3A_1872 : i32 to vector<16xi32>
        %shift_left3A_1874 = arith.shli %select_n3A_1871, %shift_left3A_1873 : vector<16xi32>
        %or3A_1875 = arith.ori %select_n3A_1861, %shift_left3A_1874 : vector<16xi32>
        %bitcast3A_1876 = vector.bitcast %or3A_1875 : vector<16xi32> to vector<32xbf16>
        %sub3A_1877 = arith.constant 65535 : i32
        %sub3A_1878 = vector.broadcast %sub3A_1877 : i32 to vector<16xi32>
        %sub3A_1879 = arith.subi %sub3A_1878, %add3A_1848 : vector<16xi32>
        %ge3A_1880 = arith.constant 32768 : i32
        %ge3A_1881 = vector.broadcast %ge3A_1880 : i32 to vector<16xi32>
        %ge3A_1882 = arith.cmpi sge, %sub3A_1879, %ge3A_1881 : vector<16xi32>
        %sub3A_1883 = arith.constant 32768 : i32
        %sub3A_1884 = vector.broadcast %sub3A_1883 : i32 to vector<16xi32>
        %sub3A_1885 = arith.subi %sub3A_1879, %sub3A_1884 : vector<16xi32>
        %sub3A_1886 = arith.constant 65535 : i32
        %sub3A_1887 = vector.broadcast %sub3A_1886 : i32 to vector<16xi32>
        %sub3A_1888 = arith.subi %sub3A_1887, %sub3A_1879 : vector<16xi32>
        %select_n3A_1889 = arith.select %ge3A_1882, %sub3A_1885, %sub3A_1888 : vector<16xi1>, vector<16xi32>
        %sub3A_1890 = arith.constant 65535 : i32
        %sub3A_1891 = vector.broadcast %sub3A_1890 : i32 to vector<16xi32>
        %sub3A_1892 = arith.subi %sub3A_1891, %add3A_1851 : vector<16xi32>
        %ge3A_1893 = arith.constant 32768 : i32
        %ge3A_1894 = vector.broadcast %ge3A_1893 : i32 to vector<16xi32>
        %ge3A_1895 = arith.cmpi sge, %sub3A_1892, %ge3A_1894 : vector<16xi32>
        %sub3A_1896 = arith.constant 32768 : i32
        %sub3A_1897 = vector.broadcast %sub3A_1896 : i32 to vector<16xi32>
        %sub3A_1898 = arith.subi %sub3A_1892, %sub3A_1897 : vector<16xi32>
        %sub3A_1899 = arith.constant 65535 : i32
        %sub3A_1900 = vector.broadcast %sub3A_1899 : i32 to vector<16xi32>
        %sub3A_1901 = arith.subi %sub3A_1900, %sub3A_1892 : vector<16xi32>
        %select_n3A_1902 = arith.select %ge3A_1895, %sub3A_1898, %sub3A_1901 : vector<16xi1>, vector<16xi32>
        %shift_left3A_1903 = arith.constant 16 : i32
        %shift_left3A_1904 = vector.broadcast %shift_left3A_1903 : i32 to vector<16xi32>
        %shift_left3A_1905 = arith.shli %select_n3A_1902, %shift_left3A_1904 : vector<16xi32>
        %or3A_1906 = arith.ori %select_n3A_1889, %shift_left3A_1905 : vector<16xi32>
        %bitcast3A_1907 = vector.bitcast %or3A_1906 : vector<16xi32> to vector<32xbf16>
        %scan3A_1908 = arith.constant 0 : i32
        %scan3A_1909 = arith.constant 16 : i32
        %scan3A_1910 = arith.addi %scan3A_1908, %scan3A_1909 : i32
        %scan3A_1911 = arith.constant 1 : i32
        %scan3A_1912:4 = scf.for %scan3A_2494 = %scan3A_1908 to %scan3A_1910 step %scan3A_1911 iter_args(%scan3A_2495 = %broadcast_in_dim3A_7, %scan3A_2496 = %broadcast_in_dim3A_7, %scan3A_2497 = %broadcast_in_dim3A_7, %scan3A_2498 = %broadcast_in_dim3A_7) -> (vector<32xbf16>, vector<32xbf16>, vector<32xbf16>, vector<32xbf16>)  : i32 {
          %mul3A_2499 = arith.constant 4 : i32
          %mul3A_2500 = arith.muli %scan3A_2494, %mul3A_2499 : i32
          %add3A_2501 = arith.constant 0 : i32
          %add3A_2502 = arith.addi %mul3A_2500, %add3A_2501 : i32
          %mul3A_2503 = arith.constant 16 : i32
          %mul3A_2504 = arith.muli %add3A_2502, %mul3A_2503 : i32
          %add3A_2505 = arith.addi %mul3A_87, %mul3A_2504 : i32
          %get3A = arith.index_cast %add3A_2505 : i32 to index
          %get3A_2506 = tpu.vector_load %arg5[%get3A] {strides = array<i32>} : memref<8192xi32, #tpu.memory_space<vmem>>, vector<16xi32>,
          %bitcast3A_2507 = vector.bitcast %get3A_2506 : vector<16xi32> to vector<32xbf16>
          %ge3A_2508 = arith.cmpf oge, %bitcast3A_2507, %bitcast3A_1876 : vector<32xbf16>
          %select_n3A_2509 = arith.select %ge3A_2508, %broadcast_in_dim3A_9, %broadcast_in_dim3A_7 : vector<32xi1>, vector<32xbf16>
          %le3A = arith.cmpf ole, %bitcast3A_2507, %bitcast3A_1907 : vector<32xbf16>
          %select_n3A_2510 = arith.select %le3A, %broadcast_in_dim3A_9, %broadcast_in_dim3A_7 : vector<32xi1>, vector<32xbf16>
          %add3A_2511 = arith.addf %scan3A_2495, %select_n3A_2509 : vector<32xbf16>
          %add3A_2512 = arith.addf %scan3A_2497, %select_n3A_2510 : vector<32xbf16>
          %mul3A_2513 = arith.constant 4 : i32
          %mul3A_2514 = arith.muli %scan3A_2494, %mul3A_2513 : i32
          %add3A_2515 = arith.constant 1 : i32
          %add3A_2516 = arith.addi %mul3A_2514, %add3A_2515 : i32
          %mul3A_2517 = arith.constant 16 : i32
          %mul3A_2518 = arith.muli %add3A_2516, %mul3A_2517 : i32
          %add3A_2519 = arith.addi %mul3A_87, %mul3A_2518 : i32
          %get3A_2520 = arith.index_cast %add3A_2519 : i32 to index
          %get3A_2521 = tpu.vector_load %arg5[%get3A_2520] {strides = array<i32>} : memref<8192xi32, #tpu.memory_space<vmem>>, vector<16xi32>,
          %bitcast3A_2522 = vector.bitcast %get3A_2521 : vector<16xi32> to vector<32xbf16>
          %ge3A_2523 = arith.cmpf oge, %bitcast3A_2522, %bitcast3A_1876 : vector<32xbf16>
          %select_n3A_2524 = arith.select %ge3A_2523, %broadcast_in_dim3A_9, %broadcast_in_dim3A_7 : vector<32xi1>, vector<32xbf16>
          %le3A_2525 = arith.cmpf ole, %bitcast3A_2522, %bitcast3A_1907 : vector<32xbf16>
          %select_n3A_2526 = arith.select %le3A_2525, %broadcast_in_dim3A_9, %broadcast_in_dim3A_7 : vector<32xi1>, vector<32xbf16>
          %add3A_2527 = arith.addf %scan3A_2496, %select_n3A_2524 : vector<32xbf16>
          %add3A_2528 = arith.addf %scan3A_2498, %select_n3A_2526 : vector<32xbf16>
          %mul3A_2529 = arith.constant 4 : i32
          %mul3A_2530 = arith.muli %scan3A_2494, %mul3A_2529 : i32
          %add3A_2531 = arith.constant 2 : i32
          %add3A_2532 = arith.addi %mul3A_2530, %add3A_2531 : i32
          %mul3A_2533 = arith.constant 16 : i32
          %mul3A_2534 = arith.muli %add3A_2532, %mul3A_2533 : i32
          %add3A_2535 = arith.addi %mul3A_87, %mul3A_2534 : i32
          %get3A_2536 = arith.index_cast %add3A_2535 : i32 to index
          %get3A_2537 = tpu.vector_load %arg5[%get3A_2536] {strides = array<i32>} : memref<8192xi32, #tpu.memory_space<vmem>>, vector<16xi32>,
          %bitcast3A_2538 = vector.bitcast %get3A_2537 : vector<16xi32> to vector<32xbf16>
          %ge3A_2539 = arith.cmpf oge, %bitcast3A_2538, %bitcast3A_1876 : vector<32xbf16>
          %select_n3A_2540 = arith.select %ge3A_2539, %broadcast_in_dim3A_9, %broadcast_in_dim3A_7 : vector<32xi1>, vector<32xbf16>
          %le3A_2541 = arith.cmpf ole, %bitcast3A_2538, %bitcast3A_1907 : vector<32xbf16>
          %select_n3A_2542 = arith.select %le3A_2541, %broadcast_in_dim3A_9, %broadcast_in_dim3A_7 : vector<32xi1>, vector<32xbf16>
          %add3A_2543 = arith.addf %add3A_2511, %select_n3A_2540 : vector<32xbf16>
          %add3A_2544 = arith.addf %add3A_2512, %select_n3A_2542 : vector<32xbf16>
          %mul3A_2545 = arith.constant 4 : i32
          %mul3A_2546 = arith.muli %scan3A_2494, %mul3A_2545 : i32
          %add3A_2547 = arith.constant 3 : i32
          %add3A_2548 = arith.addi %mul3A_2546, %add3A_2547 : i32
          %mul3A_2549 = arith.constant 16 : i32
          %mul3A_2550 = arith.muli %add3A_2548, %mul3A_2549 : i32
          %add3A_2551 = arith.addi %mul3A_87, %mul3A_2550 : i32
          %get3A_2552 = arith.index_cast %add3A_2551 : i32 to index
          %get3A_2553 = tpu.vector_load %arg5[%get3A_2552] {strides = array<i32>} : memref<8192xi32, #tpu.memory_space<vmem>>, vector<16xi32>,
          %bitcast3A_2554 = vector.bitcast %get3A_2553 : vector<16xi32> to vector<32xbf16>
          %ge3A_2555 = arith.cmpf oge, %bitcast3A_2554, %bitcast3A_1876 : vector<32xbf16>
          %select_n3A_2556 = arith.select %ge3A_2555, %broadcast_in_dim3A_9, %broadcast_in_dim3A_7 : vector<32xi1>, vector<32xbf16>
          %le3A_2557 = arith.cmpf ole, %bitcast3A_2554, %bitcast3A_1907 : vector<32xbf16>
          %select_n3A_2558 = arith.select %le3A_2557, %broadcast_in_dim3A_9, %broadcast_in_dim3A_7 : vector<32xi1>, vector<32xbf16>
          %add3A_2559 = arith.addf %add3A_2527, %select_n3A_2556 : vector<32xbf16>
          %add3A_2560 = arith.addf %add3A_2528, %select_n3A_2558 : vector<32xbf16>
          scf.yield %add3A_2543, %add3A_2559, %add3A_2544, %add3A_2560 : vector<32xbf16>, vector<32xbf16>, vector<32xbf16>, vector<32xbf16>
        }
        %scan3A_1913 = arith.constant 16 : i32
        %add3A_1914 = arith.addf %scan3A_1912#0, %scan3A_1912#1 : vector<32xbf16>
        %unpack3A_1915 = tpu.unpack_subelements %add3A_1914, 0 {pack_format = #tpu.pack_format<interleaved>} : vector<32xbf16> -> vector<16xf32>
        %unpack3A_1916 = tpu.unpack_subelements %add3A_1914, 1 {pack_format = #tpu.pack_format<interleaved>} : vector<32xbf16> -> vector<16xf32>
        %add3A_1917 = arith.addf %scan3A_1912#2, %scan3A_1912#3 : vector<32xbf16>
        %unpack3A_1918 = tpu.unpack_subelements %add3A_1917, 0 {pack_format = #tpu.pack_format<interleaved>} : vector<32xbf16> -> vector<16xf32>
        %unpack3A_1919 = tpu.unpack_subelements %add3A_1917, 1 {pack_format = #tpu.pack_format<interleaved>} : vector<32xbf16> -> vector<16xf32>
        %broadcast_in_dim3A_1920 = vector.shape_cast %xor3A_11 : vector<16xi32> to vector<16x1xi32>
        %gather3A_1921 = vector.shape_cast %broadcast_in_dim3A_1920 : vector<16x1xi32> to vector<16xi32>
        %gather3A_1922 = tpu.dynamic_gather %unpack3A_1915[%gather3A_1921] in [0] : vector<16xf32>, vector<16xi32> -> vector<16xf32>
        %add3A_1923 = arith.addf %unpack3A_1915, %gather3A_1922 : vector<16xf32>
        %broadcast_in_dim3A_1924 = vector.shape_cast %xor3A_14 : vector<16xi32> to vector<16x1xi32>
        %gather3A_1925 = vector.shape_cast %broadcast_in_dim3A_1924 : vector<16x1xi32> to vector<16xi32>
        %gather3A_1926 = tpu.dynamic_gather %add3A_1923[%gather3A_1925] in [0] : vector<16xf32>, vector<16xi32> -> vector<16xf32>
        %add3A_1927 = arith.addf %add3A_1923, %gather3A_1926 : vector<16xf32>
        %broadcast_in_dim3A_1928 = vector.shape_cast %xor3A_17 : vector<16xi32> to vector<16x1xi32>
        %gather3A_1929 = vector.shape_cast %broadcast_in_dim3A_1928 : vector<16x1xi32> to vector<16xi32>
        %gather3A_1930 = tpu.dynamic_gather %add3A_1927[%gather3A_1929] in [0] : vector<16xf32>, vector<16xi32> -> vector<16xf32>
        %add3A_1931 = arith.addf %add3A_1927, %gather3A_1930 : vector<16xf32>
        %broadcast_in_dim3A_1932 = vector.shape_cast %xor3A_20 : vector<16xi32> to vector<16x1xi32>
        %gather3A_1933 = vector.shape_cast %broadcast_in_dim3A_1932 : vector<16x1xi32> to vector<16xi32>
        %gather3A_1934 = tpu.dynamic_gather %add3A_1931[%gather3A_1933] in [0] : vector<16xf32>, vector<16xi32> -> vector<16xf32>
        %add3A_1935 = arith.addf %add3A_1931, %gather3A_1934 : vector<16xf32>
        %broadcast_in_dim3A_1936 = vector.shape_cast %xor3A_11 : vector<16xi32> to vector<16x1xi32>
        %gather3A_1937 = vector.shape_cast %broadcast_in_dim3A_1936 : vector<16x1xi32> to vector<16xi32>
        %gather3A_1938 = tpu.dynamic_gather %unpack3A_1916[%gather3A_1937] in [0] : vector<16xf32>, vector<16xi32> -> vector<16xf32>
        %add3A_1939 = arith.addf %unpack3A_1916, %gather3A_1938 : vector<16xf32>
        %broadcast_in_dim3A_1940 = vector.shape_cast %xor3A_14 : vector<16xi32> to vector<16x1xi32>
        %gather3A_1941 = vector.shape_cast %broadcast_in_dim3A_1940 : vector<16x1xi32> to vector<16xi32>
        %gather3A_1942 = tpu.dynamic_gather %add3A_1939[%gather3A_1941] in [0] : vector<16xf32>, vector<16xi32> -> vector<16xf32>
        %add3A_1943 = arith.addf %add3A_1939, %gather3A_1942 : vector<16xf32>
        %broadcast_in_dim3A_1944 = vector.shape_cast %xor3A_17 : vector<16xi32> to vector<16x1xi32>
        %gather3A_1945 = vector.shape_cast %broadcast_in_dim3A_1944 : vector<16x1xi32> to vector<16xi32>
        %gather3A_1946 = tpu.dynamic_gather %add3A_1943[%gather3A_1945] in [0] : vector<16xf32>, vector<16xi32> -> vector<16xf32>
        %add3A_1947 = arith.addf %add3A_1943, %gather3A_1946 : vector<16xf32>
        %broadcast_in_dim3A_1948 = vector.shape_cast %xor3A_20 : vector<16xi32> to vector<16x1xi32>
        %gather3A_1949 = vector.shape_cast %broadcast_in_dim3A_1948 : vector<16x1xi32> to vector<16xi32>
        %gather3A_1950 = tpu.dynamic_gather %add3A_1947[%gather3A_1949] in [0] : vector<16xf32>, vector<16xi32> -> vector<16xf32>
        %add3A_1951 = arith.addf %add3A_1947, %gather3A_1950 : vector<16xf32>
        %broadcast_in_dim3A_1952 = vector.shape_cast %xor3A_11 : vector<16xi32> to vector<16x1xi32>
        %gather3A_1953 = vector.shape_cast %broadcast_in_dim3A_1952 : vector<16x1xi32> to vector<16xi32>
        %gather3A_1954 = tpu.dynamic_gather %unpack3A_1918[%gather3A_1953] in [0] : vector<16xf32>, vector<16xi32> -> vector<16xf32>
        %add3A_1955 = arith.addf %unpack3A_1918, %gather3A_1954 : vector<16xf32>
        %broadcast_in_dim3A_1956 = vector.shape_cast %xor3A_14 : vector<16xi32> to vector<16x1xi32>
        %gather3A_1957 = vector.shape_cast %broadcast_in_dim3A_1956 : vector<16x1xi32> to vector<16xi32>
        %gather3A_1958 = tpu.dynamic_gather %add3A_1955[%gather3A_1957] in [0] : vector<16xf32>, vector<16xi32> -> vector<16xf32>
        %add3A_1959 = arith.addf %add3A_1955, %gather3A_1958 : vector<16xf32>
        %broadcast_in_dim3A_1960 = vector.shape_cast %xor3A_17 : vector<16xi32> to vector<16x1xi32>
        %gather3A_1961 = vector.shape_cast %broadcast_in_dim3A_1960 : vector<16x1xi32> to vector<16xi32>
        %gather3A_1962 = tpu.dynamic_gather %add3A_1959[%gather3A_1961] in [0] : vector<16xf32>, vector<16xi32> -> vector<16xf32>
        %add3A_1963 = arith.addf %add3A_1959, %gather3A_1962 : vector<16xf32>
        %broadcast_in_dim3A_1964 = vector.shape_cast %xor3A_20 : vector<16xi32> to vector<16x1xi32>
        %gather3A_1965 = vector.shape_cast %broadcast_in_dim3A_1964 : vector<16x1xi32> to vector<16xi32>
        %gather3A_1966 = tpu.dynamic_gather %add3A_1963[%gather3A_1965] in [0] : vector<16xf32>, vector<16xi32> -> vector<16xf32>
        %add3A_1967 = arith.addf %add3A_1963, %gather3A_1966 : vector<16xf32>
        %broadcast_in_dim3A_1968 = vector.shape_cast %xor3A_11 : vector<16xi32> to vector<16x1xi32>
        %gather3A_1969 = vector.shape_cast %broadcast_in_dim3A_1968 : vector<16x1xi32> to vector<16xi32>
        %gather3A_1970 = tpu.dynamic_gather %unpack3A_1919[%gather3A_1969] in [0] : vector<16xf32>, vector<16xi32> -> vector<16xf32>
        %add3A_1971 = arith.addf %unpack3A_1919, %gather3A_1970 : vector<16xf32>
        %broadcast_in_dim3A_1972 = vector.shape_cast %xor3A_14 : vector<16xi32> to vector<16x1xi32>
        %gather3A_1973 = vector.shape_cast %broadcast_in_dim3A_1972 : vector<16x1xi32> to vector<16xi32>
        %gather3A_1974 = tpu.dynamic_gather %add3A_1971[%gather3A_1973] in [0] : vector<16xf32>, vector<16xi32> -> vector<16xf32>
        %add3A_1975 = arith.addf %add3A_1971, %gather3A_1974 : vector<16xf32>
        %broadcast_in_dim3A_1976 = vector.shape_cast %xor3A_17 : vector<16xi32> to vector<16x1xi32>
        %gather3A_1977 = vector.shape_cast %broadcast_in_dim3A_1976 : vector<16x1xi32> to vector<16xi32>
        %gather3A_1978 = tpu.dynamic_gather %add3A_1975[%gather3A_1977] in [0] : vector<16xf32>, vector<16xi32> -> vector<16xf32>
        %add3A_1979 = arith.addf %add3A_1975, %gather3A_1978 : vector<16xf32>
        %broadcast_in_dim3A_1980 = vector.shape_cast %xor3A_20 : vector<16xi32> to vector<16x1xi32>
        %gather3A_1981 = vector.shape_cast %broadcast_in_dim3A_1980 : vector<16x1xi32> to vector<16xi32>
        %gather3A_1982 = tpu.dynamic_gather %add3A_1979[%gather3A_1981] in [0] : vector<16xf32>, vector<16xi32> -> vector<16xf32>
        %add3A_1983 = arith.addf %add3A_1979, %gather3A_1982 : vector<16xf32>
        %ge3A_1984 = arith.constant 2.050000e+02 : f32
        %ge3A_1985 = vector.broadcast %ge3A_1984 : f32 to vector<16xf32>
        %ge3A_1986 = arith.cmpf oge, %add3A_1935, %ge3A_1985 : vector<16xf32>
        %select_n3A_1987 = arith.select %ge3A_1986, %add3A_1842, %select_n3A_1827 : vector<16xi1>, vector<16xi32>
        %ge3A_1988 = arith.constant 2.050000e+02 : f32
        %ge3A_1989 = vector.broadcast %ge3A_1988 : f32 to vector<16xf32>
        %ge3A_1990 = arith.cmpf oge, %add3A_1951, %ge3A_1989 : vector<16xf32>
        %select_n3A_1991 = arith.select %ge3A_1990, %add3A_1845, %select_n3A_1831 : vector<16xi1>, vector<16xi32>
        %ge3A_1992 = arith.constant 2.050000e+02 : f32
        %ge3A_1993 = vector.broadcast %ge3A_1992 : f32 to vector<16xf32>
        %ge3A_1994 = arith.cmpf oge, %add3A_1967, %ge3A_1993 : vector<16xf32>
        %select_n3A_1995 = arith.select %ge3A_1994, %add3A_1848, %select_n3A_1835 : vector<16xi1>, vector<16xi32>
        %ge3A_1996 = arith.constant 2.050000e+02 : f32
        %ge3A_1997 = vector.broadcast %ge3A_1996 : f32 to vector<16xf32>
        %ge3A_1998 = arith.cmpf oge, %add3A_1983, %ge3A_1997 : vector<16xf32>
        %select_n3A_1999 = arith.select %ge3A_1998, %add3A_1851, %select_n3A_1839 : vector<16xi1>, vector<16xi32>
        %mul3A_2000 = arith.constant 2 : i32
        %mul3A_2001 = arith.muli %mul3A_2000, %scan3A_84 : i32
        %add3A_2002 = arith.constant 0 : i32
        %add3A_2003 = arith.addi %mul3A_2001, %add3A_2002 : i32
        %mul3A_2004 = arith.constant 1024 : i32
        %mul3A_2005 = arith.muli %add3A_2003, %mul3A_2004 : i32
        %sub3A_2006 = arith.constant 65535 : i32
        %sub3A_2007 = vector.broadcast %sub3A_2006 : i32 to vector<16xi32>
        %sub3A_2008 = arith.subi %sub3A_2007, %select_n3A_1995 : vector<16xi32>
        %ge3A_2009 = arith.constant 32768 : i32
        %ge3A_2010 = vector.broadcast %ge3A_2009 : i32 to vector<16xi32>
        %ge3A_2011 = arith.cmpi sge, %select_n3A_1987, %ge3A_2010 : vector<16xi32>
        %sub3A_2012 = arith.constant 32768 : i32
        %sub3A_2013 = vector.broadcast %sub3A_2012 : i32 to vector<16xi32>
        %sub3A_2014 = arith.subi %select_n3A_1987, %sub3A_2013 : vector<16xi32>
        %sub3A_2015 = arith.constant 65535 : i32
        %sub3A_2016 = vector.broadcast %sub3A_2015 : i32 to vector<16xi32>
        %sub3A_2017 = arith.subi %sub3A_2016, %select_n3A_1987 : vector<16xi32>
        %select_n3A_2018 = arith.select %ge3A_2011, %sub3A_2014, %sub3A_2017 : vector<16xi1>, vector<16xi32>
        %shift_left3A_2019 = arith.constant 16 : i32
        %shift_left3A_2020 = vector.broadcast %shift_left3A_2019 : i32 to vector<16xi32>
        %shift_left3A_2021 = arith.shli %select_n3A_2018, %shift_left3A_2020 : vector<16xi32>
        %bitcast3A_2022 = vector.bitcast %shift_left3A_2021 : vector<16xi32> to vector<16xf32>
        %add3A_2023 = arith.constant 15 : i32
        %add3A_2024 = vector.broadcast %add3A_2023 : i32 to vector<16xi32>
        %add3A_2025 = arith.addi %select_n3A_1987, %add3A_2024 : vector<16xi32>
        %ge3A_2026 = arith.constant 32768 : i32
        %ge3A_2027 = vector.broadcast %ge3A_2026 : i32 to vector<16xi32>
        %ge3A_2028 = arith.cmpi sge, %add3A_2025, %ge3A_2027 : vector<16xi32>
        %sub3A_2029 = arith.constant 32768 : i32
        %sub3A_2030 = vector.broadcast %sub3A_2029 : i32 to vector<16xi32>
        %sub3A_2031 = arith.subi %add3A_2025, %sub3A_2030 : vector<16xi32>
        %sub3A_2032 = arith.constant 65535 : i32
        %sub3A_2033 = vector.broadcast %sub3A_2032 : i32 to vector<16xi32>
        %sub3A_2034 = arith.subi %sub3A_2033, %add3A_2025 : vector<16xi32>
        %select_n3A_2035 = arith.select %ge3A_2028, %sub3A_2031, %sub3A_2034 : vector<16xi1>, vector<16xi32>
        %shift_left3A_2036 = arith.constant 16 : i32
        %shift_left3A_2037 = vector.broadcast %shift_left3A_2036 : i32 to vector<16xi32>
        %shift_left3A_2038 = arith.shli %select_n3A_2035, %shift_left3A_2037 : vector<16xi32>
        %bitcast3A_2039 = vector.bitcast %shift_left3A_2038 : vector<16xi32> to vector<16xf32>
        %add3A_2040 = arith.addf %bitcast3A_2022, %bitcast3A_2039 : vector<16xf32>
        %mul3A_2041 = arith.constant 5.000000e-01 : f32
        %mul3A_2042 = vector.broadcast %mul3A_2041 : f32 to vector<16xf32>
        %mul3A_2043 = arith.mulf %mul3A_2042, %add3A_2040 : vector<16xf32>
        %sub3A_2044 = arith.constant 15 : i32
        %sub3A_2045 = vector.broadcast %sub3A_2044 : i32 to vector<16xi32>
        %sub3A_2046 = arith.subi %sub3A_2008, %sub3A_2045 : vector<16xi32>
        %ge3A_2047 = arith.constant 32768 : i32
        %ge3A_2048 = vector.broadcast %ge3A_2047 : i32 to vector<16xi32>
        %ge3A_2049 = arith.cmpi sge, %sub3A_2046, %ge3A_2048 : vector<16xi32>
        %sub3A_2050 = arith.constant 32768 : i32
        %sub3A_2051 = vector.broadcast %sub3A_2050 : i32 to vector<16xi32>
        %sub3A_2052 = arith.subi %sub3A_2046, %sub3A_2051 : vector<16xi32>
        %sub3A_2053 = arith.constant 65535 : i32
        %sub3A_2054 = vector.broadcast %sub3A_2053 : i32 to vector<16xi32>
        %sub3A_2055 = arith.subi %sub3A_2054, %sub3A_2046 : vector<16xi32>
        %select_n3A_2056 = arith.select %ge3A_2049, %sub3A_2052, %sub3A_2055 : vector<16xi1>, vector<16xi32>
        %shift_left3A_2057 = arith.constant 16 : i32
        %shift_left3A_2058 = vector.broadcast %shift_left3A_2057 : i32 to vector<16xi32>
        %shift_left3A_2059 = arith.shli %select_n3A_2056, %shift_left3A_2058 : vector<16xi32>
        %bitcast3A_2060 = vector.bitcast %shift_left3A_2059 : vector<16xi32> to vector<16xf32>
        %ge3A_2061 = arith.constant 32768 : i32
        %ge3A_2062 = vector.broadcast %ge3A_2061 : i32 to vector<16xi32>
        %ge3A_2063 = arith.cmpi sge, %sub3A_2008, %ge3A_2062 : vector<16xi32>
        %sub3A_2064 = arith.constant 32768 : i32
        %sub3A_2065 = vector.broadcast %sub3A_2064 : i32 to vector<16xi32>
        %sub3A_2066 = arith.subi %sub3A_2008, %sub3A_2065 : vector<16xi32>
        %sub3A_2067 = arith.constant 65535 : i32
        %sub3A_2068 = vector.broadcast %sub3A_2067 : i32 to vector<16xi32>
        %sub3A_2069 = arith.subi %sub3A_2068, %sub3A_2008 : vector<16xi32>
        %select_n3A_2070 = arith.select %ge3A_2063, %sub3A_2066, %sub3A_2069 : vector<16xi1>, vector<16xi32>
        %shift_left3A_2071 = arith.constant 16 : i32
        %shift_left3A_2072 = vector.broadcast %shift_left3A_2071 : i32 to vector<16xi32>
        %shift_left3A_2073 = arith.shli %select_n3A_2070, %shift_left3A_2072 : vector<16xi32>
        %bitcast3A_2074 = vector.bitcast %shift_left3A_2073 : vector<16xi32> to vector<16xf32>
        %add3A_2075 = arith.addf %bitcast3A_2060, %bitcast3A_2074 : vector<16xf32>
        %mul3A_2076 = arith.constant 5.000000e-01 : f32
        %mul3A_2077 = vector.broadcast %mul3A_2076 : f32 to vector<16xf32>
        %mul3A_2078 = arith.mulf %mul3A_2077, %add3A_2075 : vector<16xf32>
        %add3A_2079 = arith.constant 15 : i32
        %add3A_2080 = vector.broadcast %add3A_2079 : i32 to vector<16xi32>
        %add3A_2081 = arith.addi %select_n3A_1987, %add3A_2080 : vector<16xi32>
        %ge3A_2082 = arith.constant 32768 : i32
        %ge3A_2083 = vector.broadcast %ge3A_2082 : i32 to vector<16xi32>
        %ge3A_2084 = arith.cmpi sge, %add3A_2081, %ge3A_2083 : vector<16xi32>
        %sub3A_2085 = arith.constant 32768 : i32
        %sub3A_2086 = vector.broadcast %sub3A_2085 : i32 to vector<16xi32>
        %sub3A_2087 = arith.subi %add3A_2081, %sub3A_2086 : vector<16xi32>
        %sub3A_2088 = arith.constant 65535 : i32
        %sub3A_2089 = vector.broadcast %sub3A_2088 : i32 to vector<16xi32>
        %sub3A_2090 = arith.subi %sub3A_2089, %add3A_2081 : vector<16xi32>
        %select_n3A_2091 = arith.select %ge3A_2084, %sub3A_2087, %sub3A_2090 : vector<16xi1>, vector<16xi32>
        %shift_left3A_2092 = arith.constant 16 : i32
        %shift_left3A_2093 = vector.broadcast %shift_left3A_2092 : i32 to vector<16xi32>
        %shift_left3A_2094 = arith.shli %select_n3A_2091, %shift_left3A_2093 : vector<16xi32>
        %bitcast3A_2095 = vector.bitcast %shift_left3A_2094 : vector<16xi32> to vector<16xf32>
        %add3A_2096 = arith.constant 16 : i32
        %add3A_2097 = vector.broadcast %add3A_2096 : i32 to vector<16xi32>
        %add3A_2098 = arith.addi %select_n3A_1987, %add3A_2097 : vector<16xi32>
        %ge3A_2099 = arith.constant 32768 : i32
        %ge3A_2100 = vector.broadcast %ge3A_2099 : i32 to vector<16xi32>
        %ge3A_2101 = arith.cmpi sge, %add3A_2098, %ge3A_2100 : vector<16xi32>
        %sub3A_2102 = arith.constant 32768 : i32
        %sub3A_2103 = vector.broadcast %sub3A_2102 : i32 to vector<16xi32>
        %sub3A_2104 = arith.subi %add3A_2098, %sub3A_2103 : vector<16xi32>
        %sub3A_2105 = arith.constant 65535 : i32
        %sub3A_2106 = vector.broadcast %sub3A_2105 : i32 to vector<16xi32>
        %sub3A_2107 = arith.subi %sub3A_2106, %add3A_2098 : vector<16xi32>
        %select_n3A_2108 = arith.select %ge3A_2101, %sub3A_2104, %sub3A_2107 : vector<16xi1>, vector<16xi32>
        %shift_left3A_2109 = arith.constant 16 : i32
        %shift_left3A_2110 = vector.broadcast %shift_left3A_2109 : i32 to vector<16xi32>
        %shift_left3A_2111 = arith.shli %select_n3A_2108, %shift_left3A_2110 : vector<16xi32>
        %bitcast3A_2112 = vector.bitcast %shift_left3A_2111 : vector<16xi32> to vector<16xf32>
        %add3A_2113 = arith.addf %bitcast3A_2095, %bitcast3A_2112 : vector<16xf32>
        %mul3A_2114 = arith.constant 5.000000e-01 : f32
        %mul3A_2115 = vector.broadcast %mul3A_2114 : f32 to vector<16xf32>
        %mul3A_2116 = arith.mulf %mul3A_2115, %add3A_2113 : vector<16xf32>
        %sub3A_2117 = arith.constant 16 : i32
        %sub3A_2118 = vector.broadcast %sub3A_2117 : i32 to vector<16xi32>
        %sub3A_2119 = arith.subi %sub3A_2008, %sub3A_2118 : vector<16xi32>
        %ge3A_2120 = arith.constant 32768 : i32
        %ge3A_2121 = vector.broadcast %ge3A_2120 : i32 to vector<16xi32>
        %ge3A_2122 = arith.cmpi sge, %sub3A_2119, %ge3A_2121 : vector<16xi32>
        %sub3A_2123 = arith.constant 32768 : i32
        %sub3A_2124 = vector.broadcast %sub3A_2123 : i32 to vector<16xi32>
        %sub3A_2125 = arith.subi %sub3A_2119, %sub3A_2124 : vector<16xi32>
        %sub3A_2126 = arith.constant 65535 : i32
        %sub3A_2127 = vector.broadcast %sub3A_2126 : i32 to vector<16xi32>
        %sub3A_2128 = arith.subi %sub3A_2127, %sub3A_2119 : vector<16xi32>
        %select_n3A_2129 = arith.select %ge3A_2122, %sub3A_2125, %sub3A_2128 : vector<16xi1>, vector<16xi32>
        %shift_left3A_2130 = arith.constant 16 : i32
        %shift_left3A_2131 = vector.broadcast %shift_left3A_2130 : i32 to vector<16xi32>
        %shift_left3A_2132 = arith.shli %select_n3A_2129, %shift_left3A_2131 : vector<16xi32>
        %bitcast3A_2133 = vector.bitcast %shift_left3A_2132 : vector<16xi32> to vector<16xf32>
        %sub3A_2134 = arith.constant 15 : i32
        %sub3A_2135 = vector.broadcast %sub3A_2134 : i32 to vector<16xi32>
        %sub3A_2136 = arith.subi %sub3A_2008, %sub3A_2135 : vector<16xi32>
        %ge3A_2137 = arith.constant 32768 : i32
        %ge3A_2138 = vector.broadcast %ge3A_2137 : i32 to vector<16xi32>
        %ge3A_2139 = arith.cmpi sge, %sub3A_2136, %ge3A_2138 : vector<16xi32>
        %sub3A_2140 = arith.constant 32768 : i32
        %sub3A_2141 = vector.broadcast %sub3A_2140 : i32 to vector<16xi32>
        %sub3A_2142 = arith.subi %sub3A_2136, %sub3A_2141 : vector<16xi32>
        %sub3A_2143 = arith.constant 65535 : i32
        %sub3A_2144 = vector.broadcast %sub3A_2143 : i32 to vector<16xi32>
        %sub3A_2145 = arith.subi %sub3A_2144, %sub3A_2136 : vector<16xi32>
        %select_n3A_2146 = arith.select %ge3A_2139, %sub3A_2142, %sub3A_2145 : vector<16xi1>, vector<16xi32>
        %shift_left3A_2147 = arith.constant 16 : i32
        %shift_left3A_2148 = vector.broadcast %shift_left3A_2147 : i32 to vector<16xi32>
        %shift_left3A_2149 = arith.shli %select_n3A_2146, %shift_left3A_2148 : vector<16xi32>
        %bitcast3A_2150 = vector.bitcast %shift_left3A_2149 : vector<16xi32> to vector<16xf32>
        %add3A_2151 = arith.addf %bitcast3A_2133, %bitcast3A_2150 : vector<16xf32>
        %mul3A_2152 = arith.constant 5.000000e-01 : f32
        %mul3A_2153 = vector.broadcast %mul3A_2152 : f32 to vector<16xf32>
        %mul3A_2154 = arith.mulf %mul3A_2153, %add3A_2151 : vector<16xf32>
        %scan3A_2155 = arith.constant 0 : i32
        %scan3A_2156 = arith.constant 8 : i32
        %scan3A_2157 = arith.addi %scan3A_2155, %scan3A_2156 : i32
        %scan3A_2158 = arith.constant 1 : i32
        %scan3A_2159:4 = scf.for %scan3A_2494 = %scan3A_2155 to %scan3A_2157 step %scan3A_2158 iter_args(%scan3A_2495 = %broadcast_in_dim3A_1, %scan3A_2496 = %broadcast_in_dim3A_5, %scan3A_2497 = %broadcast_in_dim3A_1, %scan3A_2498 = %broadcast_in_dim3A_5) -> (vector<16xi32>, vector<16xf32>, vector<16xi32>, vector<16xf32>)  : i32 {
          %add3A_2499 = arith.addi %mul3A_68, %mul3A_2005 : i32
          %mul3A_2500 = arith.constant 8 : i32
          %mul3A_2501 = arith.muli %scan3A_2494, %mul3A_2500 : i32
          %add3A_2502 = arith.constant 0 : i32
          %add3A_2503 = arith.addi %mul3A_2501, %add3A_2502 : i32
          %mul3A_2504 = arith.constant 16 : i32
          %mul3A_2505 = arith.muli %add3A_2503, %mul3A_2504 : i32
          %add3A_2506 = arith.addi %add3A_2499, %mul3A_2505 : i32
          %get3A = arith.index_cast %add3A_2506 : i32 to index
          %get3A_2507 = tpu.vector_load %arg4[%get3A] {strides = array<i32>} : memref<32768xf32, #tpu.memory_space<vmem>>, vector<16xf32>,
          %gt3A = arith.cmpf ogt, %get3A_2507, %mul3A_2116 : vector<16xf32>
          %lt3A_2508 = arith.cmpf olt, %get3A_2507, %mul3A_2154 : vector<16xf32>
          %select_n3A_2509 = arith.select %gt3A, %broadcast_in_dim3A_3, %broadcast_in_dim3A_1 : vector<16xi1>, vector<16xi32>
          %add3A_2510 = arith.addi %scan3A_2495, %select_n3A_2509 : vector<16xi32>
          %select_n3A_2511 = arith.select %gt3A, %get3A_2507, %broadcast_in_dim3A_5 : vector<16xi1>, vector<16xf32>
          %add3A_2512 = arith.addf %scan3A_2496, %select_n3A_2511 : vector<16xf32>
          %select_n3A_2513 = arith.select %lt3A_2508, %broadcast_in_dim3A_3, %broadcast_in_dim3A_1 : vector<16xi1>, vector<16xi32>
          %add3A_2514 = arith.addi %scan3A_2497, %select_n3A_2513 : vector<16xi32>
          %select_n3A_2515 = arith.select %lt3A_2508, %get3A_2507, %broadcast_in_dim3A_5 : vector<16xi1>, vector<16xf32>
          %add3A_2516 = arith.addf %scan3A_2498, %select_n3A_2515 : vector<16xf32>
          %add3A_2517 = arith.addi %mul3A_68, %mul3A_2005 : i32
          %mul3A_2518 = arith.constant 8 : i32
          %mul3A_2519 = arith.muli %scan3A_2494, %mul3A_2518 : i32
          %add3A_2520 = arith.constant 1 : i32
          %add3A_2521 = arith.addi %mul3A_2519, %add3A_2520 : i32
          %mul3A_2522 = arith.constant 16 : i32
          %mul3A_2523 = arith.muli %add3A_2521, %mul3A_2522 : i32
          %add3A_2524 = arith.addi %add3A_2517, %mul3A_2523 : i32
          %get3A_2525 = arith.index_cast %add3A_2524 : i32 to index
          %get3A_2526 = tpu.vector_load %arg4[%get3A_2525] {strides = array<i32>} : memref<32768xf32, #tpu.memory_space<vmem>>, vector<16xf32>,
          %gt3A_2527 = arith.cmpf ogt, %get3A_2526, %mul3A_2116 : vector<16xf32>
          %lt3A_2528 = arith.cmpf olt, %get3A_2526, %mul3A_2154 : vector<16xf32>
          %select_n3A_2529 = arith.select %gt3A_2527, %broadcast_in_dim3A_3, %broadcast_in_dim3A_1 : vector<16xi1>, vector<16xi32>
          %add3A_2530 = arith.addi %add3A_2510, %select_n3A_2529 : vector<16xi32>
          %select_n3A_2531 = arith.select %gt3A_2527, %get3A_2526, %broadcast_in_dim3A_5 : vector<16xi1>, vector<16xf32>
          %add3A_2532 = arith.addf %add3A_2512, %select_n3A_2531 : vector<16xf32>
          %select_n3A_2533 = arith.select %lt3A_2528, %broadcast_in_dim3A_3, %broadcast_in_dim3A_1 : vector<16xi1>, vector<16xi32>
          %add3A_2534 = arith.addi %add3A_2514, %select_n3A_2533 : vector<16xi32>
          %select_n3A_2535 = arith.select %lt3A_2528, %get3A_2526, %broadcast_in_dim3A_5 : vector<16xi1>, vector<16xf32>
          %add3A_2536 = arith.addf %add3A_2516, %select_n3A_2535 : vector<16xf32>
          %add3A_2537 = arith.addi %mul3A_68, %mul3A_2005 : i32
          %mul3A_2538 = arith.constant 8 : i32
          %mul3A_2539 = arith.muli %scan3A_2494, %mul3A_2538 : i32
          %add3A_2540 = arith.constant 2 : i32
          %add3A_2541 = arith.addi %mul3A_2539, %add3A_2540 : i32
          %mul3A_2542 = arith.constant 16 : i32
          %mul3A_2543 = arith.muli %add3A_2541, %mul3A_2542 : i32
          %add3A_2544 = arith.addi %add3A_2537, %mul3A_2543 : i32
          %get3A_2545 = arith.index_cast %add3A_2544 : i32 to index
          %get3A_2546 = tpu.vector_load %arg4[%get3A_2545] {strides = array<i32>} : memref<32768xf32, #tpu.memory_space<vmem>>, vector<16xf32>,
          %gt3A_2547 = arith.cmpf ogt, %get3A_2546, %mul3A_2116 : vector<16xf32>
          %lt3A_2548 = arith.cmpf olt, %get3A_2546, %mul3A_2154 : vector<16xf32>
          %select_n3A_2549 = arith.select %gt3A_2547, %broadcast_in_dim3A_3, %broadcast_in_dim3A_1 : vector<16xi1>, vector<16xi32>
          %add3A_2550 = arith.addi %add3A_2530, %select_n3A_2549 : vector<16xi32>
          %select_n3A_2551 = arith.select %gt3A_2547, %get3A_2546, %broadcast_in_dim3A_5 : vector<16xi1>, vector<16xf32>
          %add3A_2552 = arith.addf %add3A_2532, %select_n3A_2551 : vector<16xf32>
          %select_n3A_2553 = arith.select %lt3A_2548, %broadcast_in_dim3A_3, %broadcast_in_dim3A_1 : vector<16xi1>, vector<16xi32>
          %add3A_2554 = arith.addi %add3A_2534, %select_n3A_2553 : vector<16xi32>
          %select_n3A_2555 = arith.select %lt3A_2548, %get3A_2546, %broadcast_in_dim3A_5 : vector<16xi1>, vector<16xf32>
          %add3A_2556 = arith.addf %add3A_2536, %select_n3A_2555 : vector<16xf32>
          %add3A_2557 = arith.addi %mul3A_68, %mul3A_2005 : i32
          %mul3A_2558 = arith.constant 8 : i32
          %mul3A_2559 = arith.muli %scan3A_2494, %mul3A_2558 : i32
          %add3A_2560 = arith.constant 3 : i32
          %add3A_2561 = arith.addi %mul3A_2559, %add3A_2560 : i32
          %mul3A_2562 = arith.constant 16 : i32
          %mul3A_2563 = arith.muli %add3A_2561, %mul3A_2562 : i32
          %add3A_2564 = arith.addi %add3A_2557, %mul3A_2563 : i32
          %get3A_2565 = arith.index_cast %add3A_2564 : i32 to index
          %get3A_2566 = tpu.vector_load %arg4[%get3A_2565] {strides = array<i32>} : memref<32768xf32, #tpu.memory_space<vmem>>, vector<16xf32>,
          %gt3A_2567 = arith.cmpf ogt, %get3A_2566, %mul3A_2116 : vector<16xf32>
          %lt3A_2568 = arith.cmpf olt, %get3A_2566, %mul3A_2154 : vector<16xf32>
          %select_n3A_2569 = arith.select %gt3A_2567, %broadcast_in_dim3A_3, %broadcast_in_dim3A_1 : vector<16xi1>, vector<16xi32>
          %add3A_2570 = arith.addi %add3A_2550, %select_n3A_2569 : vector<16xi32>
          %select_n3A_2571 = arith.select %gt3A_2567, %get3A_2566, %broadcast_in_dim3A_5 : vector<16xi1>, vector<16xf32>
          %add3A_2572 = arith.addf %add3A_2552, %select_n3A_2571 : vector<16xf32>
          %select_n3A_2573 = arith.select %lt3A_2568, %broadcast_in_dim3A_3, %broadcast_in_dim3A_1 : vector<16xi1>, vector<16xi32>
          %add3A_2574 = arith.addi %add3A_2554, %select_n3A_2573 : vector<16xi32>
          %select_n3A_2575 = arith.select %lt3A_2568, %get3A_2566, %broadcast_in_dim3A_5 : vector<16xi1>, vector<16xf32>
          %add3A_2576 = arith.addf %add3A_2556, %select_n3A_2575 : vector<16xf32>
          %add3A_2577 = arith.addi %mul3A_68, %mul3A_2005 : i32
          %mul3A_2578 = arith.constant 8 : i32
          %mul3A_2579 = arith.muli %scan3A_2494, %mul3A_2578 : i32
          %add3A_2580 = arith.constant 4 : i32
          %add3A_2581 = arith.addi %mul3A_2579, %add3A_2580 : i32
          %mul3A_2582 = arith.constant 16 : i32
          %mul3A_2583 = arith.muli %add3A_2581, %mul3A_2582 : i32
          %add3A_2584 = arith.addi %add3A_2577, %mul3A_2583 : i32
          %get3A_2585 = arith.index_cast %add3A_2584 : i32 to index
          %get3A_2586 = tpu.vector_load %arg4[%get3A_2585] {strides = array<i32>} : memref<32768xf32, #tpu.memory_space<vmem>>, vector<16xf32>,
          %gt3A_2587 = arith.cmpf ogt, %get3A_2586, %mul3A_2116 : vector<16xf32>
          %lt3A_2588 = arith.cmpf olt, %get3A_2586, %mul3A_2154 : vector<16xf32>
          %select_n3A_2589 = arith.select %gt3A_2587, %broadcast_in_dim3A_3, %broadcast_in_dim3A_1 : vector<16xi1>, vector<16xi32>
          %add3A_2590 = arith.addi %add3A_2570, %select_n3A_2589 : vector<16xi32>
          %select_n3A_2591 = arith.select %gt3A_2587, %get3A_2586, %broadcast_in_dim3A_5 : vector<16xi1>, vector<16xf32>
          %add3A_2592 = arith.addf %add3A_2572, %select_n3A_2591 : vector<16xf32>
          %select_n3A_2593 = arith.select %lt3A_2588, %broadcast_in_dim3A_3, %broadcast_in_dim3A_1 : vector<16xi1>, vector<16xi32>
          %add3A_2594 = arith.addi %add3A_2574, %select_n3A_2593 : vector<16xi32>
          %select_n3A_2595 = arith.select %lt3A_2588, %get3A_2586, %broadcast_in_dim3A_5 : vector<16xi1>, vector<16xf32>
          %add3A_2596 = arith.addf %add3A_2576, %select_n3A_2595 : vector<16xf32>
          %add3A_2597 = arith.addi %mul3A_68, %mul3A_2005 : i32
          %mul3A_2598 = arith.constant 8 : i32
          %mul3A_2599 = arith.muli %scan3A_2494, %mul3A_2598 : i32
          %add3A_2600 = arith.constant 5 : i32
          %add3A_2601 = arith.addi %mul3A_2599, %add3A_2600 : i32
          %mul3A_2602 = arith.constant 16 : i32
          %mul3A_2603 = arith.muli %add3A_2601, %mul3A_2602 : i32
          %add3A_2604 = arith.addi %add3A_2597, %mul3A_2603 : i32
          %get3A_2605 = arith.index_cast %add3A_2604 : i32 to index
          %get3A_2606 = tpu.vector_load %arg4[%get3A_2605] {strides = array<i32>} : memref<32768xf32, #tpu.memory_space<vmem>>, vector<16xf32>,
          %gt3A_2607 = arith.cmpf ogt, %get3A_2606, %mul3A_2116 : vector<16xf32>
          %lt3A_2608 = arith.cmpf olt, %get3A_2606, %mul3A_2154 : vector<16xf32>
          %select_n3A_2609 = arith.select %gt3A_2607, %broadcast_in_dim3A_3, %broadcast_in_dim3A_1 : vector<16xi1>, vector<16xi32>
          %add3A_2610 = arith.addi %add3A_2590, %select_n3A_2609 : vector<16xi32>
          %select_n3A_2611 = arith.select %gt3A_2607, %get3A_2606, %broadcast_in_dim3A_5 : vector<16xi1>, vector<16xf32>
          %add3A_2612 = arith.addf %add3A_2592, %select_n3A_2611 : vector<16xf32>
          %select_n3A_2613 = arith.select %lt3A_2608, %broadcast_in_dim3A_3, %broadcast_in_dim3A_1 : vector<16xi1>, vector<16xi32>
          %add3A_2614 = arith.addi %add3A_2594, %select_n3A_2613 : vector<16xi32>
          %select_n3A_2615 = arith.select %lt3A_2608, %get3A_2606, %broadcast_in_dim3A_5 : vector<16xi1>, vector<16xf32>
          %add3A_2616 = arith.addf %add3A_2596, %select_n3A_2615 : vector<16xf32>
          %add3A_2617 = arith.addi %mul3A_68, %mul3A_2005 : i32
          %mul3A_2618 = arith.constant 8 : i32
          %mul3A_2619 = arith.muli %scan3A_2494, %mul3A_2618 : i32
          %add3A_2620 = arith.constant 6 : i32
          %add3A_2621 = arith.addi %mul3A_2619, %add3A_2620 : i32
          %mul3A_2622 = arith.constant 16 : i32
          %mul3A_2623 = arith.muli %add3A_2621, %mul3A_2622 : i32
          %add3A_2624 = arith.addi %add3A_2617, %mul3A_2623 : i32
          %get3A_2625 = arith.index_cast %add3A_2624 : i32 to index
          %get3A_2626 = tpu.vector_load %arg4[%get3A_2625] {strides = array<i32>} : memref<32768xf32, #tpu.memory_space<vmem>>, vector<16xf32>,
          %gt3A_2627 = arith.cmpf ogt, %get3A_2626, %mul3A_2116 : vector<16xf32>
          %lt3A_2628 = arith.cmpf olt, %get3A_2626, %mul3A_2154 : vector<16xf32>
          %select_n3A_2629 = arith.select %gt3A_2627, %broadcast_in_dim3A_3, %broadcast_in_dim3A_1 : vector<16xi1>, vector<16xi32>
          %add3A_2630 = arith.addi %add3A_2610, %select_n3A_2629 : vector<16xi32>
          %select_n3A_2631 = arith.select %gt3A_2627, %get3A_2626, %broadcast_in_dim3A_5 : vector<16xi1>, vector<16xf32>
          %add3A_2632 = arith.addf %add3A_2612, %select_n3A_2631 : vector<16xf32>
          %select_n3A_2633 = arith.select %lt3A_2628, %broadcast_in_dim3A_3, %broadcast_in_dim3A_1 : vector<16xi1>, vector<16xi32>
          %add3A_2634 = arith.addi %add3A_2614, %select_n3A_2633 : vector<16xi32>
          %select_n3A_2635 = arith.select %lt3A_2628, %get3A_2626, %broadcast_in_dim3A_5 : vector<16xi1>, vector<16xf32>
          %add3A_2636 = arith.addf %add3A_2616, %select_n3A_2635 : vector<16xf32>
          %add3A_2637 = arith.addi %mul3A_68, %mul3A_2005 : i32
          %mul3A_2638 = arith.constant 8 : i32
          %mul3A_2639 = arith.muli %scan3A_2494, %mul3A_2638 : i32
          %add3A_2640 = arith.constant 7 : i32
          %add3A_2641 = arith.addi %mul3A_2639, %add3A_2640 : i32
          %mul3A_2642 = arith.constant 16 : i32
          %mul3A_2643 = arith.muli %add3A_2641, %mul3A_2642 : i32
          %add3A_2644 = arith.addi %add3A_2637, %mul3A_2643 : i32
          %get3A_2645 = arith.index_cast %add3A_2644 : i32 to index
          %get3A_2646 = tpu.vector_load %arg4[%get3A_2645] {strides = array<i32>} : memref<32768xf32, #tpu.memory_space<vmem>>, vector<16xf32>,
          %gt3A_2647 = arith.cmpf ogt, %get3A_2646, %mul3A_2116 : vector<16xf32>
          %lt3A_2648 = arith.cmpf olt, %get3A_2646, %mul3A_2154 : vector<16xf32>
          %select_n3A_2649 = arith.select %gt3A_2647, %broadcast_in_dim3A_3, %broadcast_in_dim3A_1 : vector<16xi1>, vector<16xi32>
          %add3A_2650 = arith.addi %add3A_2630, %select_n3A_2649 : vector<16xi32>
          %select_n3A_2651 = arith.select %gt3A_2647, %get3A_2646, %broadcast_in_dim3A_5 : vector<16xi1>, vector<16xf32>
          %add3A_2652 = arith.addf %add3A_2632, %select_n3A_2651 : vector<16xf32>
          %select_n3A_2653 = arith.select %lt3A_2648, %broadcast_in_dim3A_3, %broadcast_in_dim3A_1 : vector<16xi1>, vector<16xi32>
          %add3A_2654 = arith.addi %add3A_2634, %select_n3A_2653 : vector<16xi32>
          %select_n3A_2655 = arith.select %lt3A_2648, %get3A_2646, %broadcast_in_dim3A_5 : vector<16xi1>, vector<16xf32>
          %add3A_2656 = arith.addf %add3A_2636, %select_n3A_2655 : vector<16xf32>
          scf.yield %add3A_2650, %add3A_2652, %add3A_2654, %add3A_2656 : vector<16xi32>, vector<16xf32>, vector<16xi32>, vector<16xf32>
        }
        %scan3A_2160 = arith.constant 8 : i32
        %convert_element_type3A_2161 = arith.sitofp %scan3A_2159#0 : vector<16xi32> to vector<16xf32>
        %broadcast_in_dim3A_2162 = vector.shape_cast %xor3A_11 : vector<16xi32> to vector<16x1xi32>
        %gather3A_2163 = vector.shape_cast %broadcast_in_dim3A_2162 : vector<16x1xi32> to vector<16xi32>
        %gather3A_2164 = tpu.dynamic_gather %convert_element_type3A_2161[%gather3A_2163] in [0] : vector<16xf32>, vector<16xi32> -> vector<16xf32>
        %add3A_2165 = arith.addf %convert_element_type3A_2161, %gather3A_2164 : vector<16xf32>
        %broadcast_in_dim3A_2166 = vector.shape_cast %xor3A_14 : vector<16xi32> to vector<16x1xi32>
        %gather3A_2167 = vector.shape_cast %broadcast_in_dim3A_2166 : vector<16x1xi32> to vector<16xi32>
        %gather3A_2168 = tpu.dynamic_gather %add3A_2165[%gather3A_2167] in [0] : vector<16xf32>, vector<16xi32> -> vector<16xf32>
        %add3A_2169 = arith.addf %add3A_2165, %gather3A_2168 : vector<16xf32>
        %broadcast_in_dim3A_2170 = vector.shape_cast %xor3A_17 : vector<16xi32> to vector<16x1xi32>
        %gather3A_2171 = vector.shape_cast %broadcast_in_dim3A_2170 : vector<16x1xi32> to vector<16xi32>
        %gather3A_2172 = tpu.dynamic_gather %add3A_2169[%gather3A_2171] in [0] : vector<16xf32>, vector<16xi32> -> vector<16xf32>
        %add3A_2173 = arith.addf %add3A_2169, %gather3A_2172 : vector<16xf32>
        %broadcast_in_dim3A_2174 = vector.shape_cast %xor3A_20 : vector<16xi32> to vector<16x1xi32>
        %gather3A_2175 = vector.shape_cast %broadcast_in_dim3A_2174 : vector<16x1xi32> to vector<16xi32>
        %gather3A_2176 = tpu.dynamic_gather %add3A_2173[%gather3A_2175] in [0] : vector<16xf32>, vector<16xi32> -> vector<16xf32>
        %add3A_2177 = arith.addf %add3A_2173, %gather3A_2176 : vector<16xf32>
        %sub3A_2178 = arith.constant 2.050000e+02 : f32
        %sub3A_2179 = vector.broadcast %sub3A_2178 : f32 to vector<16xf32>
        %sub3A_2180 = arith.subf %sub3A_2179, %add3A_2177 : vector<16xf32>
        %convert_element_type3A_2181 = arith.sitofp %scan3A_2159#2 : vector<16xi32> to vector<16xf32>
        %broadcast_in_dim3A_2182 = vector.shape_cast %xor3A_11 : vector<16xi32> to vector<16x1xi32>
        %gather3A_2183 = vector.shape_cast %broadcast_in_dim3A_2182 : vector<16x1xi32> to vector<16xi32>
        %gather3A_2184 = tpu.dynamic_gather %convert_element_type3A_2181[%gather3A_2183] in [0] : vector<16xf32>, vector<16xi32> -> vector<16xf32>
        %add3A_2185 = arith.addf %convert_element_type3A_2181, %gather3A_2184 : vector<16xf32>
        %broadcast_in_dim3A_2186 = vector.shape_cast %xor3A_14 : vector<16xi32> to vector<16x1xi32>
        %gather3A_2187 = vector.shape_cast %broadcast_in_dim3A_2186 : vector<16x1xi32> to vector<16xi32>
        %gather3A_2188 = tpu.dynamic_gather %add3A_2185[%gather3A_2187] in [0] : vector<16xf32>, vector<16xi32> -> vector<16xf32>
        %add3A_2189 = arith.addf %add3A_2185, %gather3A_2188 : vector<16xf32>
        %broadcast_in_dim3A_2190 = vector.shape_cast %xor3A_17 : vector<16xi32> to vector<16x1xi32>
        %gather3A_2191 = vector.shape_cast %broadcast_in_dim3A_2190 : vector<16x1xi32> to vector<16xi32>
        %gather3A_2192 = tpu.dynamic_gather %add3A_2189[%gather3A_2191] in [0] : vector<16xf32>, vector<16xi32> -> vector<16xf32>
        %add3A_2193 = arith.addf %add3A_2189, %gather3A_2192 : vector<16xf32>
        %broadcast_in_dim3A_2194 = vector.shape_cast %xor3A_20 : vector<16xi32> to vector<16x1xi32>
        %gather3A_2195 = vector.shape_cast %broadcast_in_dim3A_2194 : vector<16x1xi32> to vector<16xi32>
        %gather3A_2196 = tpu.dynamic_gather %add3A_2193[%gather3A_2195] in [0] : vector<16xf32>, vector<16xi32> -> vector<16xf32>
        %add3A_2197 = arith.addf %add3A_2193, %gather3A_2196 : vector<16xf32>
        %sub3A_2198 = arith.constant 2.050000e+02 : f32
        %sub3A_2199 = vector.broadcast %sub3A_2198 : f32 to vector<16xf32>
        %sub3A_2200 = arith.subf %sub3A_2199, %add3A_2197 : vector<16xf32>
        %broadcast_in_dim3A_2201 = vector.shape_cast %xor3A_11 : vector<16xi32> to vector<16x1xi32>
        %gather3A_2202 = vector.shape_cast %broadcast_in_dim3A_2201 : vector<16x1xi32> to vector<16xi32>
        %gather3A_2203 = tpu.dynamic_gather %scan3A_2159#1[%gather3A_2202] in [0] : vector<16xf32>, vector<16xi32> -> vector<16xf32>
        %add3A_2204 = arith.addf %scan3A_2159#1, %gather3A_2203 : vector<16xf32>
        %broadcast_in_dim3A_2205 = vector.shape_cast %xor3A_14 : vector<16xi32> to vector<16x1xi32>
        %gather3A_2206 = vector.shape_cast %broadcast_in_dim3A_2205 : vector<16x1xi32> to vector<16xi32>
        %gather3A_2207 = tpu.dynamic_gather %add3A_2204[%gather3A_2206] in [0] : vector<16xf32>, vector<16xi32> -> vector<16xf32>
        %add3A_2208 = arith.addf %add3A_2204, %gather3A_2207 : vector<16xf32>
        %broadcast_in_dim3A_2209 = vector.shape_cast %xor3A_17 : vector<16xi32> to vector<16x1xi32>
        %gather3A_2210 = vector.shape_cast %broadcast_in_dim3A_2209 : vector<16x1xi32> to vector<16xi32>
        %gather3A_2211 = tpu.dynamic_gather %add3A_2208[%gather3A_2210] in [0] : vector<16xf32>, vector<16xi32> -> vector<16xf32>
        %add3A_2212 = arith.addf %add3A_2208, %gather3A_2211 : vector<16xf32>
        %broadcast_in_dim3A_2213 = vector.shape_cast %xor3A_20 : vector<16xi32> to vector<16x1xi32>
        %gather3A_2214 = vector.shape_cast %broadcast_in_dim3A_2213 : vector<16x1xi32> to vector<16xi32>
        %gather3A_2215 = tpu.dynamic_gather %add3A_2212[%gather3A_2214] in [0] : vector<16xf32>, vector<16xi32> -> vector<16xf32>
        %add3A_2216 = arith.addf %add3A_2212, %gather3A_2215 : vector<16xf32>
        %broadcast_in_dim3A_2217 = vector.shape_cast %xor3A_11 : vector<16xi32> to vector<16x1xi32>
        %gather3A_2218 = vector.shape_cast %broadcast_in_dim3A_2217 : vector<16x1xi32> to vector<16xi32>
        %gather3A_2219 = tpu.dynamic_gather %scan3A_2159#3[%gather3A_2218] in [0] : vector<16xf32>, vector<16xi32> -> vector<16xf32>
        %add3A_2220 = arith.addf %scan3A_2159#3, %gather3A_2219 : vector<16xf32>
        %broadcast_in_dim3A_2221 = vector.shape_cast %xor3A_14 : vector<16xi32> to vector<16x1xi32>
        %gather3A_2222 = vector.shape_cast %broadcast_in_dim3A_2221 : vector<16x1xi32> to vector<16xi32>
        %gather3A_2223 = tpu.dynamic_gather %add3A_2220[%gather3A_2222] in [0] : vector<16xf32>, vector<16xi32> -> vector<16xf32>
        %add3A_2224 = arith.addf %add3A_2220, %gather3A_2223 : vector<16xf32>
        %broadcast_in_dim3A_2225 = vector.shape_cast %xor3A_17 : vector<16xi32> to vector<16x1xi32>
        %gather3A_2226 = vector.shape_cast %broadcast_in_dim3A_2225 : vector<16x1xi32> to vector<16xi32>
        %gather3A_2227 = tpu.dynamic_gather %add3A_2224[%gather3A_2226] in [0] : vector<16xf32>, vector<16xi32> -> vector<16xf32>
        %add3A_2228 = arith.addf %add3A_2224, %gather3A_2227 : vector<16xf32>
        %broadcast_in_dim3A_2229 = vector.shape_cast %xor3A_20 : vector<16xi32> to vector<16x1xi32>
        %gather3A_2230 = vector.shape_cast %broadcast_in_dim3A_2229 : vector<16x1xi32> to vector<16xi32>
        %gather3A_2231 = tpu.dynamic_gather %add3A_2228[%gather3A_2230] in [0] : vector<16xf32>, vector<16xi32> -> vector<16xf32>
        %add3A_2232 = arith.addf %add3A_2228, %gather3A_2231 : vector<16xf32>
        %mul3A_2233 = arith.mulf %sub3A_2180, %mul3A_2043 : vector<16xf32>
        %add3A_2234 = arith.addf %add3A_2216, %mul3A_2233 : vector<16xf32>
        %mul3A_2235 = arith.mulf %sub3A_2200, %mul3A_2078 : vector<16xf32>
        %add3A_2236 = arith.addf %add3A_2232, %mul3A_2235 : vector<16xf32>
        %mul3A_2237 = arith.constant 0.00243902439 : f32
        %mul3A_2238 = vector.broadcast %mul3A_2237 : f32 to vector<16xf32>
        %mul3A_2239 = arith.mulf %add3A_2234, %mul3A_2238 : vector<16xf32>
        %mul3A_2240 = arith.constant 0.00170731707 : f32
        %mul3A_2241 = vector.broadcast %mul3A_2240 : f32 to vector<16xf32>
        %mul3A_2242 = arith.mulf %add3A_2236, %mul3A_2241 : vector<16xf32>
        %add3A_2243 = arith.addf %mul3A_2239, %mul3A_2242 : vector<16xf32>
        %eq3A_2244 = vector.broadcast %add3A_2003 : i32 to vector<16xi32>
        %eq3A_2245 = arith.cmpi eq, %iota3A, %eq3A_2244 : vector<16xi32>
        %select_n3A_2246 = arith.select %eq3A_2245, %add3A_2243, %scan3A_85 : vector<16xi1>, vector<16xf32>
        %mul3A_2247 = arith.constant 2 : i32
        %mul3A_2248 = arith.muli %mul3A_2247, %scan3A_84 : i32
        %add3A_2249 = arith.constant 1 : i32
        %add3A_2250 = arith.addi %mul3A_2248, %add3A_2249 : i32
        %mul3A_2251 = arith.constant 1024 : i32
        %mul3A_2252 = arith.muli %add3A_2250, %mul3A_2251 : i32
        %sub3A_2253 = arith.constant 65535 : i32
        %sub3A_2254 = vector.broadcast %sub3A_2253 : i32 to vector<16xi32>
        %sub3A_2255 = arith.subi %sub3A_2254, %select_n3A_1999 : vector<16xi32>
        %ge3A_2256 = arith.constant 32768 : i32
        %ge3A_2257 = vector.broadcast %ge3A_2256 : i32 to vector<16xi32>
        %ge3A_2258 = arith.cmpi sge, %select_n3A_1991, %ge3A_2257 : vector<16xi32>
        %sub3A_2259 = arith.constant 32768 : i32
        %sub3A_2260 = vector.broadcast %sub3A_2259 : i32 to vector<16xi32>
        %sub3A_2261 = arith.subi %select_n3A_1991, %sub3A_2260 : vector<16xi32>
        %sub3A_2262 = arith.constant 65535 : i32
        %sub3A_2263 = vector.broadcast %sub3A_2262 : i32 to vector<16xi32>
        %sub3A_2264 = arith.subi %sub3A_2263, %select_n3A_1991 : vector<16xi32>
        %select_n3A_2265 = arith.select %ge3A_2258, %sub3A_2261, %sub3A_2264 : vector<16xi1>, vector<16xi32>
        %shift_left3A_2266 = arith.constant 16 : i32
        %shift_left3A_2267 = vector.broadcast %shift_left3A_2266 : i32 to vector<16xi32>
        %shift_left3A_2268 = arith.shli %select_n3A_2265, %shift_left3A_2267 : vector<16xi32>
        %bitcast3A_2269 = vector.bitcast %shift_left3A_2268 : vector<16xi32> to vector<16xf32>
        %add3A_2270 = arith.constant 15 : i32
        %add3A_2271 = vector.broadcast %add3A_2270 : i32 to vector<16xi32>
        %add3A_2272 = arith.addi %select_n3A_1991, %add3A_2271 : vector<16xi32>
        %ge3A_2273 = arith.constant 32768 : i32
        %ge3A_2274 = vector.broadcast %ge3A_2273 : i32 to vector<16xi32>
        %ge3A_2275 = arith.cmpi sge, %add3A_2272, %ge3A_2274 : vector<16xi32>
        %sub3A_2276 = arith.constant 32768 : i32
        %sub3A_2277 = vector.broadcast %sub3A_2276 : i32 to vector<16xi32>
        %sub3A_2278 = arith.subi %add3A_2272, %sub3A_2277 : vector<16xi32>
        %sub3A_2279 = arith.constant 65535 : i32
        %sub3A_2280 = vector.broadcast %sub3A_2279 : i32 to vector<16xi32>
        %sub3A_2281 = arith.subi %sub3A_2280, %add3A_2272 : vector<16xi32>
        %select_n3A_2282 = arith.select %ge3A_2275, %sub3A_2278, %sub3A_2281 : vector<16xi1>, vector<16xi32>
        %shift_left3A_2283 = arith.constant 16 : i32
        %shift_left3A_2284 = vector.broadcast %shift_left3A_2283 : i32 to vector<16xi32>
        %shift_left3A_2285 = arith.shli %select_n3A_2282, %shift_left3A_2284 : vector<16xi32>
        %bitcast3A_2286 = vector.bitcast %shift_left3A_2285 : vector<16xi32> to vector<16xf32>
        %add3A_2287 = arith.addf %bitcast3A_2269, %bitcast3A_2286 : vector<16xf32>
        %mul3A_2288 = arith.constant 5.000000e-01 : f32
        %mul3A_2289 = vector.broadcast %mul3A_2288 : f32 to vector<16xf32>
        %mul3A_2290 = arith.mulf %mul3A_2289, %add3A_2287 : vector<16xf32>
        %sub3A_2291 = arith.constant 15 : i32
        %sub3A_2292 = vector.broadcast %sub3A_2291 : i32 to vector<16xi32>
        %sub3A_2293 = arith.subi %sub3A_2255, %sub3A_2292 : vector<16xi32>
        %ge3A_2294 = arith.constant 32768 : i32
        %ge3A_2295 = vector.broadcast %ge3A_2294 : i32 to vector<16xi32>
        %ge3A_2296 = arith.cmpi sge, %sub3A_2293, %ge3A_2295 : vector<16xi32>
        %sub3A_2297 = arith.constant 32768 : i32
        %sub3A_2298 = vector.broadcast %sub3A_2297 : i32 to vector<16xi32>
        %sub3A_2299 = arith.subi %sub3A_2293, %sub3A_2298 : vector<16xi32>
        %sub3A_2300 = arith.constant 65535 : i32
        %sub3A_2301 = vector.broadcast %sub3A_2300 : i32 to vector<16xi32>
        %sub3A_2302 = arith.subi %sub3A_2301, %sub3A_2293 : vector<16xi32>
        %select_n3A_2303 = arith.select %ge3A_2296, %sub3A_2299, %sub3A_2302 : vector<16xi1>, vector<16xi32>
        %shift_left3A_2304 = arith.constant 16 : i32
        %shift_left3A_2305 = vector.broadcast %shift_left3A_2304 : i32 to vector<16xi32>
        %shift_left3A_2306 = arith.shli %select_n3A_2303, %shift_left3A_2305 : vector<16xi32>
        %bitcast3A_2307 = vector.bitcast %shift_left3A_2306 : vector<16xi32> to vector<16xf32>
        %ge3A_2308 = arith.constant 32768 : i32
        %ge3A_2309 = vector.broadcast %ge3A_2308 : i32 to vector<16xi32>
        %ge3A_2310 = arith.cmpi sge, %sub3A_2255, %ge3A_2309 : vector<16xi32>
        %sub3A_2311 = arith.constant 32768 : i32
        %sub3A_2312 = vector.broadcast %sub3A_2311 : i32 to vector<16xi32>
        %sub3A_2313 = arith.subi %sub3A_2255, %sub3A_2312 : vector<16xi32>
        %sub3A_2314 = arith.constant 65535 : i32
        %sub3A_2315 = vector.broadcast %sub3A_2314 : i32 to vector<16xi32>
        %sub3A_2316 = arith.subi %sub3A_2315, %sub3A_2255 : vector<16xi32>
        %select_n3A_2317 = arith.select %ge3A_2310, %sub3A_2313, %sub3A_2316 : vector<16xi1>, vector<16xi32>
        %shift_left3A_2318 = arith.constant 16 : i32
        %shift_left3A_2319 = vector.broadcast %shift_left3A_2318 : i32 to vector<16xi32>
        %shift_left3A_2320 = arith.shli %select_n3A_2317, %shift_left3A_2319 : vector<16xi32>
        %bitcast3A_2321 = vector.bitcast %shift_left3A_2320 : vector<16xi32> to vector<16xf32>
        %add3A_2322 = arith.addf %bitcast3A_2307, %bitcast3A_2321 : vector<16xf32>
        %mul3A_2323 = arith.constant 5.000000e-01 : f32
        %mul3A_2324 = vector.broadcast %mul3A_2323 : f32 to vector<16xf32>
        %mul3A_2325 = arith.mulf %mul3A_2324, %add3A_2322 : vector<16xf32>
        %add3A_2326 = arith.constant 15 : i32
        %add3A_2327 = vector.broadcast %add3A_2326 : i32 to vector<16xi32>
        %add3A_2328 = arith.addi %select_n3A_1991, %add3A_2327 : vector<16xi32>
        %ge3A_2329 = arith.constant 32768 : i32
        %ge3A_2330 = vector.broadcast %ge3A_2329 : i32 to vector<16xi32>
        %ge3A_2331 = arith.cmpi sge, %add3A_2328, %ge3A_2330 : vector<16xi32>
        %sub3A_2332 = arith.constant 32768 : i32
        %sub3A_2333 = vector.broadcast %sub3A_2332 : i32 to vector<16xi32>
        %sub3A_2334 = arith.subi %add3A_2328, %sub3A_2333 : vector<16xi32>
        %sub3A_2335 = arith.constant 65535 : i32
        %sub3A_2336 = vector.broadcast %sub3A_2335 : i32 to vector<16xi32>
        %sub3A_2337 = arith.subi %sub3A_2336, %add3A_2328 : vector<16xi32>
        %select_n3A_2338 = arith.select %ge3A_2331, %sub3A_2334, %sub3A_2337 : vector<16xi1>, vector<16xi32>
        %shift_left3A_2339 = arith.constant 16 : i32
        %shift_left3A_2340 = vector.broadcast %shift_left3A_2339 : i32 to vector<16xi32>
        %shift_left3A_2341 = arith.shli %select_n3A_2338, %shift_left3A_2340 : vector<16xi32>
        %bitcast3A_2342 = vector.bitcast %shift_left3A_2341 : vector<16xi32> to vector<16xf32>
        %add3A_2343 = arith.constant 16 : i32
        %add3A_2344 = vector.broadcast %add3A_2343 : i32 to vector<16xi32>
        %add3A_2345 = arith.addi %select_n3A_1991, %add3A_2344 : vector<16xi32>
        %ge3A_2346 = arith.constant 32768 : i32
        %ge3A_2347 = vector.broadcast %ge3A_2346 : i32 to vector<16xi32>
        %ge3A_2348 = arith.cmpi sge, %add3A_2345, %ge3A_2347 : vector<16xi32>
        %sub3A_2349 = arith.constant 32768 : i32
        %sub3A_2350 = vector.broadcast %sub3A_2349 : i32 to vector<16xi32>
        %sub3A_2351 = arith.subi %add3A_2345, %sub3A_2350 : vector<16xi32>
        %sub3A_2352 = arith.constant 65535 : i32
        %sub3A_2353 = vector.broadcast %sub3A_2352 : i32 to vector<16xi32>
        %sub3A_2354 = arith.subi %sub3A_2353, %add3A_2345 : vector<16xi32>
        %select_n3A_2355 = arith.select %ge3A_2348, %sub3A_2351, %sub3A_2354 : vector<16xi1>, vector<16xi32>
        %shift_left3A_2356 = arith.constant 16 : i32
        %shift_left3A_2357 = vector.broadcast %shift_left3A_2356 : i32 to vector<16xi32>
        %shift_left3A_2358 = arith.shli %select_n3A_2355, %shift_left3A_2357 : vector<16xi32>
        %bitcast3A_2359 = vector.bitcast %shift_left3A_2358 : vector<16xi32> to vector<16xf32>
        %add3A_2360 = arith.addf %bitcast3A_2342, %bitcast3A_2359 : vector<16xf32>
        %mul3A_2361 = arith.constant 5.000000e-01 : f32
        %mul3A_2362 = vector.broadcast %mul3A_2361 : f32 to vector<16xf32>
        %mul3A_2363 = arith.mulf %mul3A_2362, %add3A_2360 : vector<16xf32>
        %sub3A_2364 = arith.constant 16 : i32
        %sub3A_2365 = vector.broadcast %sub3A_2364 : i32 to vector<16xi32>
        %sub3A_2366 = arith.subi %sub3A_2255, %sub3A_2365 : vector<16xi32>
        %ge3A_2367 = arith.constant 32768 : i32
        %ge3A_2368 = vector.broadcast %ge3A_2367 : i32 to vector<16xi32>
        %ge3A_2369 = arith.cmpi sge, %sub3A_2366, %ge3A_2368 : vector<16xi32>
        %sub3A_2370 = arith.constant 32768 : i32
        %sub3A_2371 = vector.broadcast %sub3A_2370 : i32 to vector<16xi32>
        %sub3A_2372 = arith.subi %sub3A_2366, %sub3A_2371 : vector<16xi32>
        %sub3A_2373 = arith.constant 65535 : i32
        %sub3A_2374 = vector.broadcast %sub3A_2373 : i32 to vector<16xi32>
        %sub3A_2375 = arith.subi %sub3A_2374, %sub3A_2366 : vector<16xi32>
        %select_n3A_2376 = arith.select %ge3A_2369, %sub3A_2372, %sub3A_2375 : vector<16xi1>, vector<16xi32>
        %shift_left3A_2377 = arith.constant 16 : i32
        %shift_left3A_2378 = vector.broadcast %shift_left3A_2377 : i32 to vector<16xi32>
        %shift_left3A_2379 = arith.shli %select_n3A_2376, %shift_left3A_2378 : vector<16xi32>
        %bitcast3A_2380 = vector.bitcast %shift_left3A_2379 : vector<16xi32> to vector<16xf32>
        %sub3A_2381 = arith.constant 15 : i32
        %sub3A_2382 = vector.broadcast %sub3A_2381 : i32 to vector<16xi32>
        %sub3A_2383 = arith.subi %sub3A_2255, %sub3A_2382 : vector<16xi32>
        %ge3A_2384 = arith.constant 32768 : i32
        %ge3A_2385 = vector.broadcast %ge3A_2384 : i32 to vector<16xi32>
        %ge3A_2386 = arith.cmpi sge, %sub3A_2383, %ge3A_2385 : vector<16xi32>
        %sub3A_2387 = arith.constant 32768 : i32
        %sub3A_2388 = vector.broadcast %sub3A_2387 : i32 to vector<16xi32>
        %sub3A_2389 = arith.subi %sub3A_2383, %sub3A_2388 : vector<16xi32>
        %sub3A_2390 = arith.constant 65535 : i32
        %sub3A_2391 = vector.broadcast %sub3A_2390 : i32 to vector<16xi32>
        %sub3A_2392 = arith.subi %sub3A_2391, %sub3A_2383 : vector<16xi32>
        %select_n3A_2393 = arith.select %ge3A_2386, %sub3A_2389, %sub3A_2392 : vector<16xi1>, vector<16xi32>
        %shift_left3A_2394 = arith.constant 16 : i32
        %shift_left3A_2395 = vector.broadcast %shift_left3A_2394 : i32 to vector<16xi32>
        %shift_left3A_2396 = arith.shli %select_n3A_2393, %shift_left3A_2395 : vector<16xi32>
        %bitcast3A_2397 = vector.bitcast %shift_left3A_2396 : vector<16xi32> to vector<16xf32>
        %add3A_2398 = arith.addf %bitcast3A_2380, %bitcast3A_2397 : vector<16xf32>
        %mul3A_2399 = arith.constant 5.000000e-01 : f32
        %mul3A_2400 = vector.broadcast %mul3A_2399 : f32 to vector<16xf32>
        %mul3A_2401 = arith.mulf %mul3A_2400, %add3A_2398 : vector<16xf32>
        %scan3A_2402 = arith.constant 0 : i32
        %scan3A_2403 = arith.constant 8 : i32
        %scan3A_2404 = arith.addi %scan3A_2402, %scan3A_2403 : i32
        %scan3A_2405 = arith.constant 1 : i32
        %scan3A_2406:4 = scf.for %scan3A_2494 = %scan3A_2402 to %scan3A_2404 step %scan3A_2405 iter_args(%scan3A_2495 = %broadcast_in_dim3A_1, %scan3A_2496 = %broadcast_in_dim3A_5, %scan3A_2497 = %broadcast_in_dim3A_1, %scan3A_2498 = %broadcast_in_dim3A_5) -> (vector<16xi32>, vector<16xf32>, vector<16xi32>, vector<16xf32>)  : i32 {
          %add3A_2499 = arith.addi %mul3A_68, %mul3A_2252 : i32
          %mul3A_2500 = arith.constant 8 : i32
          %mul3A_2501 = arith.muli %scan3A_2494, %mul3A_2500 : i32
          %add3A_2502 = arith.constant 0 : i32
          %add3A_2503 = arith.addi %mul3A_2501, %add3A_2502 : i32
          %mul3A_2504 = arith.constant 16 : i32
          %mul3A_2505 = arith.muli %add3A_2503, %mul3A_2504 : i32
          %add3A_2506 = arith.addi %add3A_2499, %mul3A_2505 : i32
          %get3A = arith.index_cast %add3A_2506 : i32 to index
          %get3A_2507 = tpu.vector_load %arg4[%get3A] {strides = array<i32>} : memref<32768xf32, #tpu.memory_space<vmem>>, vector<16xf32>,
          %gt3A = arith.cmpf ogt, %get3A_2507, %mul3A_2363 : vector<16xf32>
          %lt3A_2508 = arith.cmpf olt, %get3A_2507, %mul3A_2401 : vector<16xf32>
          %select_n3A_2509 = arith.select %gt3A, %broadcast_in_dim3A_3, %broadcast_in_dim3A_1 : vector<16xi1>, vector<16xi32>
          %add3A_2510 = arith.addi %scan3A_2495, %select_n3A_2509 : vector<16xi32>
          %select_n3A_2511 = arith.select %gt3A, %get3A_2507, %broadcast_in_dim3A_5 : vector<16xi1>, vector<16xf32>
          %add3A_2512 = arith.addf %scan3A_2496, %select_n3A_2511 : vector<16xf32>
          %select_n3A_2513 = arith.select %lt3A_2508, %broadcast_in_dim3A_3, %broadcast_in_dim3A_1 : vector<16xi1>, vector<16xi32>
          %add3A_2514 = arith.addi %scan3A_2497, %select_n3A_2513 : vector<16xi32>
          %select_n3A_2515 = arith.select %lt3A_2508, %get3A_2507, %broadcast_in_dim3A_5 : vector<16xi1>, vector<16xf32>
          %add3A_2516 = arith.addf %scan3A_2498, %select_n3A_2515 : vector<16xf32>
          %add3A_2517 = arith.addi %mul3A_68, %mul3A_2252 : i32
          %mul3A_2518 = arith.constant 8 : i32
          %mul3A_2519 = arith.muli %scan3A_2494, %mul3A_2518 : i32
          %add3A_2520 = arith.constant 1 : i32
          %add3A_2521 = arith.addi %mul3A_2519, %add3A_2520 : i32
          %mul3A_2522 = arith.constant 16 : i32
          %mul3A_2523 = arith.muli %add3A_2521, %mul3A_2522 : i32
          %add3A_2524 = arith.addi %add3A_2517, %mul3A_2523 : i32
          %get3A_2525 = arith.index_cast %add3A_2524 : i32 to index
          %get3A_2526 = tpu.vector_load %arg4[%get3A_2525] {strides = array<i32>} : memref<32768xf32, #tpu.memory_space<vmem>>, vector<16xf32>,
          %gt3A_2527 = arith.cmpf ogt, %get3A_2526, %mul3A_2363 : vector<16xf32>
          %lt3A_2528 = arith.cmpf olt, %get3A_2526, %mul3A_2401 : vector<16xf32>
          %select_n3A_2529 = arith.select %gt3A_2527, %broadcast_in_dim3A_3, %broadcast_in_dim3A_1 : vector<16xi1>, vector<16xi32>
          %add3A_2530 = arith.addi %add3A_2510, %select_n3A_2529 : vector<16xi32>
          %select_n3A_2531 = arith.select %gt3A_2527, %get3A_2526, %broadcast_in_dim3A_5 : vector<16xi1>, vector<16xf32>
          %add3A_2532 = arith.addf %add3A_2512, %select_n3A_2531 : vector<16xf32>
          %select_n3A_2533 = arith.select %lt3A_2528, %broadcast_in_dim3A_3, %broadcast_in_dim3A_1 : vector<16xi1>, vector<16xi32>
          %add3A_2534 = arith.addi %add3A_2514, %select_n3A_2533 : vector<16xi32>
          %select_n3A_2535 = arith.select %lt3A_2528, %get3A_2526, %broadcast_in_dim3A_5 : vector<16xi1>, vector<16xf32>
          %add3A_2536 = arith.addf %add3A_2516, %select_n3A_2535 : vector<16xf32>
          %add3A_2537 = arith.addi %mul3A_68, %mul3A_2252 : i32
          %mul3A_2538 = arith.constant 8 : i32
          %mul3A_2539 = arith.muli %scan3A_2494, %mul3A_2538 : i32
          %add3A_2540 = arith.constant 2 : i32
          %add3A_2541 = arith.addi %mul3A_2539, %add3A_2540 : i32
          %mul3A_2542 = arith.constant 16 : i32
          %mul3A_2543 = arith.muli %add3A_2541, %mul3A_2542 : i32
          %add3A_2544 = arith.addi %add3A_2537, %mul3A_2543 : i32
          %get3A_2545 = arith.index_cast %add3A_2544 : i32 to index
          %get3A_2546 = tpu.vector_load %arg4[%get3A_2545] {strides = array<i32>} : memref<32768xf32, #tpu.memory_space<vmem>>, vector<16xf32>,
          %gt3A_2547 = arith.cmpf ogt, %get3A_2546, %mul3A_2363 : vector<16xf32>
          %lt3A_2548 = arith.cmpf olt, %get3A_2546, %mul3A_2401 : vector<16xf32>
          %select_n3A_2549 = arith.select %gt3A_2547, %broadcast_in_dim3A_3, %broadcast_in_dim3A_1 : vector<16xi1>, vector<16xi32>
          %add3A_2550 = arith.addi %add3A_2530, %select_n3A_2549 : vector<16xi32>
          %select_n3A_2551 = arith.select %gt3A_2547, %get3A_2546, %broadcast_in_dim3A_5 : vector<16xi1>, vector<16xf32>
          %add3A_2552 = arith.addf %add3A_2532, %select_n3A_2551 : vector<16xf32>
          %select_n3A_2553 = arith.select %lt3A_2548, %broadcast_in_dim3A_3, %broadcast_in_dim3A_1 : vector<16xi1>, vector<16xi32>
          %add3A_2554 = arith.addi %add3A_2534, %select_n3A_2553 : vector<16xi32>
          %select_n3A_2555 = arith.select %lt3A_2548, %get3A_2546, %broadcast_in_dim3A_5 : vector<16xi1>, vector<16xf32>
          %add3A_2556 = arith.addf %add3A_2536, %select_n3A_2555 : vector<16xf32>
          %add3A_2557 = arith.addi %mul3A_68, %mul3A_2252 : i32
          %mul3A_2558 = arith.constant 8 : i32
          %mul3A_2559 = arith.muli %scan3A_2494, %mul3A_2558 : i32
          %add3A_2560 = arith.constant 3 : i32
          %add3A_2561 = arith.addi %mul3A_2559, %add3A_2560 : i32
          %mul3A_2562 = arith.constant 16 : i32
          %mul3A_2563 = arith.muli %add3A_2561, %mul3A_2562 : i32
          %add3A_2564 = arith.addi %add3A_2557, %mul3A_2563 : i32
          %get3A_2565 = arith.index_cast %add3A_2564 : i32 to index
          %get3A_2566 = tpu.vector_load %arg4[%get3A_2565] {strides = array<i32>} : memref<32768xf32, #tpu.memory_space<vmem>>, vector<16xf32>,
          %gt3A_2567 = arith.cmpf ogt, %get3A_2566, %mul3A_2363 : vector<16xf32>
          %lt3A_2568 = arith.cmpf olt, %get3A_2566, %mul3A_2401 : vector<16xf32>
          %select_n3A_2569 = arith.select %gt3A_2567, %broadcast_in_dim3A_3, %broadcast_in_dim3A_1 : vector<16xi1>, vector<16xi32>
          %add3A_2570 = arith.addi %add3A_2550, %select_n3A_2569 : vector<16xi32>
          %select_n3A_2571 = arith.select %gt3A_2567, %get3A_2566, %broadcast_in_dim3A_5 : vector<16xi1>, vector<16xf32>
          %add3A_2572 = arith.addf %add3A_2552, %select_n3A_2571 : vector<16xf32>
          %select_n3A_2573 = arith.select %lt3A_2568, %broadcast_in_dim3A_3, %broadcast_in_dim3A_1 : vector<16xi1>, vector<16xi32>
          %add3A_2574 = arith.addi %add3A_2554, %select_n3A_2573 : vector<16xi32>
          %select_n3A_2575 = arith.select %lt3A_2568, %get3A_2566, %broadcast_in_dim3A_5 : vector<16xi1>, vector<16xf32>
          %add3A_2576 = arith.addf %add3A_2556, %select_n3A_2575 : vector<16xf32>
          %add3A_2577 = arith.addi %mul3A_68, %mul3A_2252 : i32
          %mul3A_2578 = arith.constant 8 : i32
          %mul3A_2579 = arith.muli %scan3A_2494, %mul3A_2578 : i32
          %add3A_2580 = arith.constant 4 : i32
          %add3A_2581 = arith.addi %mul3A_2579, %add3A_2580 : i32
          %mul3A_2582 = arith.constant 16 : i32
          %mul3A_2583 = arith.muli %add3A_2581, %mul3A_2582 : i32
          %add3A_2584 = arith.addi %add3A_2577, %mul3A_2583 : i32
          %get3A_2585 = arith.index_cast %add3A_2584 : i32 to index
          %get3A_2586 = tpu.vector_load %arg4[%get3A_2585] {strides = array<i32>} : memref<32768xf32, #tpu.memory_space<vmem>>, vector<16xf32>,
          %gt3A_2587 = arith.cmpf ogt, %get3A_2586, %mul3A_2363 : vector<16xf32>
          %lt3A_2588 = arith.cmpf olt, %get3A_2586, %mul3A_2401 : vector<16xf32>
          %select_n3A_2589 = arith.select %gt3A_2587, %broadcast_in_dim3A_3, %broadcast_in_dim3A_1 : vector<16xi1>, vector<16xi32>
          %add3A_2590 = arith.addi %add3A_2570, %select_n3A_2589 : vector<16xi32>
          %select_n3A_2591 = arith.select %gt3A_2587, %get3A_2586, %broadcast_in_dim3A_5 : vector<16xi1>, vector<16xf32>
          %add3A_2592 = arith.addf %add3A_2572, %select_n3A_2591 : vector<16xf32>
          %select_n3A_2593 = arith.select %lt3A_2588, %broadcast_in_dim3A_3, %broadcast_in_dim3A_1 : vector<16xi1>, vector<16xi32>
          %add3A_2594 = arith.addi %add3A_2574, %select_n3A_2593 : vector<16xi32>
          %select_n3A_2595 = arith.select %lt3A_2588, %get3A_2586, %broadcast_in_dim3A_5 : vector<16xi1>, vector<16xf32>
          %add3A_2596 = arith.addf %add3A_2576, %select_n3A_2595 : vector<16xf32>
          %add3A_2597 = arith.addi %mul3A_68, %mul3A_2252 : i32
          %mul3A_2598 = arith.constant 8 : i32
          %mul3A_2599 = arith.muli %scan3A_2494, %mul3A_2598 : i32
          %add3A_2600 = arith.constant 5 : i32
          %add3A_2601 = arith.addi %mul3A_2599, %add3A_2600 : i32
          %mul3A_2602 = arith.constant 16 : i32
          %mul3A_2603 = arith.muli %add3A_2601, %mul3A_2602 : i32
          %add3A_2604 = arith.addi %add3A_2597, %mul3A_2603 : i32
          %get3A_2605 = arith.index_cast %add3A_2604 : i32 to index
          %get3A_2606 = tpu.vector_load %arg4[%get3A_2605] {strides = array<i32>} : memref<32768xf32, #tpu.memory_space<vmem>>, vector<16xf32>,
          %gt3A_2607 = arith.cmpf ogt, %get3A_2606, %mul3A_2363 : vector<16xf32>
          %lt3A_2608 = arith.cmpf olt, %get3A_2606, %mul3A_2401 : vector<16xf32>
          %select_n3A_2609 = arith.select %gt3A_2607, %broadcast_in_dim3A_3, %broadcast_in_dim3A_1 : vector<16xi1>, vector<16xi32>
          %add3A_2610 = arith.addi %add3A_2590, %select_n3A_2609 : vector<16xi32>
          %select_n3A_2611 = arith.select %gt3A_2607, %get3A_2606, %broadcast_in_dim3A_5 : vector<16xi1>, vector<16xf32>
          %add3A_2612 = arith.addf %add3A_2592, %select_n3A_2611 : vector<16xf32>
          %select_n3A_2613 = arith.select %lt3A_2608, %broadcast_in_dim3A_3, %broadcast_in_dim3A_1 : vector<16xi1>, vector<16xi32>
          %add3A_2614 = arith.addi %add3A_2594, %select_n3A_2613 : vector<16xi32>
          %select_n3A_2615 = arith.select %lt3A_2608, %get3A_2606, %broadcast_in_dim3A_5 : vector<16xi1>, vector<16xf32>
          %add3A_2616 = arith.addf %add3A_2596, %select_n3A_2615 : vector<16xf32>
          %add3A_2617 = arith.addi %mul3A_68, %mul3A_2252 : i32
          %mul3A_2618 = arith.constant 8 : i32
          %mul3A_2619 = arith.muli %scan3A_2494, %mul3A_2618 : i32
          %add3A_2620 = arith.constant 6 : i32
          %add3A_2621 = arith.addi %mul3A_2619, %add3A_2620 : i32
          %mul3A_2622 = arith.constant 16 : i32
          %mul3A_2623 = arith.muli %add3A_2621, %mul3A_2622 : i32
          %add3A_2624 = arith.addi %add3A_2617, %mul3A_2623 : i32
          %get3A_2625 = arith.index_cast %add3A_2624 : i32 to index
          %get3A_2626 = tpu.vector_load %arg4[%get3A_2625] {strides = array<i32>} : memref<32768xf32, #tpu.memory_space<vmem>>, vector<16xf32>,
          %gt3A_2627 = arith.cmpf ogt, %get3A_2626, %mul3A_2363 : vector<16xf32>
          %lt3A_2628 = arith.cmpf olt, %get3A_2626, %mul3A_2401 : vector<16xf32>
          %select_n3A_2629 = arith.select %gt3A_2627, %broadcast_in_dim3A_3, %broadcast_in_dim3A_1 : vector<16xi1>, vector<16xi32>
          %add3A_2630 = arith.addi %add3A_2610, %select_n3A_2629 : vector<16xi32>
          %select_n3A_2631 = arith.select %gt3A_2627, %get3A_2626, %broadcast_in_dim3A_5 : vector<16xi1>, vector<16xf32>
          %add3A_2632 = arith.addf %add3A_2612, %select_n3A_2631 : vector<16xf32>
          %select_n3A_2633 = arith.select %lt3A_2628, %broadcast_in_dim3A_3, %broadcast_in_dim3A_1 : vector<16xi1>, vector<16xi32>
          %add3A_2634 = arith.addi %add3A_2614, %select_n3A_2633 : vector<16xi32>
          %select_n3A_2635 = arith.select %lt3A_2628, %get3A_2626, %broadcast_in_dim3A_5 : vector<16xi1>, vector<16xf32>
          %add3A_2636 = arith.addf %add3A_2616, %select_n3A_2635 : vector<16xf32>
          %add3A_2637 = arith.addi %mul3A_68, %mul3A_2252 : i32
          %mul3A_2638 = arith.constant 8 : i32
          %mul3A_2639 = arith.muli %scan3A_2494, %mul3A_2638 : i32
          %add3A_2640 = arith.constant 7 : i32
          %add3A_2641 = arith.addi %mul3A_2639, %add3A_2640 : i32
          %mul3A_2642 = arith.constant 16 : i32
          %mul3A_2643 = arith.muli %add3A_2641, %mul3A_2642 : i32
          %add3A_2644 = arith.addi %add3A_2637, %mul3A_2643 : i32
          %get3A_2645 = arith.index_cast %add3A_2644 : i32 to index
          %get3A_2646 = tpu.vector_load %arg4[%get3A_2645] {strides = array<i32>} : memref<32768xf32, #tpu.memory_space<vmem>>, vector<16xf32>,
          %gt3A_2647 = arith.cmpf ogt, %get3A_2646, %mul3A_2363 : vector<16xf32>
          %lt3A_2648 = arith.cmpf olt, %get3A_2646, %mul3A_2401 : vector<16xf32>
          %select_n3A_2649 = arith.select %gt3A_2647, %broadcast_in_dim3A_3, %broadcast_in_dim3A_1 : vector<16xi1>, vector<16xi32>
          %add3A_2650 = arith.addi %add3A_2630, %select_n3A_2649 : vector<16xi32>
          %select_n3A_2651 = arith.select %gt3A_2647, %get3A_2646, %broadcast_in_dim3A_5 : vector<16xi1>, vector<16xf32>
          %add3A_2652 = arith.addf %add3A_2632, %select_n3A_2651 : vector<16xf32>
          %select_n3A_2653 = arith.select %lt3A_2648, %broadcast_in_dim3A_3, %broadcast_in_dim3A_1 : vector<16xi1>, vector<16xi32>
          %add3A_2654 = arith.addi %add3A_2634, %select_n3A_2653 : vector<16xi32>
          %select_n3A_2655 = arith.select %lt3A_2648, %get3A_2646, %broadcast_in_dim3A_5 : vector<16xi1>, vector<16xf32>
          %add3A_2656 = arith.addf %add3A_2636, %select_n3A_2655 : vector<16xf32>
          scf.yield %add3A_2650, %add3A_2652, %add3A_2654, %add3A_2656 : vector<16xi32>, vector<16xf32>, vector<16xi32>, vector<16xf32>
        }
        %scan3A_2407 = arith.constant 8 : i32
        %convert_element_type3A_2408 = arith.sitofp %scan3A_2406#0 : vector<16xi32> to vector<16xf32>
        %broadcast_in_dim3A_2409 = vector.shape_cast %xor3A_11 : vector<16xi32> to vector<16x1xi32>
        %gather3A_2410 = vector.shape_cast %broadcast_in_dim3A_2409 : vector<16x1xi32> to vector<16xi32>
        %gather3A_2411 = tpu.dynamic_gather %convert_element_type3A_2408[%gather3A_2410] in [0] : vector<16xf32>, vector<16xi32> -> vector<16xf32>
        %add3A_2412 = arith.addf %convert_element_type3A_2408, %gather3A_2411 : vector<16xf32>
        %broadcast_in_dim3A_2413 = vector.shape_cast %xor3A_14 : vector<16xi32> to vector<16x1xi32>
        %gather3A_2414 = vector.shape_cast %broadcast_in_dim3A_2413 : vector<16x1xi32> to vector<16xi32>
        %gather3A_2415 = tpu.dynamic_gather %add3A_2412[%gather3A_2414] in [0] : vector<16xf32>, vector<16xi32> -> vector<16xf32>
        %add3A_2416 = arith.addf %add3A_2412, %gather3A_2415 : vector<16xf32>
        %broadcast_in_dim3A_2417 = vector.shape_cast %xor3A_17 : vector<16xi32> to vector<16x1xi32>
        %gather3A_2418 = vector.shape_cast %broadcast_in_dim3A_2417 : vector<16x1xi32> to vector<16xi32>
        %gather3A_2419 = tpu.dynamic_gather %add3A_2416[%gather3A_2418] in [0] : vector<16xf32>, vector<16xi32> -> vector<16xf32>
        %add3A_2420 = arith.addf %add3A_2416, %gather3A_2419 : vector<16xf32>
        %broadcast_in_dim3A_2421 = vector.shape_cast %xor3A_20 : vector<16xi32> to vector<16x1xi32>
        %gather3A_2422 = vector.shape_cast %broadcast_in_dim3A_2421 : vector<16x1xi32> to vector<16xi32>
        %gather3A_2423 = tpu.dynamic_gather %add3A_2420[%gather3A_2422] in [0] : vector<16xf32>, vector<16xi32> -> vector<16xf32>
        %add3A_2424 = arith.addf %add3A_2420, %gather3A_2423 : vector<16xf32>
        %sub3A_2425 = arith.constant 2.050000e+02 : f32
        %sub3A_2426 = vector.broadcast %sub3A_2425 : f32 to vector<16xf32>
        %sub3A_2427 = arith.subf %sub3A_2426, %add3A_2424 : vector<16xf32>
        %convert_element_type3A_2428 = arith.sitofp %scan3A_2406#2 : vector<16xi32> to vector<16xf32>
        %broadcast_in_dim3A_2429 = vector.shape_cast %xor3A_11 : vector<16xi32> to vector<16x1xi32>
        %gather3A_2430 = vector.shape_cast %broadcast_in_dim3A_2429 : vector<16x1xi32> to vector<16xi32>
        %gather3A_2431 = tpu.dynamic_gather %convert_element_type3A_2428[%gather3A_2430] in [0] : vector<16xf32>, vector<16xi32> -> vector<16xf32>
        %add3A_2432 = arith.addf %convert_element_type3A_2428, %gather3A_2431 : vector<16xf32>
        %broadcast_in_dim3A_2433 = vector.shape_cast %xor3A_14 : vector<16xi32> to vector<16x1xi32>
        %gather3A_2434 = vector.shape_cast %broadcast_in_dim3A_2433 : vector<16x1xi32> to vector<16xi32>
        %gather3A_2435 = tpu.dynamic_gather %add3A_2432[%gather3A_2434] in [0] : vector<16xf32>, vector<16xi32> -> vector<16xf32>
        %add3A_2436 = arith.addf %add3A_2432, %gather3A_2435 : vector<16xf32>
        %broadcast_in_dim3A_2437 = vector.shape_cast %xor3A_17 : vector<16xi32> to vector<16x1xi32>
        %gather3A_2438 = vector.shape_cast %broadcast_in_dim3A_2437 : vector<16x1xi32> to vector<16xi32>
        %gather3A_2439 = tpu.dynamic_gather %add3A_2436[%gather3A_2438] in [0] : vector<16xf32>, vector<16xi32> -> vector<16xf32>
        %add3A_2440 = arith.addf %add3A_2436, %gather3A_2439 : vector<16xf32>
        %broadcast_in_dim3A_2441 = vector.shape_cast %xor3A_20 : vector<16xi32> to vector<16x1xi32>
        %gather3A_2442 = vector.shape_cast %broadcast_in_dim3A_2441 : vector<16x1xi32> to vector<16xi32>
        %gather3A_2443 = tpu.dynamic_gather %add3A_2440[%gather3A_2442] in [0] : vector<16xf32>, vector<16xi32> -> vector<16xf32>
        %add3A_2444 = arith.addf %add3A_2440, %gather3A_2443 : vector<16xf32>
        %sub3A_2445 = arith.constant 2.050000e+02 : f32
        %sub3A_2446 = vector.broadcast %sub3A_2445 : f32 to vector<16xf32>
        %sub3A_2447 = arith.subf %sub3A_2446, %add3A_2444 : vector<16xf32>
        %broadcast_in_dim3A_2448 = vector.shape_cast %xor3A_11 : vector<16xi32> to vector<16x1xi32>
        %gather3A_2449 = vector.shape_cast %broadcast_in_dim3A_2448 : vector<16x1xi32> to vector<16xi32>
        %gather3A_2450 = tpu.dynamic_gather %scan3A_2406#1[%gather3A_2449] in [0] : vector<16xf32>, vector<16xi32> -> vector<16xf32>
        %add3A_2451 = arith.addf %scan3A_2406#1, %gather3A_2450 : vector<16xf32>
        %broadcast_in_dim3A_2452 = vector.shape_cast %xor3A_14 : vector<16xi32> to vector<16x1xi32>
        %gather3A_2453 = vector.shape_cast %broadcast_in_dim3A_2452 : vector<16x1xi32> to vector<16xi32>
        %gather3A_2454 = tpu.dynamic_gather %add3A_2451[%gather3A_2453] in [0] : vector<16xf32>, vector<16xi32> -> vector<16xf32>
        %add3A_2455 = arith.addf %add3A_2451, %gather3A_2454 : vector<16xf32>
        %broadcast_in_dim3A_2456 = vector.shape_cast %xor3A_17 : vector<16xi32> to vector<16x1xi32>
        %gather3A_2457 = vector.shape_cast %broadcast_in_dim3A_2456 : vector<16x1xi32> to vector<16xi32>
        %gather3A_2458 = tpu.dynamic_gather %add3A_2455[%gather3A_2457] in [0] : vector<16xf32>, vector<16xi32> -> vector<16xf32>
        %add3A_2459 = arith.addf %add3A_2455, %gather3A_2458 : vector<16xf32>
        %broadcast_in_dim3A_2460 = vector.shape_cast %xor3A_20 : vector<16xi32> to vector<16x1xi32>
        %gather3A_2461 = vector.shape_cast %broadcast_in_dim3A_2460 : vector<16x1xi32> to vector<16xi32>
        %gather3A_2462 = tpu.dynamic_gather %add3A_2459[%gather3A_2461] in [0] : vector<16xf32>, vector<16xi32> -> vector<16xf32>
        %add3A_2463 = arith.addf %add3A_2459, %gather3A_2462 : vector<16xf32>
        %broadcast_in_dim3A_2464 = vector.shape_cast %xor3A_11 : vector<16xi32> to vector<16x1xi32>
        %gather3A_2465 = vector.shape_cast %broadcast_in_dim3A_2464 : vector<16x1xi32> to vector<16xi32>
        %gather3A_2466 = tpu.dynamic_gather %scan3A_2406#3[%gather3A_2465] in [0] : vector<16xf32>, vector<16xi32> -> vector<16xf32>
        %add3A_2467 = arith.addf %scan3A_2406#3, %gather3A_2466 : vector<16xf32>
        %broadcast_in_dim3A_2468 = vector.shape_cast %xor3A_14 : vector<16xi32> to vector<16x1xi32>
        %gather3A_2469 = vector.shape_cast %broadcast_in_dim3A_2468 : vector<16x1xi32> to vector<16xi32>
        %gather3A_2470 = tpu.dynamic_gather %add3A_2467[%gather3A_2469] in [0] : vector<16xf32>, vector<16xi32> -> vector<16xf32>
        %add3A_2471 = arith.addf %add3A_2467, %gather3A_2470 : vector<16xf32>
        %broadcast_in_dim3A_2472 = vector.shape_cast %xor3A_17 : vector<16xi32> to vector<16x1xi32>
        %gather3A_2473 = vector.shape_cast %broadcast_in_dim3A_2472 : vector<16x1xi32> to vector<16xi32>
        %gather3A_2474 = tpu.dynamic_gather %add3A_2471[%gather3A_2473] in [0] : vector<16xf32>, vector<16xi32> -> vector<16xf32>
        %add3A_2475 = arith.addf %add3A_2471, %gather3A_2474 : vector<16xf32>
        %broadcast_in_dim3A_2476 = vector.shape_cast %xor3A_20 : vector<16xi32> to vector<16x1xi32>
        %gather3A_2477 = vector.shape_cast %broadcast_in_dim3A_2476 : vector<16x1xi32> to vector<16xi32>
        %gather3A_2478 = tpu.dynamic_gather %add3A_2475[%gather3A_2477] in [0] : vector<16xf32>, vector<16xi32> -> vector<16xf32>
        %add3A_2479 = arith.addf %add3A_2475, %gather3A_2478 : vector<16xf32>
        %mul3A_2480 = arith.mulf %sub3A_2427, %mul3A_2290 : vector<16xf32>
        %add3A_2481 = arith.addf %add3A_2463, %mul3A_2480 : vector<16xf32>
        %mul3A_2482 = arith.mulf %sub3A_2447, %mul3A_2325 : vector<16xf32>
        %add3A_2483 = arith.addf %add3A_2479, %mul3A_2482 : vector<16xf32>
        %mul3A_2484 = arith.constant 0.00243902439 : f32
        %mul3A_2485 = vector.broadcast %mul3A_2484 : f32 to vector<16xf32>
        %mul3A_2486 = arith.mulf %add3A_2481, %mul3A_2485 : vector<16xf32>
        %mul3A_2487 = arith.constant 0.00170731707 : f32
        %mul3A_2488 = vector.broadcast %mul3A_2487 : f32 to vector<16xf32>
        %mul3A_2489 = arith.mulf %add3A_2483, %mul3A_2488 : vector<16xf32>
        %add3A_2490 = arith.addf %mul3A_2486, %mul3A_2489 : vector<16xf32>
        %eq3A_2491 = vector.broadcast %add3A_2250 : i32 to vector<16xi32>
        %eq3A_2492 = arith.cmpi eq, %iota3A, %eq3A_2491 : vector<16xi32>
        %select_n3A_2493 = arith.select %eq3A_2492, %add3A_2490, %select_n3A_2246 : vector<16xi1>, vector<16xf32>
        scf.yield %select_n3A_2493 : vector<16xf32>
      }
      %scan3A_80 = arith.constant 8 : i32
      %mul3A_81 = arith.constant 16 : i32
      %mul3A_82 = arith.muli %scan3A_39, %mul3A_81 : i32
      %swap3A = arith.index_cast %mul3A_82 : i32 to index
      %swap3A_83 = tpu.vector_load %arg6[%swap3A] {strides = array<i32>} : memref<768xf32, #tpu.memory_space<vmem>>, vector<16xf32>,
      tpu.vector_store %arg6[%swap3A], %scan3A_79 {strides = array<i32>} : memref<768xf32, #tpu.memory_space<vmem>>, vector<16xf32>,
    }
    %scan3A_36 = arith.constant 48 : i32
    %mul3A_37 = arith.constant 768 : i32
    %mul3A_38 = arith.muli %add3A, %mul3A_37 : i32
    "tpu.region"() ({
      %run_scoped3A = tpu.sem_alloc : memref<!tpu.dma_semaphore, #tpu.memory_space<semaphore_mem>>
      %dma_start3A_39 = tpu.memref_slice %arg3[%mul3A_38] : memref<24576xf32, #tpu.memory_space<hbm>> -> memref<768xf32, #tpu.memory_space<hbm>>
      %dma_start3A_40 = tpu.memref_slice %arg3[%mul3A_38] : memref<24576xf32, #tpu.memory_space<hbm>> -> memref<768xf32, #tpu.memory_space<hbm>>
      tpu.enqueue_dma source(%arg6 : memref<768xf32, #tpu.memory_space<vmem>>) target(%dma_start3A_40 : memref<768xf32, #tpu.memory_space<hbm>>) target_semaphore(%run_scoped3A : memref<!tpu.dma_semaphore, #tpu.memory_space<semaphore_mem>>)
      %dma_wait3A = tpu.memref_slice %arg3[%mul3A_38] : memref<24576xf32, #tpu.memory_space<hbm>> -> memref<768xf32, #tpu.memory_space<hbm>>
      %dma_wait3A_41 = tpu.memref_slice %arg3[%mul3A_38] : memref<24576xf32, #tpu.memory_space<hbm>> -> memref<768xf32, #tpu.memory_space<hbm>>
      tpu.wait_dma2 semaphore(%run_scoped3A : memref<!tpu.dma_semaphore, #tpu.memory_space<semaphore_mem>>) src(%arg6 : memref<768xf32, #tpu.memory_space<vmem>>) dst(%dma_wait3A_41 : memref<768xf32, #tpu.memory_space<hbm>>)
      tpu.yield
    }) : () -> ()
    return
  }
}

</mosaic_0001>

<sc_bundles>
// kernel: kernel.3.cloned.1.call-start
scs
__scs_entry_jumppad:
0x0: {  	(pc) =	sbr.rel $0x88, $3  }
0x1: {  	(tag) =	ssettag $0x0;
	lr =	simm.s32 $0x1  }
0x2: {  	[smem:$0x3FA0] =	sst lr;
	_ =	strace $0xD0000000  }
0x3: {  	_ = 	snop  }
0x4: {  	_ = 	snop  }
0x5: {  	_ = 	snop  }
0x6: {  	_ = 	snop  }
0x7: {  	_ = 	snop  }
__scs_overlays_trampoline_lowered:
0x8: {  	[smem:$0x3FAF] =	sst s0  }
0x9: {  	[smem:$0x3FB0] =	sst s1  }
0xa: {  	[smem:$0x3FB1] =	sst s2  }
0xb: {  	[smem:$0x3FB2] =	sst s3  }
0xc: {  	[smem:$0x3FB3] =	sst s4  }
0xd: {  	[smem:$0x3FB4] =	sst s5  }
0xe: {  	[smem:$0x3FB5] =	sst s6  }
0xf: {  	[smem:$0x3FB6] =	sst s7  }
0x10: {  	[smem:$0x3FB7] =	sst s8  }
0x11: {  	[smem:$0x3FB8] =	sst s9;
	s0 =	simm.s32 @!p0 $0x0  }
0x12: {  	s1 =	sld [smem:$0x3F9E];
	s0 =	simm.s32 @p0 $0x1  }
0x13: {  	[smem:$0x3FB9] =	sst s0;
	s0 =	simm.s32 @!p1 $0x0  }
0x14: {  	s2 =	sld [smem:$0x3F9D];
	s0 =	simm.s32 @p1 $0x1  }
0x15: {  	[smem:$0x3FBA] =	sst s0;
	s0 =	simm.s32 @!p2 $0x0  }
0x16: {  	s3 =	sld [smem:$0x3FDB];
	s0 =	simm.s32 @p2 $0x1  }
0x17: {  	s4 =	simm.s32 $0x1BF5;
	[smem:$0x3FBC] =	sst s0  }
0x18: {  	s0 =	sld [smem:$0x3F9F];
	_ =	swait.ge [sflag:s4], $0x0  }
0x19: {  	s7 =	sld [smem:$0x3FA0]  }
0x1a: {  	s8 =	sadd.s32 $0xFFFFE003, lr  }
0x1b: {  	s9 =	sadd.s32 $0xFFFFFEF7, lr;
	s5 =	simm.s32 $0xFFFFFFFF;
	p2 =	slt.u32 s8, $0xFFFFF086  }
0x1c: {  	p1 =	slt.u32 s9, $0xF7A;
	s5 =	simm.s32 @!p2 $0x0  }
0x1d: {  	s5 =	simm.s32 @p1 $0x1;
	p0 =	seq.s32 s7, s2  }
0x1e: {  	s7 =	smul.u32 @!p0 $0xF7A, s2;
	p2 =	seq.s32 @!p0 s5, $0x0  }
0x1f: {  	s9 =	smul.u32 $0xF7A, s1;
	s8 =	simm.s32 @!p0 $0x1BF5;
	p2 =	por !p2, p0  }
0x20: {  	[sflag:s8] =	ssyncset.s32 @!p0 $0xFFFFF086;
	s6 =	sadd.s32 @!p0 s3, s7;
	s7 =	simm.s32 @!p0 $0x108  }
0x21: {  	s3 =	sadd.s32 s3, s9;
	s6 =	sadd.s32 @!p0 $0x88, s6;
	s7 =	simm.s32 @p2 $0x1082  }
0x22: {  	[simem:s7], [sflag:s8] =	dma.local @!p0 [hbm:s6], $0xF7A  }
0x23: {  	s9 =	sor.u32 $0xD0000000, s2;
	s6 =	simm.s32 $0x108;
	_ =	swait.ge @!p0 [sflag:s8], $0x0  }
0x24: {  	s3 =	sadd.s32 $0x88, s3;
	s6 =	simm.s32 @!p1 $0x1082;
	[sflag:s4] =	ssyncset.s32 $0xFFFFF086  }
0x25: {  	[simem:s6], [sflag:s4] =	dma.local [hbm:s3], $0xF7A  }
0x26: {  	[smem:$0x3FA0] =	sst s1;
	(tag) =	ssettag s2;
	_ =	strace s9  }
0x27: {  	s1 =	sld [smem:$0x3FB0]  }
0x28: {  	s2 =	sld [smem:$0x3FB1]  }
0x29: {  	s4 =	sld [smem:$0x3FB3]  }
0x2a: {  	p0 =	seq.s32 s5, $0x0;
	s5 =	sld [smem:$0x3FB4]  }
0x2b: {  	s6 =	sld [smem:$0x3FB5]  }
0x2c: {  	s7 =	sld [smem:$0x3FB6]  }
0x2d: {  	s3 =	simm.s32 $0x108;
	s8 =	sld [smem:$0x3FB7]  }
0x2e: {  	s3 =	simm.s32 @!p0 $0x1082;
	s9 =	sld [smem:$0x3FB8]  }
0x2f: {  	lr =	sadd.s32 s0, s3;
	s0 =	sld [smem:$0x3FAF]  }
0x30: {  	s3 =	sld [smem:$0x3FB2]  }
0x31: {  	[smem:$0x3FBB] =	sst s10  }
0x32: {  	s10 =	sld [smem:$0x3FB9];
	_ =	sdelay $0x3  }
0x33: {  	p0 =	seq.s32 s10, $0x1;
	s10 =	sld [smem:$0x3FBB];
	_ =	sdelay $0x3  }
0x34: {  	[smem:$0x3FBB] =	sst s10  }
0x35: {  	s10 =	sld [smem:$0x3FBA];
	_ =	sdelay $0x3  }
0x36: {  	p1 =	seq.s32 s10, $0x1;
	s10 =	sld [smem:$0x3FBB];
	_ =	sdelay $0x3  }
0x37: {  	[smem:$0x3FBB] =	sst s10  }
0x38: {  	s10 =	sld [smem:$0x3FBC]  }
0x39: {  	_ = 	snop;
	(pc) =	sbr.ind lr, $3  }
0x3a: {  	_ = 	snop  }
0x3b: {  	_ = 	snop  }
0x3c: {  	p2 =	seq.s32 s10, $0x1;
	s10 =	sld [smem:$0x3FBB]  }
0x3d: {  	_ =	shalt  }
0x3e: {  	_ =	shalt  }
0x3f: {  	_ =	shalt  }
0x40: {  	_ =	shalt  }
0x41: {  	_ =	shalt  }
0x42: {  	_ =	shalt  }
0x43: {  	_ =	shalt  }
0x44: {  	_ =	shalt  }
0x45: {  	_ =	shalt  }
0x46: {  	_ =	shalt  }
0x47: {  	_ =	shalt  }
0x48: {  	_ =	shalt  }
0x49: {  	_ =	shalt  }
0x4a: {  	_ =	shalt  }
0x4b: {  	_ =	shalt  }
0x4c: {  	_ =	shalt  }
0x4d: {  	_ =	shalt  }
0x4e: {  	_ =	shalt  }
0x4f: {  	_ =	shalt  }
0x50: {  	_ =	shalt  }
0x51: {  	_ =	shalt  }
0x52: {  	_ =	shalt  }
0x53: {  	_ =	shalt  }
0x54: {  	_ =	shalt  }
0x55: {  	_ =	shalt  }
0x56: {  	_ =	shalt  }
0x57: {  	_ =	shalt  }
0x58: {  	_ =	shalt  }
0x59: {  	_ =	shalt  }
0x5a: {  	_ =	shalt  }
0x5b: {  	_ =	shalt  }
0x5c: {  	_ =	shalt  }
0x5d: {  	_ =	shalt  }
0x5e: {  	_ =	shalt  }
0x5f: {  	_ =	shalt  }
0x60: {  	_ =	shalt  }
0x61: {  	_ =	shalt  }
0x62: {  	_ =	shalt  }
0x63: {  	_ =	shalt  }
0x64: {  	_ =	shalt  }
0x65: {  	_ =	shalt  }
0x66: {  	_ =	shalt  }
0x67: {  	_ =	shalt  }
0x68: {  	_ =	shalt  }
0x69: {  	_ =	shalt  }
0x6a: {  	_ =	shalt  }
0x6b: {  	_ =	shalt  }
0x6c: {  	_ =	shalt  }
0x6d: {  	_ =	shalt  }
0x6e: {  	_ =	shalt  }
0x6f: {  	_ =	shalt  }
0x70: {  	_ =	shalt  }
0x71: {  	_ =	shalt  }
0x72: {  	_ =	shalt  }
0x73: {  	_ =	shalt  }
0x74: {  	_ =	shalt  }
0x75: {  	_ =	shalt  }
0x76: {  	_ =	shalt  }
0x77: {  	_ =	shalt  }
0x78: {  	_ =	shalt  }
0x79: {  	_ =	shalt  }
0x7a: {  	_ =	shalt  }
0x7b: {  	_ =	shalt  }
0x7c: {  	_ =	shalt  }
0x7d: {  	_ =	shalt  }
0x7e: {  	_ =	shalt  }
0x7f: {  	_ =	shalt  }
0x80: {  	_ =	shalt  }
0x81: {  	_ =	shalt  }
0x82: {  	_ =	shalt  }
0x83: {  	_ =	shalt  }
0x84: {  	_ =	shalt  }
0x85: {  	_ =	shalt  }
0x86: {  	_ =	shalt  }
0x87: {  	_ =	shalt  }
.Lfunc_end0:
.L_simem_size_0:
called_computation_lowered:
.L_overlay_start_0:
0x88: {  	s2 =	sld [smem:$0x3FD9]  }
0x89: {  	s3 =	sld [smem:$0x3FFE];
	_ =	sdelay $0x1  }
0x8a: {  	s1 =	srdreg.scid  }
0x8b: {  	s0 =	sand.u32 $0x1, s1  }
0x8c: {  	s16 =	sshll.u32 s0, $0xA;
	s2 =	sadd.s32 s3, s2  }
0x8d: {  	s2 =	sadd.s32 s2, s16  }
0x8e: {  	[smem:$0x3FC7] =	sst s2  }
0x8f: {  	_ = 	snop  }
0x90: {  	(tm) =	ssettm $0x1  }
0x91: {  	s17 =	sld [smem:$0x3FFB];
	_ =	sdelay $0x3  }
0x92: {  	_ =	strace s17  }
0x93: {  	s2 =	sld [smem:$0x3FFC];
	_ =	sdelay $0x3  }
0x94: {  	_ =	strace s2  }
0x95: {  	s2 =	sld [smem:$0x3FFD];
	_ =	sdelay $0x3  }
0x96: {  	_ =	strace s2  }
0x97: {  	_ =	strace $0x8FFFFFFF  }
0x98: {  	s18 =	sld [smem:$0x3FDB];
	_ =	sdelay $0x1  }
0x99: {  	s19 =	simm.s32 $_scs_section_size  }
0x9a: {  	s4 =	simm.s32 $_size__tile_overlayer_lowered;
	s5 =	simm.s32 $_tile_overlayer_lowered  }
0x9b: {  	s22 =	simm.s32 $0x1BFF;
	s21 =	sshll.u32 s5, $0x1;
	s2 =	sadd.s32 s19, s18  }
0x9c: {  	s6 =	simm.s32 $0x0;
	s20 =	sshll.u32 s4, $0x1;
	s4 =	sadd.s32 s21, s2  }
0x9d: {  	[timem:s6], [sflag:s22] =	dma.local [hbm:s4], s20  }
0x9e: {  	_ =	swait.ge [sflag:s22], s20  }
0x9f: {  	s3 =	ssub.s32 $0x0, s20;
	[sflag:s22] =	ssyncset.done $0x0  }
0xa0: {  	[sflag:s22] =	ssyncadd.s32 s3;
	_ =	sdelay $0x1  }
0xa1: {  	s23 =	simm.s32 $0x1B8B  }
0xa2: {  	_ =	swait.ge [sflag:s23], $0x1  }
0xa3: {  	[sflag:s23] =	ssyncset.done $0x0  }
0xa4: {  	s25 =	simm.s32 $0x1B8E;
	s24 =	sld [smem:$0x3FFE];
	[sflag:s23] =	ssyncadd.s32 $0xFFFFFFFF  }
0xa5: {  	s26 =	simm.s32 $execute0_lowered;
	[smem:$0x3FD2] =	sst s25  }
0xa6: {  	s4 =	sshll.u32 s26, $0x1;
	_ =	strace $0x80000046;
	[dreg:$0x1] =	wrdreg $0xFFFFFFFF  }
0xa7: {  	s28 =	simm.s32 $_size_execute0_lowered;
	s2 =	sadd.s32 s2, s4;
	[dreg:$0x0] =	wrdreg $0x0  }
0xa8: {  	s4 =	sshll.u32 s28, $0x1;
	[dreg:$0x2] =	wrdreg s2  }
0xa9: {  	[dreg:$0x3] =	wrdreg s4  }
0xaa: {  	[dreg:$0x4] =	wrdreg $0xC0  }
0xab: {  	_ =	task [dreg:s6], $0x5FFFF  }
0xac: {  	[dreg:$0x1] =	wrdreg $0xFFFFFFFF  }
0xad: {  	[dreg:$0x0] =	wrdreg $0x60  }
0xae: {  	[dreg:$0x2] =	wrdreg s24  }
0xaf: {  	[dreg:$0x3] =	wrdreg $0x9  }
0xb0: {  	_ =	task.clear_ibuf [dreg:s6], $0x4FFFF;
	_ =	strace $0x90000046  }
0xb1: {  	s29 =	simm.s32 $0x9;
	_ =	strace $0x80000048  }
0xb2: {  	_ =	swait.ge [sflag:s29], $0x1  }
0xb3: {  	[sflag:s29] =	ssyncadd.s32 $0xFFFFFFFF  }
0xb4: {  	_ =	strace $0x90000048  }
0xb5: {  	_ =	sfence  }
0xb6: {  	s30 =	sld [smem:$0x0];
	_ =	sdelay $0x2  }
0xb7: {  	s31 =	sshll.u32 s1, $0xD;
	s1 =	sshrl.u32 s1, $0x2  }
0xb8: {  	s3 =	sand.u32 $0x4000, s31;
	s1 =	sadd.s32 s1, s30  }
0xb9: {  	s0 =	sor.u32 s3, s0;
	s1 =	sshll.u32 s1, $0x11  }
0xba: {  	s0 =	sor.u32 s1, s0  }
0xbb: {  	s0 =	sadd.s32 $0x8F2B, s0  }
0xbc: {  	[sflag:s0] =	ssyncadd.remote.s32 $0x1  }
0xbd: {  	_ =	sfence.sel $0xFFFF  }
0xbe: {  	[dreg:$0x0] =	wrdreg $0xFFFFFFFF;
	(pc) =	sbr.abs _section_cstart, $3  }
0xbf: {  	[dreg:$0x1] =	wrdreg $0xFFFFFFFF  }
0xc0: {  	_ =	task.clear_ibuf [dreg:s6], $0x2FFFF;
	_ =	strace $0x9FFFFFFF  }
0xc1: {  	(tm) =	ssettm $0x7FFFFFFF  }
tec
execute0_lowered:
.L_overlay_start_1:
0x0: {  	(tag) =	ssettag $0x1  }
0x1: {  	v0 =	vimm.bf16 $0.0e+00  }
0x2: {  	v1 =	vimm.s32 $0x76543210;
	v2 =	vimm.s32 $0xFEDCBA98;
	v3 =	vimm.s32 $0xBA98FEDC  }
0x3: {  	v4 =	vimm.s32 $0x32107654;
	v5 =	vimm.s32 $0xDCFE98BA;
	v6 =	vimm.s32 $0x54761032  }
0x4: {  	v7 =	vimm.s32 $0xEFCDAB89;
	v8 =	vimm.s32 $0x67452301;
	s0 =	srdreg.scid;
	s1 =	stileid.u32;
	v10 =	vimm.s32 $0x0  }
0x5: {  	v11 =	vimm.s32 $0x8000;
	v12 =	vimm.s32 $0x7FF0;
	v13 =	vlaneseq.u32;
	s0 =	sand.u32 $0x1, s0;
	s1 =	sshll.u32 s1, $0x1  }
0x6: {  	v1 =	vunpack.c.l.s4.s8 v1;
	v2 =	vunpack.c.l.s4.s8 v2;
	v3 =	vunpack.c.l.s4.s8 v3;
	s1 =	sor.u32 s0, s1  }
0x7: {  	s2 =	rddreg [dreg:$0x0];
	s6 =	simm.s32 $0x0;
	v4 =	vunpack.c.l.s4.s8 v4;
	v5 =	vunpack.c.l.s4.s8 v5;
	v6 =	vunpack.c.l.s4.s8 v6;
	s3 =	smul.u32 $0x60, s1  }
0x8: {  	v7 =	vunpack.c.l.s4.s8 v7;
	v8 =	vunpack.c.l.s4.s8 v8;
	[smem:$0x7FF] =	sst s6;
	v3 =	vunpack.c.0.s8.s32 v3;
	s4 =	smul.u32 $0x18000, s1  }
0x9: {  	s7 =	sadd.s32 $0xC00400, s2;
	s0 =	ssub.s32 $0x2, s0;
	v4 =	vunpack.c.0.s8.s32 v4;
	v5 =	vunpack.c.0.s8.s32 v5;
	v6 =	vunpack.c.0.s8.s32 v6;
	s1 =	smul.u32 $0xC0000, s1  }
0xa: {  	_ =	strace $0x80000047;
	[dreg:$0x3] =	wrdreg s7;
	v2 =	vunpack.c.0.s8.s32 v2;
	v7 =	vunpack.c.0.s8.s32 v7;
	v8 =	vunpack.c.0.s8.s32 v8;
	s5 =	sshrl.u32 s0, $0x1  }
0xb: {  	v9 =	vunpack.c.0.s8.s32 v1;
	v1 =	vimm.bf16 $1.0000e+00;
	s0 =	ssub.s32 s0, s5;
	v3 =	vcombine.low v4, v3;
	s30 =	sadd.s32 s7, s4;
	[dreg:$0x5] =	wrdreg s1  }
0xc: {  	v4 =	vcombine.low v6, v5;
	v2 =	vand.u32 $0xF, v2;
	v5 =	vcombine.low v8, v7;
	s2 =	sadd.s32 s3, s2;
	s0 =	smax.u32 s0, $0x1;
	[dreg:$0x4] =	wrdreg s30  }
0xd: {  	v8 =	vimm.s32 $0xC000;
	v2 =	vcombine.low v2, v9;
	s31 =	sadd.s32 $0x400, s2;
	[dreg:$0x7] =	wrdreg s0;
	v9 =	vimm.s32 $0xC0000000  }
0xe: {  	s2 =	simm.s32 $0x0;
	v3 =	vand.u32 $0xF, v3;
	v4 =	vand.u32 $0xF, v4;
	v5 =	vand.u32 $0xF, v5;
	[dreg:$0x6] =	wrdreg s31  }
.LBB2_1:
0xf: {  	s0 =	rddreg [dreg:$0x4]  }
0x10: {  	[tilespmem:s6], [sflag:$0x1] =	stream.linear.gather [hbm4b:s0+s6], $0x4000, $0x38;
	[tilespmem:$0xA300] =	vst v63  }
0x11: {  	[dreg:$0x8] =	wrdreg s2;
	p0 =	por $0x0, $0x0;
	s6 =	simm.s32 $0x0  }
.LBB2_2:
0x12: {  	s0 =	sand.u32 $0x1, s6  }
0x13: {  	p1 =	seq.s32 s0, $0x1  }
0x14: {  	s1 =	simm.s32 @!p1 $0x1  }
0x15: {  	_ =	swait.ge @!p1 [sflag:s1], $0x4000  }
0x16: {  	p2 =	seq.s32 s0, $0x0;
	[sflag:s1] =	ssyncset.done @!p1 $0x0  }
0x17: {  	s7 =	sadd.s32 $0x1, s6;
	[sflag:s1] =	ssyncadd.s32 @!p1 $0xFFFFC000;
	s1 =	simm.s32 @!p2 $0x2  }
0x18: {  	p6 =	seq.s32 s6, $0x2F;
	p3 =	sne.s32 s0, $0x0;
	_ =	swait.ge @!p2 [sflag:s1], $0x4000  }
0x19: {  	s2 =	sshll.u32 @!p3 s7, $0xE;
	s3 =	simm.s32 @!p3 $0x4000;
	s5 =	rddreg [dreg:$0x5]  }
0x1a: {  	p1 =	por !p1, !p1;
	[sflag:s1] =	ssyncset.done @!p2 $0x0;
	s2 =	sadd.s32 @!p3 s5, s2  }
0x1b: {  	s4 =	rddreg [dreg:$0x3];
	[sflag:s1] =	ssyncadd.s32 @!p2 $0xFFFFC000;
	s1 =	sshrl.u32 @!p3 s2, $0x3  }
0x1c: {  	p1 =	por p6, p1;
	s2 =	simm.s32 @!p3 $0x0;
	s1 =	sadd.s32 @!p3 s4, s1  }
0x1d: {  	[tilespmem:s3], [sflag:$0x2] =	stream.linear.gather @!p3 [hbm4b:s1+s2], $0x4000, $0x38;
	[tilespmem:$0xA300] =	vst v63  }
0x1e: {  	s1 =	sshll.u32 @!p1 s7, $0xE  }
0x1f: {  	s0 =	sshll.u32 s0, $0xE;
	s1 =	sadd.s32 @!p1 s5, s1  }
0x20: {  	[dreg:$0x2] =	wrdreg s0;
	s1 =	sshrl.u32 @!p1 s1, $0x3  }
0x21: {  	s2 =	simm.s32 @!p1 $0x0;
	s3 =	simm.s32 $0x0;
	s1 =	sadd.s32 @!p1 s4, s1  }
0x22: {  	[tilespmem:s2], [sflag:$0x1] =	stream.linear.gather @!p1 [hbm4b:s1+s2], $0x4000, $0x38;
	[tilespmem:$0xA300] =	vst v63  }
0x23: {  	s0 =	rddreg [dreg:$0x2];
	s4 =	simm.s32 $0x0;
	s1 =	sand.u32 $0xFFFFF800, s3  }
0x24: {  	s18 =	sand.u32 $0x300, s4;
	s16 =	sadd.s32 s1, s0  }
0x25: {  	s17 =	sadd.s32 $0x400, s16;
	s1 =	sadd.s32 s18, s16  }
0x26: {  	s5 =	sadd.s32 s18, s17;
	v15 =	vld [tilespmem:s1+$0x0]  }
0x27: {  	v14 =	vld [tilespmem:s5+$0x0];
	_ =	sdelay $0x1  }
0x28: {  	[dreg:$0x9] =	wrdreg s6;
	s6 =	simm.s32 $0x0  }
0x29: {  	s2 =	sand.u32 $0x3FFFFC00, s6  }
0x2a: {  	s19 =	sadd.s32 $0x8000, s2  }
0x2b: {  	s2 =	sor.u32 s18, s19;
	v14 =	vpack.i.f32.bf16 v14, v15  }
0x2c: {  	[tilespmem:s2+$0x0] =	vst v14  }
0x2d: {  	v14 =	vld [tilespmem:s1+$0x10]  }
0x2e: {  	v15 =	vld [tilespmem:s5+$0x10];
	_ =	sdelay $0x4  }
0x2f: {  	v14 =	vpack.i.f32.bf16 v15, v14  }
0x30: {  	[tilespmem:s2+$0x10] =	vst v14  }
0x31: {  	v14 =	vld [tilespmem:s1+$0x20]  }
0x32: {  	v15 =	vld [tilespmem:s5+$0x20];
	_ =	sdelay $0x4  }
0x33: {  	v14 =	vpack.i.f32.bf16 v15, v14  }
0x34: {  	[tilespmem:s2+$0x20] =	vst v14  }
0x35: {  	v14 =	vld [tilespmem:s1+$0x30]  }
0x36: {  	v15 =	vld [tilespmem:s5+$0x30];
	_ =	sdelay $0x4  }
0x37: {  	v14 =	vpack.i.f32.bf16 v15, v14  }
0x38: {  	[tilespmem:s2+$0x30] =	vst v14  }
0x39: {  	v14 =	vld [tilespmem:s1+$0x40]  }
0x3a: {  	v15 =	vld [tilespmem:s5+$0x40];
	_ =	sdelay $0x4  }
0x3b: {  	v14 =	vpack.i.f32.bf16 v15, v14  }
0x3c: {  	[tilespmem:s2+$0x40] =	vst v14  }
0x3d: {  	v14 =	vld [tilespmem:s1+$0x50]  }
0x3e: {  	v15 =	vld [tilespmem:s5+$0x50];
	_ =	sdelay $0x4  }
0x3f: {  	v14 =	vpack.i.f32.bf16 v15, v14  }
0x40: {  	[tilespmem:s2+$0x50] =	vst v14  }
0x41: {  	v14 =	vld [tilespmem:s1+$0x60]  }
0x42: {  	v15 =	vld [tilespmem:s5+$0x60];
	_ =	sdelay $0x4  }
0x43: {  	v14 =	vpack.i.f32.bf16 v15, v14  }
0x44: {  	[tilespmem:s2+$0x60] =	vst v14  }
0x45: {  	v14 =	vld [tilespmem:s1+$0x70]  }
0x46: {  	v15 =	vld [tilespmem:s5+$0x70];
	_ =	sdelay $0x4  }
0x47: {  	[dreg:$0xa] =	wrdreg s7;
	s7 =	sor.u32 $0x80, s18;
	v14 =	vpack.i.f32.bf16 v15, v14  }
0x48: {  	s8 =	sadd.s32 s7, s16;
	[tilespmem:s2+$0x70] =	vst v14  }
0x49: {  	s9 =	sadd.s32 s7, s17;
	v14 =	vld [tilespmem:s8+$0x0]  }
0x4a: {  	v15 =	vld [tilespmem:s9+$0x0];
	_ =	sdelay $0x4  }
0x4b: {  	s10 =	sor.u32 $0x90, s18;
	s0 =	sor.u32 s7, s19;
	v14 =	vpack.i.f32.bf16 v15, v14  }
0x4c: {  	s11 =	sadd.s32 s10, s16;
	[tilespmem:s0+$0x0] =	vst v14  }
0x4d: {  	s12 =	sadd.s32 s10, s17;
	v14 =	vld [tilespmem:s11+$0x0]  }
0x4e: {  	v15 =	vld [tilespmem:s12+$0x0];
	_ =	sdelay $0x4  }
0x4f: {  	s13 =	sor.u32 $0xA0, s18;
	s1 =	sor.u32 s10, s19;
	v14 =	vpack.i.f32.bf16 v15, v14  }
0x50: {  	s14 =	sadd.s32 s13, s16;
	[tilespmem:s1+$0x0] =	vst v14  }
0x51: {  	s15 =	sadd.s32 s13, s17;
	v14 =	vld [tilespmem:s14+$0x0]  }
0x52: {  	v15 =	vld [tilespmem:s15+$0x0];
	_ =	sdelay $0x4  }
0x53: {  	s20 =	sor.u32 $0xB0, s18;
	s0 =	sor.u32 s13, s19;
	v14 =	vpack.i.f32.bf16 v15, v14  }
0x54: {  	s21 =	sadd.s32 s20, s16;
	[tilespmem:s0+$0x0] =	vst v14  }
0x55: {  	s22 =	sadd.s32 s20, s17;
	v14 =	vld [tilespmem:s21+$0x0]  }
0x56: {  	v15 =	vld [tilespmem:s22+$0x0];
	_ =	sdelay $0x4  }
0x57: {  	s23 =	sor.u32 $0xC0, s18;
	s1 =	sor.u32 s20, s19;
	v14 =	vpack.i.f32.bf16 v15, v14  }
0x58: {  	s24 =	sadd.s32 s23, s16;
	[tilespmem:s1+$0x0] =	vst v14  }
0x59: {  	s25 =	sadd.s32 s23, s17;
	v14 =	vld [tilespmem:s24+$0x0]  }
0x5a: {  	v15 =	vld [tilespmem:s25+$0x0];
	_ =	sdelay $0x2  }
0x5b: {  	s28 =	sor.u32 $0xD0, s18;
	s29 =	sor.u32 $0xE0, s18;
	s1 =	simm.s32 $0x1  }
0x5c: {  	s30 =	sadd.s32 s28, s16;
	s31 =	sadd.s32 s28, s17;
	s1 =	simm.s32 @!p0 $0x0  }
0x5d: {  	s20 =	simm.s32 $0x1;
	s0 =	sor.u32 s23, s19;
	s1 =	sshll.u32 s1, $0xE;
	v14 =	vpack.i.f32.bf16 v15, v14  }
0x5e: {  	s23 =	sadd.s32 s29, s16;
	s22 =	sor.u32 s29, s19;
	s26 =	sor.u32 $0x400, s1;
	[tilespmem:s0+$0x0] =	vst v14  }
0x5f: {  	s21 =	simm.s32 $0x0;
	s1 =	sor.u32 $0x40, s1;
	[dreg:$0xb] =	wrdreg s26;
	v14 =	vld [tilespmem:s30+$0x0]  }
0x60: {  	s25 =	sor.u32 s28, s19;
	s24 =	sadd.s32 s29, s17;
	[dreg:$0xc] =	wrdreg s1;
	v15 =	vld [tilespmem:s31+$0x0]  }
.LBB2_3:
0x61: {  	_ =	sdelay $0x3  }
0x62: {  	v14 =	vpack.i.f32.bf16 v15, v14  }
0x63: {  	[tilespmem:s25+$0x0] =	vst v14  }
0x64: {  	v14 =	vld [tilespmem:s23+$0x0]  }
0x65: {  	v15 =	vld [tilespmem:s24+$0x0];
	_ =	sdelay $0x4  }
0x66: {  	s1 =	sor.u32 $0xF0, s18;
	v14 =	vpack.i.f32.bf16 v15, v14  }
0x67: {  	s2 =	sadd.s32 s1, s16;
	[tilespmem:s22+$0x0] =	vst v14  }
0x68: {  	s3 =	sadd.s32 s1, s17;
	v14 =	vld [tilespmem:s2+$0x0]  }
0x69: {  	s0 =	smov.u32 s20;
	v15 =	vld [tilespmem:s3+$0x0]  }
0x6a: {  	s4 =	sshll.u32 s0, $0xB  }
0x6b: {  	s13 =	sshra.s32 s4, $0x2  }
0x6c: {  	s5 =	rddreg [dreg:$0x2];
	s2 =	sand.u32 $0xFFFFF800, s13  }
0x6d: {  	s21 =	sadd.s32 $0x100, s21;
	s16 =	sadd.s32 s2, s5  }
0x6e: {  	s1 =	sor.u32 s1, s19;
	s18 =	sand.u32 $0x300, s21;
	s17 =	sadd.s32 $0x400, s16;
	v14 =	vpack.i.f32.bf16 v15, v14  }
0x6f: {  	s5 =	sadd.s32 s18, s17;
	[tilespmem:s1+$0x0] =	vst v14  }
0x70: {  	s12 =	sadd.s32 s18, s16;
	v14 =	vld [tilespmem:s5+$0x0]  }
0x71: {  	v15 =	vld [tilespmem:s12+$0x0];
	_ =	sdelay $0x1  }
0x72: {  	s0 =	sshll.u32 s0, $0x8  }
0x73: {  	s0 =	sand.u32 $0x3FFFFC00, s0  }
0x74: {  	s19 =	sadd.s32 $0x8000, s0  }
0x75: {  	s15 =	sor.u32 s18, s19;
	v14 =	vpack.i.f32.bf16 v14, v15  }
0x76: {  	[tilespmem:s15+$0x0] =	vst v14  }
0x77: {  	v14 =	vld [tilespmem:s12+$0x10]  }
0x78: {  	v15 =	vld [tilespmem:s5+$0x10];
	_ =	sdelay $0x4  }
0x79: {  	v14 =	vpack.i.f32.bf16 v15, v14  }
0x7a: {  	[tilespmem:s15+$0x10] =	vst v14  }
0x7b: {  	v14 =	vld [tilespmem:s12+$0x20]  }
0x7c: {  	v15 =	vld [tilespmem:s5+$0x20];
	_ =	sdelay $0x4  }
0x7d: {  	v14 =	vpack.i.f32.bf16 v15, v14  }
0x7e: {  	[tilespmem:s15+$0x20] =	vst v14  }
0x7f: {  	v14 =	vld [tilespmem:s12+$0x30]  }
0x80: {  	v15 =	vld [tilespmem:s5+$0x30];
	_ =	sdelay $0x4  }
0x81: {  	v14 =	vpack.i.f32.bf16 v15, v14  }
0x82: {  	[tilespmem:s15+$0x30] =	vst v14  }
0x83: {  	v14 =	vld [tilespmem:s12+$0x40]  }
0x84: {  	v15 =	vld [tilespmem:s5+$0x40];
	_ =	sdelay $0x4  }
0x85: {  	v14 =	vpack.i.f32.bf16 v15, v14  }
0x86: {  	[tilespmem:s15+$0x40] =	vst v14  }
0x87: {  	v14 =	vld [tilespmem:s12+$0x50]  }
0x88: {  	v15 =	vld [tilespmem:s5+$0x50];
	_ =	sdelay $0x4  }
0x89: {  	v14 =	vpack.i.f32.bf16 v15, v14  }
0x8a: {  	[tilespmem:s15+$0x50] =	vst v14  }
0x8b: {  	v14 =	vld [tilespmem:s12+$0x60]  }
0x8c: {  	v15 =	vld [tilespmem:s5+$0x60];
	_ =	sdelay $0x4  }
0x8d: {  	v14 =	vpack.i.f32.bf16 v15, v14  }
0x8e: {  	[tilespmem:s15+$0x60] =	vst v14  }
0x8f: {  	v14 =	vld [tilespmem:s12+$0x70]  }
0x90: {  	v15 =	vld [tilespmem:s5+$0x70];
	_ =	sdelay $0x4  }
0x91: {  	s14 =	sor.u32 $0x80, s18;
	v14 =	vpack.i.f32.bf16 v15, v14  }
0x92: {  	s10 =	sadd.s32 s14, s16;
	[tilespmem:s15+$0x70] =	vst v14  }
0x93: {  	s9 =	sadd.s32 s14, s17;
	v14 =	vld [tilespmem:s10+$0x0]  }
0x94: {  	v15 =	vld [tilespmem:s9+$0x0];
	_ =	sdelay $0x4  }
0x95: {  	s6 =	sor.u32 $0x90, s18;
	s14 =	sor.u32 s14, s19;
	v14 =	vpack.i.f32.bf16 v15, v14  }
0x96: {  	s7 =	sadd.s32 s6, s16;
	[tilespmem:s14+$0x0] =	vst v14  }
0x97: {  	s4 =	sadd.s32 s6, s17;
	v14 =	vld [tilespmem:s7+$0x0]  }
0x98: {  	v15 =	vld [tilespmem:s4+$0x0];
	_ =	sdelay $0x4  }
0x99: {  	s11 =	sor.u32 s6, s19;
	s22 =	sor.u32 $0xA0, s18;
	v14 =	vpack.i.f32.bf16 v15, v14  }
0x9a: {  	s2 =	sadd.s32 s22, s16;
	[tilespmem:s11+$0x0] =	vst v14  }
0x9b: {  	s8 =	sadd.s32 s22, s17;
	v14 =	vld [tilespmem:s2+$0x0]  }
0x9c: {  	v15 =	vld [tilespmem:s8+$0x0];
	_ =	sdelay $0x4  }
0x9d: {  	s23 =	sor.u32 $0xB0, s18;
	s3 =	sor.u32 s22, s19;
	v14 =	vpack.i.f32.bf16 v15, v14  }
0x9e: {  	s1 =	sadd.s32 s23, s16;
	[tilespmem:s3+$0x0] =	vst v14  }
0x9f: {  	s31 =	sadd.s32 s23, s17;
	v14 =	vld [tilespmem:s1+$0x0]  }
0xa0: {  	v15 =	vld [tilespmem:s31+$0x0];
	_ =	sdelay $0x4  }
0xa1: {  	s24 =	sor.u32 $0xC0, s18;
	s6 =	sor.u32 s23, s19;
	v14 =	vpack.i.f32.bf16 v15, v14  }
0xa2: {  	s30 =	sadd.s32 s24, s16;
	[tilespmem:s6+$0x0] =	vst v14  }
0xa3: {  	s29 =	sadd.s32 s24, s17;
	v14 =	vld [tilespmem:s30+$0x0]  }
0xa4: {  	v15 =	vld [tilespmem:s29+$0x0];
	_ =	sdelay $0x2  }
0xa5: {  	p1 =	sne.s32 s20, $0x1F  }
.Ltmp0:
0xa6: {  	_ = 	snop;
	(pc) =	sbr.rel @p1 .LBB2_3-.Ltmp0, $4  }
0xa7: {  	s25 =	sor.u32 $0xD0, s18;
	s0 =	sor.u32 s24, s19;
	v14 =	vpack.i.f32.bf16 v15, v14  }
0xa8: {  	s20 =	sadd.s32 $0x1, s20;
	s28 =	sadd.s32 s25, s16;
	[tilespmem:s0+$0x0] =	vst v14  }
0xa9: {  	s13 =	sor.u32 $0xE0, s18;
	s26 =	sadd.s32 s25, s17;
	s25 =	sor.u32 s25, s19;
	v14 =	vld [tilespmem:s28+$0x0]  }
0xaa: {  	s24 =	sadd.s32 s13, s17;
	s22 =	sor.u32 s13, s19;
	s23 =	sadd.s32 s13, s16;
	v15 =	vld [tilespmem:s26+$0x0]  }
0xab: {  	_ =	sdelay $0x3  }
0xac: {  	v14 =	vpack.i.f32.bf16 v15, v14  }
0xad: {  	[tilespmem:s25+$0x0] =	vst v14  }
0xae: {  	v14 =	vld [tilespmem:s23+$0x0]  }
0xaf: {  	v15 =	vld [tilespmem:s24+$0x0];
	_ =	sdelay $0x4  }
0xb0: {  	s0 =	sor.u32 $0xF0, s18;
	v14 =	vpack.i.f32.bf16 v15, v14  }
0xb1: {  	s1 =	sadd.s32 s0, s16;
	[tilespmem:s22+$0x0] =	vst v14  }
0xb2: {  	s2 =	sadd.s32 s0, s17;
	v14 =	vld [tilespmem:s1+$0x0]  }
0xb3: {  	v15 =	vld [tilespmem:s2+$0x0];
	_ =	sdelay $0x3  }
0xb4: {  	s3 =	rddreg [dreg:$0x9]  }
0xb5: {  	s5 =	rddreg [dreg:$0xb];
	s0 =	sor.u32 s0, s19;
	v14 =	vpack.i.f32.bf16 v15, v14  }
0xb6: {  	s4 =	simm.s32 $0x0;
	s6 =	rddreg [dreg:$0xc];
	[tilespmem:s0+$0x0] =	vst v14;
	v14 =	vimm.f32 $0.0e+00  }
.LBB2_5:
0xb7: {  	s0 =	sshll.u32 s4, $0xC  }
0xb8: {  	s1 =	simm.s32 $0x0;
	s0 =	sshra.s32 s0, $0x2  }
0xb9: {  	s29 =	sand.u32 $0x380, s1;
	s16 =	sadd.s32 $0x8000, s0  }
0xba: {  	s1 =	sand.u32 $0x40, s1;
	s0 =	sadd.s32 s29, s16  }
0xbb: {  	s0 =	sadd.s32 s1, s0  }
0xbc: {  	v15 =	vld [tilespmem:s0+$0x20]  }
0xbd: {  	v17 =	vld [tilespmem:s0+$0x30]  }
0xbe: {  	v18 =	vld [tilespmem:s0+$0x0]  }
0xbf: {  	v19 =	vld [tilespmem:s0+$0x10]  }
0xc0: {  	s30 =	simm.s32 $0x40  }
0xc1: {  	v16 =	vimm.bf16 $0.0e+00;
	v22 =	vimm.bf16 $0.0e+00;
	s31 =	sand.u32 $0x380, s30  }
0xc2: {  	v23 =	vimm.bf16 $0.0e+00;
	s1 =	sadd.s32 s31, s16;
	s0 =	sand.u32 $0x40, s30;
	vm3 =	vge.bf16 v15, $0.0e+00;
	vm4 =	vle.bf16 v15, $0.0e+00  }
0xc3: {  	s1 =	sadd.s32 s0, s1;
	vm1 =	vge.bf16 v17, $0.0e+00;
	vm0 =	vle.bf16 v17, $0.0e+00;
	vm5 =	vge.bf16 v18, $0.0e+00  }
0xc4: {  	vm6 =	vle.bf16 v18, $0.0e+00;
	vm7 =	vge.bf16 v19, $0.0e+00;
	v15 =	vld [tilespmem:s1+$0x20];
	vm2 =	vle.bf16 v19, $0.0e+00  }
0xc5: {  	v17 =	vld [tilespmem:s1+$0x30];
	v19 =	vimm.bf16 $0.0e+00;
	v20 =	vsel vm3, v1, v0;
	v21 =	vsel vm4, v1, v0  }
0xc6: {  	s0 =	simm.s32 $0x80;
	v18 =	vld [tilespmem:s1+$0x0];
	v25 =	vsel vm5, v1, v0;
	v26 =	vsel vm6, v1, v0;
	v24 =	vsel vm7, v1, v0  }
.LBB2_6:
0xc7: {  	p1 =	sne.s32 s0, $0x3C0;
	v27 =	vld [tilespmem:s1+$0x10];
	v16 =	vadd.bf16 v25, v16;
	v19 =	vadd.bf16 v26, v19;
	v25 =	vsel vm2, v1, v0  }
0xc8: {  	v22 =	vadd.bf16 v24, v22;
	v24 =	vsel vm1, v1, v0;
	v23 =	vadd.bf16 v25, v23  }
0xc9: {  	s1 =	sand.u32 $0x380, s0;
	v16 =	vadd.bf16 v20, v16;
	v19 =	vadd.bf16 v21, v19;
	v20 =	vsel vm0, v1, v0  }
.Ltmp1:
0xca: {  	s2 =	sand.u32 $0x40, s0;
	s1 =	sadd.s32 s1, s16;
	vm3 =	vge.bf16 v15, $0.0e+00;
	v22 =	vadd.bf16 v24, v22;
	v23 =	vadd.bf16 v20, v23;
	(pc) =	sbr.rel @p1 .LBB2_6-.Ltmp1, $4  }
0xcb: {  	s1 =	sadd.s32 s2, s1;
	vm4 =	vle.bf16 v15, $0.0e+00;
	vm1 =	vge.bf16 v17, $0.0e+00;
	vm0 =	vle.bf16 v17, $0.0e+00  }
0xcc: {  	vm5 =	vge.bf16 v18, $0.0e+00;
	vm6 =	vle.bf16 v18, $0.0e+00;
	v15 =	vld [tilespmem:s1+$0x20];
	vm7 =	vge.bf16 v27, $0.0e+00  }
0xcd: {  	v20 =	vsel vm3, v1, v0;
	v21 =	vsel vm4, v1, v0;
	vm2 =	vle.bf16 v27, $0.0e+00;
	v17 =	vld [tilespmem:s1+$0x30]  }
0xce: {  	s0 =	sadd.s32 $0x40, s0;
	v25 =	vsel vm5, v1, v0;
	v26 =	vsel vm6, v1, v0;
	v24 =	vsel vm7, v1, v0;
	v18 =	vld [tilespmem:s1+$0x0]  }
0xcf: {  	v16 =	vadd.bf16 v25, v16;
	v19 =	vadd.bf16 v26, v19;
	v25 =	vsel vm2, v1, v0  }
0xd0: {  	v27 =	vld [tilespmem:s1+$0x10];
	v22 =	vadd.bf16 v24, v22;
	v24 =	vsel vm1, v1, v0;
	v23 =	vadd.bf16 v25, v23  }
0xd1: {  	v16 =	vadd.bf16 v20, v16;
	v19 =	vadd.bf16 v21, v19;
	v20 =	vsel vm0, v1, v0  }
0xd2: {  	vm0 =	vge.bf16 v15, $0.0e+00;
	v21 =	vadd.bf16 v24, v22;
	vm1 =	vle.bf16 v15, $0.0e+00  }
0xd3: {  	v20 =	vadd.bf16 v20, v23;
	vm2 =	vge.bf16 v17, $0.0e+00;
	vm3 =	vle.bf16 v17, $0.0e+00  }
0xd4: {  	v15 =	vsel vm0, v1, v0;
	v17 =	vsel vm1, v1, v0;
	vm4 =	vge.bf16 v18, $0.0e+00  }
0xd5: {  	vm5 =	vle.bf16 v18, $0.0e+00;
	vm6 =	vge.bf16 v27, $0.0e+00;
	vm7 =	vle.bf16 v27, $0.0e+00  }
0xd6: {  	v18 =	vsel vm4, v1, v0;
	v22 =	vsel vm5, v1, v0;
	v23 =	vsel vm6, v1, v0  }
0xd7: {  	v16 =	vadd.bf16 v18, v16;
	v18 =	vadd.bf16 v22, v19;
	v19 =	vsel vm7, v1, v0  }
0xd8: {  	v21 =	vadd.bf16 v23, v21;
	v19 =	vadd.bf16 v19, v20;
	v20 =	vsel vm2, v1, v0  }
0xd9: {  	v15 =	vadd.bf16 v15, v16;
	v16 =	vadd.bf16 v17, v18;
	v17 =	vsel vm3, v1, v0  }
0xda: {  	v18 =	vadd.bf16 v20, v21;
	v17 =	vadd.bf16 v17, v19;
	_ =	sdelay $0x1  }
0xdb: {  	v15 =	vadd.bf16 v18, v15;
	v16 =	vadd.bf16 v17, v16;
	_ =	sdelay $0x1  }
0xdc: {  	v17 =	vunpack.i.u.bf16.f32 v15;
	v15 =	vunpack.i.l.bf16.f32 v15;
	v18 =	vunpack.i.l.bf16.f32 v16  }
0xdd: {  	v19 =	vperm.xlane v15, v2;
	v20 =	vperm.xlane v18, v2  }
0xde: {  	v16 =	vunpack.i.u.bf16.f32 v16;
	v21 =	vperm.xlane v17, v2  }
0xdf: {  	v22 =	vperm.xlane v16, v2;
	v15 =	vadd.f32 v19, v15;
	v18 =	vadd.f32 v20, v18  }
0xe0: {  	v17 =	vadd.f32 v21, v17  }
0xe1: {  	v16 =	vadd.f32 v22, v16;
	v19 =	vperm.xlane v15, v3;
	v20 =	vperm.xlane v18, v3  }
0xe2: {  	v21 =	vperm.xlane v17, v3  }
0xe3: {  	v22 =	vperm.xlane v16, v3;
	v15 =	vadd.f32 v19, v15;
	v18 =	vadd.f32 v20, v18  }
0xe4: {  	v17 =	vadd.f32 v21, v17  }
0xe5: {  	v16 =	vadd.f32 v22, v16;
	v19 =	vperm.xlane v15, v4;
	v20 =	vperm.xlane v18, v4  }
0xe6: {  	v21 =	vperm.xlane v17, v4  }
0xe7: {  	s0 =	simm.s32 $0x0;
	v22 =	vperm.xlane v16, v4;
	v15 =	vadd.f32 v19, v15;
	v18 =	vadd.f32 v20, v18  }
0xe8: {  	s29 =	sand.u32 $0x380, s0;
	v17 =	vadd.f32 v21, v17  }
0xe9: {  	s0 =	sand.u32 $0x40, s0;
	s1 =	sadd.s32 s29, s16;
	v16 =	vadd.f32 v22, v16;
	v19 =	vperm.xlane v15, v5;
	v20 =	vperm.xlane v18, v5  }
0xea: {  	s0 =	sadd.s32 s0, s1;
	v21 =	vperm.xlane v17, v5  }
0xeb: {  	v22 =	vperm.xlane v16, v5;
	v15 =	vadd.f32 v19, v15;
	v18 =	vadd.f32 v20, v18;
	v19 =	vld [tilespmem:s0+$0x20]  }
0xec: {  	v6 =	vimm.s32 $0xBFFF;
	v25 =	vimm.bf16 $0.0e+00;
	v17 =	vadd.f32 v21, v17;
	v20 =	vld [tilespmem:s0+$0x30]  }
0xed: {  	v24 =	vimm.bf16 $0.0e+00;
	v16 =	vadd.f32 v22, v16;
	v21 =	vld [tilespmem:s0+$0x0];
	vm0 =	vge.f32 v18, $2.050000000e+02  }
0xee: {  	v22 =	vld [tilespmem:s0+$0x10];
	vm3 =	vge.f32 v15, $2.050000000e+02;
	vm1 =	vge.f32 v17, $2.050000000e+02;
	vm2 =	vmneg vm0  }
0xef: {  	vm0 =	vge.f32 v16, $2.050000000e+02;
	v15 =	vsel vm3, $0x4000, v6;
	v6 =	vimm.s32 $0xBFFF0000  }
0xf0: {  	s30 =	simm.s32 $0x40;
	v18 =	vimm.bf16 $0.0e+00;
	vm0 =	vmneg vm0;
	v16 =	vsel vm1, $0x40000000, v6  }
0xf1: {  	s31 =	sand.u32 $0x380, s30;
	v15 =	vor.u32 v15, v16;
	v16 =	vsel vm2, $0x3FFF, v8;
	v17 =	vsel vm0, $0x3FFF0000, v9  }
0xf2: {  	s1 =	sadd.s32 s31, s16;
	s0 =	sand.u32 $0x40, s30;
	v16 =	vor.u32 v16, v17;
	vm7 =	vge.bf16 v19, v15;
	vm5 =	vge.bf16 v20, v15  }
0xf3: {  	s1 =	sadd.s32 s0, s1;
	vm9 =	vge.bf16 v21, v15;
	vm11 =	vge.bf16 v22, v15;
	vm8 =	vle.bf16 v19, v16  }
0xf4: {  	v17 =	vld [tilespmem:s1+$0x20];
	vm4 =	vle.bf16 v20, v16;
	vm10 =	vle.bf16 v21, v16;
	vm6 =	vle.bf16 v22, v16  }
0xf5: {  	v22 =	vsel vm7, v1, v0;
	v19 =	vld [tilespmem:s1+$0x30];
	v27 =	vsel vm9, v1, v0;
	v26 =	vsel vm11, v1, v0  }
0xf6: {  	s0 =	simm.s32 $0x80;
	v20 =	vld [tilespmem:s1+$0x0];
	v21 =	vimm.bf16 $0.0e+00;
	v23 =	vsel vm8, v1, v0;
	v28 =	vsel vm10, v1, v0  }
.LBB2_8:
0xf7: {  	p1 =	sne.s32 s0, $0x3C0;
	v29 =	vld [tilespmem:s1+$0x10];
	v18 =	vadd.bf16 v27, v18;
	v21 =	vadd.bf16 v28, v21;
	v27 =	vsel vm6, v1, v0  }
0xf8: {  	v24 =	vadd.bf16 v26, v24;
	v26 =	vsel vm5, v1, v0;
	v25 =	vadd.bf16 v27, v25  }
0xf9: {  	s1 =	sand.u32 $0x380, s0;
	v18 =	vadd.bf16 v22, v18;
	v21 =	vadd.bf16 v23, v21;
	v22 =	vsel vm4, v1, v0  }
.Ltmp2:
0xfa: {  	s2 =	sand.u32 $0x40, s0;
	s1 =	sadd.s32 s1, s16;
	vm7 =	vge.bf16 v17, v15;
	v24 =	vadd.bf16 v26, v24;
	v25 =	vadd.bf16 v22, v25;
	(pc) =	sbr.rel @p1 .LBB2_8-.Ltmp2, $4  }
0xfb: {  	s1 =	sadd.s32 s2, s1;
	vm8 =	vle.bf16 v17, v16;
	vm5 =	vge.bf16 v19, v15;
	vm4 =	vle.bf16 v19, v16  }
0xfc: {  	vm9 =	vge.bf16 v20, v15;
	vm10 =	vle.bf16 v20, v16;
	v17 =	vld [tilespmem:s1+$0x20];
	vm11 =	vge.bf16 v29, v15  }
0xfd: {  	v22 =	vsel vm7, v1, v0;
	v23 =	vsel vm8, v1, v0;
	vm6 =	vle.bf16 v29, v16;
	v19 =	vld [tilespmem:s1+$0x30]  }
0xfe: {  	s0 =	sadd.s32 $0x40, s0;
	v27 =	vsel vm9, v1, v0;
	v28 =	vsel vm10, v1, v0;
	v26 =	vsel vm11, v1, v0;
	v20 =	vld [tilespmem:s1+$0x0]  }
0xff: {  	v29 =	vld [tilespmem:s1+$0x10];
	v18 =	vadd.bf16 v27, v18;
	v21 =	vadd.bf16 v28, v21;
	v27 =	vsel vm6, v1, v0  }
0x100: {  	v24 =	vadd.bf16 v26, v24;
	v26 =	vsel vm5, v1, v0;
	v25 =	vadd.bf16 v27, v25  }
0x101: {  	v18 =	vadd.bf16 v22, v18;
	v21 =	vadd.bf16 v23, v21;
	v22 =	vsel vm4, v1, v0  }
0x102: {  	vm13 =	vge.bf16 v17, v15;
	v23 =	vadd.bf16 v26, v24;
	vm14 =	vle.bf16 v17, v16  }
0x103: {  	v22 =	vadd.bf16 v22, v25;
	vm15 =	vge.bf16 v19, v15;
	vm7 =	vle.bf16 v19, v16  }
0x104: {  	vm8 =	vge.bf16 v20, v15;
	vm9 =	vle.bf16 v20, v16;
	vm10 =	vge.bf16 v29, v15  }
0x105: {  	vm11 =	vle.bf16 v29, v16;
	v15 =	vsel vm13, v1, v0;
	v16 =	vsel vm14, v1, v0  }
0x106: {  	v17 =	vsel vm8, v1, v0;
	v19 =	vsel vm9, v1, v0;
	v20 =	vsel vm10, v1, v0  }
0x107: {  	v17 =	vadd.bf16 v17, v18;
	v18 =	vsel vm11, v1, v0;
	v20 =	vadd.bf16 v20, v23  }
0x108: {  	v19 =	vadd.bf16 v19, v21;
	v21 =	vsel vm15, v1, v0;
	v18 =	vadd.bf16 v18, v22  }
0x109: {  	v15 =	vadd.bf16 v15, v17;
	v17 =	vsel vm7, v1, v0;
	v20 =	vadd.bf16 v21, v20  }
0x10a: {  	v16 =	vadd.bf16 v16, v19;
	v17 =	vadd.bf16 v17, v18  }
0x10b: {  	v15 =	vadd.bf16 v20, v15  }
0x10c: {  	v16 =	vadd.bf16 v17, v16  }
0x10d: {  	v17 =	vunpack.i.l.bf16.f32 v15  }
0x10e: {  	v18 =	vunpack.i.l.bf16.f32 v16;
	v19 =	vperm.xlane v17, v2  }
0x10f: {  	v15 =	vunpack.i.u.bf16.f32 v15;
	v16 =	vunpack.i.u.bf16.f32 v16;
	v20 =	vperm.xlane v18, v2  }
0x110: {  	v21 =	vperm.xlane v16, v2;
	v17 =	vadd.f32 v19, v17;
	v19 =	vperm.xlane v15, v2  }
0x111: {  	v18 =	vadd.f32 v20, v18  }
0x112: {  	v16 =	vadd.f32 v21, v16;
	v20 =	vperm.xlane v17, v3;
	v15 =	vadd.f32 v19, v15  }
0x113: {  	v19 =	vperm.xlane v18, v3  }
0x114: {  	v21 =	vperm.xlane v16, v3;
	v17 =	vadd.f32 v20, v17;
	v20 =	vperm.xlane v15, v3  }
0x115: {  	v18 =	vadd.f32 v19, v18  }
0x116: {  	v16 =	vadd.f32 v21, v16;
	v19 =	vperm.xlane v17, v4;
	v15 =	vadd.f32 v20, v15  }
0x117: {  	v24 =	vsel vm2, $0x0, v11;
	v21 =	vperm.xlane v18, v4  }
0x118: {  	v22 =	vperm.xlane v16, v4;
	v17 =	vadd.f32 v19, v17;
	v19 =	vperm.xlane v15, v4  }
0x119: {  	v28 =	vor.u32 $0x4000, v24;
	v23 =	vsel vm1, $0x8000, v10;
	v18 =	vadd.f32 v21, v18  }
0x11a: {  	v16 =	vadd.f32 v22, v16;
	v21 =	vperm.xlane v17, v5;
	v15 =	vadd.f32 v19, v15  }
0x11b: {  	v27 =	vor.u32 $0x4000, v23;
	v20 =	vsel vm3, $0x8000, v10;
	v25 =	vperm.xlane v18, v5  }
0x11c: {  	v26 =	vperm.xlane v16, v5;
	v17 =	vadd.f32 v21, v17;
	v21 =	vperm.xlane v15, v5  }
0x11d: {  	v22 =	vor.u32 $0x4000, v20;
	v19 =	vsel vm0, $0x0, v11;
	v18 =	vadd.f32 v25, v18  }
0x11e: {  	v16 =	vadd.f32 v26, v16;
	v21 =	vadd.f32 v21, v15;
	vm0 =	vge.f32 v17, $2.050000000e+02  }
0x11f: {  	s0 =	simm.s32 $0x0;
	v25 =	vor.u32 $0x4000, v19;
	v15 =	vsel vm0, v22, v20;
	vm0 =	vge.f32 v18, $2.050000000e+02  }
0x120: {  	s29 =	sand.u32 $0x380, s0;
	vm1 =	vge.f32 v21, $2.050000000e+02;
	v17 =	vsel vm0, v28, v24;
	vm0 =	vge.f32 v16, $2.050000000e+02  }
0x121: {  	s0 =	sand.u32 $0x40, s0;
	s1 =	sadd.s32 s29, s16;
	v21 =	vadd.s32 $0xFFFFA000, v15;
	v22 =	vxor.u32 $0xDFFF, v15;
	v16 =	vsel vm1, v27, v23  }
0x122: {  	s0 =	sadd.s32 s0, s1;
	v18 =	vsel vm0, v25, v19;
	v19 =	vor.u32 $0x2000, v17;
	vm0 =	vgt.u32 v15, $0x7FFF  }
0x123: {  	v26 =	vld [tilespmem:s0+$0x30];
	v28 =	vsub.s32 $0x5FFF, v17;
	vm1 =	vgt.u32 v16, $0x7FFF;
	v24 =	vadd.s32 $0xA000, v16  }
0x124: {  	v23 =	vld [tilespmem:s0+$0x20];
	v25 =	vxor.u32 $0xDFFF, v16;
	v20 =	vor.u32 $0x2000, v18;
	v21 =	vsel vm0, v21, v22  }
0x125: {  	v27 =	vld [tilespmem:s0+$0x10];
	vm0 =	vlt.u32 v18, $0x6000;
	v22 =	vsel vm1, v24, v25;
	v24 =	vsub.s32 $0x5FFF, v18  }
0x126: {  	vm1 =	vlt.u32 v17, $0x6000;
	v22 =	vshll.u32 v22, $0x10;
	v24 =	vsel vm0, v24, v20  }
0x127: {  	s30 =	simm.s32 $0x40;
	v25 =	vld [tilespmem:s0+$0x0];
	v21 =	vor.u32 v21, v22;
	v22 =	vsel vm1, v28, v19;
	v24 =	vshll.u32 v24, $0x10  }
0x128: {  	v30 =	vimm.bf16 $0.0e+00;
	v31 =	vimm.bf16 $0.0e+00;
	s31 =	sand.u32 $0x380, s30;
	v22 =	vor.u32 v22, v24  }
0x129: {  	s1 =	sadd.s32 s31, s16;
	s0 =	sand.u32 $0x40, s30;
	v24 =	vimm.bf16 $0.0e+00;
	vm3 =	vge.bf16 v23, v21;
	vm1 =	vge.bf16 v26, v21  }
0x12a: {  	s1 =	sadd.s32 s0, s1;
	vm15 =	vge.bf16 v27, v21;
	vm12 =	vle.bf16 v23, v22;
	vm0 =	vle.bf16 v26, v22  }
0x12b: {  	v23 =	vld [tilespmem:s1+$0x20];
	vm2 =	vle.bf16 v27, v22;
	v28 =	vsel vm3, v1, v0;
	v32 =	vsel vm15, v1, v0  }
0x12c: {  	v26 =	vld [tilespmem:s1+$0x0];
	v27 =	vimm.bf16 $0.0e+00;
	vm13 =	vge.bf16 v25, v21;
	vm14 =	vle.bf16 v25, v22  }
0x12d: {  	s0 =	simm.s32 $0x80;
	v29 =	vsel vm12, v1, v0;
	v25 =	vld [tilespmem:s1+$0x30];
	v33 =	vsel vm13, v1, v0;
	v34 =	vsel vm14, v1, v0  }
.LBB2_10:
0x12e: {  	p1 =	sne.s32 s0, $0x3C0;
	v35 =	vld [tilespmem:s1+$0x10];
	v24 =	vadd.bf16 v33, v24;
	v27 =	vadd.bf16 v34, v27;
	v33 =	vsel vm2, v1, v0  }
0x12f: {  	v30 =	vadd.bf16 v32, v30;
	v32 =	vsel vm1, v1, v0;
	v31 =	vadd.bf16 v33, v31  }
0x130: {  	s1 =	sand.u32 $0x380, s0;
	v24 =	vadd.bf16 v28, v24;
	v27 =	vadd.bf16 v29, v27;
	v28 =	vsel vm0, v1, v0  }
.Ltmp3:
0x131: {  	s2 =	sand.u32 $0x40, s0;
	s1 =	sadd.s32 s1, s16;
	vm3 =	vge.bf16 v23, v21;
	v30 =	vadd.bf16 v32, v30;
	v31 =	vadd.bf16 v28, v31;
	(pc) =	sbr.rel @p1 .LBB2_10-.Ltmp3, $4  }
0x132: {  	s1 =	sadd.s32 s2, s1;
	vm4 =	vle.bf16 v23, v22;
	vm1 =	vge.bf16 v25, v21;
	vm0 =	vle.bf16 v25, v22  }
0x133: {  	vm5 =	vge.bf16 v26, v21;
	vm6 =	vle.bf16 v26, v22;
	v23 =	vld [tilespmem:s1+$0x20];
	vm7 =	vge.bf16 v35, v21  }
0x134: {  	v28 =	vsel vm3, v1, v0;
	v29 =	vsel vm4, v1, v0;
	vm2 =	vle.bf16 v35, v22;
	v25 =	vld [tilespmem:s1+$0x30]  }
0x135: {  	s0 =	sadd.s32 $0x40, s0;
	v33 =	vsel vm5, v1, v0;
	v34 =	vsel vm6, v1, v0;
	v32 =	vsel vm7, v1, v0;
	v26 =	vld [tilespmem:s1+$0x0]  }
0x136: {  	v35 =	vld [tilespmem:s1+$0x10];
	v24 =	vadd.bf16 v33, v24;
	v27 =	vadd.bf16 v34, v27;
	v62 =	vsel vm2, v1, v0  }
0x137: {  	v30 =	vadd.bf16 v32, v30;
	v63 =	vsel vm1, v1, v0;
	v31 =	vadd.bf16 v62, v31  }
0x138: {  	v24 =	vadd.bf16 v28, v24;
	v27 =	vadd.bf16 v29, v27;
	v28 =	vsel vm0, v1, v0  }
0x139: {  	vm0 =	vge.bf16 v23, v21;
	v29 =	vadd.bf16 v63, v30;
	vm1 =	vle.bf16 v23, v22  }
0x13a: {  	v28 =	vadd.bf16 v28, v31;
	vm2 =	vge.bf16 v25, v21;
	vm3 =	vle.bf16 v25, v22  }
0x13b: {  	vm4 =	vge.bf16 v26, v21;
	vm5 =	vle.bf16 v26, v22;
	vm6 =	vge.bf16 v35, v21  }
0x13c: {  	vm7 =	vle.bf16 v35, v22;
	v21 =	vsel vm0, v1, v0;
	v22 =	vsel vm1, v1, v0  }
0x13d: {  	v23 =	vsel vm4, v1, v0;
	v25 =	vsel vm5, v1, v0;
	v26 =	vsel vm6, v1, v0  }
0x13e: {  	v23 =	vadd.bf16 v23, v24;
	v24 =	vsel vm7, v1, v0;
	v26 =	vadd.bf16 v26, v29  }
0x13f: {  	v25 =	vadd.bf16 v25, v27;
	v27 =	vsel vm2, v1, v0;
	v24 =	vadd.bf16 v24, v28  }
0x140: {  	v21 =	vadd.bf16 v21, v23;
	v23 =	vsel vm3, v1, v0;
	v26 =	vadd.bf16 v27, v26  }
0x141: {  	v22 =	vadd.bf16 v22, v25;
	v23 =	vadd.bf16 v23, v24  }
0x142: {  	v21 =	vadd.bf16 v26, v21  }
0x143: {  	v22 =	vadd.bf16 v23, v22  }
0x144: {  	v23 =	vunpack.i.l.bf16.f32 v21  }
0x145: {  	v24 =	vunpack.i.l.bf16.f32 v22;
	v25 =	vperm.xlane v23, v2  }
0x146: {  	v21 =	vunpack.i.u.bf16.f32 v21;
	v22 =	vunpack.i.u.bf16.f32 v22;
	v26 =	vperm.xlane v24, v2  }
0x147: {  	v27 =	vperm.xlane v22, v2;
	v23 =	vadd.f32 v25, v23;
	v25 =	vperm.xlane v21, v2  }
0x148: {  	v24 =	vadd.f32 v26, v24  }
0x149: {  	v22 =	vadd.f32 v27, v22;
	v26 =	vperm.xlane v23, v3;
	v21 =	vadd.f32 v25, v21  }
0x14a: {  	v25 =	vperm.xlane v24, v3  }
0x14b: {  	v27 =	vperm.xlane v22, v3;
	v23 =	vadd.f32 v26, v23;
	v26 =	vperm.xlane v21, v3  }
0x14c: {  	v24 =	vadd.f32 v25, v24  }
0x14d: {  	v22 =	vadd.f32 v27, v22;
	v25 =	vperm.xlane v23, v4;
	v21 =	vadd.f32 v26, v21  }
0x14e: {  	v26 =	vperm.xlane v24, v4  }
0x14f: {  	v27 =	vperm.xlane v22, v4;
	v23 =	vadd.f32 v25, v23;
	v25 =	vperm.xlane v21, v4  }
0x150: {  	v24 =	vadd.f32 v26, v24  }
0x151: {  	v22 =	vadd.f32 v27, v22;
	v26 =	vperm.xlane v23, v5;
	v21 =	vadd.f32 v25, v21  }
0x152: {  	v25 =	vperm.xlane v24, v5  }
0x153: {  	v27 =	vperm.xlane v22, v5;
	v23 =	vadd.f32 v26, v23;
	v26 =	vperm.xlane v21, v5  }
0x154: {  	v28 =	vor.u32 $0x2000, v15;
	v24 =	vadd.f32 v25, v24  }
0x155: {  	v22 =	vadd.f32 v27, v22;
	v21 =	vadd.f32 v26, v21;
	vm0 =	vge.f32 v23, $2.050000000e+02  }
0x156: {  	s0 =	simm.s32 $0x0;
	v23 =	vor.u32 $0x2000, v16;
	v15 =	vsel vm0, v28, v15;
	vm0 =	vge.f32 v24, $2.050000000e+02  }
0x157: {  	s29 =	sand.u32 $0x380, s0;
	vm1 =	vge.f32 v21, $2.050000000e+02;
	v17 =	vsel vm0, v19, v17;
	vm0 =	vge.f32 v22, $2.050000000e+02  }
0x158: {  	s0 =	sand.u32 $0x40, s0;
	s1 =	sadd.s32 s29, s16;
	v21 =	vadd.s32 $0xFFFF9000, v15;
	v22 =	vsub.s32 $0xEFFF, v15;
	v16 =	vsel vm1, v23, v16  }
0x159: {  	s0 =	sadd.s32 s0, s1;
	v18 =	vsel vm0, v20, v18;
	v19 =	vor.u32 $0x1000, v17;
	vm0 =	vgt.u32 v15, $0x7FFF  }
0x15a: {  	v26 =	vld [tilespmem:s0+$0x30];
	v28 =	vsub.s32 $0x6FFF, v17;
	vm1 =	vgt.u32 v16, $0x7FFF;
	v24 =	vadd.s32 $0x9000, v16  }
0x15b: {  	v23 =	vld [tilespmem:s0+$0x20];
	v25 =	vsub.s32 $0xEFFF, v16;
	v20 =	vor.u32 $0x1000, v18;
	v21 =	vsel vm0, v21, v22  }
0x15c: {  	v27 =	vld [tilespmem:s0+$0x10];
	vm0 =	vlt.u32 v18, $0x7000;
	v22 =	vsel vm1, v24, v25;
	v24 =	vsub.s32 $0x6FFF, v18  }
0x15d: {  	vm1 =	vlt.u32 v17, $0x7000;
	v22 =	vshll.u32 v22, $0x10;
	v24 =	vsel vm0, v24, v20  }
0x15e: {  	s30 =	simm.s32 $0x40;
	v25 =	vld [tilespmem:s0+$0x0];
	v21 =	vor.u32 v21, v22;
	v22 =	vsel vm1, v28, v19;
	v24 =	vshll.u32 v24, $0x10  }
0x15f: {  	s31 =	sand.u32 $0x380, s30;
	v30 =	vimm.bf16 $0.0e+00;
	v31 =	vimm.bf16 $0.0e+00;
	v22 =	vor.u32 v22, v24  }
0x160: {  	s1 =	sadd.s32 s31, s16;
	s0 =	sand.u32 $0x40, s30;
	v24 =	vimm.bf16 $0.0e+00;
	vm3 =	vge.bf16 v23, v21;
	vm1 =	vge.bf16 v26, v21  }
0x161: {  	s1 =	sadd.s32 s0, s1;
	vm15 =	vge.bf16 v27, v21;
	vm12 =	vle.bf16 v23, v22;
	vm0 =	vle.bf16 v26, v22  }
0x162: {  	v23 =	vld [tilespmem:s1+$0x20];
	vm2 =	vle.bf16 v27, v22;
	v28 =	vsel vm3, v1, v0;
	v32 =	vsel vm15, v1, v0  }
0x163: {  	v26 =	vld [tilespmem:s1+$0x0];
	v27 =	vimm.bf16 $0.0e+00;
	vm13 =	vge.bf16 v25, v21;
	vm14 =	vle.bf16 v25, v22  }
0x164: {  	s0 =	simm.s32 $0x80;
	v29 =	vsel vm12, v1, v0;
	v25 =	vld [tilespmem:s1+$0x30];
	v33 =	vsel vm13, v1, v0;
	v34 =	vsel vm14, v1, v0  }
.LBB2_12:
0x165: {  	p1 =	sne.s32 s0, $0x3C0;
	v35 =	vld [tilespmem:s1+$0x10];
	v24 =	vadd.bf16 v33, v24;
	v27 =	vadd.bf16 v34, v27;
	v33 =	vsel vm2, v1, v0  }
0x166: {  	v30 =	vadd.bf16 v32, v30;
	v32 =	vsel vm1, v1, v0;
	v31 =	vadd.bf16 v33, v31  }
0x167: {  	s1 =	sand.u32 $0x380, s0;
	v24 =	vadd.bf16 v28, v24;
	v27 =	vadd.bf16 v29, v27;
	v28 =	vsel vm0, v1, v0  }
.Ltmp4:
0x168: {  	s2 =	sand.u32 $0x40, s0;
	s1 =	sadd.s32 s1, s16;
	vm3 =	vge.bf16 v23, v21;
	v30 =	vadd.bf16 v32, v30;
	v31 =	vadd.bf16 v28, v31;
	(pc) =	sbr.rel @p1 .LBB2_12-.Ltmp4, $4  }
0x169: {  	s1 =	sadd.s32 s2, s1;
	vm4 =	vle.bf16 v23, v22;
	vm1 =	vge.bf16 v25, v21;
	vm0 =	vle.bf16 v25, v22  }
0x16a: {  	vm5 =	vge.bf16 v26, v21;
	vm6 =	vle.bf16 v26, v22;
	v23 =	vld [tilespmem:s1+$0x20];
	vm7 =	vge.bf16 v35, v21  }
0x16b: {  	v28 =	vsel vm3, v1, v0;
	v29 =	vsel vm4, v1, v0;
	vm2 =	vle.bf16 v35, v22;
	v25 =	vld [tilespmem:s1+$0x30]  }
0x16c: {  	s0 =	sadd.s32 $0x40, s0;
	v33 =	vsel vm5, v1, v0;
	v34 =	vsel vm6, v1, v0;
	v32 =	vsel vm7, v1, v0;
	v26 =	vld [tilespmem:s1+$0x0]  }
0x16d: {  	v35 =	vld [tilespmem:s1+$0x10];
	v24 =	vadd.bf16 v33, v24;
	v27 =	vadd.bf16 v34, v27;
	v62 =	vsel vm2, v1, v0  }
0x16e: {  	v30 =	vadd.bf16 v32, v30;
	v63 =	vsel vm1, v1, v0;
	v31 =	vadd.bf16 v62, v31  }
0x16f: {  	v24 =	vadd.bf16 v28, v24;
	v27 =	vadd.bf16 v29, v27;
	v28 =	vsel vm0, v1, v0  }
0x170: {  	vm0 =	vge.bf16 v23, v21;
	v29 =	vadd.bf16 v63, v30;
	vm1 =	vle.bf16 v23, v22  }
0x171: {  	v28 =	vadd.bf16 v28, v31;
	vm2 =	vge.bf16 v25, v21;
	vm3 =	vle.bf16 v25, v22  }
0x172: {  	vm4 =	vge.bf16 v26, v21;
	vm5 =	vle.bf16 v26, v22;
	vm6 =	vge.bf16 v35, v21  }
0x173: {  	vm7 =	vle.bf16 v35, v22;
	v21 =	vsel vm0, v1, v0;
	v22 =	vsel vm1, v1, v0  }
0x174: {  	v23 =	vsel vm4, v1, v0;
	v25 =	vsel vm5, v1, v0;
	v26 =	vsel vm6, v1, v0  }
0x175: {  	v23 =	vadd.bf16 v23, v24;
	v24 =	vsel vm7, v1, v0;
	v26 =	vadd.bf16 v26, v29  }
0x176: {  	v25 =	vadd.bf16 v25, v27;
	v27 =	vsel vm2, v1, v0;
	v24 =	vadd.bf16 v24, v28  }
0x177: {  	v21 =	vadd.bf16 v21, v23;
	v23 =	vsel vm3, v1, v0;
	v26 =	vadd.bf16 v27, v26  }
0x178: {  	v22 =	vadd.bf16 v22, v25;
	v23 =	vadd.bf16 v23, v24  }
0x179: {  	v21 =	vadd.bf16 v26, v21  }
0x17a: {  	v22 =	vadd.bf16 v23, v22  }
0x17b: {  	v23 =	vunpack.i.l.bf16.f32 v21  }
0x17c: {  	v24 =	vunpack.i.l.bf16.f32 v22;
	v25 =	vperm.xlane v23, v2  }
0x17d: {  	v21 =	vunpack.i.u.bf16.f32 v21;
	v22 =	vunpack.i.u.bf16.f32 v22;
	v26 =	vperm.xlane v24, v2  }
0x17e: {  	v27 =	vperm.xlane v22, v2;
	v23 =	vadd.f32 v25, v23;
	v25 =	vperm.xlane v21, v2  }
0x17f: {  	v24 =	vadd.f32 v26, v24  }
0x180: {  	v22 =	vadd.f32 v27, v22;
	v26 =	vperm.xlane v23, v3;
	v21 =	vadd.f32 v25, v21  }
0x181: {  	v25 =	vperm.xlane v24, v3  }
0x182: {  	v27 =	vperm.xlane v22, v3;
	v23 =	vadd.f32 v26, v23;
	v26 =	vperm.xlane v21, v3  }
0x183: {  	v24 =	vadd.f32 v25, v24  }
0x184: {  	v22 =	vadd.f32 v27, v22;
	v25 =	vperm.xlane v23, v4;
	v21 =	vadd.f32 v26, v21  }
0x185: {  	v26 =	vperm.xlane v24, v4  }
0x186: {  	v27 =	vperm.xlane v22, v4;
	v23 =	vadd.f32 v25, v23;
	v25 =	vperm.xlane v21, v4  }
0x187: {  	v24 =	vadd.f32 v26, v24  }
0x188: {  	v22 =	vadd.f32 v27, v22;
	v26 =	vperm.xlane v23, v5;
	v21 =	vadd.f32 v25, v21  }
0x189: {  	v25 =	vperm.xlane v24, v5  }
0x18a: {  	v27 =	vperm.xlane v22, v5;
	v23 =	vadd.f32 v26, v23;
	v26 =	vperm.xlane v21, v5  }
0x18b: {  	v28 =	vor.u32 $0x1000, v15;
	v24 =	vadd.f32 v25, v24  }
0x18c: {  	v22 =	vadd.f32 v27, v22;
	v21 =	vadd.f32 v26, v21;
	vm0 =	vge.f32 v23, $2.050000000e+02  }
0x18d: {  	s0 =	simm.s32 $0x0;
	v23 =	vor.u32 $0x1000, v16;
	v15 =	vsel vm0, v28, v15;
	vm0 =	vge.f32 v24, $2.050000000e+02  }
0x18e: {  	s29 =	sand.u32 $0x380, s0;
	vm1 =	vge.f32 v21, $2.050000000e+02;
	v17 =	vsel vm0, v19, v17;
	vm0 =	vge.f32 v22, $2.050000000e+02  }
0x18f: {  	s0 =	sand.u32 $0x40, s0;
	s1 =	sadd.s32 s29, s16;
	v21 =	vadd.s32 $0xFFFF8800, v15;
	v22 =	vsub.s32 $0xF7FF, v15;
	v16 =	vsel vm1, v23, v16  }
0x190: {  	s0 =	sadd.s32 s0, s1;
	v18 =	vsel vm0, v20, v18;
	v19 =	vadd.s32 $0x800, v17;
	vm0 =	vgt.u32 v15, $0x77FF  }
0x191: {  	v26 =	vld [tilespmem:s0+$0x30];
	v28 =	vsub.s32 $0x77FF, v17;
	vm1 =	vgt.u32 v16, $0x77FF;
	v24 =	vadd.s32 $0x8800, v16  }
0x192: {  	v23 =	vld [tilespmem:s0+$0x20];
	v25 =	vsub.s32 $0xF7FF, v16;
	v20 =	vadd.s32 $0x800, v18;
	v21 =	vsel vm0, v21, v22  }
0x193: {  	v27 =	vld [tilespmem:s0+$0x10];
	vm0 =	vlt.u32 v18, $0x7800;
	v22 =	vsel vm1, v24, v25;
	v24 =	vsub.s32 $0x77FF, v18  }
0x194: {  	vm1 =	vlt.u32 v17, $0x7800;
	v22 =	vshll.u32 v22, $0x10;
	v24 =	vsel vm0, v24, v20  }
0x195: {  	s30 =	simm.s32 $0x40;
	v25 =	vld [tilespmem:s0+$0x0];
	v21 =	vor.u32 v21, v22;
	v22 =	vsel vm1, v28, v19;
	v24 =	vshll.u32 v24, $0x10  }
0x196: {  	s31 =	sand.u32 $0x380, s30;
	v30 =	vimm.bf16 $0.0e+00;
	v31 =	vimm.bf16 $0.0e+00;
	v22 =	vor.u32 v22, v24  }
0x197: {  	s1 =	sadd.s32 s31, s16;
	s0 =	sand.u32 $0x40, s30;
	v24 =	vimm.bf16 $0.0e+00;
	vm3 =	vge.bf16 v23, v21;
	vm1 =	vge.bf16 v26, v21  }
0x198: {  	s1 =	sadd.s32 s0, s1;
	vm15 =	vge.bf16 v27, v21;
	vm12 =	vle.bf16 v23, v22;
	vm0 =	vle.bf16 v26, v22  }
0x199: {  	v23 =	vld [tilespmem:s1+$0x20];
	vm2 =	vle.bf16 v27, v22;
	v28 =	vsel vm3, v1, v0;
	v32 =	vsel vm15, v1, v0  }
0x19a: {  	v26 =	vld [tilespmem:s1+$0x0];
	v27 =	vimm.bf16 $0.0e+00;
	vm13 =	vge.bf16 v25, v21;
	vm14 =	vle.bf16 v25, v22  }
0x19b: {  	s0 =	simm.s32 $0x80;
	v29 =	vsel vm12, v1, v0;
	v25 =	vld [tilespmem:s1+$0x30];
	v33 =	vsel vm13, v1, v0;
	v34 =	vsel vm14, v1, v0  }
.LBB2_14:
0x19c: {  	p1 =	sne.s32 s0, $0x3C0;
	v35 =	vld [tilespmem:s1+$0x10];
	v24 =	vadd.bf16 v33, v24;
	v27 =	vadd.bf16 v34, v27;
	v33 =	vsel vm2, v1, v0  }
0x19d: {  	v30 =	vadd.bf16 v32, v30;
	v32 =	vsel vm1, v1, v0;
	v31 =	vadd.bf16 v33, v31  }
0x19e: {  	s1 =	sand.u32 $0x380, s0;
	v24 =	vadd.bf16 v28, v24;
	v27 =	vadd.bf16 v29, v27;
	v28 =	vsel vm0, v1, v0  }
.Ltmp5:
0x19f: {  	s2 =	sand.u32 $0x40, s0;
	s1 =	sadd.s32 s1, s16;
	vm3 =	vge.bf16 v23, v21;
	v30 =	vadd.bf16 v32, v30;
	v31 =	vadd.bf16 v28, v31;
	(pc) =	sbr.rel @p1 .LBB2_14-.Ltmp5, $4  }
0x1a0: {  	s1 =	sadd.s32 s2, s1;
	vm4 =	vle.bf16 v23, v22;
	vm1 =	vge.bf16 v25, v21;
	vm0 =	vle.bf16 v25, v22  }
0x1a1: {  	vm5 =	vge.bf16 v26, v21;
	vm6 =	vle.bf16 v26, v22;
	v23 =	vld [tilespmem:s1+$0x20];
	vm7 =	vge.bf16 v35, v21  }
0x1a2: {  	v28 =	vsel vm3, v1, v0;
	v29 =	vsel vm4, v1, v0;
	vm2 =	vle.bf16 v35, v22;
	v25 =	vld [tilespmem:s1+$0x30]  }
0x1a3: {  	s0 =	sadd.s32 $0x40, s0;
	v33 =	vsel vm5, v1, v0;
	v34 =	vsel vm6, v1, v0;
	v32 =	vsel vm7, v1, v0;
	v26 =	vld [tilespmem:s1+$0x0]  }
0x1a4: {  	v35 =	vld [tilespmem:s1+$0x10];
	v24 =	vadd.bf16 v33, v24;
	v27 =	vadd.bf16 v34, v27;
	v62 =	vsel vm2, v1, v0  }
0x1a5: {  	v30 =	vadd.bf16 v32, v30;
	v63 =	vsel vm1, v1, v0;
	v31 =	vadd.bf16 v62, v31  }
0x1a6: {  	v24 =	vadd.bf16 v28, v24;
	v27 =	vadd.bf16 v29, v27;
	v28 =	vsel vm0, v1, v0  }
0x1a7: {  	vm0 =	vge.bf16 v23, v21;
	v29 =	vadd.bf16 v63, v30;
	vm1 =	vle.bf16 v23, v22  }
0x1a8: {  	v28 =	vadd.bf16 v28, v31;
	vm2 =	vge.bf16 v25, v21;
	vm3 =	vle.bf16 v25, v22  }
0x1a9: {  	vm4 =	vge.bf16 v26, v21;
	vm5 =	vle.bf16 v26, v22;
	vm6 =	vge.bf16 v35, v21  }
0x1aa: {  	vm7 =	vle.bf16 v35, v22;
	v21 =	vsel vm0, v1, v0;
	v22 =	vsel vm1, v1, v0  }
0x1ab: {  	v23 =	vsel vm4, v1, v0;
	v25 =	vsel vm5, v1, v0;
	v26 =	vsel vm6, v1, v0  }
0x1ac: {  	v23 =	vadd.bf16 v23, v24;
	v24 =	vsel vm7, v1, v0;
	v26 =	vadd.bf16 v26, v29  }
0x1ad: {  	v25 =	vadd.bf16 v25, v27;
	v27 =	vsel vm2, v1, v0;
	v24 =	vadd.bf16 v24, v28  }
0x1ae: {  	v21 =	vadd.bf16 v21, v23;
	v23 =	vsel vm3, v1, v0;
	v26 =	vadd.bf16 v27, v26  }
0x1af: {  	v22 =	vadd.bf16 v22, v25;
	v23 =	vadd.bf16 v23, v24  }
0x1b0: {  	v21 =	vadd.bf16 v26, v21  }
0x1b1: {  	v22 =	vadd.bf16 v23, v22  }
0x1b2: {  	v23 =	vunpack.i.l.bf16.f32 v21  }
0x1b3: {  	v24 =	vunpack.i.l.bf16.f32 v22;
	v25 =	vperm.xlane v23, v2  }
0x1b4: {  	v21 =	vunpack.i.u.bf16.f32 v21;
	v22 =	vunpack.i.u.bf16.f32 v22;
	v26 =	vperm.xlane v24, v2  }
0x1b5: {  	v27 =	vperm.xlane v22, v2;
	v23 =	vadd.f32 v25, v23;
	v25 =	vperm.xlane v21, v2  }
0x1b6: {  	v24 =	vadd.f32 v26, v24  }
0x1b7: {  	v22 =	vadd.f32 v27, v22;
	v26 =	vperm.xlane v23, v3;
	v21 =	vadd.f32 v25, v21  }
0x1b8: {  	v25 =	vperm.xlane v24, v3  }
0x1b9: {  	v27 =	vperm.xlane v22, v3;
	v23 =	vadd.f32 v26, v23;
	v26 =	vperm.xlane v21, v3  }
0x1ba: {  	v24 =	vadd.f32 v25, v24  }
0x1bb: {  	v22 =	vadd.f32 v27, v22;
	v25 =	vperm.xlane v23, v4;
	v21 =	vadd.f32 v26, v21  }
0x1bc: {  	v26 =	vperm.xlane v24, v4  }
0x1bd: {  	v27 =	vperm.xlane v22, v4;
	v23 =	vadd.f32 v25, v23;
	v25 =	vperm.xlane v21, v4  }
0x1be: {  	v24 =	vadd.f32 v26, v24  }
0x1bf: {  	v22 =	vadd.f32 v27, v22;
	v26 =	vperm.xlane v23, v5;
	v21 =	vadd.f32 v25, v21  }
0x1c0: {  	v25 =	vperm.xlane v24, v5  }
0x1c1: {  	v27 =	vperm.xlane v22, v5;
	v23 =	vadd.f32 v26, v23;
	v26 =	vperm.xlane v21, v5  }
0x1c2: {  	v28 =	vadd.s32 $0x800, v15;
	v24 =	vadd.f32 v25, v24  }
0x1c3: {  	v22 =	vadd.f32 v27, v22;
	v21 =	vadd.f32 v26, v21;
	vm0 =	vge.f32 v23, $2.050000000e+02  }
0x1c4: {  	s0 =	simm.s32 $0x0;
	v23 =	vadd.s32 $0x800, v16;
	v15 =	vsel vm0, v28, v15;
	vm0 =	vge.f32 v24, $2.050000000e+02  }
0x1c5: {  	s29 =	sand.u32 $0x380, s0;
	vm1 =	vge.f32 v21, $2.050000000e+02;
	v17 =	vsel vm0, v19, v17;
	vm0 =	vge.f32 v22, $2.050000000e+02  }
0x1c6: {  	s0 =	sand.u32 $0x40, s0;
	s1 =	sadd.s32 s29, s16;
	v21 =	vadd.s32 $0xFFFF8400, v15;
	v22 =	vsub.s32 $0xFBFF, v15;
	v16 =	vsel vm1, v23, v16  }
0x1c7: {  	s0 =	sadd.s32 s0, s1;
	v18 =	vsel vm0, v20, v18;
	v19 =	vadd.s32 $0x400, v17;
	vm0 =	vgt.u32 v15, $0x7BFF  }
0x1c8: {  	v26 =	vld [tilespmem:s0+$0x30];
	v28 =	vsub.s32 $0x7BFF, v17;
	vm1 =	vgt.u32 v16, $0x7BFF;
	v24 =	vadd.s32 $0x8400, v16  }
0x1c9: {  	v23 =	vld [tilespmem:s0+$0x20];
	v25 =	vsub.s32 $0xFBFF, v16;
	v20 =	vadd.s32 $0x400, v18;
	v21 =	vsel vm0, v21, v22  }
0x1ca: {  	v27 =	vld [tilespmem:s0+$0x10];
	vm0 =	vlt.u32 v18, $0x7C00;
	v22 =	vsel vm1, v24, v25;
	v24 =	vsub.s32 $0x7BFF, v18  }
0x1cb: {  	vm1 =	vlt.u32 v17, $0x7C00;
	v22 =	vshll.u32 v22, $0x10;
	v24 =	vsel vm0, v24, v20  }
0x1cc: {  	s30 =	simm.s32 $0x40;
	v25 =	vld [tilespmem:s0+$0x0];
	v21 =	vor.u32 v21, v22;
	v22 =	vsel vm1, v28, v19;
	v24 =	vshll.u32 v24, $0x10  }
0x1cd: {  	s31 =	sand.u32 $0x380, s30;
	v30 =	vimm.bf16 $0.0e+00;
	v31 =	vimm.bf16 $0.0e+00;
	v22 =	vor.u32 v22, v24  }
0x1ce: {  	s1 =	sadd.s32 s31, s16;
	s0 =	sand.u32 $0x40, s30;
	v24 =	vimm.bf16 $0.0e+00;
	vm3 =	vge.bf16 v23, v21;
	vm1 =	vge.bf16 v26, v21  }
0x1cf: {  	s1 =	sadd.s32 s0, s1;
	vm15 =	vge.bf16 v27, v21;
	vm12 =	vle.bf16 v23, v22;
	vm0 =	vle.bf16 v26, v22  }
0x1d0: {  	v23 =	vld [tilespmem:s1+$0x20];
	vm2 =	vle.bf16 v27, v22;
	v28 =	vsel vm3, v1, v0;
	v32 =	vsel vm15, v1, v0  }
0x1d1: {  	v26 =	vld [tilespmem:s1+$0x0];
	v27 =	vimm.bf16 $0.0e+00;
	vm13 =	vge.bf16 v25, v21;
	vm14 =	vle.bf16 v25, v22  }
0x1d2: {  	s0 =	simm.s32 $0x80;
	v29 =	vsel vm12, v1, v0;
	v25 =	vld [tilespmem:s1+$0x30];
	v33 =	vsel vm13, v1, v0;
	v34 =	vsel vm14, v1, v0  }
.LBB2_16:
0x1d3: {  	p1 =	sne.s32 s0, $0x3C0;
	v35 =	vld [tilespmem:s1+$0x10];
	v24 =	vadd.bf16 v33, v24;
	v27 =	vadd.bf16 v34, v27;
	v33 =	vsel vm2, v1, v0  }
0x1d4: {  	v30 =	vadd.bf16 v32, v30;
	v32 =	vsel vm1, v1, v0;
	v31 =	vadd.bf16 v33, v31  }
0x1d5: {  	s1 =	sand.u32 $0x380, s0;
	v24 =	vadd.bf16 v28, v24;
	v27 =	vadd.bf16 v29, v27;
	v28 =	vsel vm0, v1, v0  }
.Ltmp6:
0x1d6: {  	s2 =	sand.u32 $0x40, s0;
	s1 =	sadd.s32 s1, s16;
	vm3 =	vge.bf16 v23, v21;
	v30 =	vadd.bf16 v32, v30;
	v31 =	vadd.bf16 v28, v31;
	(pc) =	sbr.rel @p1 .LBB2_16-.Ltmp6, $4  }
0x1d7: {  	s1 =	sadd.s32 s2, s1;
	vm4 =	vle.bf16 v23, v22;
	vm1 =	vge.bf16 v25, v21;
	vm0 =	vle.bf16 v25, v22  }
0x1d8: {  	vm5 =	vge.bf16 v26, v21;
	vm6 =	vle.bf16 v26, v22;
	v23 =	vld [tilespmem:s1+$0x20];
	vm7 =	vge.bf16 v35, v21  }
0x1d9: {  	v28 =	vsel vm3, v1, v0;
	v29 =	vsel vm4, v1, v0;
	vm2 =	vle.bf16 v35, v22;
	v25 =	vld [tilespmem:s1+$0x30]  }
0x1da: {  	s0 =	sadd.s32 $0x40, s0;
	v33 =	vsel vm5, v1, v0;
	v34 =	vsel vm6, v1, v0;
	v32 =	vsel vm7, v1, v0;
	v26 =	vld [tilespmem:s1+$0x0]  }
0x1db: {  	v35 =	vld [tilespmem:s1+$0x10];
	v24 =	vadd.bf16 v33, v24;
	v27 =	vadd.bf16 v34, v27;
	v62 =	vsel vm2, v1, v0  }
0x1dc: {  	v30 =	vadd.bf16 v32, v30;
	v63 =	vsel vm1, v1, v0;
	v31 =	vadd.bf16 v62, v31  }
0x1dd: {  	v24 =	vadd.bf16 v28, v24;
	v27 =	vadd.bf16 v29, v27;
	v28 =	vsel vm0, v1, v0  }
0x1de: {  	vm0 =	vge.bf16 v23, v21;
	v29 =	vadd.bf16 v63, v30;
	vm1 =	vle.bf16 v23, v22  }
0x1df: {  	v28 =	vadd.bf16 v28, v31;
	vm2 =	vge.bf16 v25, v21;
	vm3 =	vle.bf16 v25, v22  }
0x1e0: {  	vm4 =	vge.bf16 v26, v21;
	vm5 =	vle.bf16 v26, v22;
	vm6 =	vge.bf16 v35, v21  }
0x1e1: {  	vm7 =	vle.bf16 v35, v22;
	v21 =	vsel vm0, v1, v0;
	v22 =	vsel vm1, v1, v0  }
0x1e2: {  	v23 =	vsel vm4, v1, v0;
	v25 =	vsel vm5, v1, v0;
	v26 =	vsel vm6, v1, v0  }
0x1e3: {  	v23 =	vadd.bf16 v23, v24;
	v24 =	vsel vm7, v1, v0;
	v26 =	vadd.bf16 v26, v29  }
0x1e4: {  	v25 =	vadd.bf16 v25, v27;
	v27 =	vsel vm2, v1, v0;
	v24 =	vadd.bf16 v24, v28  }
0x1e5: {  	v21 =	vadd.bf16 v21, v23;
	v23 =	vsel vm3, v1, v0;
	v26 =	vadd.bf16 v27, v26  }
0x1e6: {  	v22 =	vadd.bf16 v22, v25;
	v23 =	vadd.bf16 v23, v24  }
0x1e7: {  	v21 =	vadd.bf16 v26, v21  }
0x1e8: {  	v22 =	vadd.bf16 v23, v22  }
0x1e9: {  	v23 =	vunpack.i.l.bf16.f32 v21  }
0x1ea: {  	v24 =	vunpack.i.l.bf16.f32 v22;
	v25 =	vperm.xlane v23, v2  }
0x1eb: {  	v21 =	vunpack.i.u.bf16.f32 v21;
	v22 =	vunpack.i.u.bf16.f32 v22;
	v26 =	vperm.xlane v24, v2  }
0x1ec: {  	v27 =	vperm.xlane v22, v2;
	v23 =	vadd.f32 v25, v23;
	v25 =	vperm.xlane v21, v2  }
0x1ed: {  	v24 =	vadd.f32 v26, v24  }
0x1ee: {  	v22 =	vadd.f32 v27, v22;
	v26 =	vperm.xlane v23, v3;
	v21 =	vadd.f32 v25, v21  }
0x1ef: {  	v25 =	vperm.xlane v24, v3  }
0x1f0: {  	v27 =	vperm.xlane v22, v3;
	v23 =	vadd.f32 v26, v23;
	v26 =	vperm.xlane v21, v3  }
0x1f1: {  	v24 =	vadd.f32 v25, v24  }
0x1f2: {  	v22 =	vadd.f32 v27, v22;
	v25 =	vperm.xlane v23, v4;
	v21 =	vadd.f32 v26, v21  }
0x1f3: {  	v26 =	vperm.xlane v24, v4  }
0x1f4: {  	v27 =	vperm.xlane v22, v4;
	v23 =	vadd.f32 v25, v23;
	v25 =	vperm.xlane v21, v4  }
0x1f5: {  	v24 =	vadd.f32 v26, v24  }
0x1f6: {  	v22 =	vadd.f32 v27, v22;
	v26 =	vperm.xlane v23, v5;
	v21 =	vadd.f32 v25, v21  }
0x1f7: {  	v25 =	vperm.xlane v24, v5  }
0x1f8: {  	v27 =	vperm.xlane v22, v5;
	v23 =	vadd.f32 v26, v23;
	v26 =	vperm.xlane v21, v5  }
0x1f9: {  	v28 =	vadd.s32 $0x400, v15;
	v24 =	vadd.f32 v25, v24  }
0x1fa: {  	v22 =	vadd.f32 v27, v22;
	v21 =	vadd.f32 v26, v21;
	vm0 =	vge.f32 v23, $2.050000000e+02  }
0x1fb: {  	s0 =	simm.s32 $0x0;
	v23 =	vadd.s32 $0x400, v16;
	v15 =	vsel vm0, v28, v15;
	vm0 =	vge.f32 v24, $2.050000000e+02  }
0x1fc: {  	s29 =	sand.u32 $0x380, s0;
	vm1 =	vge.f32 v21, $2.050000000e+02;
	v17 =	vsel vm0, v19, v17;
	vm0 =	vge.f32 v22, $2.050000000e+02  }
0x1fd: {  	s0 =	sand.u32 $0x40, s0;
	s1 =	sadd.s32 s29, s16;
	v21 =	vadd.s32 $0xFFFF8200, v15;
	v22 =	vsub.s32 $0xFDFF, v15;
	v16 =	vsel vm1, v23, v16  }
0x1fe: {  	s0 =	sadd.s32 s0, s1;
	v18 =	vsel vm0, v20, v18;
	v19 =	vadd.s32 $0x200, v17;
	vm0 =	vgt.u32 v15, $0x7DFF  }
0x1ff: {  	v26 =	vld [tilespmem:s0+$0x30];
	v28 =	vsub.s32 $0x7DFF, v17;
	vm1 =	vgt.u32 v16, $0x7DFF;
	v24 =	vadd.s32 $0x8200, v16  }
0x200: {  	v23 =	vld [tilespmem:s0+$0x20];
	v25 =	vsub.s32 $0xFDFF, v16;
	v20 =	vadd.s32 $0x200, v18;
	v21 =	vsel vm0, v21, v22  }
0x201: {  	v27 =	vld [tilespmem:s0+$0x10];
	vm0 =	vlt.u32 v18, $0x7E00;
	v22 =	vsel vm1, v24, v25;
	v24 =	vsub.s32 $0x7DFF, v18  }
0x202: {  	vm1 =	vlt.u32 v17, $0x7E00;
	v22 =	vshll.u32 v22, $0x10;
	v24 =	vsel vm0, v24, v20  }
0x203: {  	s30 =	simm.s32 $0x40;
	v25 =	vld [tilespmem:s0+$0x0];
	v21 =	vor.u32 v21, v22;
	v22 =	vsel vm1, v28, v19;
	v24 =	vshll.u32 v24, $0x10  }
0x204: {  	s31 =	sand.u32 $0x380, s30;
	v30 =	vimm.bf16 $0.0e+00;
	v31 =	vimm.bf16 $0.0e+00;
	v22 =	vor.u32 v22, v24  }
0x205: {  	s1 =	sadd.s32 s31, s16;
	s0 =	sand.u32 $0x40, s30;
	v24 =	vimm.bf16 $0.0e+00;
	vm3 =	vge.bf16 v23, v21;
	vm1 =	vge.bf16 v26, v21  }
0x206: {  	s1 =	sadd.s32 s0, s1;
	vm15 =	vge.bf16 v27, v21;
	vm12 =	vle.bf16 v23, v22;
	vm0 =	vle.bf16 v26, v22  }
0x207: {  	v23 =	vld [tilespmem:s1+$0x20];
	vm2 =	vle.bf16 v27, v22;
	v28 =	vsel vm3, v1, v0;
	v32 =	vsel vm15, v1, v0  }
0x208: {  	v26 =	vld [tilespmem:s1+$0x0];
	v27 =	vimm.bf16 $0.0e+00;
	vm13 =	vge.bf16 v25, v21;
	vm14 =	vle.bf16 v25, v22  }
0x209: {  	s0 =	simm.s32 $0x80;
	v29 =	vsel vm12, v1, v0;
	v25 =	vld [tilespmem:s1+$0x30];
	v33 =	vsel vm13, v1, v0;
	v34 =	vsel vm14, v1, v0  }
.LBB2_18:
0x20a: {  	p1 =	sne.s32 s0, $0x3C0;
	v35 =	vld [tilespmem:s1+$0x10];
	v24 =	vadd.bf16 v33, v24;
	v27 =	vadd.bf16 v34, v27;
	v33 =	vsel vm2, v1, v0  }
0x20b: {  	v30 =	vadd.bf16 v32, v30;
	v32 =	vsel vm1, v1, v0;
	v31 =	vadd.bf16 v33, v31  }
0x20c: {  	s1 =	sand.u32 $0x380, s0;
	v24 =	vadd.bf16 v28, v24;
	v27 =	vadd.bf16 v29, v27;
	v28 =	vsel vm0, v1, v0  }
.Ltmp7:
0x20d: {  	s2 =	sand.u32 $0x40, s0;
	s1 =	sadd.s32 s1, s16;
	vm3 =	vge.bf16 v23, v21;
	v30 =	vadd.bf16 v32, v30;
	v31 =	vadd.bf16 v28, v31;
	(pc) =	sbr.rel @p1 .LBB2_18-.Ltmp7, $4  }
0x20e: {  	s1 =	sadd.s32 s2, s1;
	vm4 =	vle.bf16 v23, v22;
	vm1 =	vge.bf16 v25, v21;
	vm0 =	vle.bf16 v25, v22  }
0x20f: {  	vm5 =	vge.bf16 v26, v21;
	vm6 =	vle.bf16 v26, v22;
	v23 =	vld [tilespmem:s1+$0x20];
	vm7 =	vge.bf16 v35, v21  }
0x210: {  	v28 =	vsel vm3, v1, v0;
	v29 =	vsel vm4, v1, v0;
	vm2 =	vle.bf16 v35, v22;
	v25 =	vld [tilespmem:s1+$0x30]  }
0x211: {  	s0 =	sadd.s32 $0x40, s0;
	v33 =	vsel vm5, v1, v0;
	v34 =	vsel vm6, v1, v0;
	v32 =	vsel vm7, v1, v0;
	v26 =	vld [tilespmem:s1+$0x0]  }
0x212: {  	v35 =	vld [tilespmem:s1+$0x10];
	v24 =	vadd.bf16 v33, v24;
	v27 =	vadd.bf16 v34, v27;
	v62 =	vsel vm2, v1, v0  }
0x213: {  	v30 =	vadd.bf16 v32, v30;
	v63 =	vsel vm1, v1, v0;
	v31 =	vadd.bf16 v62, v31  }
0x214: {  	v24 =	vadd.bf16 v28, v24;
	v27 =	vadd.bf16 v29, v27;
	v28 =	vsel vm0, v1, v0  }
0x215: {  	vm0 =	vge.bf16 v23, v21;
	v29 =	vadd.bf16 v63, v30;
	vm1 =	vle.bf16 v23, v22  }
0x216: {  	v28 =	vadd.bf16 v28, v31;
	vm2 =	vge.bf16 v25, v21;
	vm3 =	vle.bf16 v25, v22  }
0x217: {  	vm4 =	vge.bf16 v26, v21;
	vm5 =	vle.bf16 v26, v22;
	vm6 =	vge.bf16 v35, v21  }
0x218: {  	vm7 =	vle.bf16 v35, v22;
	v21 =	vsel vm0, v1, v0;
	v22 =	vsel vm1, v1, v0  }
0x219: {  	v23 =	vsel vm4, v1, v0;
	v25 =	vsel vm5, v1, v0;
	v26 =	vsel vm6, v1, v0  }
0x21a: {  	v23 =	vadd.bf16 v23, v24;
	v24 =	vsel vm7, v1, v0;
	v26 =	vadd.bf16 v26, v29  }
0x21b: {  	v25 =	vadd.bf16 v25, v27;
	v27 =	vsel vm2, v1, v0;
	v24 =	vadd.bf16 v24, v28  }
0x21c: {  	v21 =	vadd.bf16 v21, v23;
	v23 =	vsel vm3, v1, v0;
	v26 =	vadd.bf16 v27, v26  }
0x21d: {  	v22 =	vadd.bf16 v22, v25;
	v23 =	vadd.bf16 v23, v24  }
0x21e: {  	v21 =	vadd.bf16 v26, v21  }
0x21f: {  	v22 =	vadd.bf16 v23, v22  }
0x220: {  	v23 =	vunpack.i.l.bf16.f32 v21  }
0x221: {  	v24 =	vunpack.i.l.bf16.f32 v22;
	v25 =	vperm.xlane v23, v2  }
0x222: {  	v21 =	vunpack.i.u.bf16.f32 v21;
	v22 =	vunpack.i.u.bf16.f32 v22;
	v26 =	vperm.xlane v24, v2  }
0x223: {  	v27 =	vperm.xlane v22, v2;
	v23 =	vadd.f32 v25, v23;
	v25 =	vperm.xlane v21, v2  }
0x224: {  	v24 =	vadd.f32 v26, v24  }
0x225: {  	v22 =	vadd.f32 v27, v22;
	v26 =	vperm.xlane v23, v3;
	v21 =	vadd.f32 v25, v21  }
0x226: {  	v25 =	vperm.xlane v24, v3  }
0x227: {  	v27 =	vperm.xlane v22, v3;
	v23 =	vadd.f32 v26, v23;
	v26 =	vperm.xlane v21, v3  }
0x228: {  	v24 =	vadd.f32 v25, v24  }
0x229: {  	v22 =	vadd.f32 v27, v22;
	v25 =	vperm.xlane v23, v4;
	v21 =	vadd.f32 v26, v21  }
0x22a: {  	v26 =	vperm.xlane v24, v4  }
0x22b: {  	v27 =	vperm.xlane v22, v4;
	v23 =	vadd.f32 v25, v23;
	v25 =	vperm.xlane v21, v4  }
0x22c: {  	v24 =	vadd.f32 v26, v24  }
0x22d: {  	v22 =	vadd.f32 v27, v22;
	v26 =	vperm.xlane v23, v5;
	v21 =	vadd.f32 v25, v21  }
0x22e: {  	v25 =	vperm.xlane v24, v5  }
0x22f: {  	v27 =	vperm.xlane v22, v5;
	v23 =	vadd.f32 v26, v23;
	v26 =	vperm.xlane v21, v5  }
0x230: {  	v28 =	vadd.s32 $0x200, v15;
	v24 =	vadd.f32 v25, v24  }
0x231: {  	v22 =	vadd.f32 v27, v22;
	v21 =	vadd.f32 v26, v21;
	vm0 =	vge.f32 v23, $2.050000000e+02  }
0x232: {  	s0 =	simm.s32 $0x0;
	v23 =	vadd.s32 $0x200, v16;
	v15 =	vsel vm0, v28, v15;
	vm0 =	vge.f32 v24, $2.050000000e+02  }
0x233: {  	s29 =	sand.u32 $0x380, s0;
	vm1 =	vge.f32 v21, $2.050000000e+02;
	v17 =	vsel vm0, v19, v17;
	vm0 =	vge.f32 v22, $2.050000000e+02  }
0x234: {  	s0 =	sand.u32 $0x40, s0;
	s1 =	sadd.s32 s29, s16;
	v21 =	vadd.s32 $0xFFFF8100, v15;
	v22 =	vsub.s32 $0xFEFF, v15;
	v16 =	vsel vm1, v23, v16  }
0x235: {  	s0 =	sadd.s32 s0, s1;
	v18 =	vsel vm0, v20, v18;
	v19 =	vadd.s32 $0x100, v17;
	vm0 =	vgt.u32 v15, $0x7EFF  }
0x236: {  	v26 =	vld [tilespmem:s0+$0x30];
	v28 =	vsub.s32 $0x7EFF, v17;
	vm1 =	vgt.u32 v16, $0x7EFF;
	v24 =	vadd.s32 $0x8100, v16  }
0x237: {  	v23 =	vld [tilespmem:s0+$0x20];
	v25 =	vsub.s32 $0xFEFF, v16;
	v20 =	vadd.s32 $0x100, v18;
	v21 =	vsel vm0, v21, v22  }
0x238: {  	v27 =	vld [tilespmem:s0+$0x10];
	vm0 =	vlt.u32 v18, $0x7F00;
	v22 =	vsel vm1, v24, v25;
	v24 =	vsub.s32 $0x7EFF, v18  }
0x239: {  	vm1 =	vlt.u32 v17, $0x7F00;
	v22 =	vshll.u32 v22, $0x10;
	v24 =	vsel vm0, v24, v20  }
0x23a: {  	s30 =	simm.s32 $0x40;
	v25 =	vld [tilespmem:s0+$0x0];
	v21 =	vor.u32 v21, v22;
	v22 =	vsel vm1, v28, v19;
	v24 =	vshll.u32 v24, $0x10  }
0x23b: {  	s31 =	sand.u32 $0x380, s30;
	v30 =	vimm.bf16 $0.0e+00;
	v31 =	vimm.bf16 $0.0e+00;
	v22 =	vor.u32 v22, v24  }
0x23c: {  	s1 =	sadd.s32 s31, s16;
	s0 =	sand.u32 $0x40, s30;
	v24 =	vimm.bf16 $0.0e+00;
	vm3 =	vge.bf16 v23, v21;
	vm1 =	vge.bf16 v26, v21  }
0x23d: {  	s1 =	sadd.s32 s0, s1;
	vm15 =	vge.bf16 v27, v21;
	vm12 =	vle.bf16 v23, v22;
	vm0 =	vle.bf16 v26, v22  }
0x23e: {  	v23 =	vld [tilespmem:s1+$0x20];
	vm2 =	vle.bf16 v27, v22;
	v28 =	vsel vm3, v1, v0;
	v32 =	vsel vm15, v1, v0  }
0x23f: {  	v26 =	vld [tilespmem:s1+$0x0];
	v27 =	vimm.bf16 $0.0e+00;
	vm13 =	vge.bf16 v25, v21;
	vm14 =	vle.bf16 v25, v22  }
0x240: {  	s0 =	simm.s32 $0x80;
	v29 =	vsel vm12, v1, v0;
	v25 =	vld [tilespmem:s1+$0x30];
	v33 =	vsel vm13, v1, v0;
	v34 =	vsel vm14, v1, v0  }
.LBB2_20:
0x241: {  	p1 =	sne.s32 s0, $0x3C0;
	v35 =	vld [tilespmem:s1+$0x10];
	v24 =	vadd.bf16 v33, v24;
	v27 =	vadd.bf16 v34, v27;
	v33 =	vsel vm2, v1, v0  }
0x242: {  	v30 =	vadd.bf16 v32, v30;
	v32 =	vsel vm1, v1, v0;
	v31 =	vadd.bf16 v33, v31  }
0x243: {  	s1 =	sand.u32 $0x380, s0;
	v24 =	vadd.bf16 v28, v24;
	v27 =	vadd.bf16 v29, v27;
	v28 =	vsel vm0, v1, v0  }
.Ltmp8:
0x244: {  	s2 =	sand.u32 $0x40, s0;
	s1 =	sadd.s32 s1, s16;
	vm3 =	vge.bf16 v23, v21;
	v30 =	vadd.bf16 v32, v30;
	v31 =	vadd.bf16 v28, v31;
	(pc) =	sbr.rel @p1 .LBB2_20-.Ltmp8, $4  }
0x245: {  	s1 =	sadd.s32 s2, s1;
	vm4 =	vle.bf16 v23, v22;
	vm1 =	vge.bf16 v25, v21;
	vm0 =	vle.bf16 v25, v22  }
0x246: {  	vm5 =	vge.bf16 v26, v21;
	vm6 =	vle.bf16 v26, v22;
	v23 =	vld [tilespmem:s1+$0x20];
	vm7 =	vge.bf16 v35, v21  }
0x247: {  	v28 =	vsel vm3, v1, v0;
	v29 =	vsel vm4, v1, v0;
	vm2 =	vle.bf16 v35, v22;
	v25 =	vld [tilespmem:s1+$0x30]  }
0x248: {  	s0 =	sadd.s32 $0x40, s0;
	v33 =	vsel vm5, v1, v0;
	v34 =	vsel vm6, v1, v0;
	v32 =	vsel vm7, v1, v0;
	v26 =	vld [tilespmem:s1+$0x0]  }
0x249: {  	v35 =	vld [tilespmem:s1+$0x10];
	v24 =	vadd.bf16 v33, v24;
	v27 =	vadd.bf16 v34, v27;
	v62 =	vsel vm2, v1, v0  }
0x24a: {  	v30 =	vadd.bf16 v32, v30;
	v63 =	vsel vm1, v1, v0;
	v31 =	vadd.bf16 v62, v31  }
0x24b: {  	v24 =	vadd.bf16 v28, v24;
	v27 =	vadd.bf16 v29, v27;
	v28 =	vsel vm0, v1, v0  }
0x24c: {  	vm0 =	vge.bf16 v23, v21;
	v29 =	vadd.bf16 v63, v30;
	vm1 =	vle.bf16 v23, v22  }
0x24d: {  	v28 =	vadd.bf16 v28, v31;
	vm2 =	vge.bf16 v25, v21;
	vm3 =	vle.bf16 v25, v22  }
0x24e: {  	vm4 =	vge.bf16 v26, v21;
	vm5 =	vle.bf16 v26, v22;
	vm6 =	vge.bf16 v35, v21  }
0x24f: {  	vm7 =	vle.bf16 v35, v22;
	v21 =	vsel vm0, v1, v0;
	v22 =	vsel vm1, v1, v0  }
0x250: {  	v23 =	vsel vm4, v1, v0;
	v25 =	vsel vm5, v1, v0;
	v26 =	vsel vm6, v1, v0  }
0x251: {  	v23 =	vadd.bf16 v23, v24;
	v24 =	vsel vm7, v1, v0;
	v26 =	vadd.bf16 v26, v29  }
0x252: {  	v25 =	vadd.bf16 v25, v27;
	v27 =	vsel vm2, v1, v0;
	v24 =	vadd.bf16 v24, v28  }
0x253: {  	v21 =	vadd.bf16 v21, v23;
	v23 =	vsel vm3, v1, v0;
	v26 =	vadd.bf16 v27, v26  }
0x254: {  	v22 =	vadd.bf16 v22, v25;
	v23 =	vadd.bf16 v23, v24  }
0x255: {  	v21 =	vadd.bf16 v26, v21  }
0x256: {  	v22 =	vadd.bf16 v23, v22  }
0x257: {  	v23 =	vunpack.i.l.bf16.f32 v21  }
0x258: {  	v24 =	vunpack.i.l.bf16.f32 v22;
	v25 =	vperm.xlane v23, v2  }
0x259: {  	v21 =	vunpack.i.u.bf16.f32 v21;
	v22 =	vunpack.i.u.bf16.f32 v22;
	v26 =	vperm.xlane v24, v2  }
0x25a: {  	v27 =	vperm.xlane v22, v2;
	v23 =	vadd.f32 v25, v23;
	v25 =	vperm.xlane v21, v2  }
0x25b: {  	v24 =	vadd.f32 v26, v24  }
0x25c: {  	v22 =	vadd.f32 v27, v22;
	v26 =	vperm.xlane v23, v3;
	v21 =	vadd.f32 v25, v21  }
0x25d: {  	v25 =	vperm.xlane v24, v3  }
0x25e: {  	v27 =	vperm.xlane v22, v3;
	v23 =	vadd.f32 v26, v23;
	v26 =	vperm.xlane v21, v3  }
0x25f: {  	v24 =	vadd.f32 v25, v24  }
0x260: {  	v22 =	vadd.f32 v27, v22;
	v25 =	vperm.xlane v23, v4;
	v21 =	vadd.f32 v26, v21  }
0x261: {  	v26 =	vperm.xlane v24, v4  }
0x262: {  	v27 =	vperm.xlane v22, v4;
	v23 =	vadd.f32 v25, v23;
	v25 =	vperm.xlane v21, v4  }
0x263: {  	v24 =	vadd.f32 v26, v24  }
0x264: {  	v22 =	vadd.f32 v27, v22;
	v26 =	vperm.xlane v23, v5;
	v21 =	vadd.f32 v25, v21  }
0x265: {  	v25 =	vperm.xlane v24, v5  }
0x266: {  	v27 =	vperm.xlane v22, v5;
	v23 =	vadd.f32 v26, v23;
	v26 =	vperm.xlane v21, v5  }
0x267: {  	v28 =	vadd.s32 $0x100, v15;
	v24 =	vadd.f32 v25, v24  }
0x268: {  	v22 =	vadd.f32 v27, v22;
	v21 =	vadd.f32 v26, v21;
	vm0 =	vge.f32 v23, $2.050000000e+02  }
0x269: {  	s0 =	simm.s32 $0x0;
	v23 =	vadd.s32 $0x100, v16;
	v15 =	vsel vm0, v28, v15;
	vm0 =	vge.f32 v24, $2.050000000e+02  }
0x26a: {  	s29 =	sand.u32 $0x380, s0;
	vm1 =	vge.f32 v21, $2.050000000e+02;
	v17 =	vsel vm0, v19, v17;
	vm0 =	vge.f32 v22, $2.050000000e+02  }
0x26b: {  	s0 =	sand.u32 $0x40, s0;
	s1 =	sadd.s32 s29, s16;
	v21 =	vadd.s32 $0xFFFF8080, v15;
	v22 =	vsub.s32 $0xFF7F, v15;
	v16 =	vsel vm1, v23, v16  }
0x26c: {  	s0 =	sadd.s32 s0, s1;
	v18 =	vsel vm0, v20, v18;
	v19 =	vadd.s32 $0x80, v17;
	vm0 =	vgt.u32 v15, $0x7F7F  }
0x26d: {  	v26 =	vld [tilespmem:s0+$0x30];
	v28 =	vsub.s32 $0x7F7F, v17;
	vm1 =	vgt.u32 v16, $0x7F7F;
	v24 =	vadd.s32 $0x8080, v16  }
0x26e: {  	v23 =	vld [tilespmem:s0+$0x20];
	v25 =	vsub.s32 $0xFF7F, v16;
	v20 =	vadd.s32 $0x80, v18;
	v21 =	vsel vm0, v21, v22  }
0x26f: {  	v27 =	vld [tilespmem:s0+$0x10];
	vm0 =	vlt.u32 v18, $0x7F80;
	v22 =	vsel vm1, v24, v25;
	v24 =	vsub.s32 $0x7F7F, v18  }
0x270: {  	vm1 =	vlt.u32 v17, $0x7F80;
	v22 =	vshll.u32 v22, $0x10;
	v24 =	vsel vm0, v24, v20  }
0x271: {  	s30 =	simm.s32 $0x40;
	v25 =	vld [tilespmem:s0+$0x0];
	v21 =	vor.u32 v21, v22;
	v22 =	vsel vm1, v28, v19;
	v24 =	vshll.u32 v24, $0x10  }
0x272: {  	s31 =	sand.u32 $0x380, s30;
	v30 =	vimm.bf16 $0.0e+00;
	v31 =	vimm.bf16 $0.0e+00;
	v22 =	vor.u32 v22, v24  }
0x273: {  	s1 =	sadd.s32 s31, s16;
	s0 =	sand.u32 $0x40, s30;
	v24 =	vimm.bf16 $0.0e+00;
	vm3 =	vge.bf16 v23, v21;
	vm1 =	vge.bf16 v26, v21  }
0x274: {  	s1 =	sadd.s32 s0, s1;
	vm15 =	vge.bf16 v27, v21;
	vm12 =	vle.bf16 v23, v22;
	vm0 =	vle.bf16 v26, v22  }
0x275: {  	v23 =	vld [tilespmem:s1+$0x20];
	vm2 =	vle.bf16 v27, v22;
	v28 =	vsel vm3, v1, v0;
	v32 =	vsel vm15, v1, v0  }
0x276: {  	v26 =	vld [tilespmem:s1+$0x0];
	v27 =	vimm.bf16 $0.0e+00;
	vm13 =	vge.bf16 v25, v21;
	vm14 =	vle.bf16 v25, v22  }
0x277: {  	s0 =	simm.s32 $0x80;
	v29 =	vsel vm12, v1, v0;
	v25 =	vld [tilespmem:s1+$0x30];
	v33 =	vsel vm13, v1, v0;
	v34 =	vsel vm14, v1, v0  }
.LBB2_22:
0x278: {  	p1 =	sne.s32 s0, $0x3C0;
	v35 =	vld [tilespmem:s1+$0x10];
	v24 =	vadd.bf16 v33, v24;
	v27 =	vadd.bf16 v34, v27;
	v33 =	vsel vm2, v1, v0  }
0x279: {  	v30 =	vadd.bf16 v32, v30;
	v32 =	vsel vm1, v1, v0;
	v31 =	vadd.bf16 v33, v31  }
0x27a: {  	s1 =	sand.u32 $0x380, s0;
	v24 =	vadd.bf16 v28, v24;
	v27 =	vadd.bf16 v29, v27;
	v28 =	vsel vm0, v1, v0  }
.Ltmp9:
0x27b: {  	s2 =	sand.u32 $0x40, s0;
	s1 =	sadd.s32 s1, s16;
	vm3 =	vge.bf16 v23, v21;
	v30 =	vadd.bf16 v32, v30;
	v31 =	vadd.bf16 v28, v31;
	(pc) =	sbr.rel @p1 .LBB2_22-.Ltmp9, $4  }
0x27c: {  	s1 =	sadd.s32 s2, s1;
	vm4 =	vle.bf16 v23, v22;
	vm1 =	vge.bf16 v25, v21;
	vm0 =	vle.bf16 v25, v22  }
0x27d: {  	vm5 =	vge.bf16 v26, v21;
	vm6 =	vle.bf16 v26, v22;
	v23 =	vld [tilespmem:s1+$0x20];
	vm7 =	vge.bf16 v35, v21  }
0x27e: {  	v28 =	vsel vm3, v1, v0;
	v29 =	vsel vm4, v1, v0;
	vm2 =	vle.bf16 v35, v22;
	v25 =	vld [tilespmem:s1+$0x30]  }
0x27f: {  	s0 =	sadd.s32 $0x40, s0;
	v33 =	vsel vm5, v1, v0;
	v34 =	vsel vm6, v1, v0;
	v32 =	vsel vm7, v1, v0;
	v26 =	vld [tilespmem:s1+$0x0]  }
0x280: {  	v35 =	vld [tilespmem:s1+$0x10];
	v24 =	vadd.bf16 v33, v24;
	v27 =	vadd.bf16 v34, v27;
	v62 =	vsel vm2, v1, v0  }
0x281: {  	v30 =	vadd.bf16 v32, v30;
	v63 =	vsel vm1, v1, v0;
	v31 =	vadd.bf16 v62, v31  }
0x282: {  	v24 =	vadd.bf16 v28, v24;
	v27 =	vadd.bf16 v29, v27;
	v28 =	vsel vm0, v1, v0  }
0x283: {  	vm0 =	vge.bf16 v23, v21;
	v29 =	vadd.bf16 v63, v30;
	vm1 =	vle.bf16 v23, v22  }
0x284: {  	v28 =	vadd.bf16 v28, v31;
	vm2 =	vge.bf16 v25, v21;
	vm3 =	vle.bf16 v25, v22  }
0x285: {  	vm4 =	vge.bf16 v26, v21;
	vm5 =	vle.bf16 v26, v22;
	vm6 =	vge.bf16 v35, v21  }
0x286: {  	vm7 =	vle.bf16 v35, v22;
	v21 =	vsel vm0, v1, v0;
	v22 =	vsel vm1, v1, v0  }
0x287: {  	v23 =	vsel vm4, v1, v0;
	v25 =	vsel vm5, v1, v0;
	v26 =	vsel vm6, v1, v0  }
0x288: {  	v23 =	vadd.bf16 v23, v24;
	v24 =	vsel vm7, v1, v0;
	v26 =	vadd.bf16 v26, v29  }
0x289: {  	v25 =	vadd.bf16 v25, v27;
	v27 =	vsel vm2, v1, v0;
	v24 =	vadd.bf16 v24, v28  }
0x28a: {  	v21 =	vadd.bf16 v21, v23;
	v23 =	vsel vm3, v1, v0;
	v26 =	vadd.bf16 v27, v26  }
0x28b: {  	v22 =	vadd.bf16 v22, v25;
	v23 =	vadd.bf16 v23, v24  }
0x28c: {  	v21 =	vadd.bf16 v26, v21  }
0x28d: {  	v22 =	vadd.bf16 v23, v22  }
0x28e: {  	v23 =	vunpack.i.l.bf16.f32 v21  }
0x28f: {  	v24 =	vunpack.i.l.bf16.f32 v22;
	v25 =	vperm.xlane v23, v2  }
0x290: {  	v21 =	vunpack.i.u.bf16.f32 v21;
	v22 =	vunpack.i.u.bf16.f32 v22;
	v26 =	vperm.xlane v24, v2  }
0x291: {  	v27 =	vperm.xlane v22, v2;
	v23 =	vadd.f32 v25, v23;
	v25 =	vperm.xlane v21, v2  }
0x292: {  	v24 =	vadd.f32 v26, v24  }
0x293: {  	v22 =	vadd.f32 v27, v22;
	v26 =	vperm.xlane v23, v3;
	v21 =	vadd.f32 v25, v21  }
0x294: {  	v25 =	vperm.xlane v24, v3  }
0x295: {  	v27 =	vperm.xlane v22, v3;
	v23 =	vadd.f32 v26, v23;
	v26 =	vperm.xlane v21, v3  }
0x296: {  	v24 =	vadd.f32 v25, v24  }
0x297: {  	v22 =	vadd.f32 v27, v22;
	v25 =	vperm.xlane v23, v4;
	v21 =	vadd.f32 v26, v21  }
0x298: {  	v26 =	vperm.xlane v24, v4  }
0x299: {  	v27 =	vperm.xlane v22, v4;
	v23 =	vadd.f32 v25, v23;
	v25 =	vperm.xlane v21, v4  }
0x29a: {  	v24 =	vadd.f32 v26, v24  }
0x29b: {  	v22 =	vadd.f32 v27, v22;
	v26 =	vperm.xlane v23, v5;
	v21 =	vadd.f32 v25, v21  }
0x29c: {  	v25 =	vperm.xlane v24, v5  }
0x29d: {  	v27 =	vperm.xlane v22, v5;
	v23 =	vadd.f32 v26, v23;
	v26 =	vperm.xlane v21, v5  }
0x29e: {  	v28 =	vadd.s32 $0x80, v15;
	v24 =	vadd.f32 v25, v24  }
0x29f: {  	v22 =	vadd.f32 v27, v22;
	v21 =	vadd.f32 v26, v21;
	vm0 =	vge.f32 v23, $2.050000000e+02  }
0x2a0: {  	s0 =	simm.s32 $0x0;
	v23 =	vadd.s32 $0x80, v16;
	v15 =	vsel vm0, v28, v15;
	vm0 =	vge.f32 v24, $2.050000000e+02  }
0x2a1: {  	s29 =	sand.u32 $0x380, s0;
	vm1 =	vge.f32 v21, $2.050000000e+02;
	v17 =	vsel vm0, v19, v17;
	vm0 =	vge.f32 v22, $2.050000000e+02  }
0x2a2: {  	s0 =	sand.u32 $0x40, s0;
	s1 =	sadd.s32 s29, s16;
	v21 =	vadd.s32 $0xFFFF8040, v15;
	v22 =	vsub.s32 $0xFFBF, v15;
	v16 =	vsel vm1, v23, v16  }
0x2a3: {  	s0 =	sadd.s32 s0, s1;
	v18 =	vsel vm0, v20, v18;
	v19 =	vadd.s32 $0x40, v17;
	vm0 =	vgt.u32 v15, $0x7FBF  }
0x2a4: {  	v26 =	vld [tilespmem:s0+$0x30];
	v28 =	vsub.s32 $0x7FBF, v17;
	vm1 =	vgt.u32 v16, $0x7FBF;
	v24 =	vadd.s32 $0x8040, v16  }
0x2a5: {  	v23 =	vld [tilespmem:s0+$0x20];
	v25 =	vsub.s32 $0xFFBF, v16;
	v20 =	vadd.s32 $0x40, v18;
	v21 =	vsel vm0, v21, v22  }
0x2a6: {  	v27 =	vld [tilespmem:s0+$0x10];
	vm0 =	vlt.u32 v18, $0x7FC0;
	v22 =	vsel vm1, v24, v25;
	v24 =	vsub.s32 $0x7FBF, v18  }
0x2a7: {  	vm1 =	vlt.u32 v17, $0x7FC0;
	v22 =	vshll.u32 v22, $0x10;
	v24 =	vsel vm0, v24, v20  }
0x2a8: {  	s30 =	simm.s32 $0x40;
	v25 =	vld [tilespmem:s0+$0x0];
	v21 =	vor.u32 v21, v22;
	v22 =	vsel vm1, v28, v19;
	v24 =	vshll.u32 v24, $0x10  }
0x2a9: {  	s31 =	sand.u32 $0x380, s30;
	v30 =	vimm.bf16 $0.0e+00;
	v31 =	vimm.bf16 $0.0e+00;
	v22 =	vor.u32 v22, v24  }
0x2aa: {  	s1 =	sadd.s32 s31, s16;
	s0 =	sand.u32 $0x40, s30;
	v24 =	vimm.bf16 $0.0e+00;
	vm3 =	vge.bf16 v23, v21;
	vm1 =	vge.bf16 v26, v21  }
0x2ab: {  	s1 =	sadd.s32 s0, s1;
	vm15 =	vge.bf16 v27, v21;
	vm12 =	vle.bf16 v23, v22;
	vm0 =	vle.bf16 v26, v22  }
0x2ac: {  	v23 =	vld [tilespmem:s1+$0x20];
	vm2 =	vle.bf16 v27, v22;
	v28 =	vsel vm3, v1, v0;
	v32 =	vsel vm15, v1, v0  }
0x2ad: {  	v26 =	vld [tilespmem:s1+$0x0];
	v27 =	vimm.bf16 $0.0e+00;
	vm13 =	vge.bf16 v25, v21;
	vm14 =	vle.bf16 v25, v22  }
0x2ae: {  	s0 =	simm.s32 $0x80;
	v29 =	vsel vm12, v1, v0;
	v25 =	vld [tilespmem:s1+$0x30];
	v33 =	vsel vm13, v1, v0;
	v34 =	vsel vm14, v1, v0  }
.LBB2_24:
0x2af: {  	p1 =	sne.s32 s0, $0x3C0;
	v35 =	vld [tilespmem:s1+$0x10];
	v24 =	vadd.bf16 v33, v24;
	v27 =	vadd.bf16 v34, v27;
	v33 =	vsel vm2, v1, v0  }
0x2b0: {  	v30 =	vadd.bf16 v32, v30;
	v32 =	vsel vm1, v1, v0;
	v31 =	vadd.bf16 v33, v31  }
0x2b1: {  	s1 =	sand.u32 $0x380, s0;
	v24 =	vadd.bf16 v28, v24;
	v27 =	vadd.bf16 v29, v27;
	v28 =	vsel vm0, v1, v0  }
.Ltmp10:
0x2b2: {  	s2 =	sand.u32 $0x40, s0;
	s1 =	sadd.s32 s1, s16;
	vm3 =	vge.bf16 v23, v21;
	v30 =	vadd.bf16 v32, v30;
	v31 =	vadd.bf16 v28, v31;
	(pc) =	sbr.rel @p1 .LBB2_24-.Ltmp10, $4  }
0x2b3: {  	s1 =	sadd.s32 s2, s1;
	vm4 =	vle.bf16 v23, v22;
	vm1 =	vge.bf16 v25, v21;
	vm0 =	vle.bf16 v25, v22  }
0x2b4: {  	vm5 =	vge.bf16 v26, v21;
	vm6 =	vle.bf16 v26, v22;
	v23 =	vld [tilespmem:s1+$0x20];
	vm7 =	vge.bf16 v35, v21  }
0x2b5: {  	v28 =	vsel vm3, v1, v0;
	v29 =	vsel vm4, v1, v0;
	vm2 =	vle.bf16 v35, v22;
	v25 =	vld [tilespmem:s1+$0x30]  }
0x2b6: {  	s0 =	sadd.s32 $0x40, s0;
	v33 =	vsel vm5, v1, v0;
	v34 =	vsel vm6, v1, v0;
	v32 =	vsel vm7, v1, v0;
	v26 =	vld [tilespmem:s1+$0x0]  }
0x2b7: {  	v35 =	vld [tilespmem:s1+$0x10];
	v24 =	vadd.bf16 v33, v24;
	v27 =	vadd.bf16 v34, v27;
	v62 =	vsel vm2, v1, v0  }
0x2b8: {  	v30 =	vadd.bf16 v32, v30;
	v63 =	vsel vm1, v1, v0;
	v31 =	vadd.bf16 v62, v31  }
0x2b9: {  	v24 =	vadd.bf16 v28, v24;
	v27 =	vadd.bf16 v29, v27;
	v28 =	vsel vm0, v1, v0  }
0x2ba: {  	vm0 =	vge.bf16 v23, v21;
	v29 =	vadd.bf16 v63, v30;
	vm1 =	vle.bf16 v23, v22  }
0x2bb: {  	v28 =	vadd.bf16 v28, v31;
	vm2 =	vge.bf16 v25, v21;
	vm3 =	vle.bf16 v25, v22  }
0x2bc: {  	vm4 =	vge.bf16 v26, v21;
	vm5 =	vle.bf16 v26, v22;
	vm6 =	vge.bf16 v35, v21  }
0x2bd: {  	vm7 =	vle.bf16 v35, v22;
	v21 =	vsel vm0, v1, v0;
	v22 =	vsel vm1, v1, v0  }
0x2be: {  	v23 =	vsel vm4, v1, v0;
	v25 =	vsel vm5, v1, v0;
	v26 =	vsel vm6, v1, v0  }
0x2bf: {  	v23 =	vadd.bf16 v23, v24;
	v24 =	vsel vm7, v1, v0;
	v26 =	vadd.bf16 v26, v29  }
0x2c0: {  	v25 =	vadd.bf16 v25, v27;
	v27 =	vsel vm2, v1, v0;
	v24 =	vadd.bf16 v24, v28  }
0x2c1: {  	v21 =	vadd.bf16 v21, v23;
	v23 =	vsel vm3, v1, v0;
	v26 =	vadd.bf16 v27, v26  }
0x2c2: {  	v22 =	vadd.bf16 v22, v25;
	v23 =	vadd.bf16 v23, v24  }
0x2c3: {  	v21 =	vadd.bf16 v26, v21  }
0x2c4: {  	v22 =	vadd.bf16 v23, v22  }
0x2c5: {  	v23 =	vunpack.i.l.bf16.f32 v21  }
0x2c6: {  	v24 =	vunpack.i.l.bf16.f32 v22;
	v25 =	vperm.xlane v23, v2  }
0x2c7: {  	v21 =	vunpack.i.u.bf16.f32 v21;
	v22 =	vunpack.i.u.bf16.f32 v22;
	v26 =	vperm.xlane v24, v2  }
0x2c8: {  	v27 =	vperm.xlane v22, v2;
	v23 =	vadd.f32 v25, v23;
	v25 =	vperm.xlane v21, v2  }
0x2c9: {  	v24 =	vadd.f32 v26, v24  }
0x2ca: {  	v22 =	vadd.f32 v27, v22;
	v26 =	vperm.xlane v23, v3;
	v21 =	vadd.f32 v25, v21  }
0x2cb: {  	v25 =	vperm.xlane v24, v3  }
0x2cc: {  	v27 =	vperm.xlane v22, v3;
	v23 =	vadd.f32 v26, v23;
	v26 =	vperm.xlane v21, v3  }
0x2cd: {  	v24 =	vadd.f32 v25, v24  }
0x2ce: {  	v22 =	vadd.f32 v27, v22;
	v25 =	vperm.xlane v23, v4;
	v21 =	vadd.f32 v26, v21  }
0x2cf: {  	v26 =	vperm.xlane v24, v4  }
0x2d0: {  	v27 =	vperm.xlane v22, v4;
	v23 =	vadd.f32 v25, v23;
	v25 =	vperm.xlane v21, v4  }
0x2d1: {  	v24 =	vadd.f32 v26, v24  }
0x2d2: {  	v22 =	vadd.f32 v27, v22;
	v26 =	vperm.xlane v23, v5;
	v21 =	vadd.f32 v25, v21  }
0x2d3: {  	v25 =	vperm.xlane v24, v5  }
0x2d4: {  	v27 =	vperm.xlane v22, v5;
	v23 =	vadd.f32 v26, v23;
	v26 =	vperm.xlane v21, v5  }
0x2d5: {  	v28 =	vadd.s32 $0x40, v15;
	v24 =	vadd.f32 v25, v24  }
0x2d6: {  	v22 =	vadd.f32 v27, v22;
	v21 =	vadd.f32 v26, v21;
	vm0 =	vge.f32 v23, $2.050000000e+02  }
0x2d7: {  	s0 =	simm.s32 $0x0;
	v23 =	vadd.s32 $0x40, v16;
	v15 =	vsel vm0, v28, v15;
	vm0 =	vge.f32 v24, $2.050000000e+02  }
0x2d8: {  	s29 =	sand.u32 $0x380, s0;
	vm1 =	vge.f32 v21, $2.050000000e+02;
	v17 =	vsel vm0, v19, v17;
	vm0 =	vge.f32 v22, $2.050000000e+02  }
0x2d9: {  	s0 =	sand.u32 $0x40, s0;
	s1 =	sadd.s32 s29, s16;
	v22 =	vsub.s32 $0xFFDF, v15;
	v16 =	vsel vm1, v23, v16;
	v18 =	vsel vm0, v20, v18  }
0x2da: {  	s0 =	sadd.s32 s0, s1;
	v19 =	vadd.s32 $0x20, v17;
	vm0 =	vgt.u32 v15, $0x7FDF;
	v20 =	vadd.s32 $0xFFFF8020, v15  }
0x2db: {  	v26 =	vld [tilespmem:s0+$0x30];
	v28 =	vsub.s32 $0x7FDF, v17;
	vm1 =	vgt.u32 v16, $0x7FDF;
	v24 =	vadd.s32 $0x8020, v16  }
0x2dc: {  	v23 =	vld [tilespmem:s0+$0x20];
	v25 =	vsub.s32 $0xFFDF, v16;
	v21 =	vadd.s32 $0x20, v18;
	v20 =	vsel vm0, v20, v22  }
0x2dd: {  	v27 =	vld [tilespmem:s0+$0x10];
	vm0 =	vlt.u32 v18, $0x7FE0;
	v22 =	vsel vm1, v24, v25;
	v24 =	vsub.s32 $0x7FDF, v18  }
0x2de: {  	vm1 =	vlt.u32 v17, $0x7FE0;
	v22 =	vshll.u32 v22, $0x10;
	v24 =	vsel vm0, v24, v21  }
0x2df: {  	s30 =	simm.s32 $0x40;
	v25 =	vld [tilespmem:s0+$0x0];
	v20 =	vor.u32 v20, v22;
	v22 =	vsel vm1, v28, v19;
	v24 =	vshll.u32 v24, $0x10  }
0x2e0: {  	s31 =	sand.u32 $0x380, s30;
	v30 =	vimm.bf16 $0.0e+00;
	v31 =	vimm.bf16 $0.0e+00;
	v22 =	vor.u32 v22, v24  }
0x2e1: {  	s1 =	sadd.s32 s31, s16;
	s0 =	sand.u32 $0x40, s30;
	v24 =	vimm.bf16 $0.0e+00;
	vm3 =	vge.bf16 v23, v20;
	vm1 =	vge.bf16 v26, v20  }
0x2e2: {  	s1 =	sadd.s32 s0, s1;
	vm15 =	vge.bf16 v27, v20;
	vm12 =	vle.bf16 v23, v22;
	vm0 =	vle.bf16 v26, v22  }
0x2e3: {  	v23 =	vld [tilespmem:s1+$0x20];
	vm2 =	vle.bf16 v27, v22;
	v28 =	vsel vm3, v1, v0;
	v32 =	vsel vm15, v1, v0  }
0x2e4: {  	v26 =	vld [tilespmem:s1+$0x0];
	v27 =	vimm.bf16 $0.0e+00;
	vm13 =	vge.bf16 v25, v20;
	vm14 =	vle.bf16 v25, v22  }
0x2e5: {  	s0 =	simm.s32 $0x80;
	v29 =	vsel vm12, v1, v0;
	v25 =	vld [tilespmem:s1+$0x30];
	v33 =	vsel vm13, v1, v0;
	v34 =	vsel vm14, v1, v0  }
.LBB2_26:
0x2e6: {  	p1 =	sne.s32 s0, $0x3C0;
	v35 =	vld [tilespmem:s1+$0x10];
	v24 =	vadd.bf16 v33, v24;
	v27 =	vadd.bf16 v34, v27;
	v33 =	vsel vm2, v1, v0  }
0x2e7: {  	v30 =	vadd.bf16 v32, v30;
	v32 =	vsel vm1, v1, v0;
	v31 =	vadd.bf16 v33, v31  }
0x2e8: {  	s1 =	sand.u32 $0x380, s0;
	v24 =	vadd.bf16 v28, v24;
	v27 =	vadd.bf16 v29, v27;
	v28 =	vsel vm0, v1, v0  }
.Ltmp11:
0x2e9: {  	s2 =	sand.u32 $0x40, s0;
	s1 =	sadd.s32 s1, s16;
	vm3 =	vge.bf16 v23, v20;
	v30 =	vadd.bf16 v32, v30;
	v31 =	vadd.bf16 v28, v31;
	(pc) =	sbr.rel @p1 .LBB2_26-.Ltmp11, $4  }
0x2ea: {  	s1 =	sadd.s32 s2, s1;
	vm4 =	vle.bf16 v23, v22;
	vm1 =	vge.bf16 v25, v20;
	vm0 =	vle.bf16 v25, v22  }
0x2eb: {  	vm5 =	vge.bf16 v26, v20;
	vm6 =	vle.bf16 v26, v22;
	v23 =	vld [tilespmem:s1+$0x20];
	vm7 =	vge.bf16 v35, v20  }
0x2ec: {  	v28 =	vsel vm3, v1, v0;
	v29 =	vsel vm4, v1, v0;
	vm2 =	vle.bf16 v35, v22;
	v25 =	vld [tilespmem:s1+$0x30]  }
0x2ed: {  	s0 =	sadd.s32 $0x40, s0;
	v33 =	vsel vm5, v1, v0;
	v34 =	vsel vm6, v1, v0;
	v32 =	vsel vm7, v1, v0;
	v26 =	vld [tilespmem:s1+$0x0]  }
0x2ee: {  	v35 =	vld [tilespmem:s1+$0x10];
	v24 =	vadd.bf16 v33, v24;
	v27 =	vadd.bf16 v34, v27;
	v62 =	vsel vm2, v1, v0  }
0x2ef: {  	v30 =	vadd.bf16 v32, v30;
	v63 =	vsel vm1, v1, v0;
	v31 =	vadd.bf16 v62, v31  }
0x2f0: {  	v24 =	vadd.bf16 v28, v24;
	v27 =	vadd.bf16 v29, v27;
	v28 =	vsel vm0, v1, v0  }
0x2f1: {  	vm0 =	vge.bf16 v23, v20;
	v29 =	vadd.bf16 v63, v30;
	vm1 =	vle.bf16 v23, v22  }
0x2f2: {  	v28 =	vadd.bf16 v28, v31;
	vm2 =	vge.bf16 v25, v20;
	vm3 =	vle.bf16 v25, v22  }
0x2f3: {  	vm4 =	vge.bf16 v26, v20;
	vm5 =	vle.bf16 v26, v22;
	vm6 =	vge.bf16 v35, v20  }
0x2f4: {  	vm7 =	vle.bf16 v35, v22;
	v20 =	vsel vm0, v1, v0;
	v22 =	vsel vm1, v1, v0  }
0x2f5: {  	v23 =	vsel vm4, v1, v0;
	v25 =	vsel vm5, v1, v0;
	v26 =	vsel vm6, v1, v0  }
0x2f6: {  	v23 =	vadd.bf16 v23, v24;
	v24 =	vsel vm7, v1, v0;
	v26 =	vadd.bf16 v26, v29  }
0x2f7: {  	v25 =	vadd.bf16 v25, v27;
	v27 =	vsel vm2, v1, v0;
	v24 =	vadd.bf16 v24, v28  }
0x2f8: {  	v20 =	vadd.bf16 v20, v23;
	v23 =	vsel vm3, v1, v0;
	v26 =	vadd.bf16 v27, v26  }
0x2f9: {  	v22 =	vadd.bf16 v22, v25;
	v23 =	vadd.bf16 v23, v24  }
0x2fa: {  	v20 =	vadd.bf16 v26, v20  }
0x2fb: {  	v22 =	vadd.bf16 v23, v22  }
0x2fc: {  	v23 =	vunpack.i.l.bf16.f32 v20  }
0x2fd: {  	v24 =	vunpack.i.l.bf16.f32 v22;
	v25 =	vperm.xlane v23, v2  }
0x2fe: {  	v20 =	vunpack.i.u.bf16.f32 v20;
	v22 =	vunpack.i.u.bf16.f32 v22;
	v26 =	vperm.xlane v24, v2  }
0x2ff: {  	v27 =	vperm.xlane v22, v2;
	v23 =	vadd.f32 v25, v23;
	v25 =	vperm.xlane v20, v2  }
0x300: {  	v24 =	vadd.f32 v26, v24  }
0x301: {  	v22 =	vadd.f32 v27, v22;
	v26 =	vperm.xlane v23, v3;
	v20 =	vadd.f32 v25, v20  }
0x302: {  	v25 =	vperm.xlane v24, v3  }
0x303: {  	v27 =	vperm.xlane v22, v3;
	v23 =	vadd.f32 v26, v23;
	v26 =	vperm.xlane v20, v3  }
0x304: {  	v24 =	vadd.f32 v25, v24  }
0x305: {  	v22 =	vadd.f32 v27, v22;
	v25 =	vperm.xlane v23, v4;
	v20 =	vadd.f32 v26, v20  }
0x306: {  	v26 =	vperm.xlane v24, v4  }
0x307: {  	v27 =	vperm.xlane v22, v4;
	v23 =	vadd.f32 v25, v23;
	v25 =	vperm.xlane v20, v4  }
0x308: {  	v24 =	vadd.f32 v26, v24  }
0x309: {  	v22 =	vadd.f32 v27, v22;
	v26 =	vperm.xlane v23, v5;
	v20 =	vadd.f32 v25, v20  }
0x30a: {  	v25 =	vperm.xlane v24, v5  }
0x30b: {  	v27 =	vperm.xlane v22, v5;
	v23 =	vadd.f32 v26, v23;
	v26 =	vperm.xlane v20, v5  }
0x30c: {  	v28 =	vadd.s32 $0x20, v15;
	v24 =	vadd.f32 v25, v24  }
0x30d: {  	v25 =	vadd.f32 v27, v22;
	v20 =	vadd.f32 v26, v20;
	vm0 =	vge.f32 v23, $2.050000000e+02  }
0x30e: {  	s0 =	simm.s32 $0x0;
	v23 =	vadd.s32 $0x20, v16;
	v22 =	vsel vm0, v28, v15;
	vm0 =	vge.f32 v24, $2.050000000e+02  }
0x30f: {  	s29 =	sand.u32 $0x380, s0;
	vm1 =	vge.f32 v20, $2.050000000e+02;
	v15 =	vsel vm0, v19, v17;
	vm0 =	vge.f32 v25, $2.050000000e+02  }
0x310: {  	s0 =	sand.u32 $0x40, s0;
	s1 =	sadd.s32 s29, s16;
	v20 =	vsel vm1, v23, v16;
	v19 =	vsel vm0, v21, v18;
	v17 =	vadd.s32 $0x10, v15  }
0x311: {  	s0 =	sadd.s32 s0, s1;
	vm0 =	vgt.u32 v22, $0x7FEF;
	v16 =	vadd.s32 $0xFFFF8010, v22;
	v18 =	vsub.s32 $0xFFEF, v22  }
0x312: {  	v26 =	vld [tilespmem:s0+$0x30];
	v28 =	vsub.s32 $0x7FEF, v15;
	vm1 =	vgt.u32 v20, $0x7FEF;
	v24 =	vadd.s32 $0x8010, v20  }
0x313: {  	v23 =	vld [tilespmem:s0+$0x20];
	v25 =	vsub.s32 $0xFFEF, v20;
	v21 =	vadd.s32 $0x10, v19;
	v16 =	vsel vm0, v16, v18  }
0x314: {  	v27 =	vld [tilespmem:s0+$0x10];
	vm0 =	vlt.u32 v19, $0x7FF0;
	v18 =	vsel vm1, v24, v25;
	v24 =	vsub.s32 $0x7FEF, v19  }
0x315: {  	vm1 =	vlt.u32 v15, $0x7FF0;
	v18 =	vshll.u32 v18, $0x10;
	v24 =	vsel vm0, v24, v21  }
0x316: {  	s30 =	simm.s32 $0x40;
	v25 =	vld [tilespmem:s0+$0x0];
	v16 =	vor.u32 v16, v18;
	v18 =	vsel vm1, v28, v17;
	v24 =	vshll.u32 v24, $0x10  }
0x317: {  	s31 =	sand.u32 $0x380, s30;
	v30 =	vimm.bf16 $0.0e+00;
	v31 =	vimm.bf16 $0.0e+00;
	v18 =	vor.u32 v18, v24  }
0x318: {  	s1 =	sadd.s32 s31, s16;
	s0 =	sand.u32 $0x40, s30;
	v24 =	vimm.bf16 $0.0e+00;
	vm3 =	vge.bf16 v23, v16;
	vm1 =	vge.bf16 v26, v16  }
0x319: {  	s1 =	sadd.s32 s0, s1;
	vm15 =	vge.bf16 v27, v16;
	vm12 =	vle.bf16 v23, v18;
	vm0 =	vle.bf16 v26, v18  }
0x31a: {  	v23 =	vld [tilespmem:s1+$0x20];
	vm2 =	vle.bf16 v27, v18;
	v28 =	vsel vm3, v1, v0;
	v32 =	vsel vm15, v1, v0  }
0x31b: {  	v26 =	vld [tilespmem:s1+$0x0];
	v27 =	vimm.bf16 $0.0e+00;
	vm13 =	vge.bf16 v25, v16;
	vm14 =	vle.bf16 v25, v18  }
0x31c: {  	s0 =	simm.s32 $0x80;
	v29 =	vsel vm12, v1, v0;
	v25 =	vld [tilespmem:s1+$0x30];
	v33 =	vsel vm13, v1, v0;
	v34 =	vsel vm14, v1, v0  }
.LBB2_28:
0x31d: {  	p1 =	sne.s32 s0, $0x3C0;
	v35 =	vld [tilespmem:s1+$0x10];
	v24 =	vadd.bf16 v33, v24;
	v27 =	vadd.bf16 v34, v27;
	v33 =	vsel vm2, v1, v0  }
0x31e: {  	v30 =	vadd.bf16 v32, v30;
	v32 =	vsel vm1, v1, v0;
	v31 =	vadd.bf16 v33, v31  }
0x31f: {  	s1 =	sand.u32 $0x380, s0;
	v24 =	vadd.bf16 v28, v24;
	v27 =	vadd.bf16 v29, v27;
	v28 =	vsel vm0, v1, v0  }
.Ltmp12:
0x320: {  	s2 =	sand.u32 $0x40, s0;
	s1 =	sadd.s32 s1, s16;
	vm3 =	vge.bf16 v23, v16;
	v30 =	vadd.bf16 v32, v30;
	v31 =	vadd.bf16 v28, v31;
	(pc) =	sbr.rel @p1 .LBB2_28-.Ltmp12, $4  }
0x321: {  	s1 =	sadd.s32 s2, s1;
	vm4 =	vle.bf16 v23, v18;
	vm1 =	vge.bf16 v25, v16;
	vm0 =	vle.bf16 v25, v18  }
0x322: {  	vm5 =	vge.bf16 v26, v16;
	vm6 =	vle.bf16 v26, v18;
	v23 =	vld [tilespmem:s1+$0x20];
	vm7 =	vge.bf16 v35, v16  }
0x323: {  	v28 =	vsel vm3, v1, v0;
	v29 =	vsel vm4, v1, v0;
	vm2 =	vle.bf16 v35, v18;
	v25 =	vld [tilespmem:s1+$0x30]  }
0x324: {  	s0 =	sadd.s32 $0x40, s0;
	v33 =	vsel vm5, v1, v0;
	v34 =	vsel vm6, v1, v0;
	v32 =	vsel vm7, v1, v0;
	v26 =	vld [tilespmem:s1+$0x0]  }
0x325: {  	v35 =	vld [tilespmem:s1+$0x10];
	v24 =	vadd.bf16 v33, v24;
	v27 =	vadd.bf16 v34, v27;
	v61 =	vsel vm2, v1, v0  }
0x326: {  	v30 =	vadd.bf16 v32, v30;
	v62 =	vsel vm1, v1, v0;
	v31 =	vadd.bf16 v61, v31  }
0x327: {  	v24 =	vadd.bf16 v28, v24;
	v27 =	vadd.bf16 v29, v27;
	v28 =	vsel vm0, v1, v0  }
0x328: {  	vm0 =	vge.bf16 v23, v16;
	v29 =	vadd.bf16 v62, v30;
	vm1 =	vle.bf16 v23, v18  }
0x329: {  	v28 =	vadd.bf16 v28, v31;
	vm2 =	vge.bf16 v25, v16;
	vm3 =	vle.bf16 v25, v18  }
0x32a: {  	vm4 =	vge.bf16 v26, v16;
	vm5 =	vle.bf16 v26, v18;
	vm6 =	vge.bf16 v35, v16  }
0x32b: {  	vm7 =	vle.bf16 v35, v18;
	v16 =	vsel vm0, v1, v0;
	v18 =	vsel vm1, v1, v0  }
0x32c: {  	v23 =	vsel vm4, v1, v0;
	v25 =	vsel vm5, v1, v0;
	v26 =	vsel vm6, v1, v0  }
0x32d: {  	v23 =	vadd.bf16 v23, v24;
	v24 =	vsel vm7, v1, v0;
	v26 =	vadd.bf16 v26, v29  }
0x32e: {  	v25 =	vadd.bf16 v25, v27;
	v27 =	vsel vm2, v1, v0;
	v24 =	vadd.bf16 v24, v28  }
0x32f: {  	v16 =	vadd.bf16 v16, v23;
	v23 =	vsel vm3, v1, v0;
	v26 =	vadd.bf16 v27, v26  }
0x330: {  	v18 =	vadd.bf16 v18, v25;
	v23 =	vadd.bf16 v23, v24  }
0x331: {  	v16 =	vadd.bf16 v26, v16  }
0x332: {  	v18 =	vadd.bf16 v23, v18  }
0x333: {  	v23 =	vunpack.i.l.bf16.f32 v16  }
0x334: {  	v24 =	vunpack.i.l.bf16.f32 v18;
	v25 =	vperm.xlane v23, v2  }
0x335: {  	v26 =	vperm.xlane v24, v2  }
0x336: {  	v23 =	vadd.f32 v25, v23  }
0x337: {  	v24 =	vadd.f32 v26, v24  }
0x338: {  	v25 =	vperm.xlane v23, v3  }
0x339: {  	v26 =	vperm.xlane v24, v3  }
0x33a: {  	v23 =	vadd.f32 v25, v23  }
0x33b: {  	v16 =	vunpack.i.u.bf16.f32 v16;
	v24 =	vadd.f32 v26, v24  }
0x33c: {  	v26 =	vperm.xlane v16, v2;
	v25 =	vperm.xlane v23, v4  }
0x33d: {  	v27 =	vperm.xlane v24, v4  }
0x33e: {  	v18 =	vunpack.i.u.bf16.f32 v18;
	v16 =	vadd.f32 v26, v16;
	v23 =	vadd.f32 v25, v23  }
0x33f: {  	v25 =	vperm.xlane v18, v2;
	v24 =	vadd.f32 v27, v24  }
0x340: {  	v27 =	vperm.xlane v16, v3;
	v26 =	vperm.xlane v23, v5  }
0x341: {  	v18 =	vadd.f32 v25, v18;
	v25 =	vperm.xlane v24, v5  }
0x342: {  	v23 =	vadd.f32 v26, v23;
	v26 =	vadd.f32 v27, v16  }
0x343: {  	v30 =	vmov s6;
	v16 =	vperm.xlane v18, v3;
	v24 =	vadd.f32 v25, v24  }
0x344: {  	v27 =	vadd.s32 $0x10, v22;
	v25 =	vperm.xlane v26, v4;
	vm0 =	vge.f32 v23, $2.050000000e+02  }
0x345: {  	v31 =	vadd.f32 v16, v18;
	v16 =	vsel vm0, v27, v22;
	vm0 =	vge.f32 v24, $2.050000000e+02  }
0x346: {  	vm1 =	vgt.u32 v16, $0x7FF0;
	v18 =	vadd.s32 $0x800F, v16;
	v23 =	vsub.s32 $0xFFF0, v16  }
0x347: {  	v22 =	vadd.f32 v25, v26;
	v15 =	vsel vm0, v17, v15;
	v24 =	vperm.xlane v31, v4  }
0x348: {  	s0 =	simm.s32 $0x0;
	v17 =	vsel vm1, v18, v23;
	vm0 =	vlt.u32 v15, $0x7FF1;
	vm1 =	vgt.u32 v16, $0x7FEF  }
0x349: {  	v28 =	vld.idx.msk [tilespmem:v30+s0+$0x20 ss:$0x1], $0xffff;
	v18 =	vadd.s32 $0x8010, v16;
	v23 =	vsub.s32 $0xFFEF, v16;
	v25 =	vsub.s32 $0x7FF0, v15  }
0x34a: {  	v34 =	vld.idx.msk [tilespmem:v30+s0+$0xFFFFFFE0 ss:$0x1], $0xffff;
	v26 =	vadd.s32 $0xF, v15;
	v27 =	vsub.s32 $0x7FEF, v15;
	v29 =	vadd.s32 $0x10, v15  }
0x34b: {  	v17 =	vshll.u32 v17, $0x10;
	v18 =	vsel vm1, v18, v23;
	v23 =	vld.idx.msk [tilespmem:v30+s0+$0x30 ss:$0x1], $0xffff;
	vm1 =	vgt.u32 v12, v15  }
0x34c: {  	v25 =	vsel vm0, v25, v26;
	v26 =	vshll.u32 v18, $0x10;
	v29 =	vsel vm1, v27, v29;
	v27 =	vld.idx.msk [tilespmem:v30+s0+$0x10 ss:$0x1], $0xffff  }
0x34d: {  	v36 =	vimm.s32 $0x0;
	v24 =	vadd.f32 v24, v31;
	v31 =	vld.idx.msk [tilespmem:v30+s0+$0xFFFFFFF0 ss:$0x1], $0xffff;
	v26 =	vadd.f32 v26, v17  }
0x34e: {  	v38 =	vimm.f32 $0.0e+00;
	v18 =	vshll.u32 v25, $0x10;
	v25 =	vshll.u32 v29, $0x10;
	v29 =	vld.idx.msk [tilespmem:v30+s0+$0x0 ss:$0x1], $0xffff  }
0x34f: {  	v39 =	vimm.f32 $0.0e+00;
	v63 =	vadd.f32 v18, v25;
	v32 =	vmul.f32 $5.000000000e-01, v26  }
0x350: {  	v35 =	vimm.s32 $0x0;
	v37 =	vld.idx.msk [tilespmem:v30+s0+$0xFFFFFFD0 ss:$0x1], $0xffff;
	v25 =	vperm.xlane v22, v5;
	v26 =	vperm.xlane v24, v5  }
0x351: {  	v40 =	vld.idx.msk [tilespmem:v30+s0+$0xFFFFFFC0 ss:$0x1], $0xffff;
	v33 =	vmul.f32 $5.000000000e-01, v63;
	vm10 =	vgt.f32 v23, v32;
	vm8 =	vgt.f32 v27, v32  }
0x352: {  	vm9 =	vgt.f32 v28, v32;
	vm6 =	vgt.f32 v34, v32;
	vm4 =	vgt.f32 v31, v32  }
0x353: {  	vm0 =	vlt.f32 v23, v33;
	vm1 =	vlt.f32 v28, v33;
	vm7 =	vgt.f32 v29, v32  }
0x354: {  	s0 =	simm.s32 $0x200;
	vm3 =	vlt.f32 v29, v33;
	vm2 =	vlt.f32 v27, v33;
	vm5 =	vlt.f32 v31, v33  }
.LBB2_30:
0x355: {  	p1 =	sne.s32 s0, $0xE00;
	vm12 =	vgt.f32 v37, v32;
	vm13 =	vlt.f32 v37, v33;
	vm11 =	vlt.f32 v34, v33  }
0x356: {  	vm15 =	vgt.f32 v40, v32;
	vm14 =	vlt.f32 v40, v33;
	v41 =	vsel vm10, $0x1, v10  }
0x357: {  	v42 =	vsel vm9, $0x1, v10;
	v43 =	vnsel vm10, $0x0, v23;
	v44 =	vsel vm0, $0x1, v10  }
0x358: {  	v45 =	vsel vm8, $0x1, v10;
	v46 =	vsel vm2, $0x1, v10;
	v47 =	vsel vm1, $0x1, v10  }
0x359: {  	v48 =	vsel vm7, $0x1, v10;
	v49 =	vsel vm3, $0x1, v10;
	v50 =	vnsel vm9, $0x0, v28  }
0x35a: {  	v51 =	vsel vm4, $0x1, v10;
	v52 =	vsel vm5, $0x1, v10;
	v53 =	vnsel vm8, $0x0, v27  }
0x35b: {  	v55 =	vsel vm6, $0x1, v10;
	v54 =	vsel vm12, $0x1, v10;
	v56 =	vsel vm11, $0x1, v10  }
0x35c: {  	v57 =	vnsel vm15, $0x0, v40;
	v40 =	vnsel vm14, $0x0, v40;
	v58 =	vsel vm13, $0x1, v10  }
0x35d: {  	v38 =	vadd.f32 v57, v38;
	v39 =	vadd.f32 v40, v39;
	v40 =	vnsel vm7, $0x0, v29  }
0x35e: {  	v59 =	vnsel vm12, $0x0, v37;
	v37 =	vnsel vm13, $0x0, v37;
	v57 =	vsel vm15, $0x1, v10  }
0x35f: {  	v60 =	vsel vm14, $0x1, v10;
	v38 =	vadd.f32 v59, v38;
	v37 =	vadd.f32 v37, v39  }
0x360: {  	v36 =	vadd.s32 v57, v36;
	v39 =	vnsel vm6, $0x0, v34;
	v34 =	vnsel vm11, $0x0, v34  }
0x361: {  	v36 =	vadd.s32 v54, v36;
	v38 =	vadd.f32 v39, v38;
	v34 =	vadd.f32 v34, v37  }
0x362: {  	v36 =	vadd.s32 v55, v36;
	v37 =	vnsel vm4, $0x0, v31;
	v31 =	vnsel vm5, $0x0, v31  }
0x363: {  	s1 =	sshra.s32 s0, $0x2;
	v36 =	vadd.s32 v51, v36;
	v37 =	vadd.f32 v37, v38;
	v31 =	vadd.f32 v31, v34  }
0x364: {  	v29 =	vnsel vm3, $0x0, v29;
	v34 =	vadd.s32 v60, v35;
	v35 =	vadd.s32 v48, v36;
	v38 =	vld.idx.msk [tilespmem:v30+s1+$0x30 ss:$0x1], $0xffff  }
0x365: {  	v34 =	vadd.s32 v58, v34;
	v36 =	vadd.f32 v40, v37;
	v31 =	vadd.f32 v29, v31;
	v48 =	vld.idx.msk [tilespmem:v30+s1+$0x20 ss:$0x1], $0xffff  }
0x366: {  	v35 =	vadd.s32 v45, v35;
	v34 =	vadd.s32 v56, v34;
	v37 =	vnsel vm2, $0x0, v27;
	v27 =	vld.idx.msk [tilespmem:v30+s1+$0x10 ss:$0x1], $0xffff  }
0x367: {  	v34 =	vadd.s32 v52, v34;
	v36 =	vadd.f32 v53, v36;
	v37 =	vadd.f32 v37, v31;
	v29 =	vld.idx.msk [tilespmem:v30+s1+$0x0 ss:$0x1], $0xffff  }
0x368: {  	v28 =	vnsel vm1, $0x0, v28;
	v35 =	vadd.s32 v42, v35;
	v39 =	vadd.s32 v49, v34;
	v31 =	vld.idx.msk [tilespmem:v30+s1+$0xFFFFFFF0 ss:$0x1], $0xffff  }
0x369: {  	v39 =	vadd.s32 v46, v39;
	v42 =	vadd.f32 v50, v36;
	v6 =	vadd.f32 v28, v37;
	v34 =	vld.idx.msk [tilespmem:v30+s1+$0xFFFFFFE0 ss:$0x1], $0xffff  }
0x36a: {  	v39 =	vadd.s32 v47, v39;
	v36 =	vadd.s32 v41, v35;
	v41 =	vnsel vm0, $0x0, v23;
	v23 =	vmovc v38;
	v37 =	vld.idx.msk [tilespmem:v30+s1+$0xFFFFFFD0 ss:$0x1], $0xffff  }
.Ltmp13:
0x36b: {  	v35 =	vadd.s32 v44, v39;
	v39 =	vadd.f32 v41, v6;
	v38 =	vadd.f32 v43, v42;
	v40 =	vld.idx.msk [tilespmem:v30+s1+$0xFFFFFFC0 ss:$0x1], $0xffff;
	(pc) =	sbr.rel @p1 .LBB2_30-.Ltmp13, $4  }
0x36c: {  	vm10 =	vgt.f32 v23, v32;
	vm0 =	vlt.f32 v23, v33;
	v28 =	vmov v48  }
0x36d: {  	vm8 =	vgt.f32 v27, v32;
	vm9 =	vgt.f32 v28, v32;
	vm1 =	vlt.f32 v28, v33  }
0x36e: {  	vm2 =	vlt.f32 v27, v33;
	vm7 =	vgt.f32 v29, v32;
	vm3 =	vlt.f32 v29, v33  }
0x36f: {  	s0 =	sadd.s32 $0x200, s0;
	vm4 =	vgt.f32 v31, v32;
	vm5 =	vlt.f32 v31, v33;
	vm6 =	vgt.f32 v34, v32  }
0x370: {  	vm12 =	vgt.f32 v37, v32;
	vm13 =	vlt.f32 v37, v33  }
0x371: {  	vm11 =	vlt.f32 v34, v33;
	vm14 =	vgt.f32 v40, v32;
	vm15 =	vlt.f32 v40, v33  }
0x372: {  	v30 =	vsel vm10, $0x1, v10;
	v32 =	vsel vm9, $0x1, v10;
	v33 =	vnsel vm10, $0x0, v23  }
0x373: {  	v41 =	vsel vm0, $0x1, v10;
	v42 =	vsel vm8, $0x1, v10;
	v43 =	vsel vm2, $0x1, v10  }
0x374: {  	v44 =	vsel vm1, $0x1, v10;
	v45 =	vsel vm7, $0x1, v10;
	v46 =	vsel vm3, $0x1, v10  }
0x375: {  	v47 =	vnsel vm9, $0x0, v28;
	v48 =	vsel vm4, $0x1, v10;
	v49 =	vsel vm5, $0x1, v10  }
0x376: {  	v50 =	vnsel vm8, $0x0, v27;
	v52 =	vsel vm6, $0x1, v10;
	v60 =	vnsel vm7, $0x0, v29  }
0x377: {  	v63 =	vnsel vm6, $0x0, v34;
	v29 =	vnsel vm3, $0x0, v29;
	v27 =	vnsel vm2, $0x0, v27  }
0x378: {  	v28 =	vnsel vm1, $0x0, v28;
	v23 =	vnsel vm0, $0x0, v23;
	v58 =	vadd.s32 $0x10, v20  }
0x379: {  	v51 =	vsel vm12, $0x1, v10;
	v53 =	vsel vm11, $0x1, v10;
	v54 =	vnsel vm14, $0x0, v40  }
0x37a: {  	v59 =	vnsel vm15, $0x0, v40;
	v55 =	vsel vm13, $0x1, v10;
	v61 =	vsel vm14, $0x1, v10  }
0x37b: {  	v56 =	vnsel vm12, $0x0, v37;
	v62 =	vnsel vm13, $0x0, v37;
	v38 =	vadd.f32 v54, v38  }
0x37c: {  	v57 =	vsel vm15, $0x1, v10;
	v39 =	vadd.f32 v59, v39;
	v36 =	vadd.s32 v61, v36  }
0x37d: {  	v35 =	vadd.s32 v57, v35;
	v36 =	vadd.s32 v51, v36;
	v38 =	vadd.f32 v56, v38  }
0x37e: {  	v51 =	vnsel vm11, $0x0, v34;
	v37 =	vadd.f32 v62, v39;
	v36 =	vadd.s32 v52, v36  }
0x37f: {  	v35 =	vadd.s32 v55, v35;
	v36 =	vadd.s32 v48, v36;
	v38 =	vadd.f32 v63, v38  }
0x380: {  	v52 =	vnsel vm4, $0x0, v31;
	v34 =	vadd.f32 v51, v37;
	v36 =	vadd.s32 v45, v36  }
0x381: {  	v31 =	vnsel vm5, $0x0, v31;
	v36 =	vadd.s32 v42, v36;
	v37 =	vadd.f32 v52, v38  }
0x382: {  	v53 =	vadd.s32 v53, v35;
	v31 =	vadd.f32 v31, v34;
	v32 =	vadd.s32 v32, v36  }
0x383: {  	v34 =	vadd.s32 v49, v53;
	v30 =	vadd.s32 v30, v32;
	v54 =	vadd.f32 v60, v37  }
0x384: {  	v22 =	vadd.f32 v25, v22;
	v55 =	vadd.s32 v46, v34;
	v30 =	vcvt.s32.f32 v30  }
0x385: {  	v29 =	vadd.f32 v29, v31;
	v32 =	vadd.s32 v43, v55;
	v31 =	vadd.f32 v50, v54  }
0x386: {  	v24 =	vadd.f32 v26, v24;
	v32 =	vadd.s32 v44, v32;
	v56 =	vperm.xlane v30, v2  }
0x387: {  	v27 =	vadd.f32 v27, v29;
	v29 =	vadd.f32 v47, v31;
	v31 =	vadd.s32 v41, v32  }
0x388: {  	vm0 =	vge.f32 v22, $2.050000000e+02;
	v30 =	vadd.f32 v30, v56;
	v31 =	vcvt.s32.f32 v31  }
0x389: {  	v20 =	vsel vm0, v58, v20;
	vm0 =	vge.f32 v24, $2.050000000e+02;
	v27 =	vadd.f32 v28, v27  }
0x38a: {  	v28 =	vadd.f32 v33, v29;
	v29 =	vperm.xlane v30, v3;
	v57 =	vperm.xlane v31, v2  }
0x38b: {  	v40 =	vimm.s32 $0x0;
	v19 =	vsel vm0, v21, v19;
	v23 =	vadd.f32 v23, v27  }
0x38c: {  	v27 =	vperm.xlane v28, v2;
	v29 =	vadd.f32 v29, v30;
	v30 =	vadd.f32 v31, v57  }
0x38d: {  	v35 =	vmov s5;
	vm0 =	vgt.u32 v20, $0x7FF0;
	v25 =	vperm.xlane v23, v2  }
0x38e: {  	v27 =	vadd.f32 v27, v28;
	v26 =	vperm.xlane v29, v4;
	v28 =	vperm.xlane v30, v3  }
0x38f: {  	vm1 =	vgt.u32 v20, $0x7FEF;
	v59 =	vadd.s32 $0xF, v19;
	v23 =	vadd.f32 v25, v23  }
0x390: {  	v22 =	vperm.xlane v27, v3;
	v25 =	vadd.f32 v26, v29;
	v26 =	vadd.f32 v28, v30  }
0x391: {  	v60 =	vadd.s32 $0x10, v19;
	v43 =	vimm.f32 $0.0e+00;
	v24 =	vperm.xlane v23, v3  }
0x392: {  	v44 =	vimm.f32 $0.0e+00;
	v22 =	vadd.f32 v22, v27;
	v21 =	vperm.xlane v26, v4  }
0x393: {  	v30 =	vsub.s32 $0xFFF0, v20;
	v27 =	vperm.xlane v25, v5;
	v24 =	vadd.f32 v24, v23  }
0x394: {  	s0 =	simm.s32 $0x0;
	v23 =	vadd.s32 $0x800F, v20;
	v29 =	vperm.xlane v22, v4;
	v28 =	vadd.f32 v21, v26  }
0x395: {  	v36 =	vld.idx.msk [tilespmem:v35+s0+$0x30 ss:$0x1], $0xffff;
	v21 =	vsel vm0, v23, v30;
	vm0 =	vlt.u32 v19, $0x7FF1;
	v23 =	vsub.s32 $0xFFEF, v20  }
0x396: {  	v39 =	vld.idx.msk [tilespmem:v35+s0+$0x20 ss:$0x1], $0xffff;
	v26 =	vadd.f32 v29, v22;
	v22 =	vshll.u32 v21, $0x10;
	v21 =	vadd.s32 $0x8010, v20  }
0x397: {  	v32 =	vld.idx.msk [tilespmem:v35+s0+$0x50 ss:$0x1], $0xffff;
	v30 =	vsub.s32 $0x7FF0, v19;
	v29 =	vperm.xlane v24, v4;
	v21 =	vsel vm1, v21, v23  }
0x398: {  	v31 =	vld.idx.msk [tilespmem:v35+s0+$0x70 ss:$0x1], $0xffff;
	vm1 =	vgt.u32 v12, v19;
	v23 =	vsub.s32 $0x7FEF, v19;
	v21 =	vshll.u32 v21, $0x10  }
0x399: {  	v33 =	vld.idx.msk [tilespmem:v35+s0+$0x60 ss:$0x1], $0xffff;
	v30 =	vsel vm0, v30, v59;
	v34 =	vsel vm1, v23, v60;
	v61 =	vadd.f32 v21, v22  }
0x39a: {  	v23 =	vshll.u32 v30, $0x10;
	v62 =	vshll.u32 v34, $0x10;
	v34 =	vld.idx.msk [tilespmem:v35+s0+$0x40 ss:$0x1], $0xffff;
	v21 =	vadd.f32 v29, v24  }
0x39b: {  	v30 =	vperm.xlane v28, v5;
	v63 =	vadd.f32 v23, v62;
	v37 =	vmul.f32 $5.000000000e-01, v61  }
0x39c: {  	v42 =	vld.idx.msk [tilespmem:v35+s0+$0x10 ss:$0x1], $0xffff;
	v41 =	vimm.s32 $0x0;
	v29 =	vperm.xlane v26, v5;
	v24 =	vperm.xlane v21, v5  }
0x39d: {  	v45 =	vld.idx.msk [tilespmem:v35+s0+$0x0 ss:$0x1], $0xffff;
	v38 =	vmul.f32 $5.000000000e-01, v63;
	vm10 =	vgt.f32 v31, v37;
	vm8 =	vgt.f32 v32, v37  }
0x39e: {  	vm9 =	vgt.f32 v33, v37;
	vm6 =	vgt.f32 v39, v37;
	vm4 =	vgt.f32 v36, v37  }
0x39f: {  	vm0 =	vlt.f32 v31, v38;
	vm1 =	vlt.f32 v33, v38;
	vm7 =	vgt.f32 v34, v37  }
0x3a0: {  	s17 =	sshll.u32 s4, $0x1;
	s16 =	sshllo.u32 s4, $0x1;
	s0 =	simm.s32 $0x200;
	vm3 =	vlt.f32 v34, v38;
	vm2 =	vlt.f32 v32, v38;
	vm5 =	vlt.f32 v36, v38  }
.LBB2_32:
0x3a1: {  	p1 =	sne.s32 s0, $0xE00;
	vm12 =	vgt.f32 v42, v37;
	vm13 =	vlt.f32 v42, v38;
	vm11 =	vlt.f32 v39, v38  }
0x3a2: {  	vm15 =	vgt.f32 v45, v37;
	vm14 =	vlt.f32 v45, v38;
	v46 =	vsel vm10, $0x1, v10  }
0x3a3: {  	v47 =	vsel vm9, $0x1, v10;
	v48 =	vnsel vm10, $0x0, v31;
	v49 =	vsel vm0, $0x1, v10  }
0x3a4: {  	v50 =	vsel vm8, $0x1, v10;
	v51 =	vsel vm2, $0x1, v10;
	v52 =	vsel vm1, $0x1, v10  }
0x3a5: {  	v53 =	vsel vm7, $0x1, v10;
	v54 =	vsel vm3, $0x1, v10;
	v55 =	vnsel vm9, $0x0, v33  }
0x3a6: {  	v56 =	vsel vm4, $0x1, v10;
	v57 =	vsel vm5, $0x1, v10;
	v58 =	vnsel vm8, $0x0, v32  }
0x3a7: {  	v60 =	vsel vm6, $0x1, v10;
	v59 =	vsel vm12, $0x1, v10;
	v61 =	vsel vm11, $0x1, v10  }
0x3a8: {  	v62 =	vnsel vm15, $0x0, v45;
	v45 =	vnsel vm14, $0x0, v45;
	v63 =	vsel vm13, $0x1, v10  }
0x3a9: {  	v43 =	vadd.f32 v62, v43;
	v44 =	vadd.f32 v45, v44;
	v45 =	vnsel vm7, $0x0, v34  }
0x3aa: {  	v6 =	vnsel vm12, $0x0, v42;
	v42 =	vnsel vm13, $0x0, v42;
	v62 =	vsel vm15, $0x1, v10  }
0x3ab: {  	v7 =	vsel vm14, $0x1, v10;
	v6 =	vadd.f32 v6, v43;
	v42 =	vadd.f32 v42, v44  }
0x3ac: {  	v41 =	vadd.s32 v62, v41;
	v43 =	vnsel vm6, $0x0, v39;
	v39 =	vnsel vm11, $0x0, v39  }
0x3ad: {  	v41 =	vadd.s32 v59, v41;
	v6 =	vadd.f32 v43, v6;
	v39 =	vadd.f32 v39, v42  }
0x3ae: {  	v41 =	vadd.s32 v60, v41;
	v42 =	vnsel vm4, $0x0, v36;
	v36 =	vnsel vm5, $0x0, v36  }
0x3af: {  	s1 =	sshra.s32 s0, $0x2;
	v41 =	vadd.s32 v56, v41;
	v6 =	vadd.f32 v42, v6;
	v36 =	vadd.f32 v36, v39  }
0x3b0: {  	v7 =	vadd.s32 v7, v40;
	v34 =	vnsel vm3, $0x0, v34;
	v39 =	vadd.s32 v53, v41;
	v43 =	vld.idx.msk [tilespmem:v35+s1+$0x70 ss:$0x1], $0xffff  }
0x3b1: {  	v7 =	vadd.s32 v63, v7;
	v6 =	vadd.f32 v45, v6;
	v36 =	vadd.f32 v34, v36;
	v53 =	vld.idx.msk [tilespmem:v35+s1+$0x60 ss:$0x1], $0xffff  }
0x3b2: {  	v40 =	vnsel vm2, $0x0, v32;
	v7 =	vadd.s32 v61, v7;
	v39 =	vadd.s32 v50, v39;
	v32 =	vld.idx.msk [tilespmem:v35+s1+$0x50 ss:$0x1], $0xffff  }
0x3b3: {  	v7 =	vadd.s32 v57, v7;
	v6 =	vadd.f32 v58, v6;
	v40 =	vadd.f32 v40, v36;
	v34 =	vld.idx.msk [tilespmem:v35+s1+$0x40 ss:$0x1], $0xffff  }
0x3b4: {  	v33 =	vnsel vm1, $0x0, v33;
	v7 =	vadd.s32 v54, v7;
	v41 =	vadd.s32 v47, v39;
	v36 =	vld.idx.msk [tilespmem:v35+s1+$0x30 ss:$0x1], $0xffff  }
0x3b5: {  	v7 =	vadd.s32 v51, v7;
	v6 =	vadd.f32 v55, v6;
	v47 =	vadd.f32 v33, v40;
	v39 =	vld.idx.msk [tilespmem:v35+s1+$0x20 ss:$0x1], $0xffff  }
0x3b6: {  	v44 =	vnsel vm0, $0x0, v31;
	v7 =	vadd.s32 v52, v7;
	v41 =	vadd.s32 v46, v41;
	v31 =	vmovc v43;
	v42 =	vld.idx.msk [tilespmem:v35+s1+$0x10 ss:$0x1], $0xffff  }
.Ltmp14:
0x3b7: {  	v40 =	vadd.s32 v49, v7;
	v44 =	vadd.f32 v44, v47;
	v43 =	vadd.f32 v48, v6;
	v45 =	vld.idx.msk [tilespmem:v35+s1+$0x0 ss:$0x1], $0xffff;
	(pc) =	sbr.rel @p1 .LBB2_32-.Ltmp14, $4  }
0x3b8: {  	vm10 =	vgt.f32 v31, v37;
	vm0 =	vlt.f32 v31, v38;
	v33 =	vmov v53  }
0x3b9: {  	vm8 =	vgt.f32 v32, v37;
	vm9 =	vgt.f32 v33, v37;
	vm1 =	vlt.f32 v33, v38  }
0x3ba: {  	vm2 =	vlt.f32 v32, v38;
	vm7 =	vgt.f32 v34, v37;
	vm3 =	vlt.f32 v34, v38  }
0x3bb: {  	s0 =	sadd.s32 $0x200, s0;
	vm4 =	vgt.f32 v36, v37;
	vm5 =	vlt.f32 v36, v38;
	vm6 =	vgt.f32 v39, v37  }
0x3bc: {  	vm12 =	vgt.f32 v42, v37  }
0x3bd: {  	vm13 =	vlt.f32 v42, v38;
	vm11 =	vlt.f32 v39, v38;
	vm14 =	vgt.f32 v45, v37  }
0x3be: {  	vm15 =	vlt.f32 v45, v38;
	v6 =	vsel vm10, $0x1, v10;
	v7 =	vsel vm9, $0x1, v10  }
0x3bf: {  	v35 =	vnsel vm10, $0x0, v31;
	v37 =	vsel vm0, $0x1, v10;
	v38 =	vsel vm8, $0x1, v10  }
0x3c0: {  	v46 =	vsel vm2, $0x1, v10;
	v47 =	vsel vm1, $0x1, v10;
	v48 =	vsel vm7, $0x1, v10  }
0x3c1: {  	v49 =	vsel vm3, $0x1, v10;
	v50 =	vnsel vm9, $0x0, v33;
	v51 =	vsel vm4, $0x1, v10  }
0x3c2: {  	v52 =	vsel vm5, $0x1, v10;
	v53 =	vnsel vm8, $0x0, v32;
	v55 =	vsel vm6, $0x1, v10  }
0x3c3: {  	v62 =	vnsel vm4, $0x0, v36;
	vm10 =	vlt.u32 v16, $0x8000;
	v26 =	vadd.f32 v29, v26  }
0x3c4: {  	v54 =	vsel vm12, $0x1, v10;
	v56 =	vsel vm11, $0x1, v10;
	v57 =	vnsel vm14, $0x0, v45  }
0x3c5: {  	v63 =	vnsel vm15, $0x0, v45;
	v58 =	vsel vm13, $0x1, v10;
	v45 =	vnsel vm7, $0x0, v34  }
0x3c6: {  	v59 =	vnsel vm12, $0x0, v42;
	v42 =	vnsel vm13, $0x0, v42;
	v60 =	vsel vm15, $0x1, v10  }
0x3c7: {  	v61 =	vnsel vm11, $0x0, v39;
	vm11 =	vlt.u32 v15, $0x8000;
	vm12 =	vlt.u32 v20, $0x8000  }
0x3c8: {  	v43 =	vadd.f32 v57, v43;
	v44 =	vadd.f32 v63, v44;
	v57 =	vsel vm14, $0x1, v10  }
0x3c9: {  	vm13 =	vlt.u32 v19, $0x8000;
	v63 =	vnsel vm5, $0x0, v36;
	v41 =	vadd.s32 v57, v41  }
0x3ca: {  	v43 =	vadd.f32 v59, v43;
	v42 =	vadd.f32 v42, v44;
	v41 =	vadd.s32 v54, v41  }
0x3cb: {  	v59 =	vnsel vm6, $0x0, v39;
	v44 =	vadd.s32 v60, v40;
	v41 =	vadd.s32 v55, v41  }
0x3cc: {  	v43 =	vadd.f32 v59, v43;
	v39 =	vadd.f32 v61, v42;
	v41 =	vadd.s32 v51, v41  }
0x3cd: {  	v54 =	vnsel vm3, $0x0, v34;
	v61 =	vnsel vm1, $0x0, v33;
	v51 =	vadd.s32 v48, v41  }
0x3ce: {  	v41 =	vsub.s32 $0x7FFF, v15;
	v42 =	vadd.f32 v62, v43;
	v36 =	vadd.f32 v63, v39  }
0x3cf: {  	v39 =	vadd.s32 v58, v44;
	v38 =	vadd.s32 v38, v51;
	v58 =	vnsel vm2, $0x0, v32  }
0x3d0: {  	v63 =	vsel vm10, $0xFFFF, v11;
	v15 =	vsel vm11, v41, v15;
	v57 =	vadd.s32 v56, v39  }
0x3d1: {  	v44 =	vadd.f32 v30, v28;
	v34 =	vadd.f32 v54, v36;
	v36 =	vadd.s32 v52, v57  }
0x3d2: {  	v7 =	vadd.s32 v7, v38;
	v38 =	vnsel vm0, $0x0, v31;
	v60 =	vadd.s32 v49, v36  }
0x3d3: {  	v55 =	vadd.f32 v45, v42;
	v32 =	vadd.f32 v58, v34;
	v34 =	vadd.s32 v46, v60  }
0x3d4: {  	v15 =	vshll.u32 v15, $0x10;
	v6 =	vadd.s32 v6, v7;
	v34 =	vadd.s32 v47, v34  }
0x3d5: {  	v6 =	vcvt.s32.f32 v6;
	v59 =	vadd.f32 v53, v55;
	v40 =	vadd.s32 v37, v34  }
0x3d6: {  	v56 =	vsub.s32 $0x7FFF, v19;
	v42 =	vadd.f32 v27, v25;
	v43 =	vcvt.s32.f32 v40  }
0x3d7: {  	v15 =	vadd.f32 v15, v18;
	v45 =	vperm.xlane v6, v2;
	v62 =	vadd.f32 v50, v59  }
0x3d8: {  	v27 =	vsub.f32 $2.050000000e+02, v44;
	v32 =	vadd.f32 v61, v32;
	v46 =	vperm.xlane v43, v2  }
0x3d9: {  	v7 =	vxor.u32 v16, v63;
	v6 =	vadd.f32 v6, v45;
	v39 =	vadd.f32 v35, v62  }
0x3da: {  	v19 =	vsel vm13, v56, v19;
	v16 =	vadd.f32 v38, v32;
	v18 =	vadd.f32 v43, v46  }
0x3db: {  	v7 =	vshll.u32 v7, $0x10;
	v47 =	vperm.xlane v6, v3;
	v48 =	vperm.xlane v39, v2  }
0x3dc: {  	v7 =	vadd.f32 v7, v17;
	v32 =	vperm.xlane v16, v2;
	v50 =	vperm.xlane v18, v3  }
0x3dd: {  	v49 =	vsel vm12, $0xFFFF, v11;
	v6 =	vadd.f32 v47, v6;
	v52 =	vadd.f32 v48, v39  }
0x3de: {  	v19 =	vshll.u32 v19, $0x10;
	v16 =	vadd.f32 v32, v16;
	v18 =	vadd.f32 v50, v18  }
0x3df: {  	v17 =	vsub.f32 $2.050000000e+02, v42;
	v53 =	vperm.xlane v6, v4;
	v28 =	vperm.xlane v52, v3  }
0x3e0: {  	v19 =	vadd.f32 v19, v23;
	v55 =	vperm.xlane v16, v3;
	v54 =	vperm.xlane v18, v4  }
0x3e1: {  	v51 =	vxor.u32 v20, v49;
	v6 =	vadd.f32 v53, v6;
	v57 =	vadd.f32 v28, v52  }
0x3e2: {  	v15 =	vmul.f32 $5.000000000e-01, v15;
	v16 =	vadd.f32 v55, v16;
	v18 =	vadd.f32 v54, v18  }
0x3e3: {  	v20 =	vshll.u32 v51, $0x10;
	v58 =	vperm.xlane v6, v5;
	v28 =	vperm.xlane v57, v4  }
0x3e4: {  	v20 =	vadd.f32 v20, v22;
	v60 =	vperm.xlane v16, v4;
	v59 =	vperm.xlane v18, v5  }
0x3e5: {  	v7 =	vmul.f32 $5.000000000e-01, v7;
	v6 =	vadd.f32 v58, v6;
	v22 =	vadd.f32 v28, v57  }
0x3e6: {  	v19 =	vmul.f32 $5.000000000e-01, v19;
	v16 =	vadd.f32 v60, v16;
	v18 =	vadd.f32 v59, v18  }
0x3e7: {  	v15 =	vmul.f32 v27, v15;
	v20 =	vmul.f32 $5.000000000e-01, v20;
	v6 =	vsub.f32 $2.050000000e+02, v6  }
0x3e8: {  	v61 =	vperm.xlane v22, v5;
	v62 =	vperm.xlane v16, v5;
	v18 =	vsub.f32 $2.050000000e+02, v18  }
0x3e9: {  	v21 =	vadd.f32 v24, v21;
	v7 =	vmul.f32 v17, v7;
	v6 =	vmul.f32 v6, v20  }
0x3ea: {  	v63 =	vadd.f32 v61, v22;
	v16 =	vadd.f32 v62, v16;
	v18 =	vmul.f32 v18, v19  }
0x3eb: {  	v15 =	vadd.f32 v21, v15;
	v7 =	vadd.f32 v26, v7  }
0x3ec: {  	s4 =	sadd.s32 $0x1, s4;
	v6 =	vadd.f32 v63, v6;
	v16 =	vadd.f32 v16, v18  }
0x3ed: {  	p1 =	sne.s32 s4, $0x8;
	v15 =	vmul.f32 $1.707317070e-03, v15;
	v7 =	vmul.f32 $2.439024390e-03, v7  }
.Ltmp15:
0x3ee: {  	v6 =	vmul.f32 $2.439024390e-03, v6;
	v16 =	vmul.f32 $1.707317070e-03, v16;
	(pc) =	sbr.rel @p1 .LBB2_5-.Ltmp15, $4  }
0x3ef: {  	v7 =	vadd.f32 v15, v7;
	v15 =	vmov s17  }
0x3f0: {  	vm14 =	veq.s32 v15, v13;
	v15 =	vmov s16;
	v6 =	vadd.f32 v16, v6  }
0x3f1: {  	v7 =	vsel vm14, v7, v14;
	vm15 =	veq.s32 v15, v13  }
0x3f2: {  	s6 =	sadd.s32 $0x800, s6;
	s5 =	sadd.s32 $0x800, s5;
	v14 =	vsel vm15, v6, v7  }
0x3f3: {  	s6 =	rddreg [dreg:$0xa]  }
0x3f4: {  	p1 =	sne.s32 s6, $0x30  }
.Ltmp16:
0x3f5: {  	_ = 	snop;
	(pc) =	sbr.rel @p1 .LBB2_2-.Ltmp16, $4  }
0x3f6: {  	_ = 	snop  }
0x3f7: {  	s0 =	sshll.u32 s3, $0x4  }
0x3f8: {  	s0 =	sand.u32 $0x3FFFFFF0, s0  }
0x3f9: {  	p0 =	por !p0, !p0;
	[tilespmem:s0+$0xA000] =	vst v14  }
0x3fa: {  	s6 =	simm.s32 $0x0  }
0x3fb: {  	s0 =	rddreg [dreg:$0x6];
	s1 =	simm.s32 $0xA000;
	s30 =	simm.s32 $0x3  }
0x3fc: {  	[hbm4b:s0+s6] =	stream.linear.scatter [tilespmem:s1], [sflag:$0x3], $0x300, $0x38;
	[tilespmem:$0xA300] =	vst v63  }
0x3fd: {  	_ =	swait.ge [sflag:s30], $0x300  }
0x3fe: {  	s2 =	rddreg [dreg:$0x8]  }
0x3ff: {  	s31 =	rddreg [dreg:$0x7];
	s2 =	sadd.s32 $0x1, s2  }
0x400: {  	p0 =	sne.s32 s2, s31  }
.Ltmp17:
0x401: {  	_ = 	snop;
	(pc) =	sbr.rel @p0 .LBB2_1-.Ltmp17, $3  }
0x402: {  	_ =	sdelay $0x1  }
0x403: {  	[sflag:s30] =	ssyncset.done $0x0  }
0x404: {  	[sflag:s30] =	ssyncadd.s32 $0xFFFFFD00  }
0x405: {  	_ =	sfence.sel $0x180000  }
0x406: {  	[bflag:$0x0] =	sbarrier.arrive $0xFFFF  }
0x407: {  	_ =	strace $0x90000047  }
0x408: {  	s0 =	stileid.u32;
	[bflag:$0x2] =	sbarrier.arrive $0xFFFF  }
0x409: {  	p0 =	sne.s32 s0, $0x0;
	s0 =	rddreg [dreg:$0x1]  }
0x40a: {  	s0 =	sadd.s32 @!p0 $0x100000, s0  }
0x40b: {  	[sflag:s0] =	ssyncadd.tile.s32 @!p0 $0x1;
	_ =	shalt  }
.Lfunc_end2:
_tile_overlayer_lowered:
.L_overlay_start_2:
0x40c: {  	(tag) =	ssettag $0x2  }
0x40d: {  	s0 =	rddreg [dreg:$0x0];
	s2 =	stileid.u32  }
0x40e: {  	s1 =	rddreg [dreg:$0x1];
	p0 =	sne.s32 s2, $0x0  }
0x40f: {  	s3 =	rddreg [dreg:$0x2];
	[bflag:$0x3] =	sbarrier.arrive $0xFFFF;
	s2 =	simm.s32 @!p0 $0x1C03  }
0x410: {  	[timem:s3], [sflag:s2] =	dma.local @!p0 [hbm:s0], s1  }
0x411: {  	s0 =	simm.s32 @!p0 $0x3  }
0x412: {  	_ =	swait.ge @!p0 [sflag:s0], s1  }
0x413: {  	s1 =	ssub.s32 @!p0 $0x0, s1;
	[sflag:s0] =	ssyncset.done @!p0 $0x0  }
0x414: {  	[sflag:s0] =	ssyncadd.s32 @!p0 s1  }
0x415: {  	[bflag:$0x3] =	sbarrier.arrive $0xFFFF  }
0x416: {  	_ =	shalt  }

</sc_bundles>
